<compile_context>
chip_gen: v7x
topology: tpu7x:2x2x1
jax: 0.10.2.dev20260603
libtpu: 0.0.44.dev20260713+nightly
codegen_flags: <defaults>
</compile_context>

<pallas_src>
import jax
import jax.numpy as jnp
from jax import lax
from jax.experimental import pallas as pl
from jax.experimental.pallas import tpu as pltpu
from jax.experimental.pallas import tpu_sc as plsc

N = 10000
E = 320000
D = 128

NC = 2
NS = 16
L = 16

C = 128
NCHUNK = E // C
NW = NC * NS
CH_BASE = NCHUNK // NW
CH_REM = NCHUNK % NW
ROWS_A = (N // NS) // 8 * 8
ROWS_LAST = N - (NS - 1) * ROWS_A


def _matmul_body(x_ref, wt_ref, b_ref, h_ref):
    h_ref[...] = (
        jnp.dot(x_ref[...], wt_ref[...], preferred_element_type=jnp.float32)
        + b_ref[...]
    )


def _dense_h(x, wt, b2d):
    grid = 10
    blk = N // grid
    return pl.pallas_call(
        _matmul_body,
        grid=(grid,),
        in_specs=[
            pl.BlockSpec((blk, D), lambda i: (i, 0)),
            pl.BlockSpec((D, D), lambda i: (0, 0)),
            pl.BlockSpec((1, D), lambda i: (0, 0)),
        ],
        out_specs=pl.BlockSpec((blk, D), lambda i: (i, 0)),
        out_shape=jax.ShapeDtypeStruct((N, D), jnp.float32),
    )(x, wt, b2d)


def _add_body(a_ref, b_ref, o_ref):
    o_ref[...] = a_ref[...] + b_ref[...]


def _combine(partials):
    grid = 10
    blk = N // grid
    return pl.pallas_call(
        _add_body,
        grid=(grid,),
        in_specs=[
            pl.BlockSpec((blk, D), lambda i: (i, 0)),
            pl.BlockSpec((blk, D), lambda i: (i + grid, 0)),
        ],
        out_specs=pl.BlockSpec((blk, D), lambda i: (i, 0)),
        out_shape=jax.ShapeDtypeStruct((N, D), jnp.float32),
    )(partials, partials)


def _sc_body(h_hbm, rows_hbm, cols_hbm, vals_hbm, out_hbm,
             cols_idx, rows_idx, vals_v, rows_buf, acc_sh, sem,
             si0, si1, si2):
    c = lax.axis_index("c")
    s = lax.axis_index("s")
    wid = s * NC + c

    zeros16 = jnp.zeros((L,), jnp.float32)

    def _zero_row(r, _):
        for q in range(D // L):
            rows_buf[r, pl.ds(q * L, L)] = zeros16
        return 0

    lax.fori_loop(0, C, _zero_row, 0)

    acc_base = s * ROWS_A

    for k in range(ROWS_A // C):
        pltpu.sync_copy(rows_buf, acc_sh.at[pl.ds(acc_base + k * C, C)])
    tail0 = ROWS_A - (ROWS_A // C) * C
    pltpu.sync_copy(rows_buf.at[pl.ds(0, tail0)],
                    acc_sh.at[pl.ds(acc_base + (ROWS_A // C) * C, tail0)])

    @pl.when(s == NS - 1)
    def _zero_extra():
        extra = ROWS_LAST - ROWS_A
        pltpu.sync_copy(rows_buf.at[pl.ds(0, extra)],
                        acc_sh.at[pl.ds(acc_base + ROWS_A, extra)])

    plsc.subcore_barrier()

    start = wid * CH_BASE + jnp.minimum(wid, CH_REM)
    count = CH_BASE + jnp.where(wid < CH_REM, 1, 0)

    def _chunk(j, _):
        base = (start + j) * C
        d0 = pltpu.async_copy(cols_hbm.at[pl.ds(base, C)], cols_idx, si0)
        d1 = pltpu.async_copy(rows_hbm.at[pl.ds(base, C)], rows_idx, si1)
        d2 = pltpu.async_copy(vals_hbm.at[pl.ds(base, C)], vals_v, si2)
        d0.wait()
        d1.wait()
        d2.wait()
        pltpu.async_copy(h_hbm.at[cols_idx], rows_buf, sem).wait()

        def _group(g, _):
            v16 = vals_v[pl.ds(g * L, L)]
            for e in range(L):
                r = g * L + e
                bval = jnp.broadcast_to(v16[e], (L,))
                for q in range(D // L):
                    sl = pl.ds(q * L, L)
                    rows_buf[r, sl] = rows_buf[r, sl] * bval
            return 0

        lax.fori_loop(0, C // L, _group, 0)

        pltpu.sync_copy(rows_buf, acc_sh.at[rows_idx], add=True)
        return 0

    lax.fori_loop(0, count, _chunk, 0)
    plsc.subcore_barrier()

    out_base = c * N + acc_base
    for k in range(ROWS_A // C):
        pltpu.sync_copy(acc_sh.at[pl.ds(acc_base + k * C, C)],
                        out_hbm.at[pl.ds(out_base + k * C, C)])
    pltpu.sync_copy(acc_sh.at[pl.ds(acc_base + (ROWS_A // C) * C, tail0)],
                    out_hbm.at[pl.ds(out_base + (ROWS_A // C) * C, tail0)])

    @pl.when(s == NS - 1)
    def _write_extra():
        extra = ROWS_LAST - ROWS_A
        pltpu.sync_copy(acc_sh.at[pl.ds(acc_base + ROWS_A, extra)],
                        out_hbm.at[pl.ds(out_base + ROWS_A, extra)])


def _sc_aggregate(h, rows, cols, vals):
    mesh = plsc.VectorSubcoreMesh(core_axis_name="c", subcore_axis_name="s")
    return pl.kernel(
        _sc_body,
        out_type=jax.ShapeDtypeStruct((NC * N, D), jnp.float32),
        mesh=mesh,
        scratch_types=[
            pltpu.VMEM((C,), jnp.int32),
            pltpu.VMEM((C,), jnp.int32),
            pltpu.VMEM((C,), jnp.float32),
            pltpu.VMEM((C, D), jnp.float32),
            pltpu.VMEM_SHARED((N, D), jnp.float32),
        ] + [pltpu.SemaphoreType.DMA] * 4,
    )(h, rows, cols, vals)


def kernel(x, A_indices, A_values, W, b):
    rows = A_indices[0]
    cols = A_indices[1]
    h = _dense_h(x, W.T, b.reshape(1, D))
    partials = _sc_aggregate(h, rows, cols, A_values)
    return _combine(partials)

# --- scband reference (transcript-rebuilt; emitter-appended) ---
"""Pipeline reference for scband-gcn-layer-14491219657224 (READ-ONLY COPY).

The authoritative reference and input builder live on the scoring server;
editing this copy changes nothing except your own understanding.
"""

import jax, jax.numpy as jnp
import numpy as np

N = 10000
E = 320000
D_IN = 128
D_OUT = 128


def setup_inputs(seed: int = 0) -> dict:
    key = jax.random.key(seed)
    k1, k2, k3, k4, k5 = jax.random.split(key, 5)
    x = jax.random.normal(k1, (N, D_IN), dtype=jnp.float32)
    # Sparse adjacency A in COO form: row (dst) and col (src) indices + values.
    A_indices = jax.random.randint(k2, (2, E), 0, N)
    A_values = jax.random.uniform(k3, (E,), dtype=jnp.float32)
    # nn.Linear(n_in, n_out) params; weight xavier_uniform_ with gain=1.414
    gain = 1.414
    limit = gain * np.sqrt(6.0 / (D_IN + D_OUT))
    W = jax.random.uniform(k4, (D_OUT, D_IN), minval=-limit, maxval=limit, dtype=jnp.float32)
    bb = 1.0 / np.sqrt(D_IN)
    b = jax.random.uniform(k5, (D_OUT,), minval=-bb, maxval=bb, dtype=jnp.float32)
    return {"x": x, "A_indices": A_indices, "A_values": A_values, "W": W, "b": b}


def reference(x, A_indices, A_values, W, b):
    # x = self.linear(x)
    h = x @ W.T + b
    # torch.sparse.mm(A, x): out[i] = sum_j A[i, j] * h[j]
    rows = A_indices[0]
    cols = A_indices[1]
    msgs = A_values[:, None] * jnp.take(h, cols, axis=0)
    out = jax.ops.segment_sum(msgs, rows, num_segments=x.shape[0])
    return out

if __name__ == "__main__":
    import jax
    _d = setup_inputs()
    print(jax.jit(kernel)(*tuple(_d.values())))

</pallas_src>

<mosaic_0001>
#map = affine_map<(d0, d1) -> (0, 0)>
#map1 = affine_map<(d0, d1) -> (0)>
module attributes {stable_mosaic.version = 14 : i64} {
  func.func @_sc_body(%arg0: i32, %arg1: i32, %arg2: memref<10000x128xf32, #tpu.memory_space<hbm>>, %arg3: memref<320000xi32, #tpu.memory_space<hbm>>, %arg4: memref<320000xi32, #tpu.memory_space<hbm>>, %arg5: memref<320000xf32, #tpu.memory_space<hbm>>, %arg6: memref<20000x128xf32, #tpu.memory_space<hbm>>, %arg7: memref<128xi32, #tpu.memory_space<vmem>>, %arg8: memref<128xi32, #tpu.memory_space<vmem>>, %arg9: memref<128xf32, #tpu.memory_space<vmem>>, %arg10: memref<128x128xf32, #tpu.memory_space<vmem>>, %arg11: memref<10000x128xf32, #tpu.memory_space<vmem_shared>>, %arg12: memref<!tpu.dma_semaphore, #tpu.memory_space<semaphore_mem>>, %arg13: memref<!tpu.dma_semaphore, #tpu.memory_space<semaphore_mem>>, %arg14: memref<!tpu.dma_semaphore, #tpu.memory_space<semaphore_mem>>, %arg15: memref<!tpu.dma_semaphore, #tpu.memory_space<semaphore_mem>>) attributes {dimension_semantics = [#tpu.dimension_semantics<core_parallel>, #tpu.dimension_semantics<subcore_parallel>], iteration_bounds = array<i64: 2, 16>, scalar_prefetch = 0 : i64, scratch_operands = 9 : i64, tpu.core_type = #tpu.core_type<sc_vector_subcore>, window_params = [{transform_indices = #map}, {transform_indices = #map1}, {transform_indices = #map1}, {transform_indices = #map1}, {transform_indices = #map}]} {
    %mul3A = arith.constant 2 : i32
    %mul3A_0 = arith.muli %arg1, %mul3A : i32
    %add3A = arith.addi %mul3A_0, %arg0 : i32
    %broadcast_in_dim3A = arith.constant 0.000000e+00 : f32
    %broadcast_in_dim3A_1 = vector.broadcast %broadcast_in_dim3A : f32 to vector<16xf32>
    %scan3A = arith.constant 0 : i32
    %scan3A_2 = arith.constant 0 : i32
    %scan3A_3 = arith.constant 128 : i32
    %scan3A_4 = arith.addi %scan3A_2, %scan3A_3 : i32
    %scan3A_5 = arith.constant 1 : i32
    %scan3A_6 = scf.for %scan3A_70 = %scan3A_2 to %scan3A_4 step %scan3A_5 iter_args(%scan3A_71 = %scan3A) -> (i32)  : i32 {
      %swap3A = arith.index_cast %scan3A_70 : i32 to index
      %swap3A_72 = arith.constant 0 : index
      %swap3A_73 = tpu.vector_load %arg10[%swap3A, %swap3A_72] {strides = array<i32>} : memref<128x128xf32, #tpu.memory_space<vmem>>, vector<1x16xf32>,
      %swap3A_74 = vector.shape_cast %swap3A_73 : vector<1x16xf32> to vector<16xf32>
      %swap3A_75 = vector.shape_cast %broadcast_in_dim3A_1 : vector<16xf32> to vector<1x16xf32>
      tpu.vector_store %arg10[%swap3A, %swap3A_72], %swap3A_75 {strides = array<i32>} : memref<128x128xf32, #tpu.memory_space<vmem>>, vector<1x16xf32>,
      %swap3A_76 = arith.index_cast %scan3A_70 : i32 to index
      %swap3A_77 = arith.constant 16 : index
      %swap3A_78 = tpu.vector_load %arg10[%swap3A_76, %swap3A_77] {strides = array<i32>} : memref<128x128xf32, #tpu.memory_space<vmem>>, vector<1x16xf32>,
      %swap3A_79 = vector.shape_cast %swap3A_78 : vector<1x16xf32> to vector<16xf32>
      %swap3A_80 = vector.shape_cast %broadcast_in_dim3A_1 : vector<16xf32> to vector<1x16xf32>
      tpu.vector_store %arg10[%swap3A_76, %swap3A_77], %swap3A_80 {strides = array<i32>} : memref<128x128xf32, #tpu.memory_space<vmem>>, vector<1x16xf32>,
      %swap3A_81 = arith.index_cast %scan3A_70 : i32 to index
      %swap3A_82 = arith.constant 32 : index
      %swap3A_83 = tpu.vector_load %arg10[%swap3A_81, %swap3A_82] {strides = array<i32>} : memref<128x128xf32, #tpu.memory_space<vmem>>, vector<1x16xf32>,
      %swap3A_84 = vector.shape_cast %swap3A_83 : vector<1x16xf32> to vector<16xf32>
      %swap3A_85 = vector.shape_cast %broadcast_in_dim3A_1 : vector<16xf32> to vector<1x16xf32>
      tpu.vector_store %arg10[%swap3A_81, %swap3A_82], %swap3A_85 {strides = array<i32>} : memref<128x128xf32, #tpu.memory_space<vmem>>, vector<1x16xf32>,
      %swap3A_86 = arith.index_cast %scan3A_70 : i32 to index
      %swap3A_87 = arith.constant 48 : index
      %swap3A_88 = tpu.vector_load %arg10[%swap3A_86, %swap3A_87] {strides = array<i32>} : memref<128x128xf32, #tpu.memory_space<vmem>>, vector<1x16xf32>,
      %swap3A_89 = vector.shape_cast %swap3A_88 : vector<1x16xf32> to vector<16xf32>
      %swap3A_90 = vector.shape_cast %broadcast_in_dim3A_1 : vector<16xf32> to vector<1x16xf32>
      tpu.vector_store %arg10[%swap3A_86, %swap3A_87], %swap3A_90 {strides = array<i32>} : memref<128x128xf32, #tpu.memory_space<vmem>>, vector<1x16xf32>,
      %swap3A_91 = arith.index_cast %scan3A_70 : i32 to index
      %swap3A_92 = arith.constant 64 : index
      %swap3A_93 = tpu.vector_load %arg10[%swap3A_91, %swap3A_92] {strides = array<i32>} : memref<128x128xf32, #tpu.memory_space<vmem>>, vector<1x16xf32>,
      %swap3A_94 = vector.shape_cast %swap3A_93 : vector<1x16xf32> to vector<16xf32>
      %swap3A_95 = vector.shape_cast %broadcast_in_dim3A_1 : vector<16xf32> to vector<1x16xf32>
      tpu.vector_store %arg10[%swap3A_91, %swap3A_92], %swap3A_95 {strides = array<i32>} : memref<128x128xf32, #tpu.memory_space<vmem>>, vector<1x16xf32>,
      %swap3A_96 = arith.index_cast %scan3A_70 : i32 to index
      %swap3A_97 = arith.constant 80 : index
      %swap3A_98 = tpu.vector_load %arg10[%swap3A_96, %swap3A_97] {strides = array<i32>} : memref<128x128xf32, #tpu.memory_space<vmem>>, vector<1x16xf32>,
      %swap3A_99 = vector.shape_cast %swap3A_98 : vector<1x16xf32> to vector<16xf32>
      %swap3A_100 = vector.shape_cast %broadcast_in_dim3A_1 : vector<16xf32> to vector<1x16xf32>
      tpu.vector_store %arg10[%swap3A_96, %swap3A_97], %swap3A_100 {strides = array<i32>} : memref<128x128xf32, #tpu.memory_space<vmem>>, vector<1x16xf32>,
      %swap3A_101 = arith.index_cast %scan3A_70 : i32 to index
      %swap3A_102 = arith.constant 96 : index
      %swap3A_103 = tpu.vector_load %arg10[%swap3A_101, %swap3A_102] {strides = array<i32>} : memref<128x128xf32, #tpu.memory_space<vmem>>, vector<1x16xf32>,
      %swap3A_104 = vector.shape_cast %swap3A_103 : vector<1x16xf32> to vector<16xf32>
      %swap3A_105 = vector.shape_cast %broadcast_in_dim3A_1 : vector<16xf32> to vector<1x16xf32>
      tpu.vector_store %arg10[%swap3A_101, %swap3A_102], %swap3A_105 {strides = array<i32>} : memref<128x128xf32, #tpu.memory_space<vmem>>, vector<1x16xf32>,
      %swap3A_106 = arith.index_cast %scan3A_70 : i32 to index
      %swap3A_107 = arith.constant 112 : index
      %swap3A_108 = tpu.vector_load %arg10[%swap3A_106, %swap3A_107] {strides = array<i32>} : memref<128x128xf32, #tpu.memory_space<vmem>>, vector<1x16xf32>,
      %swap3A_109 = vector.shape_cast %swap3A_108 : vector<1x16xf32> to vector<16xf32>
      %swap3A_110 = vector.shape_cast %broadcast_in_dim3A_1 : vector<16xf32> to vector<1x16xf32>
      tpu.vector_store %arg10[%swap3A_106, %swap3A_107], %swap3A_110 {strides = array<i32>} : memref<128x128xf32, #tpu.memory_space<vmem>>, vector<1x16xf32>,
      %scan3A_111 = arith.constant 0 : i32
      scf.yield %scan3A_111 : i32
    }
    %scan3A_7 = arith.constant 128 : i32
    %mul3A_8 = arith.constant 624 : i32
    %mul3A_9 = arith.muli %arg1, %mul3A_8 : i32
    %add3A_10 = arith.constant 0 : i32
    %add3A_11 = arith.addi %mul3A_9, %add3A_10 : i32
    "tpu.region"() ({
      %run_scoped3A = tpu.sem_alloc : memref<!tpu.dma_semaphore, #tpu.memory_space<semaphore_mem>>
      %dma_start3A = arith.constant 0 : i32
      %dma_start3A_70 = tpu.memref_slice %arg11[%add3A_11, %dma_start3A] : memref<10000x128xf32, #tpu.memory_space<vmem_shared>> -> memref<128x128xf32, #tpu.memory_space<vmem_shared>>
      %dma_start3A_71 = arith.constant 0 : i32
      %dma_start3A_72 = tpu.memref_slice %arg11[%add3A_11, %dma_start3A_71] : memref<10000x128xf32, #tpu.memory_space<vmem_shared>> -> memref<128x128xf32, #tpu.memory_space<vmem_shared>>
      tpu.enqueue_dma source(%arg10 : memref<128x128xf32, #tpu.memory_space<vmem>>) target(%dma_start3A_72 : memref<128x128xf32, #tpu.memory_space<vmem_shared>>) target_semaphore(%run_scoped3A : memref<!tpu.dma_semaphore, #tpu.memory_space<semaphore_mem>>)
      %dma_wait3A = arith.constant 0 : i32
      %dma_wait3A_73 = tpu.memref_slice %arg11[%add3A_11, %dma_wait3A] : memref<10000x128xf32, #tpu.memory_space<vmem_shared>> -> memref<128x128xf32, #tpu.memory_space<vmem_shared>>
      %dma_wait3A_74 = arith.constant 0 : i32
      %dma_wait3A_75 = tpu.memref_slice %arg11[%add3A_11, %dma_wait3A_74] : memref<10000x128xf32, #tpu.memory_space<vmem_shared>> -> memref<128x128xf32, #tpu.memory_space<vmem_shared>>
      tpu.wait_dma2 semaphore(%run_scoped3A : memref<!tpu.dma_semaphore, #tpu.memory_space<semaphore_mem>>) src(%arg10 : memref<128x128xf32, #tpu.memory_space<vmem>>) dst(%dma_wait3A_75 : memref<128x128xf32, #tpu.memory_space<vmem_shared>>)
      tpu.yield
    }) : () -> ()
    %add3A_12 = arith.constant 128 : i32
    %add3A_13 = arith.addi %mul3A_9, %add3A_12 : i32
    "tpu.region"() ({
      %run_scoped3A = tpu.sem_alloc : memref<!tpu.dma_semaphore, #tpu.memory_space<semaphore_mem>>
      %dma_start3A = arith.constant 0 : i32
      %dma_start3A_70 = tpu.memref_slice %arg11[%add3A_13, %dma_start3A] : memref<10000x128xf32, #tpu.memory_space<vmem_shared>> -> memref<128x128xf32, #tpu.memory_space<vmem_shared>>
      %dma_start3A_71 = arith.constant 0 : i32
      %dma_start3A_72 = tpu.memref_slice %arg11[%add3A_13, %dma_start3A_71] : memref<10000x128xf32, #tpu.memory_space<vmem_shared>> -> memref<128x128xf32, #tpu.memory_space<vmem_shared>>
      tpu.enqueue_dma source(%arg10 : memref<128x128xf32, #tpu.memory_space<vmem>>) target(%dma_start3A_72 : memref<128x128xf32, #tpu.memory_space<vmem_shared>>) target_semaphore(%run_scoped3A : memref<!tpu.dma_semaphore, #tpu.memory_space<semaphore_mem>>)
      %dma_wait3A = arith.constant 0 : i32
      %dma_wait3A_73 = tpu.memref_slice %arg11[%add3A_13, %dma_wait3A] : memref<10000x128xf32, #tpu.memory_space<vmem_shared>> -> memref<128x128xf32, #tpu.memory_space<vmem_shared>>
      %dma_wait3A_74 = arith.constant 0 : i32
      %dma_wait3A_75 = tpu.memref_slice %arg11[%add3A_13, %dma_wait3A_74] : memref<10000x128xf32, #tpu.memory_space<vmem_shared>> -> memref<128x128xf32, #tpu.memory_space<vmem_shared>>
      tpu.wait_dma2 semaphore(%run_scoped3A : memref<!tpu.dma_semaphore, #tpu.memory_space<semaphore_mem>>) src(%arg10 : memref<128x128xf32, #tpu.memory_space<vmem>>) dst(%dma_wait3A_75 : memref<128x128xf32, #tpu.memory_space<vmem_shared>>)
      tpu.yield
    }) : () -> ()
    %add3A_14 = arith.constant 256 : i32
    %add3A_15 = arith.addi %mul3A_9, %add3A_14 : i32
    "tpu.region"() ({
      %run_scoped3A = tpu.sem_alloc : memref<!tpu.dma_semaphore, #tpu.memory_space<semaphore_mem>>
      %dma_start3A = arith.constant 0 : i32
      %dma_start3A_70 = tpu.memref_slice %arg11[%add3A_15, %dma_start3A] : memref<10000x128xf32, #tpu.memory_space<vmem_shared>> -> memref<128x128xf32, #tpu.memory_space<vmem_shared>>
      %dma_start3A_71 = arith.constant 0 : i32
      %dma_start3A_72 = tpu.memref_slice %arg11[%add3A_15, %dma_start3A_71] : memref<10000x128xf32, #tpu.memory_space<vmem_shared>> -> memref<128x128xf32, #tpu.memory_space<vmem_shared>>
      tpu.enqueue_dma source(%arg10 : memref<128x128xf32, #tpu.memory_space<vmem>>) target(%dma_start3A_72 : memref<128x128xf32, #tpu.memory_space<vmem_shared>>) target_semaphore(%run_scoped3A : memref<!tpu.dma_semaphore, #tpu.memory_space<semaphore_mem>>)
      %dma_wait3A = arith.constant 0 : i32
      %dma_wait3A_73 = tpu.memref_slice %arg11[%add3A_15, %dma_wait3A] : memref<10000x128xf32, #tpu.memory_space<vmem_shared>> -> memref<128x128xf32, #tpu.memory_space<vmem_shared>>
      %dma_wait3A_74 = arith.constant 0 : i32
      %dma_wait3A_75 = tpu.memref_slice %arg11[%add3A_15, %dma_wait3A_74] : memref<10000x128xf32, #tpu.memory_space<vmem_shared>> -> memref<128x128xf32, #tpu.memory_space<vmem_shared>>
      tpu.wait_dma2 semaphore(%run_scoped3A : memref<!tpu.dma_semaphore, #tpu.memory_space<semaphore_mem>>) src(%arg10 : memref<128x128xf32, #tpu.memory_space<vmem>>) dst(%dma_wait3A_75 : memref<128x128xf32, #tpu.memory_space<vmem_shared>>)
      tpu.yield
    }) : () -> ()
    %add3A_16 = arith.constant 384 : i32
    %add3A_17 = arith.addi %mul3A_9, %add3A_16 : i32
    "tpu.region"() ({
      %run_scoped3A = tpu.sem_alloc : memref<!tpu.dma_semaphore, #tpu.memory_space<semaphore_mem>>
      %dma_start3A = arith.constant 0 : i32
      %dma_start3A_70 = tpu.memref_slice %arg11[%add3A_17, %dma_start3A] : memref<10000x128xf32, #tpu.memory_space<vmem_shared>> -> memref<128x128xf32, #tpu.memory_space<vmem_shared>>
      %dma_start3A_71 = arith.constant 0 : i32
      %dma_start3A_72 = tpu.memref_slice %arg11[%add3A_17, %dma_start3A_71] : memref<10000x128xf32, #tpu.memory_space<vmem_shared>> -> memref<128x128xf32, #tpu.memory_space<vmem_shared>>
      tpu.enqueue_dma source(%arg10 : memref<128x128xf32, #tpu.memory_space<vmem>>) target(%dma_start3A_72 : memref<128x128xf32, #tpu.memory_space<vmem_shared>>) target_semaphore(%run_scoped3A : memref<!tpu.dma_semaphore, #tpu.memory_space<semaphore_mem>>)
      %dma_wait3A = arith.constant 0 : i32
      %dma_wait3A_73 = tpu.memref_slice %arg11[%add3A_17, %dma_wait3A] : memref<10000x128xf32, #tpu.memory_space<vmem_shared>> -> memref<128x128xf32, #tpu.memory_space<vmem_shared>>
      %dma_wait3A_74 = arith.constant 0 : i32
      %dma_wait3A_75 = tpu.memref_slice %arg11[%add3A_17, %dma_wait3A_74] : memref<10000x128xf32, #tpu.memory_space<vmem_shared>> -> memref<128x128xf32, #tpu.memory_space<vmem_shared>>
      tpu.wait_dma2 semaphore(%run_scoped3A : memref<!tpu.dma_semaphore, #tpu.memory_space<semaphore_mem>>) src(%arg10 : memref<128x128xf32, #tpu.memory_space<vmem>>) dst(%dma_wait3A_75 : memref<128x128xf32, #tpu.memory_space<vmem_shared>>)
      tpu.yield
    }) : () -> ()
    %add3A_18 = arith.constant 512 : i32
    %add3A_19 = arith.addi %mul3A_9, %add3A_18 : i32
    "tpu.region"() ({
      %run_scoped3A = tpu.sem_alloc : memref<!tpu.dma_semaphore, #tpu.memory_space<semaphore_mem>>
      %dma_start3A = arith.constant 0 : i32
      %dma_start3A_70 = arith.constant 0 : i32
      %dma_start3A_71 = tpu.memref_slice %arg10[%dma_start3A, %dma_start3A_70] : memref<128x128xf32, #tpu.memory_space<vmem>> -> memref<112x128xf32, #tpu.memory_space<vmem>>
      %dma_start3A_72 = arith.constant 0 : i32
      %dma_start3A_73 = tpu.memref_slice %arg11[%add3A_19, %dma_start3A_72] : memref<10000x128xf32, #tpu.memory_space<vmem_shared>> -> memref<112x128xf32, #tpu.memory_space<vmem_shared>>
      %dma_start3A_74 = arith.constant 0 : i32
      %dma_start3A_75 = tpu.memref_slice %arg11[%add3A_19, %dma_start3A_74] : memref<10000x128xf32, #tpu.memory_space<vmem_shared>> -> memref<112x128xf32, #tpu.memory_space<vmem_shared>>
      %dma_start3A_76 = arith.constant 0 : i32
      %dma_start3A_77 = arith.constant 0 : i32
      %dma_start3A_78 = tpu.memref_slice %arg10[%dma_start3A_76, %dma_start3A_77] : memref<128x128xf32, #tpu.memory_space<vmem>> -> memref<112x128xf32, #tpu.memory_space<vmem>>
      tpu.enqueue_dma source(%dma_start3A_78 : memref<112x128xf32, #tpu.memory_space<vmem>>) target(%dma_start3A_75 : memref<112x128xf32, #tpu.memory_space<vmem_shared>>) target_semaphore(%run_scoped3A : memref<!tpu.dma_semaphore, #tpu.memory_space<semaphore_mem>>)
      %dma_wait3A = arith.constant 0 : i32
      %dma_wait3A_79 = arith.constant 0 : i32
      %dma_wait3A_80 = tpu.memref_slice %arg10[%dma_wait3A, %dma_wait3A_79] : memref<128x128xf32, #tpu.memory_space<vmem>> -> memref<112x128xf32, #tpu.memory_space<vmem>>
      %dma_wait3A_81 = arith.constant 0 : i32
      %dma_wait3A_82 = tpu.memref_slice %arg11[%add3A_19, %dma_wait3A_81] : memref<10000x128xf32, #tpu.memory_space<vmem_shared>> -> memref<112x128xf32, #tpu.memory_space<vmem_shared>>
      %dma_wait3A_83 = arith.constant 0 : i32
      %dma_wait3A_84 = tpu.memref_slice %arg11[%add3A_19, %dma_wait3A_83] : memref<10000x128xf32, #tpu.memory_space<vmem_shared>> -> memref<112x128xf32, #tpu.memory_space<vmem_shared>>
      %dma_wait3A_85 = arith.constant 0 : i32
      %dma_wait3A_86 = arith.constant 0 : i32
      %dma_wait3A_87 = tpu.memref_slice %arg10[%dma_wait3A_85, %dma_wait3A_86] : memref<128x128xf32, #tpu.memory_space<vmem>> -> memref<112x128xf32, #tpu.memory_space<vmem>>
      tpu.wait_dma2 semaphore(%run_scoped3A : memref<!tpu.dma_semaphore, #tpu.memory_space<semaphore_mem>>) src(%dma_wait3A_87 : memref<112x128xf32, #tpu.memory_space<vmem>>) dst(%dma_wait3A_84 : memref<112x128xf32, #tpu.memory_space<vmem_shared>>)
      tpu.yield
    }) : () -> ()
    %eq3A = arith.constant 15 : i32
    %eq3A_20 = arith.cmpi eq, %arg1, %eq3A : i32
    %convert_element_type3A = arith.extui %eq3A_20 : i1 to i32
    %cond3A = arith.constant 0 : i32
    %cond3A_21 = arith.cmpi ne, %convert_element_type3A, %cond3A : i32
    scf.if %cond3A_21 {
      %add3A_70 = arith.constant 624 : i32
      %add3A_71 = arith.addi %mul3A_9, %add3A_70 : i32
      "tpu.region"() ({
        %run_scoped3A = tpu.sem_alloc : memref<!tpu.dma_semaphore, #tpu.memory_space<semaphore_mem>>
        %dma_start3A = arith.constant 0 : i32
        %dma_start3A_72 = arith.constant 0 : i32
        %dma_start3A_73 = tpu.memref_slice %arg10[%dma_start3A, %dma_start3A_72] : memref<128x128xf32, #tpu.memory_space<vmem>> -> memref<16x128xf32, #tpu.memory_space<vmem>>
        %dma_start3A_74 = arith.constant 0 : i32
        %dma_start3A_75 = tpu.memref_slice %arg11[%add3A_71, %dma_start3A_74] : memref<10000x128xf32, #tpu.memory_space<vmem_shared>> -> memref<16x128xf32, #tpu.memory_space<vmem_shared>>
        %dma_start3A_76 = arith.constant 0 : i32
        %dma_start3A_77 = tpu.memref_slice %arg11[%add3A_71, %dma_start3A_76] : memref<10000x128xf32, #tpu.memory_space<vmem_shared>> -> memref<16x128xf32, #tpu.memory_space<vmem_shared>>
        %dma_start3A_78 = arith.constant 0 : i32
        %dma_start3A_79 = arith.constant 0 : i32
        %dma_start3A_80 = tpu.memref_slice %arg10[%dma_start3A_78, %dma_start3A_79] : memref<128x128xf32, #tpu.memory_space<vmem>> -> memref<16x128xf32, #tpu.memory_space<vmem>>
        tpu.enqueue_dma source(%dma_start3A_80 : memref<16x128xf32, #tpu.memory_space<vmem>>) target(%dma_start3A_77 : memref<16x128xf32, #tpu.memory_space<vmem_shared>>) target_semaphore(%run_scoped3A : memref<!tpu.dma_semaphore, #tpu.memory_space<semaphore_mem>>)
        %dma_wait3A = arith.constant 0 : i32
        %dma_wait3A_81 = arith.constant 0 : i32
        %dma_wait3A_82 = tpu.memref_slice %arg10[%dma_wait3A, %dma_wait3A_81] : memref<128x128xf32, #tpu.memory_space<vmem>> -> memref<16x128xf32, #tpu.memory_space<vmem>>
        %dma_wait3A_83 = arith.constant 0 : i32
        %dma_wait3A_84 = tpu.memref_slice %arg11[%add3A_71, %dma_wait3A_83] : memref<10000x128xf32, #tpu.memory_space<vmem_shared>> -> memref<16x128xf32, #tpu.memory_space<vmem_shared>>
        %dma_wait3A_85 = arith.constant 0 : i32
        %dma_wait3A_86 = tpu.memref_slice %arg11[%add3A_71, %dma_wait3A_85] : memref<10000x128xf32, #tpu.memory_space<vmem_shared>> -> memref<16x128xf32, #tpu.memory_space<vmem_shared>>
        %dma_wait3A_87 = arith.constant 0 : i32
        %dma_wait3A_88 = arith.constant 0 : i32
        %dma_wait3A_89 = tpu.memref_slice %arg10[%dma_wait3A_87, %dma_wait3A_88] : memref<128x128xf32, #tpu.memory_space<vmem>> -> memref<16x128xf32, #tpu.memory_space<vmem>>
        tpu.wait_dma2 semaphore(%run_scoped3A : memref<!tpu.dma_semaphore, #tpu.memory_space<semaphore_mem>>) src(%dma_wait3A_89 : memref<16x128xf32, #tpu.memory_space<vmem>>) dst(%dma_wait3A_86 : memref<16x128xf32, #tpu.memory_space<vmem_shared>>)
        tpu.yield
      }) : () -> ()
    } else {
    }
    %barrier3A = arith.constant 0 : index
    tpu.barrier barrier_id(%barrier3A)
    %mul3A_22 = arith.constant 78 : i32
    %mul3A_23 = arith.muli %add3A, %mul3A_22 : i32
    %min3A = arith.constant 4 : i32
    %min3A_24 = arith.minsi %add3A, %min3A : i32
    %add3A_25 = arith.addi %mul3A_23, %min3A_24 : i32
    %lt3A = arith.constant 4 : i32
    %lt3A_26 = arith.cmpi slt, %add3A, %lt3A : i32
    %jit3A = arith.constant 1 : i32
    %jit3A_27 = arith.constant 0 : i32
    %select_n3A = arith.select %lt3A_26, %jit3A, %jit3A_27 : i32
    %add3A_28 = arith.constant 78 : i32
    %add3A_29 = arith.addi %add3A_28, %select_n3A : i32
    %while3A = arith.constant 0 : i32
    %while3A_30 = arith.constant 0 : i32
    %while3A_31 = arith.subi %add3A_29, %while3A : i32
    %while3A_32 = arith.addi %while3A, %while3A_31 : i32
    %while3A_33 = arith.constant 1 : i32
    %while3A_34 = arith.divsi %while3A_31, %while3A_33 : i32
    %while3A_35 = arith.muli %while3A_34, %while3A_33 : i32
    %while3A_36 = arith.addi %while3A, %while3A_35 : i32
    %while3A_37 = arith.constant 1 : i32
    %while3A_38 = scf.for %while3A_70 = %while3A to %while3A_36 step %while3A_37 iter_args(%while3A_71 = %while3A_30) -> (i32)  : i32 {
      %add3A_72 = arith.addi %add3A_25, %while3A_70 : i32
      %mul3A_73 = arith.constant 128 : i32
      %mul3A_74 = arith.muli %add3A_72, %mul3A_73 : i32
      %dma_start3A = tpu.memref_slice %arg4[%mul3A_74] : memref<320000xi32, #tpu.memory_space<hbm>> -> memref<128xi32, #tpu.memory_space<hbm>>
      %dma_start3A_75 = tpu.memref_slice %arg4[%mul3A_74] : memref<320000xi32, #tpu.memory_space<hbm>> -> memref<128xi32, #tpu.memory_space<hbm>>
      tpu.enqueue_dma source(%dma_start3A_75 : memref<128xi32, #tpu.memory_space<hbm>>) target(%arg7 : memref<128xi32, #tpu.memory_space<vmem>>) target_semaphore(%arg13 : memref<!tpu.dma_semaphore, #tpu.memory_space<semaphore_mem>>)
      %dma_start3A_76 = tpu.memref_slice %arg3[%mul3A_74] : memref<320000xi32, #tpu.memory_space<hbm>> -> memref<128xi32, #tpu.memory_space<hbm>>
      %dma_start3A_77 = tpu.memref_slice %arg3[%mul3A_74] : memref<320000xi32, #tpu.memory_space<hbm>> -> memref<128xi32, #tpu.memory_space<hbm>>
      tpu.enqueue_dma source(%dma_start3A_77 : memref<128xi32, #tpu.memory_space<hbm>>) target(%arg8 : memref<128xi32, #tpu.memory_space<vmem>>) target_semaphore(%arg14 : memref<!tpu.dma_semaphore, #tpu.memory_space<semaphore_mem>>)
      %dma_start3A_78 = tpu.memref_slice %arg5[%mul3A_74] : memref<320000xf32, #tpu.memory_space<hbm>> -> memref<128xf32, #tpu.memory_space<hbm>>
      %dma_start3A_79 = tpu.memref_slice %arg5[%mul3A_74] : memref<320000xf32, #tpu.memory_space<hbm>> -> memref<128xf32, #tpu.memory_space<hbm>>
      tpu.enqueue_dma source(%dma_start3A_79 : memref<128xf32, #tpu.memory_space<hbm>>) target(%arg9 : memref<128xf32, #tpu.memory_space<vmem>>) target_semaphore(%arg15 : memref<!tpu.dma_semaphore, #tpu.memory_space<semaphore_mem>>)
      %dma_wait3A = tpu.memref_slice %arg4[%mul3A_74] : memref<320000xi32, #tpu.memory_space<hbm>> -> memref<128xi32, #tpu.memory_space<hbm>>
      %dma_wait3A_80 = tpu.memref_slice %arg4[%mul3A_74] : memref<320000xi32, #tpu.memory_space<hbm>> -> memref<128xi32, #tpu.memory_space<hbm>>
      tpu.wait_dma2 semaphore(%arg13 : memref<!tpu.dma_semaphore, #tpu.memory_space<semaphore_mem>>) src(%dma_wait3A_80 : memref<128xi32, #tpu.memory_space<hbm>>) dst(%arg7 : memref<128xi32, #tpu.memory_space<vmem>>)
      %dma_wait3A_81 = tpu.memref_slice %arg3[%mul3A_74] : memref<320000xi32, #tpu.memory_space<hbm>> -> memref<128xi32, #tpu.memory_space<hbm>>
      %dma_wait3A_82 = tpu.memref_slice %arg3[%mul3A_74] : memref<320000xi32, #tpu.memory_space<hbm>> -> memref<128xi32, #tpu.memory_space<hbm>>
      tpu.wait_dma2 semaphore(%arg14 : memref<!tpu.dma_semaphore, #tpu.memory_space<semaphore_mem>>) src(%dma_wait3A_82 : memref<128xi32, #tpu.memory_space<hbm>>) dst(%arg8 : memref<128xi32, #tpu.memory_space<vmem>>)
      %dma_wait3A_83 = tpu.memref_slice %arg5[%mul3A_74] : memref<320000xf32, #tpu.memory_space<hbm>> -> memref<128xf32, #tpu.memory_space<hbm>>
      %dma_wait3A_84 = tpu.memref_slice %arg5[%mul3A_74] : memref<320000xf32, #tpu.memory_space<hbm>> -> memref<128xf32, #tpu.memory_space<hbm>>
      tpu.wait_dma2 semaphore(%arg15 : memref<!tpu.dma_semaphore, #tpu.memory_space<semaphore_mem>>) src(%dma_wait3A_84 : memref<128xf32, #tpu.memory_space<hbm>>) dst(%arg9 : memref<128xf32, #tpu.memory_space<vmem>>)
      %dma_start3A_85 = arith.constant 0 : i32
      %dma_start3A_86 = arith.constant 0 : i32
      %dma_start3A_87 = tpu.memref_slice %arg2[%dma_start3A_85, %dma_start3A_86] : memref<10000x128xf32, #tpu.memory_space<hbm>> -> memref<10000x128xf32, #tpu.memory_space<hbm>>
      tpu.enqueue_indirect_dma source(%dma_start3A_87 : memref<10000x128xf32, #tpu.memory_space<hbm>>) target(%arg10 : memref<128x128xf32, #tpu.memory_space<vmem>>) offsets(%arg7 : memref<128xi32, #tpu.memory_space<vmem>>) semaphore(%arg12 : memref<!tpu.dma_semaphore, #tpu.memory_space<semaphore_mem>>)
      %dma_wait3A_88 = arith.constant 0 : i32
      %dma_wait3A_89 = arith.constant 0 : i32
      %dma_wait3A_90 = tpu.memref_slice %arg2[%dma_wait3A_88, %dma_wait3A_89] : memref<10000x128xf32, #tpu.memory_space<hbm>> -> memref<10000x128xf32, #tpu.memory_space<hbm>>
      tpu.wait_indirect_dma semaphore(%arg12 : memref<!tpu.dma_semaphore, #tpu.memory_space<semaphore_mem>>) src(%dma_wait3A_90 : memref<10000x128xf32, #tpu.memory_space<hbm>>) dst(%arg10 : memref<128x128xf32, #tpu.memory_space<vmem>>)
      %scan3A_91 = arith.constant 0 : i32
      %scan3A_92 = arith.constant 0 : i32
      %scan3A_93 = arith.constant 8 : i32
      %scan3A_94 = arith.addi %scan3A_92, %scan3A_93 : i32
      %scan3A_95 = arith.constant 1 : i32
      %scan3A_96 = scf.for %scan3A_99 = %scan3A_92 to %scan3A_94 step %scan3A_95 iter_args(%scan3A_100 = %scan3A_91) -> (i32)  : i32 {
        %mul3A_101 = arith.constant 16 : i32
        %mul3A_102 = arith.muli %scan3A_99, %mul3A_101 : i32
        %get3A = arith.index_cast %mul3A_102 : i32 to index
        %get3A_103 = tpu.vector_load %arg9[%get3A] {strides = array<i32>} : memref<128xf32, #tpu.memory_space<vmem>>, vector<16xf32>,
        %get3A_104 = vector.shape_cast %get3A_103 : vector<16xf32> to vector<16xf32>
        %mul3A_105 = arith.constant 16 : i32
        %mul3A_106 = arith.muli %scan3A_99, %mul3A_105 : i32
        %add3A_107 = arith.constant 0 : i32
        %add3A_108 = arith.addi %mul3A_106, %add3A_107 : i32
        %slice3A = vector.extract_strided_slice %get3A_104 {offsets = [0], sizes = [1], strides = [1]} : vector<16xf32> to vector<1xf32>
        %squeeze3A = vector.extract %slice3A[0] : f32 from vector<1xf32>
        %broadcast_in_dim3A_109 = vector.broadcast %squeeze3A : f32 to vector<16xf32>
        %get3A_110 = arith.index_cast %add3A_108 : i32 to index
        %get3A_111 = arith.constant 0 : index
        %get3A_112 = tpu.vector_load %arg10[%get3A_110, %get3A_111] {strides = array<i32>} : memref<128x128xf32, #tpu.memory_space<vmem>>, vector<1x16xf32>,
        %get3A_113 = vector.shape_cast %get3A_112 : vector<1x16xf32> to vector<16xf32>
        %mul3A_114 = arith.mulf %get3A_113, %broadcast_in_dim3A_109 : vector<16xf32>
        %swap3A = arith.index_cast %add3A_108 : i32 to index
        %swap3A_115 = arith.constant 0 : index
        %swap3A_116 = tpu.vector_load %arg10[%swap3A, %swap3A_115] {strides = array<i32>} : memref<128x128xf32, #tpu.memory_space<vmem>>, vector<1x16xf32>,
        %swap3A_117 = vector.shape_cast %swap3A_116 : vector<1x16xf32> to vector<16xf32>
        %swap3A_118 = vector.shape_cast %mul3A_114 : vector<16xf32> to vector<1x16xf32>
        tpu.vector_store %arg10[%swap3A, %swap3A_115], %swap3A_118 {strides = array<i32>} : memref<128x128xf32, #tpu.memory_space<vmem>>, vector<1x16xf32>,
        %get3A_119 = arith.index_cast %add3A_108 : i32 to index
        %get3A_120 = arith.constant 16 : index
        %get3A_121 = tpu.vector_load %arg10[%get3A_119, %get3A_120] {strides = array<i32>} : memref<128x128xf32, #tpu.memory_space<vmem>>, vector<1x16xf32>,
        %get3A_122 = vector.shape_cast %get3A_121 : vector<1x16xf32> to vector<16xf32>
        %mul3A_123 = arith.mulf %get3A_122, %broadcast_in_dim3A_109 : vector<16xf32>
        %swap3A_124 = arith.index_cast %add3A_108 : i32 to index
        %swap3A_125 = arith.constant 16 : index
        %swap3A_126 = tpu.vector_load %arg10[%swap3A_124, %swap3A_125] {strides = array<i32>} : memref<128x128xf32, #tpu.memory_space<vmem>>, vector<1x16xf32>,
        %swap3A_127 = vector.shape_cast %swap3A_126 : vector<1x16xf32> to vector<16xf32>
        %swap3A_128 = vector.shape_cast %mul3A_123 : vector<16xf32> to vector<1x16xf32>
        tpu.vector_store %arg10[%swap3A_124, %swap3A_125], %swap3A_128 {strides = array<i32>} : memref<128x128xf32, #tpu.memory_space<vmem>>, vector<1x16xf32>,
        %get3A_129 = arith.index_cast %add3A_108 : i32 to index
        %get3A_130 = arith.constant 32 : index
        %get3A_131 = tpu.vector_load %arg10[%get3A_129, %get3A_130] {strides = array<i32>} : memref<128x128xf32, #tpu.memory_space<vmem>>, vector<1x16xf32>,
        %get3A_132 = vector.shape_cast %get3A_131 : vector<1x16xf32> to vector<16xf32>
        %mul3A_133 = arith.mulf %get3A_132, %broadcast_in_dim3A_109 : vector<16xf32>
        %swap3A_134 = arith.index_cast %add3A_108 : i32 to index
        %swap3A_135 = arith.constant 32 : index
        %swap3A_136 = tpu.vector_load %arg10[%swap3A_134, %swap3A_135] {strides = array<i32>} : memref<128x128xf32, #tpu.memory_space<vmem>>, vector<1x16xf32>,
        %swap3A_137 = vector.shape_cast %swap3A_136 : vector<1x16xf32> to vector<16xf32>
        %swap3A_138 = vector.shape_cast %mul3A_133 : vector<16xf32> to vector<1x16xf32>
        tpu.vector_store %arg10[%swap3A_134, %swap3A_135], %swap3A_138 {strides = array<i32>} : memref<128x128xf32, #tpu.memory_space<vmem>>, vector<1x16xf32>,
        %get3A_139 = arith.index_cast %add3A_108 : i32 to index
        %get3A_140 = arith.constant 48 : index
        %get3A_141 = tpu.vector_load %arg10[%get3A_139, %get3A_140] {strides = array<i32>} : memref<128x128xf32, #tpu.memory_space<vmem>>, vector<1x16xf32>,
        %get3A_142 = vector.shape_cast %get3A_141 : vector<1x16xf32> to vector<16xf32>
        %mul3A_143 = arith.mulf %get3A_142, %broadcast_in_dim3A_109 : vector<16xf32>
        %swap3A_144 = arith.index_cast %add3A_108 : i32 to index
        %swap3A_145 = arith.constant 48 : index
        %swap3A_146 = tpu.vector_load %arg10[%swap3A_144, %swap3A_145] {strides = array<i32>} : memref<128x128xf32, #tpu.memory_space<vmem>>, vector<1x16xf32>,
        %swap3A_147 = vector.shape_cast %swap3A_146 : vector<1x16xf32> to vector<16xf32>
        %swap3A_148 = vector.shape_cast %mul3A_143 : vector<16xf32> to vector<1x16xf32>
        tpu.vector_store %arg10[%swap3A_144, %swap3A_145], %swap3A_148 {strides = array<i32>} : memref<128x128xf32, #tpu.memory_space<vmem>>, vector<1x16xf32>,
        %get3A_149 = arith.index_cast %add3A_108 : i32 to index
        %get3A_150 = arith.constant 64 : index
        %get3A_151 = tpu.vector_load %arg10[%get3A_149, %get3A_150] {strides = array<i32>} : memref<128x128xf32, #tpu.memory_space<vmem>>, vector<1x16xf32>,
        %get3A_152 = vector.shape_cast %get3A_151 : vector<1x16xf32> to vector<16xf32>
        %mul3A_153 = arith.mulf %get3A_152, %broadcast_in_dim3A_109 : vector<16xf32>
        %swap3A_154 = arith.index_cast %add3A_108 : i32 to index
        %swap3A_155 = arith.constant 64 : index
        %swap3A_156 = tpu.vector_load %arg10[%swap3A_154, %swap3A_155] {strides = array<i32>} : memref<128x128xf32, #tpu.memory_space<vmem>>, vector<1x16xf32>,
        %swap3A_157 = vector.shape_cast %swap3A_156 : vector<1x16xf32> to vector<16xf32>
        %swap3A_158 = vector.shape_cast %mul3A_153 : vector<16xf32> to vector<1x16xf32>
        tpu.vector_store %arg10[%swap3A_154, %swap3A_155], %swap3A_158 {strides = array<i32>} : memref<128x128xf32, #tpu.memory_space<vmem>>, vector<1x16xf32>,
        %get3A_159 = arith.index_cast %add3A_108 : i32 to index
        %get3A_160 = arith.constant 80 : index
        %get3A_161 = tpu.vector_load %arg10[%get3A_159, %get3A_160] {strides = array<i32>} : memref<128x128xf32, #tpu.memory_space<vmem>>, vector<1x16xf32>,
        %get3A_162 = vector.shape_cast %get3A_161 : vector<1x16xf32> to vector<16xf32>
        %mul3A_163 = arith.mulf %get3A_162, %broadcast_in_dim3A_109 : vector<16xf32>
        %swap3A_164 = arith.index_cast %add3A_108 : i32 to index
        %swap3A_165 = arith.constant 80 : index
        %swap3A_166 = tpu.vector_load %arg10[%swap3A_164, %swap3A_165] {strides = array<i32>} : memref<128x128xf32, #tpu.memory_space<vmem>>, vector<1x16xf32>,
        %swap3A_167 = vector.shape_cast %swap3A_166 : vector<1x16xf32> to vector<16xf32>
        %swap3A_168 = vector.shape_cast %mul3A_163 : vector<16xf32> to vector<1x16xf32>
        tpu.vector_store %arg10[%swap3A_164, %swap3A_165], %swap3A_168 {strides = array<i32>} : memref<128x128xf32, #tpu.memory_space<vmem>>, vector<1x16xf32>,
        %get3A_169 = arith.index_cast %add3A_108 : i32 to index
        %get3A_170 = arith.constant 96 : index
        %get3A_171 = tpu.vector_load %arg10[%get3A_169, %get3A_170] {strides = array<i32>} : memref<128x128xf32, #tpu.memory_space<vmem>>, vector<1x16xf32>,
        %get3A_172 = vector.shape_cast %get3A_171 : vector<1x16xf32> to vector<16xf32>
        %mul3A_173 = arith.mulf %get3A_172, %broadcast_in_dim3A_109 : vector<16xf32>
        %swap3A_174 = arith.index_cast %add3A_108 : i32 to index
        %swap3A_175 = arith.constant 96 : index
        %swap3A_176 = tpu.vector_load %arg10[%swap3A_174, %swap3A_175] {strides = array<i32>} : memref<128x128xf32, #tpu.memory_space<vmem>>, vector<1x16xf32>,
        %swap3A_177 = vector.shape_cast %swap3A_176 : vector<1x16xf32> to vector<16xf32>
        %swap3A_178 = vector.shape_cast %mul3A_173 : vector<16xf32> to vector<1x16xf32>
        tpu.vector_store %arg10[%swap3A_174, %swap3A_175], %swap3A_178 {strides = array<i32>} : memref<128x128xf32, #tpu.memory_space<vmem>>, vector<1x16xf32>,
        %get3A_179 = arith.index_cast %add3A_108 : i32 to index
        %get3A_180 = arith.constant 112 : index
        %get3A_181 = tpu.vector_load %arg10[%get3A_179, %get3A_180] {strides = array<i32>} : memref<128x128xf32, #tpu.memory_space<vmem>>, vector<1x16xf32>,
        %get3A_182 = vector.shape_cast %get3A_181 : vector<1x16xf32> to vector<16xf32>
        %mul3A_183 = arith.mulf %get3A_182, %broadcast_in_dim3A_109 : vector<16xf32>
        %swap3A_184 = arith.index_cast %add3A_108 : i32 to index
        %swap3A_185 = arith.constant 112 : index
        %swap3A_186 = tpu.vector_load %arg10[%swap3A_184, %swap3A_185] {strides = array<i32>} : memref<128x128xf32, #tpu.memory_space<vmem>>, vector<1x16xf32>,
        %swap3A_187 = vector.shape_cast %swap3A_186 : vector<1x16xf32> to vector<16xf32>
        %swap3A_188 = vector.shape_cast %mul3A_183 : vector<16xf32> to vector<1x16xf32>
        tpu.vector_store %arg10[%swap3A_184, %swap3A_185], %swap3A_188 {strides = array<i32>} : memref<128x128xf32, #tpu.memory_space<vmem>>, vector<1x16xf32>,
        %mul3A_189 = arith.constant 16 : i32
        %mul3A_190 = arith.muli %scan3A_99, %mul3A_189 : i32
        %add3A_191 = arith.constant 1 : i32
        %add3A_192 = arith.addi %mul3A_190, %add3A_191 : i32
        %slice3A_193 = vector.extract_strided_slice %get3A_104 {offsets = [1], sizes = [1], strides = [1]} : vector<16xf32> to vector<1xf32>
        %squeeze3A_194 = vector.extract %slice3A_193[0] : f32 from vector<1xf32>
        %broadcast_in_dim3A_195 = vector.broadcast %squeeze3A_194 : f32 to vector<16xf32>
        %get3A_196 = arith.index_cast %add3A_192 : i32 to index
        %get3A_197 = arith.constant 0 : index
        %get3A_198 = tpu.vector_load %arg10[%get3A_196, %get3A_197] {strides = array<i32>} : memref<128x128xf32, #tpu.memory_space<vmem>>, vector<1x16xf32>,
        %get3A_199 = vector.shape_cast %get3A_198 : vector<1x16xf32> to vector<16xf32>
        %mul3A_200 = arith.mulf %get3A_199, %broadcast_in_dim3A_195 : vector<16xf32>
        %swap3A_201 = arith.index_cast %add3A_192 : i32 to index
        %swap3A_202 = arith.constant 0 : index
        %swap3A_203 = tpu.vector_load %arg10[%swap3A_201, %swap3A_202] {strides = array<i32>} : memref<128x128xf32, #tpu.memory_space<vmem>>, vector<1x16xf32>,
        %swap3A_204 = vector.shape_cast %swap3A_203 : vector<1x16xf32> to vector<16xf32>
        %swap3A_205 = vector.shape_cast %mul3A_200 : vector<16xf32> to vector<1x16xf32>
        tpu.vector_store %arg10[%swap3A_201, %swap3A_202], %swap3A_205 {strides = array<i32>} : memref<128x128xf32, #tpu.memory_space<vmem>>, vector<1x16xf32>,
        %get3A_206 = arith.index_cast %add3A_192 : i32 to index
        %get3A_207 = arith.constant 16 : index
        %get3A_208 = tpu.vector_load %arg10[%get3A_206, %get3A_207] {strides = array<i32>} : memref<128x128xf32, #tpu.memory_space<vmem>>, vector<1x16xf32>,
        %get3A_209 = vector.shape_cast %get3A_208 : vector<1x16xf32> to vector<16xf32>
        %mul3A_210 = arith.mulf %get3A_209, %broadcast_in_dim3A_195 : vector<16xf32>
        %swap3A_211 = arith.index_cast %add3A_192 : i32 to index
        %swap3A_212 = arith.constant 16 : index
        %swap3A_213 = tpu.vector_load %arg10[%swap3A_211, %swap3A_212] {strides = array<i32>} : memref<128x128xf32, #tpu.memory_space<vmem>>, vector<1x16xf32>,
        %swap3A_214 = vector.shape_cast %swap3A_213 : vector<1x16xf32> to vector<16xf32>
        %swap3A_215 = vector.shape_cast %mul3A_210 : vector<16xf32> to vector<1x16xf32>
        tpu.vector_store %arg10[%swap3A_211, %swap3A_212], %swap3A_215 {strides = array<i32>} : memref<128x128xf32, #tpu.memory_space<vmem>>, vector<1x16xf32>,
        %get3A_216 = arith.index_cast %add3A_192 : i32 to index
        %get3A_217 = arith.constant 32 : index
        %get3A_218 = tpu.vector_load %arg10[%get3A_216, %get3A_217] {strides = array<i32>} : memref<128x128xf32, #tpu.memory_space<vmem>>, vector<1x16xf32>,
        %get3A_219 = vector.shape_cast %get3A_218 : vector<1x16xf32> to vector<16xf32>
        %mul3A_220 = arith.mulf %get3A_219, %broadcast_in_dim3A_195 : vector<16xf32>
        %swap3A_221 = arith.index_cast %add3A_192 : i32 to index
        %swap3A_222 = arith.constant 32 : index
        %swap3A_223 = tpu.vector_load %arg10[%swap3A_221, %swap3A_222] {strides = array<i32>} : memref<128x128xf32, #tpu.memory_space<vmem>>, vector<1x16xf32>,
        %swap3A_224 = vector.shape_cast %swap3A_223 : vector<1x16xf32> to vector<16xf32>
        %swap3A_225 = vector.shape_cast %mul3A_220 : vector<16xf32> to vector<1x16xf32>
        tpu.vector_store %arg10[%swap3A_221, %swap3A_222], %swap3A_225 {strides = array<i32>} : memref<128x128xf32, #tpu.memory_space<vmem>>, vector<1x16xf32>,
        %get3A_226 = arith.index_cast %add3A_192 : i32 to index
        %get3A_227 = arith.constant 48 : index
        %get3A_228 = tpu.vector_load %arg10[%get3A_226, %get3A_227] {strides = array<i32>} : memref<128x128xf32, #tpu.memory_space<vmem>>, vector<1x16xf32>,
        %get3A_229 = vector.shape_cast %get3A_228 : vector<1x16xf32> to vector<16xf32>
        %mul3A_230 = arith.mulf %get3A_229, %broadcast_in_dim3A_195 : vector<16xf32>
        %swap3A_231 = arith.index_cast %add3A_192 : i32 to index
        %swap3A_232 = arith.constant 48 : index
        %swap3A_233 = tpu.vector_load %arg10[%swap3A_231, %swap3A_232] {strides = array<i32>} : memref<128x128xf32, #tpu.memory_space<vmem>>, vector<1x16xf32>,
        %swap3A_234 = vector.shape_cast %swap3A_233 : vector<1x16xf32> to vector<16xf32>
        %swap3A_235 = vector.shape_cast %mul3A_230 : vector<16xf32> to vector<1x16xf32>
        tpu.vector_store %arg10[%swap3A_231, %swap3A_232], %swap3A_235 {strides = array<i32>} : memref<128x128xf32, #tpu.memory_space<vmem>>, vector<1x16xf32>,
        %get3A_236 = arith.index_cast %add3A_192 : i32 to index
        %get3A_237 = arith.constant 64 : index
        %get3A_238 = tpu.vector_load %arg10[%get3A_236, %get3A_237] {strides = array<i32>} : memref<128x128xf32, #tpu.memory_space<vmem>>, vector<1x16xf32>,
        %get3A_239 = vector.shape_cast %get3A_238 : vector<1x16xf32> to vector<16xf32>
        %mul3A_240 = arith.mulf %get3A_239, %broadcast_in_dim3A_195 : vector<16xf32>
        %swap3A_241 = arith.index_cast %add3A_192 : i32 to index
        %swap3A_242 = arith.constant 64 : index
        %swap3A_243 = tpu.vector_load %arg10[%swap3A_241, %swap3A_242] {strides = array<i32>} : memref<128x128xf32, #tpu.memory_space<vmem>>, vector<1x16xf32>,
        %swap3A_244 = vector.shape_cast %swap3A_243 : vector<1x16xf32> to vector<16xf32>
        %swap3A_245 = vector.shape_cast %mul3A_240 : vector<16xf32> to vector<1x16xf32>
        tpu.vector_store %arg10[%swap3A_241, %swap3A_242], %swap3A_245 {strides = array<i32>} : memref<128x128xf32, #tpu.memory_space<vmem>>, vector<1x16xf32>,
        %get3A_246 = arith.index_cast %add3A_192 : i32 to index
        %get3A_247 = arith.constant 80 : index
        %get3A_248 = tpu.vector_load %arg10[%get3A_246, %get3A_247] {strides = array<i32>} : memref<128x128xf32, #tpu.memory_space<vmem>>, vector<1x16xf32>,
        %get3A_249 = vector.shape_cast %get3A_248 : vector<1x16xf32> to vector<16xf32>
        %mul3A_250 = arith.mulf %get3A_249, %broadcast_in_dim3A_195 : vector<16xf32>
        %swap3A_251 = arith.index_cast %add3A_192 : i32 to index
        %swap3A_252 = arith.constant 80 : index
        %swap3A_253 = tpu.vector_load %arg10[%swap3A_251, %swap3A_252] {strides = array<i32>} : memref<128x128xf32, #tpu.memory_space<vmem>>, vector<1x16xf32>,
        %swap3A_254 = vector.shape_cast %swap3A_253 : vector<1x16xf32> to vector<16xf32>
        %swap3A_255 = vector.shape_cast %mul3A_250 : vector<16xf32> to vector<1x16xf32>
        tpu.vector_store %arg10[%swap3A_251, %swap3A_252], %swap3A_255 {strides = array<i32>} : memref<128x128xf32, #tpu.memory_space<vmem>>, vector<1x16xf32>,
        %get3A_256 = arith.index_cast %add3A_192 : i32 to index
        %get3A_257 = arith.constant 96 : index
        %get3A_258 = tpu.vector_load %arg10[%get3A_256, %get3A_257] {strides = array<i32>} : memref<128x128xf32, #tpu.memory_space<vmem>>, vector<1x16xf32>,
        %get3A_259 = vector.shape_cast %get3A_258 : vector<1x16xf32> to vector<16xf32>
        %mul3A_260 = arith.mulf %get3A_259, %broadcast_in_dim3A_195 : vector<16xf32>
        %swap3A_261 = arith.index_cast %add3A_192 : i32 to index
        %swap3A_262 = arith.constant 96 : index
        %swap3A_263 = tpu.vector_load %arg10[%swap3A_261, %swap3A_262] {strides = array<i32>} : memref<128x128xf32, #tpu.memory_space<vmem>>, vector<1x16xf32>,
        %swap3A_264 = vector.shape_cast %swap3A_263 : vector<1x16xf32> to vector<16xf32>
        %swap3A_265 = vector.shape_cast %mul3A_260 : vector<16xf32> to vector<1x16xf32>
        tpu.vector_store %arg10[%swap3A_261, %swap3A_262], %swap3A_265 {strides = array<i32>} : memref<128x128xf32, #tpu.memory_space<vmem>>, vector<1x16xf32>,
        %get3A_266 = arith.index_cast %add3A_192 : i32 to index
        %get3A_267 = arith.constant 112 : index
        %get3A_268 = tpu.vector_load %arg10[%get3A_266, %get3A_267] {strides = array<i32>} : memref<128x128xf32, #tpu.memory_space<vmem>>, vector<1x16xf32>,
        %get3A_269 = vector.shape_cast %get3A_268 : vector<1x16xf32> to vector<16xf32>
        %mul3A_270 = arith.mulf %get3A_269, %broadcast_in_dim3A_195 : vector<16xf32>
        %swap3A_271 = arith.index_cast %add3A_192 : i32 to index
        %swap3A_272 = arith.constant 112 : index
        %swap3A_273 = tpu.vector_load %arg10[%swap3A_271, %swap3A_272] {strides = array<i32>} : memref<128x128xf32, #tpu.memory_space<vmem>>, vector<1x16xf32>,
        %swap3A_274 = vector.shape_cast %swap3A_273 : vector<1x16xf32> to vector<16xf32>
        %swap3A_275 = vector.shape_cast %mul3A_270 : vector<16xf32> to vector<1x16xf32>
        tpu.vector_store %arg10[%swap3A_271, %swap3A_272], %swap3A_275 {strides = array<i32>} : memref<128x128xf32, #tpu.memory_space<vmem>>, vector<1x16xf32>,
        %mul3A_276 = arith.constant 16 : i32
        %mul3A_277 = arith.muli %scan3A_99, %mul3A_276 : i32
        %add3A_278 = arith.constant 2 : i32
        %add3A_279 = arith.addi %mul3A_277, %add3A_278 : i32
        %slice3A_280 = vector.extract_strided_slice %get3A_104 {offsets = [2], sizes = [1], strides = [1]} : vector<16xf32> to vector<1xf32>
        %squeeze3A_281 = vector.extract %slice3A_280[0] : f32 from vector<1xf32>
        %broadcast_in_dim3A_282 = vector.broadcast %squeeze3A_281 : f32 to vector<16xf32>
        %get3A_283 = arith.index_cast %add3A_279 : i32 to index
        %get3A_284 = arith.constant 0 : index
        %get3A_285 = tpu.vector_load %arg10[%get3A_283, %get3A_284] {strides = array<i32>} : memref<128x128xf32, #tpu.memory_space<vmem>>, vector<1x16xf32>,
        %get3A_286 = vector.shape_cast %get3A_285 : vector<1x16xf32> to vector<16xf32>
        %mul3A_287 = arith.mulf %get3A_286, %broadcast_in_dim3A_282 : vector<16xf32>
        %swap3A_288 = arith.index_cast %add3A_279 : i32 to index
        %swap3A_289 = arith.constant 0 : index
        %swap3A_290 = tpu.vector_load %arg10[%swap3A_288, %swap3A_289] {strides = array<i32>} : memref<128x128xf32, #tpu.memory_space<vmem>>, vector<1x16xf32>,
        %swap3A_291 = vector.shape_cast %swap3A_290 : vector<1x16xf32> to vector<16xf32>
        %swap3A_292 = vector.shape_cast %mul3A_287 : vector<16xf32> to vector<1x16xf32>
        tpu.vector_store %arg10[%swap3A_288, %swap3A_289], %swap3A_292 {strides = array<i32>} : memref<128x128xf32, #tpu.memory_space<vmem>>, vector<1x16xf32>,
        %get3A_293 = arith.index_cast %add3A_279 : i32 to index
        %get3A_294 = arith.constant 16 : index
        %get3A_295 = tpu.vector_load %arg10[%get3A_293, %get3A_294] {strides = array<i32>} : memref<128x128xf32, #tpu.memory_space<vmem>>, vector<1x16xf32>,
        %get3A_296 = vector.shape_cast %get3A_295 : vector<1x16xf32> to vector<16xf32>
        %mul3A_297 = arith.mulf %get3A_296, %broadcast_in_dim3A_282 : vector<16xf32>
        %swap3A_298 = arith.index_cast %add3A_279 : i32 to index
        %swap3A_299 = arith.constant 16 : index
        %swap3A_300 = tpu.vector_load %arg10[%swap3A_298, %swap3A_299] {strides = array<i32>} : memref<128x128xf32, #tpu.memory_space<vmem>>, vector<1x16xf32>,
        %swap3A_301 = vector.shape_cast %swap3A_300 : vector<1x16xf32> to vector<16xf32>
        %swap3A_302 = vector.shape_cast %mul3A_297 : vector<16xf32> to vector<1x16xf32>
        tpu.vector_store %arg10[%swap3A_298, %swap3A_299], %swap3A_302 {strides = array<i32>} : memref<128x128xf32, #tpu.memory_space<vmem>>, vector<1x16xf32>,
        %get3A_303 = arith.index_cast %add3A_279 : i32 to index
        %get3A_304 = arith.constant 32 : index
        %get3A_305 = tpu.vector_load %arg10[%get3A_303, %get3A_304] {strides = array<i32>} : memref<128x128xf32, #tpu.memory_space<vmem>>, vector<1x16xf32>,
        %get3A_306 = vector.shape_cast %get3A_305 : vector<1x16xf32> to vector<16xf32>
        %mul3A_307 = arith.mulf %get3A_306, %broadcast_in_dim3A_282 : vector<16xf32>
        %swap3A_308 = arith.index_cast %add3A_279 : i32 to index
        %swap3A_309 = arith.constant 32 : index
        %swap3A_310 = tpu.vector_load %arg10[%swap3A_308, %swap3A_309] {strides = array<i32>} : memref<128x128xf32, #tpu.memory_space<vmem>>, vector<1x16xf32>,
        %swap3A_311 = vector.shape_cast %swap3A_310 : vector<1x16xf32> to vector<16xf32>
        %swap3A_312 = vector.shape_cast %mul3A_307 : vector<16xf32> to vector<1x16xf32>
        tpu.vector_store %arg10[%swap3A_308, %swap3A_309], %swap3A_312 {strides = array<i32>} : memref<128x128xf32, #tpu.memory_space<vmem>>, vector<1x16xf32>,
        %get3A_313 = arith.index_cast %add3A_279 : i32 to index
        %get3A_314 = arith.constant 48 : index
        %get3A_315 = tpu.vector_load %arg10[%get3A_313, %get3A_314] {strides = array<i32>} : memref<128x128xf32, #tpu.memory_space<vmem>>, vector<1x16xf32>,
        %get3A_316 = vector.shape_cast %get3A_315 : vector<1x16xf32> to vector<16xf32>
        %mul3A_317 = arith.mulf %get3A_316, %broadcast_in_dim3A_282 : vector<16xf32>
        %swap3A_318 = arith.index_cast %add3A_279 : i32 to index
        %swap3A_319 = arith.constant 48 : index
        %swap3A_320 = tpu.vector_load %arg10[%swap3A_318, %swap3A_319] {strides = array<i32>} : memref<128x128xf32, #tpu.memory_space<vmem>>, vector<1x16xf32>,
        %swap3A_321 = vector.shape_cast %swap3A_320 : vector<1x16xf32> to vector<16xf32>
        %swap3A_322 = vector.shape_cast %mul3A_317 : vector<16xf32> to vector<1x16xf32>
        tpu.vector_store %arg10[%swap3A_318, %swap3A_319], %swap3A_322 {strides = array<i32>} : memref<128x128xf32, #tpu.memory_space<vmem>>, vector<1x16xf32>,
        %get3A_323 = arith.index_cast %add3A_279 : i32 to index
        %get3A_324 = arith.constant 64 : index
        %get3A_325 = tpu.vector_load %arg10[%get3A_323, %get3A_324] {strides = array<i32>} : memref<128x128xf32, #tpu.memory_space<vmem>>, vector<1x16xf32>,
        %get3A_326 = vector.shape_cast %get3A_325 : vector<1x16xf32> to vector<16xf32>
        %mul3A_327 = arith.mulf %get3A_326, %broadcast_in_dim3A_282 : vector<16xf32>
        %swap3A_328 = arith.index_cast %add3A_279 : i32 to index
        %swap3A_329 = arith.constant 64 : index
        %swap3A_330 = tpu.vector_load %arg10[%swap3A_328, %swap3A_329] {strides = array<i32>} : memref<128x128xf32, #tpu.memory_space<vmem>>, vector<1x16xf32>,
        %swap3A_331 = vector.shape_cast %swap3A_330 : vector<1x16xf32> to vector<16xf32>
        %swap3A_332 = vector.shape_cast %mul3A_327 : vector<16xf32> to vector<1x16xf32>
        tpu.vector_store %arg10[%swap3A_328, %swap3A_329], %swap3A_332 {strides = array<i32>} : memref<128x128xf32, #tpu.memory_space<vmem>>, vector<1x16xf32>,
        %get3A_333 = arith.index_cast %add3A_279 : i32 to index
        %get3A_334 = arith.constant 80 : index
        %get3A_335 = tpu.vector_load %arg10[%get3A_333, %get3A_334] {strides = array<i32>} : memref<128x128xf32, #tpu.memory_space<vmem>>, vector<1x16xf32>,
        %get3A_336 = vector.shape_cast %get3A_335 : vector<1x16xf32> to vector<16xf32>
        %mul3A_337 = arith.mulf %get3A_336, %broadcast_in_dim3A_282 : vector<16xf32>
        %swap3A_338 = arith.index_cast %add3A_279 : i32 to index
        %swap3A_339 = arith.constant 80 : index
        %swap3A_340 = tpu.vector_load %arg10[%swap3A_338, %swap3A_339] {strides = array<i32>} : memref<128x128xf32, #tpu.memory_space<vmem>>, vector<1x16xf32>,
        %swap3A_341 = vector.shape_cast %swap3A_340 : vector<1x16xf32> to vector<16xf32>
        %swap3A_342 = vector.shape_cast %mul3A_337 : vector<16xf32> to vector<1x16xf32>
        tpu.vector_store %arg10[%swap3A_338, %swap3A_339], %swap3A_342 {strides = array<i32>} : memref<128x128xf32, #tpu.memory_space<vmem>>, vector<1x16xf32>,
        %get3A_343 = arith.index_cast %add3A_279 : i32 to index
        %get3A_344 = arith.constant 96 : index
        %get3A_345 = tpu.vector_load %arg10[%get3A_343, %get3A_344] {strides = array<i32>} : memref<128x128xf32, #tpu.memory_space<vmem>>, vector<1x16xf32>,
        %get3A_346 = vector.shape_cast %get3A_345 : vector<1x16xf32> to vector<16xf32>
        %mul3A_347 = arith.mulf %get3A_346, %broadcast_in_dim3A_282 : vector<16xf32>
        %swap3A_348 = arith.index_cast %add3A_279 : i32 to index
        %swap3A_349 = arith.constant 96 : index
        %swap3A_350 = tpu.vector_load %arg10[%swap3A_348, %swap3A_349] {strides = array<i32>} : memref<128x128xf32, #tpu.memory_space<vmem>>, vector<1x16xf32>,
        %swap3A_351 = vector.shape_cast %swap3A_350 : vector<1x16xf32> to vector<16xf32>
        %swap3A_352 = vector.shape_cast %mul3A_347 : vector<16xf32> to vector<1x16xf32>
        tpu.vector_store %arg10[%swap3A_348, %swap3A_349], %swap3A_352 {strides = array<i32>} : memref<128x128xf32, #tpu.memory_space<vmem>>, vector<1x16xf32>,
        %get3A_353 = arith.index_cast %add3A_279 : i32 to index
        %get3A_354 = arith.constant 112 : index
        %get3A_355 = tpu.vector_load %arg10[%get3A_353, %get3A_354] {strides = array<i32>} : memref<128x128xf32, #tpu.memory_space<vmem>>, vector<1x16xf32>,
        %get3A_356 = vector.shape_cast %get3A_355 : vector<1x16xf32> to vector<16xf32>
        %mul3A_357 = arith.mulf %get3A_356, %broadcast_in_dim3A_282 : vector<16xf32>
        %swap3A_358 = arith.index_cast %add3A_279 : i32 to index
        %swap3A_359 = arith.constant 112 : index
        %swap3A_360 = tpu.vector_load %arg10[%swap3A_358, %swap3A_359] {strides = array<i32>} : memref<128x128xf32, #tpu.memory_space<vmem>>, vector<1x16xf32>,
        %swap3A_361 = vector.shape_cast %swap3A_360 : vector<1x16xf32> to vector<16xf32>
        %swap3A_362 = vector.shape_cast %mul3A_357 : vector<16xf32> to vector<1x16xf32>
        tpu.vector_store %arg10[%swap3A_358, %swap3A_359], %swap3A_362 {strides = array<i32>} : memref<128x128xf32, #tpu.memory_space<vmem>>, vector<1x16xf32>,
        %mul3A_363 = arith.constant 16 : i32
        %mul3A_364 = arith.muli %scan3A_99, %mul3A_363 : i32
        %add3A_365 = arith.constant 3 : i32
        %add3A_366 = arith.addi %mul3A_364, %add3A_365 : i32
        %slice3A_367 = vector.extract_strided_slice %get3A_104 {offsets = [3], sizes = [1], strides = [1]} : vector<16xf32> to vector<1xf32>
        %squeeze3A_368 = vector.extract %slice3A_367[0] : f32 from vector<1xf32>
        %broadcast_in_dim3A_369 = vector.broadcast %squeeze3A_368 : f32 to vector<16xf32>
        %get3A_370 = arith.index_cast %add3A_366 : i32 to index
        %get3A_371 = arith.constant 0 : index
        %get3A_372 = tpu.vector_load %arg10[%get3A_370, %get3A_371] {strides = array<i32>} : memref<128x128xf32, #tpu.memory_space<vmem>>, vector<1x16xf32>,
        %get3A_373 = vector.shape_cast %get3A_372 : vector<1x16xf32> to vector<16xf32>
        %mul3A_374 = arith.mulf %get3A_373, %broadcast_in_dim3A_369 : vector<16xf32>
        %swap3A_375 = arith.index_cast %add3A_366 : i32 to index
        %swap3A_376 = arith.constant 0 : index
        %swap3A_377 = tpu.vector_load %arg10[%swap3A_375, %swap3A_376] {strides = array<i32>} : memref<128x128xf32, #tpu.memory_space<vmem>>, vector<1x16xf32>,
        %swap3A_378 = vector.shape_cast %swap3A_377 : vector<1x16xf32> to vector<16xf32>
        %swap3A_379 = vector.shape_cast %mul3A_374 : vector<16xf32> to vector<1x16xf32>
        tpu.vector_store %arg10[%swap3A_375, %swap3A_376], %swap3A_379 {strides = array<i32>} : memref<128x128xf32, #tpu.memory_space<vmem>>, vector<1x16xf32>,
        %get3A_380 = arith.index_cast %add3A_366 : i32 to index
        %get3A_381 = arith.constant 16 : index
        %get3A_382 = tpu.vector_load %arg10[%get3A_380, %get3A_381] {strides = array<i32>} : memref<128x128xf32, #tpu.memory_space<vmem>>, vector<1x16xf32>,
        %get3A_383 = vector.shape_cast %get3A_382 : vector<1x16xf32> to vector<16xf32>
        %mul3A_384 = arith.mulf %get3A_383, %broadcast_in_dim3A_369 : vector<16xf32>
        %swap3A_385 = arith.index_cast %add3A_366 : i32 to index
        %swap3A_386 = arith.constant 16 : index
        %swap3A_387 = tpu.vector_load %arg10[%swap3A_385, %swap3A_386] {strides = array<i32>} : memref<128x128xf32, #tpu.memory_space<vmem>>, vector<1x16xf32>,
        %swap3A_388 = vector.shape_cast %swap3A_387 : vector<1x16xf32> to vector<16xf32>
        %swap3A_389 = vector.shape_cast %mul3A_384 : vector<16xf32> to vector<1x16xf32>
        tpu.vector_store %arg10[%swap3A_385, %swap3A_386], %swap3A_389 {strides = array<i32>} : memref<128x128xf32, #tpu.memory_space<vmem>>, vector<1x16xf32>,
        %get3A_390 = arith.index_cast %add3A_366 : i32 to index
        %get3A_391 = arith.constant 32 : index
        %get3A_392 = tpu.vector_load %arg10[%get3A_390, %get3A_391] {strides = array<i32>} : memref<128x128xf32, #tpu.memory_space<vmem>>, vector<1x16xf32>,
        %get3A_393 = vector.shape_cast %get3A_392 : vector<1x16xf32> to vector<16xf32>
        %mul3A_394 = arith.mulf %get3A_393, %broadcast_in_dim3A_369 : vector<16xf32>
        %swap3A_395 = arith.index_cast %add3A_366 : i32 to index
        %swap3A_396 = arith.constant 32 : index
        %swap3A_397 = tpu.vector_load %arg10[%swap3A_395, %swap3A_396] {strides = array<i32>} : memref<128x128xf32, #tpu.memory_space<vmem>>, vector<1x16xf32>,
        %swap3A_398 = vector.shape_cast %swap3A_397 : vector<1x16xf32> to vector<16xf32>
        %swap3A_399 = vector.shape_cast %mul3A_394 : vector<16xf32> to vector<1x16xf32>
        tpu.vector_store %arg10[%swap3A_395, %swap3A_396], %swap3A_399 {strides = array<i32>} : memref<128x128xf32, #tpu.memory_space<vmem>>, vector<1x16xf32>,
        %get3A_400 = arith.index_cast %add3A_366 : i32 to index
        %get3A_401 = arith.constant 48 : index
        %get3A_402 = tpu.vector_load %arg10[%get3A_400, %get3A_401] {strides = array<i32>} : memref<128x128xf32, #tpu.memory_space<vmem>>, vector<1x16xf32>,
        %get3A_403 = vector.shape_cast %get3A_402 : vector<1x16xf32> to vector<16xf32>
        %mul3A_404 = arith.mulf %get3A_403, %broadcast_in_dim3A_369 : vector<16xf32>
        %swap3A_405 = arith.index_cast %add3A_366 : i32 to index
        %swap3A_406 = arith.constant 48 : index
        %swap3A_407 = tpu.vector_load %arg10[%swap3A_405, %swap3A_406] {strides = array<i32>} : memref<128x128xf32, #tpu.memory_space<vmem>>, vector<1x16xf32>,
        %swap3A_408 = vector.shape_cast %swap3A_407 : vector<1x16xf32> to vector<16xf32>
        %swap3A_409 = vector.shape_cast %mul3A_404 : vector<16xf32> to vector<1x16xf32>
        tpu.vector_store %arg10[%swap3A_405, %swap3A_406], %swap3A_409 {strides = array<i32>} : memref<128x128xf32, #tpu.memory_space<vmem>>, vector<1x16xf32>,
        %get3A_410 = arith.index_cast %add3A_366 : i32 to index
        %get3A_411 = arith.constant 64 : index
        %get3A_412 = tpu.vector_load %arg10[%get3A_410, %get3A_411] {strides = array<i32>} : memref<128x128xf32, #tpu.memory_space<vmem>>, vector<1x16xf32>,
        %get3A_413 = vector.shape_cast %get3A_412 : vector<1x16xf32> to vector<16xf32>
        %mul3A_414 = arith.mulf %get3A_413, %broadcast_in_dim3A_369 : vector<16xf32>
        %swap3A_415 = arith.index_cast %add3A_366 : i32 to index
        %swap3A_416 = arith.constant 64 : index
        %swap3A_417 = tpu.vector_load %arg10[%swap3A_415, %swap3A_416] {strides = array<i32>} : memref<128x128xf32, #tpu.memory_space<vmem>>, vector<1x16xf32>,
        %swap3A_418 = vector.shape_cast %swap3A_417 : vector<1x16xf32> to vector<16xf32>
        %swap3A_419 = vector.shape_cast %mul3A_414 : vector<16xf32> to vector<1x16xf32>
        tpu.vector_store %arg10[%swap3A_415, %swap3A_416], %swap3A_419 {strides = array<i32>} : memref<128x128xf32, #tpu.memory_space<vmem>>, vector<1x16xf32>,
        %get3A_420 = arith.index_cast %add3A_366 : i32 to index
        %get3A_421 = arith.constant 80 : index
        %get3A_422 = tpu.vector_load %arg10[%get3A_420, %get3A_421] {strides = array<i32>} : memref<128x128xf32, #tpu.memory_space<vmem>>, vector<1x16xf32>,
        %get3A_423 = vector.shape_cast %get3A_422 : vector<1x16xf32> to vector<16xf32>
        %mul3A_424 = arith.mulf %get3A_423, %broadcast_in_dim3A_369 : vector<16xf32>
        %swap3A_425 = arith.index_cast %add3A_366 : i32 to index
        %swap3A_426 = arith.constant 80 : index
        %swap3A_427 = tpu.vector_load %arg10[%swap3A_425, %swap3A_426] {strides = array<i32>} : memref<128x128xf32, #tpu.memory_space<vmem>>, vector<1x16xf32>,
        %swap3A_428 = vector.shape_cast %swap3A_427 : vector<1x16xf32> to vector<16xf32>
        %swap3A_429 = vector.shape_cast %mul3A_424 : vector<16xf32> to vector<1x16xf32>
        tpu.vector_store %arg10[%swap3A_425, %swap3A_426], %swap3A_429 {strides = array<i32>} : memref<128x128xf32, #tpu.memory_space<vmem>>, vector<1x16xf32>,
        %get3A_430 = arith.index_cast %add3A_366 : i32 to index
        %get3A_431 = arith.constant 96 : index
        %get3A_432 = tpu.vector_load %arg10[%get3A_430, %get3A_431] {strides = array<i32>} : memref<128x128xf32, #tpu.memory_space<vmem>>, vector<1x16xf32>,
        %get3A_433 = vector.shape_cast %get3A_432 : vector<1x16xf32> to vector<16xf32>
        %mul3A_434 = arith.mulf %get3A_433, %broadcast_in_dim3A_369 : vector<16xf32>
        %swap3A_435 = arith.index_cast %add3A_366 : i32 to index
        %swap3A_436 = arith.constant 96 : index
        %swap3A_437 = tpu.vector_load %arg10[%swap3A_435, %swap3A_436] {strides = array<i32>} : memref<128x128xf32, #tpu.memory_space<vmem>>, vector<1x16xf32>,
        %swap3A_438 = vector.shape_cast %swap3A_437 : vector<1x16xf32> to vector<16xf32>
        %swap3A_439 = vector.shape_cast %mul3A_434 : vector<16xf32> to vector<1x16xf32>
        tpu.vector_store %arg10[%swap3A_435, %swap3A_436], %swap3A_439 {strides = array<i32>} : memref<128x128xf32, #tpu.memory_space<vmem>>, vector<1x16xf32>,
        %get3A_440 = arith.index_cast %add3A_366 : i32 to index
        %get3A_441 = arith.constant 112 : index
        %get3A_442 = tpu.vector_load %arg10[%get3A_440, %get3A_441] {strides = array<i32>} : memref<128x128xf32, #tpu.memory_space<vmem>>, vector<1x16xf32>,
        %get3A_443 = vector.shape_cast %get3A_442 : vector<1x16xf32> to vector<16xf32>
        %mul3A_444 = arith.mulf %get3A_443, %broadcast_in_dim3A_369 : vector<16xf32>
        %swap3A_445 = arith.index_cast %add3A_366 : i32 to index
        %swap3A_446 = arith.constant 112 : index
        %swap3A_447 = tpu.vector_load %arg10[%swap3A_445, %swap3A_446] {strides = array<i32>} : memref<128x128xf32, #tpu.memory_space<vmem>>, vector<1x16xf32>,
        %swap3A_448 = vector.shape_cast %swap3A_447 : vector<1x16xf32> to vector<16xf32>
        %swap3A_449 = vector.shape_cast %mul3A_444 : vector<16xf32> to vector<1x16xf32>
        tpu.vector_store %arg10[%swap3A_445, %swap3A_446], %swap3A_449 {strides = array<i32>} : memref<128x128xf32, #tpu.memory_space<vmem>>, vector<1x16xf32>,
        %mul3A_450 = arith.constant 16 : i32
        %mul3A_451 = arith.muli %scan3A_99, %mul3A_450 : i32
        %add3A_452 = arith.constant 4 : i32
        %add3A_453 = arith.addi %mul3A_451, %add3A_452 : i32
        %slice3A_454 = vector.extract_strided_slice %get3A_104 {offsets = [4], sizes = [1], strides = [1]} : vector<16xf32> to vector<1xf32>
        %squeeze3A_455 = vector.extract %slice3A_454[0] : f32 from vector<1xf32>
        %broadcast_in_dim3A_456 = vector.broadcast %squeeze3A_455 : f32 to vector<16xf32>
        %get3A_457 = arith.index_cast %add3A_453 : i32 to index
        %get3A_458 = arith.constant 0 : index
        %get3A_459 = tpu.vector_load %arg10[%get3A_457, %get3A_458] {strides = array<i32>} : memref<128x128xf32, #tpu.memory_space<vmem>>, vector<1x16xf32>,
        %get3A_460 = vector.shape_cast %get3A_459 : vector<1x16xf32> to vector<16xf32>
        %mul3A_461 = arith.mulf %get3A_460, %broadcast_in_dim3A_456 : vector<16xf32>
        %swap3A_462 = arith.index_cast %add3A_453 : i32 to index
        %swap3A_463 = arith.constant 0 : index
        %swap3A_464 = tpu.vector_load %arg10[%swap3A_462, %swap3A_463] {strides = array<i32>} : memref<128x128xf32, #tpu.memory_space<vmem>>, vector<1x16xf32>,
        %swap3A_465 = vector.shape_cast %swap3A_464 : vector<1x16xf32> to vector<16xf32>
        %swap3A_466 = vector.shape_cast %mul3A_461 : vector<16xf32> to vector<1x16xf32>
        tpu.vector_store %arg10[%swap3A_462, %swap3A_463], %swap3A_466 {strides = array<i32>} : memref<128x128xf32, #tpu.memory_space<vmem>>, vector<1x16xf32>,
        %get3A_467 = arith.index_cast %add3A_453 : i32 to index
        %get3A_468 = arith.constant 16 : index
        %get3A_469 = tpu.vector_load %arg10[%get3A_467, %get3A_468] {strides = array<i32>} : memref<128x128xf32, #tpu.memory_space<vmem>>, vector<1x16xf32>,
        %get3A_470 = vector.shape_cast %get3A_469 : vector<1x16xf32> to vector<16xf32>
        %mul3A_471 = arith.mulf %get3A_470, %broadcast_in_dim3A_456 : vector<16xf32>
        %swap3A_472 = arith.index_cast %add3A_453 : i32 to index
        %swap3A_473 = arith.constant 16 : index
        %swap3A_474 = tpu.vector_load %arg10[%swap3A_472, %swap3A_473] {strides = array<i32>} : memref<128x128xf32, #tpu.memory_space<vmem>>, vector<1x16xf32>,
        %swap3A_475 = vector.shape_cast %swap3A_474 : vector<1x16xf32> to vector<16xf32>
        %swap3A_476 = vector.shape_cast %mul3A_471 : vector<16xf32> to vector<1x16xf32>
        tpu.vector_store %arg10[%swap3A_472, %swap3A_473], %swap3A_476 {strides = array<i32>} : memref<128x128xf32, #tpu.memory_space<vmem>>, vector<1x16xf32>,
        %get3A_477 = arith.index_cast %add3A_453 : i32 to index
        %get3A_478 = arith.constant 32 : index
        %get3A_479 = tpu.vector_load %arg10[%get3A_477, %get3A_478] {strides = array<i32>} : memref<128x128xf32, #tpu.memory_space<vmem>>, vector<1x16xf32>,
        %get3A_480 = vector.shape_cast %get3A_479 : vector<1x16xf32> to vector<16xf32>
        %mul3A_481 = arith.mulf %get3A_480, %broadcast_in_dim3A_456 : vector<16xf32>
        %swap3A_482 = arith.index_cast %add3A_453 : i32 to index
        %swap3A_483 = arith.constant 32 : index
        %swap3A_484 = tpu.vector_load %arg10[%swap3A_482, %swap3A_483] {strides = array<i32>} : memref<128x128xf32, #tpu.memory_space<vmem>>, vector<1x16xf32>,
        %swap3A_485 = vector.shape_cast %swap3A_484 : vector<1x16xf32> to vector<16xf32>
        %swap3A_486 = vector.shape_cast %mul3A_481 : vector<16xf32> to vector<1x16xf32>
        tpu.vector_store %arg10[%swap3A_482, %swap3A_483], %swap3A_486 {strides = array<i32>} : memref<128x128xf32, #tpu.memory_space<vmem>>, vector<1x16xf32>,
        %get3A_487 = arith.index_cast %add3A_453 : i32 to index
        %get3A_488 = arith.constant 48 : index
        %get3A_489 = tpu.vector_load %arg10[%get3A_487, %get3A_488] {strides = array<i32>} : memref<128x128xf32, #tpu.memory_space<vmem>>, vector<1x16xf32>,
        %get3A_490 = vector.shape_cast %get3A_489 : vector<1x16xf32> to vector<16xf32>
        %mul3A_491 = arith.mulf %get3A_490, %broadcast_in_dim3A_456 : vector<16xf32>
        %swap3A_492 = arith.index_cast %add3A_453 : i32 to index
        %swap3A_493 = arith.constant 48 : index
        %swap3A_494 = tpu.vector_load %arg10[%swap3A_492, %swap3A_493] {strides = array<i32>} : memref<128x128xf32, #tpu.memory_space<vmem>>, vector<1x16xf32>,
        %swap3A_495 = vector.shape_cast %swap3A_494 : vector<1x16xf32> to vector<16xf32>
        %swap3A_496 = vector.shape_cast %mul3A_491 : vector<16xf32> to vector<1x16xf32>
        tpu.vector_store %arg10[%swap3A_492, %swap3A_493], %swap3A_496 {strides = array<i32>} : memref<128x128xf32, #tpu.memory_space<vmem>>, vector<1x16xf32>,
        %get3A_497 = arith.index_cast %add3A_453 : i32 to index
        %get3A_498 = arith.constant 64 : index
        %get3A_499 = tpu.vector_load %arg10[%get3A_497, %get3A_498] {strides = array<i32>} : memref<128x128xf32, #tpu.memory_space<vmem>>, vector<1x16xf32>,
        %get3A_500 = vector.shape_cast %get3A_499 : vector<1x16xf32> to vector<16xf32>
        %mul3A_501 = arith.mulf %get3A_500, %broadcast_in_dim3A_456 : vector<16xf32>
        %swap3A_502 = arith.index_cast %add3A_453 : i32 to index
        %swap3A_503 = arith.constant 64 : index
        %swap3A_504 = tpu.vector_load %arg10[%swap3A_502, %swap3A_503] {strides = array<i32>} : memref<128x128xf32, #tpu.memory_space<vmem>>, vector<1x16xf32>,
        %swap3A_505 = vector.shape_cast %swap3A_504 : vector<1x16xf32> to vector<16xf32>
        %swap3A_506 = vector.shape_cast %mul3A_501 : vector<16xf32> to vector<1x16xf32>
        tpu.vector_store %arg10[%swap3A_502, %swap3A_503], %swap3A_506 {strides = array<i32>} : memref<128x128xf32, #tpu.memory_space<vmem>>, vector<1x16xf32>,
        %get3A_507 = arith.index_cast %add3A_453 : i32 to index
        %get3A_508 = arith.constant 80 : index
        %get3A_509 = tpu.vector_load %arg10[%get3A_507, %get3A_508] {strides = array<i32>} : memref<128x128xf32, #tpu.memory_space<vmem>>, vector<1x16xf32>,
        %get3A_510 = vector.shape_cast %get3A_509 : vector<1x16xf32> to vector<16xf32>
        %mul3A_511 = arith.mulf %get3A_510, %broadcast_in_dim3A_456 : vector<16xf32>
        %swap3A_512 = arith.index_cast %add3A_453 : i32 to index
        %swap3A_513 = arith.constant 80 : index
        %swap3A_514 = tpu.vector_load %arg10[%swap3A_512, %swap3A_513] {strides = array<i32>} : memref<128x128xf32, #tpu.memory_space<vmem>>, vector<1x16xf32>,
        %swap3A_515 = vector.shape_cast %swap3A_514 : vector<1x16xf32> to vector<16xf32>
        %swap3A_516 = vector.shape_cast %mul3A_511 : vector<16xf32> to vector<1x16xf32>
        tpu.vector_store %arg10[%swap3A_512, %swap3A_513], %swap3A_516 {strides = array<i32>} : memref<128x128xf32, #tpu.memory_space<vmem>>, vector<1x16xf32>,
        %get3A_517 = arith.index_cast %add3A_453 : i32 to index
        %get3A_518 = arith.constant 96 : index
        %get3A_519 = tpu.vector_load %arg10[%get3A_517, %get3A_518] {strides = array<i32>} : memref<128x128xf32, #tpu.memory_space<vmem>>, vector<1x16xf32>,
        %get3A_520 = vector.shape_cast %get3A_519 : vector<1x16xf32> to vector<16xf32>
        %mul3A_521 = arith.mulf %get3A_520, %broadcast_in_dim3A_456 : vector<16xf32>
        %swap3A_522 = arith.index_cast %add3A_453 : i32 to index
        %swap3A_523 = arith.constant 96 : index
        %swap3A_524 = tpu.vector_load %arg10[%swap3A_522, %swap3A_523] {strides = array<i32>} : memref<128x128xf32, #tpu.memory_space<vmem>>, vector<1x16xf32>,
        %swap3A_525 = vector.shape_cast %swap3A_524 : vector<1x16xf32> to vector<16xf32>
        %swap3A_526 = vector.shape_cast %mul3A_521 : vector<16xf32> to vector<1x16xf32>
        tpu.vector_store %arg10[%swap3A_522, %swap3A_523], %swap3A_526 {strides = array<i32>} : memref<128x128xf32, #tpu.memory_space<vmem>>, vector<1x16xf32>,
        %get3A_527 = arith.index_cast %add3A_453 : i32 to index
        %get3A_528 = arith.constant 112 : index
        %get3A_529 = tpu.vector_load %arg10[%get3A_527, %get3A_528] {strides = array<i32>} : memref<128x128xf32, #tpu.memory_space<vmem>>, vector<1x16xf32>,
        %get3A_530 = vector.shape_cast %get3A_529 : vector<1x16xf32> to vector<16xf32>
        %mul3A_531 = arith.mulf %get3A_530, %broadcast_in_dim3A_456 : vector<16xf32>
        %swap3A_532 = arith.index_cast %add3A_453 : i32 to index
        %swap3A_533 = arith.constant 112 : index
        %swap3A_534 = tpu.vector_load %arg10[%swap3A_532, %swap3A_533] {strides = array<i32>} : memref<128x128xf32, #tpu.memory_space<vmem>>, vector<1x16xf32>,
        %swap3A_535 = vector.shape_cast %swap3A_534 : vector<1x16xf32> to vector<16xf32>
        %swap3A_536 = vector.shape_cast %mul3A_531 : vector<16xf32> to vector<1x16xf32>
        tpu.vector_store %arg10[%swap3A_532, %swap3A_533], %swap3A_536 {strides = array<i32>} : memref<128x128xf32, #tpu.memory_space<vmem>>, vector<1x16xf32>,
        %mul3A_537 = arith.constant 16 : i32
        %mul3A_538 = arith.muli %scan3A_99, %mul3A_537 : i32
        %add3A_539 = arith.constant 5 : i32
        %add3A_540 = arith.addi %mul3A_538, %add3A_539 : i32
        %slice3A_541 = vector.extract_strided_slice %get3A_104 {offsets = [5], sizes = [1], strides = [1]} : vector<16xf32> to vector<1xf32>
        %squeeze3A_542 = vector.extract %slice3A_541[0] : f32 from vector<1xf32>
        %broadcast_in_dim3A_543 = vector.broadcast %squeeze3A_542 : f32 to vector<16xf32>
        %get3A_544 = arith.index_cast %add3A_540 : i32 to index
        %get3A_545 = arith.constant 0 : index
        %get3A_546 = tpu.vector_load %arg10[%get3A_544, %get3A_545] {strides = array<i32>} : memref<128x128xf32, #tpu.memory_space<vmem>>, vector<1x16xf32>,
        %get3A_547 = vector.shape_cast %get3A_546 : vector<1x16xf32> to vector<16xf32>
        %mul3A_548 = arith.mulf %get3A_547, %broadcast_in_dim3A_543 : vector<16xf32>
        %swap3A_549 = arith.index_cast %add3A_540 : i32 to index
        %swap3A_550 = arith.constant 0 : index
        %swap3A_551 = tpu.vector_load %arg10[%swap3A_549, %swap3A_550] {strides = array<i32>} : memref<128x128xf32, #tpu.memory_space<vmem>>, vector<1x16xf32>,
        %swap3A_552 = vector.shape_cast %swap3A_551 : vector<1x16xf32> to vector<16xf32>
        %swap3A_553 = vector.shape_cast %mul3A_548 : vector<16xf32> to vector<1x16xf32>
        tpu.vector_store %arg10[%swap3A_549, %swap3A_550], %swap3A_553 {strides = array<i32>} : memref<128x128xf32, #tpu.memory_space<vmem>>, vector<1x16xf32>,
        %get3A_554 = arith.index_cast %add3A_540 : i32 to index
        %get3A_555 = arith.constant 16 : index
        %get3A_556 = tpu.vector_load %arg10[%get3A_554, %get3A_555] {strides = array<i32>} : memref<128x128xf32, #tpu.memory_space<vmem>>, vector<1x16xf32>,
        %get3A_557 = vector.shape_cast %get3A_556 : vector<1x16xf32> to vector<16xf32>
        %mul3A_558 = arith.mulf %get3A_557, %broadcast_in_dim3A_543 : vector<16xf32>
        %swap3A_559 = arith.index_cast %add3A_540 : i32 to index
        %swap3A_560 = arith.constant 16 : index
        %swap3A_561 = tpu.vector_load %arg10[%swap3A_559, %swap3A_560] {strides = array<i32>} : memref<128x128xf32, #tpu.memory_space<vmem>>, vector<1x16xf32>,
        %swap3A_562 = vector.shape_cast %swap3A_561 : vector<1x16xf32> to vector<16xf32>
        %swap3A_563 = vector.shape_cast %mul3A_558 : vector<16xf32> to vector<1x16xf32>
        tpu.vector_store %arg10[%swap3A_559, %swap3A_560], %swap3A_563 {strides = array<i32>} : memref<128x128xf32, #tpu.memory_space<vmem>>, vector<1x16xf32>,
        %get3A_564 = arith.index_cast %add3A_540 : i32 to index
        %get3A_565 = arith.constant 32 : index
        %get3A_566 = tpu.vector_load %arg10[%get3A_564, %get3A_565] {strides = array<i32>} : memref<128x128xf32, #tpu.memory_space<vmem>>, vector<1x16xf32>,
        %get3A_567 = vector.shape_cast %get3A_566 : vector<1x16xf32> to vector<16xf32>
        %mul3A_568 = arith.mulf %get3A_567, %broadcast_in_dim3A_543 : vector<16xf32>
        %swap3A_569 = arith.index_cast %add3A_540 : i32 to index
        %swap3A_570 = arith.constant 32 : index
        %swap3A_571 = tpu.vector_load %arg10[%swap3A_569, %swap3A_570] {strides = array<i32>} : memref<128x128xf32, #tpu.memory_space<vmem>>, vector<1x16xf32>,
        %swap3A_572 = vector.shape_cast %swap3A_571 : vector<1x16xf32> to vector<16xf32>
        %swap3A_573 = vector.shape_cast %mul3A_568 : vector<16xf32> to vector<1x16xf32>
        tpu.vector_store %arg10[%swap3A_569, %swap3A_570], %swap3A_573 {strides = array<i32>} : memref<128x128xf32, #tpu.memory_space<vmem>>, vector<1x16xf32>,
        %get3A_574 = arith.index_cast %add3A_540 : i32 to index
        %get3A_575 = arith.constant 48 : index
        %get3A_576 = tpu.vector_load %arg10[%get3A_574, %get3A_575] {strides = array<i32>} : memref<128x128xf32, #tpu.memory_space<vmem>>, vector<1x16xf32>,
        %get3A_577 = vector.shape_cast %get3A_576 : vector<1x16xf32> to vector<16xf32>
        %mul3A_578 = arith.mulf %get3A_577, %broadcast_in_dim3A_543 : vector<16xf32>
        %swap3A_579 = arith.index_cast %add3A_540 : i32 to index
        %swap3A_580 = arith.constant 48 : index
        %swap3A_581 = tpu.vector_load %arg10[%swap3A_579, %swap3A_580] {strides = array<i32>} : memref<128x128xf32, #tpu.memory_space<vmem>>, vector<1x16xf32>,
        %swap3A_582 = vector.shape_cast %swap3A_581 : vector<1x16xf32> to vector<16xf32>
        %swap3A_583 = vector.shape_cast %mul3A_578 : vector<16xf32> to vector<1x16xf32>
        tpu.vector_store %arg10[%swap3A_579, %swap3A_580], %swap3A_583 {strides = array<i32>} : memref<128x128xf32, #tpu.memory_space<vmem>>, vector<1x16xf32>,
        %get3A_584 = arith.index_cast %add3A_540 : i32 to index
        %get3A_585 = arith.constant 64 : index
        %get3A_586 = tpu.vector_load %arg10[%get3A_584, %get3A_585] {strides = array<i32>} : memref<128x128xf32, #tpu.memory_space<vmem>>, vector<1x16xf32>,
        %get3A_587 = vector.shape_cast %get3A_586 : vector<1x16xf32> to vector<16xf32>
        %mul3A_588 = arith.mulf %get3A_587, %broadcast_in_dim3A_543 : vector<16xf32>
        %swap3A_589 = arith.index_cast %add3A_540 : i32 to index
        %swap3A_590 = arith.constant 64 : index
        %swap3A_591 = tpu.vector_load %arg10[%swap3A_589, %swap3A_590] {strides = array<i32>} : memref<128x128xf32, #tpu.memory_space<vmem>>, vector<1x16xf32>,
        %swap3A_592 = vector.shape_cast %swap3A_591 : vector<1x16xf32> to vector<16xf32>
        %swap3A_593 = vector.shape_cast %mul3A_588 : vector<16xf32> to vector<1x16xf32>
        tpu.vector_store %arg10[%swap3A_589, %swap3A_590], %swap3A_593 {strides = array<i32>} : memref<128x128xf32, #tpu.memory_space<vmem>>, vector<1x16xf32>,
        %get3A_594 = arith.index_cast %add3A_540 : i32 to index
        %get3A_595 = arith.constant 80 : index
        %get3A_596 = tpu.vector_load %arg10[%get3A_594, %get3A_595] {strides = array<i32>} : memref<128x128xf32, #tpu.memory_space<vmem>>, vector<1x16xf32>,
        %get3A_597 = vector.shape_cast %get3A_596 : vector<1x16xf32> to vector<16xf32>
        %mul3A_598 = arith.mulf %get3A_597, %broadcast_in_dim3A_543 : vector<16xf32>
        %swap3A_599 = arith.index_cast %add3A_540 : i32 to index
        %swap3A_600 = arith.constant 80 : index
        %swap3A_601 = tpu.vector_load %arg10[%swap3A_599, %swap3A_600] {strides = array<i32>} : memref<128x128xf32, #tpu.memory_space<vmem>>, vector<1x16xf32>,
        %swap3A_602 = vector.shape_cast %swap3A_601 : vector<1x16xf32> to vector<16xf32>
        %swap3A_603 = vector.shape_cast %mul3A_598 : vector<16xf32> to vector<1x16xf32>
        tpu.vector_store %arg10[%swap3A_599, %swap3A_600], %swap3A_603 {strides = array<i32>} : memref<128x128xf32, #tpu.memory_space<vmem>>, vector<1x16xf32>,
        %get3A_604 = arith.index_cast %add3A_540 : i32 to index
        %get3A_605 = arith.constant 96 : index
        %get3A_606 = tpu.vector_load %arg10[%get3A_604, %get3A_605] {strides = array<i32>} : memref<128x128xf32, #tpu.memory_space<vmem>>, vector<1x16xf32>,
        %get3A_607 = vector.shape_cast %get3A_606 : vector<1x16xf32> to vector<16xf32>
        %mul3A_608 = arith.mulf %get3A_607, %broadcast_in_dim3A_543 : vector<16xf32>
        %swap3A_609 = arith.index_cast %add3A_540 : i32 to index
        %swap3A_610 = arith.constant 96 : index
        %swap3A_611 = tpu.vector_load %arg10[%swap3A_609, %swap3A_610] {strides = array<i32>} : memref<128x128xf32, #tpu.memory_space<vmem>>, vector<1x16xf32>,
        %swap3A_612 = vector.shape_cast %swap3A_611 : vector<1x16xf32> to vector<16xf32>
        %swap3A_613 = vector.shape_cast %mul3A_608 : vector<16xf32> to vector<1x16xf32>
        tpu.vector_store %arg10[%swap3A_609, %swap3A_610], %swap3A_613 {strides = array<i32>} : memref<128x128xf32, #tpu.memory_space<vmem>>, vector<1x16xf32>,
        %get3A_614 = arith.index_cast %add3A_540 : i32 to index
        %get3A_615 = arith.constant 112 : index
        %get3A_616 = tpu.vector_load %arg10[%get3A_614, %get3A_615] {strides = array<i32>} : memref<128x128xf32, #tpu.memory_space<vmem>>, vector<1x16xf32>,
        %get3A_617 = vector.shape_cast %get3A_616 : vector<1x16xf32> to vector<16xf32>
        %mul3A_618 = arith.mulf %get3A_617, %broadcast_in_dim3A_543 : vector<16xf32>
        %swap3A_619 = arith.index_cast %add3A_540 : i32 to index
        %swap3A_620 = arith.constant 112 : index
        %swap3A_621 = tpu.vector_load %arg10[%swap3A_619, %swap3A_620] {strides = array<i32>} : memref<128x128xf32, #tpu.memory_space<vmem>>, vector<1x16xf32>,
        %swap3A_622 = vector.shape_cast %swap3A_621 : vector<1x16xf32> to vector<16xf32>
        %swap3A_623 = vector.shape_cast %mul3A_618 : vector<16xf32> to vector<1x16xf32>
        tpu.vector_store %arg10[%swap3A_619, %swap3A_620], %swap3A_623 {strides = array<i32>} : memref<128x128xf32, #tpu.memory_space<vmem>>, vector<1x16xf32>,
        %mul3A_624 = arith.constant 16 : i32
        %mul3A_625 = arith.muli %scan3A_99, %mul3A_624 : i32
        %add3A_626 = arith.constant 6 : i32
        %add3A_627 = arith.addi %mul3A_625, %add3A_626 : i32
        %slice3A_628 = vector.extract_strided_slice %get3A_104 {offsets = [6], sizes = [1], strides = [1]} : vector<16xf32> to vector<1xf32>
        %squeeze3A_629 = vector.extract %slice3A_628[0] : f32 from vector<1xf32>
        %broadcast_in_dim3A_630 = vector.broadcast %squeeze3A_629 : f32 to vector<16xf32>
        %get3A_631 = arith.index_cast %add3A_627 : i32 to index
        %get3A_632 = arith.constant 0 : index
        %get3A_633 = tpu.vector_load %arg10[%get3A_631, %get3A_632] {strides = array<i32>} : memref<128x128xf32, #tpu.memory_space<vmem>>, vector<1x16xf32>,
        %get3A_634 = vector.shape_cast %get3A_633 : vector<1x16xf32> to vector<16xf32>
        %mul3A_635 = arith.mulf %get3A_634, %broadcast_in_dim3A_630 : vector<16xf32>
        %swap3A_636 = arith.index_cast %add3A_627 : i32 to index
        %swap3A_637 = arith.constant 0 : index
        %swap3A_638 = tpu.vector_load %arg10[%swap3A_636, %swap3A_637] {strides = array<i32>} : memref<128x128xf32, #tpu.memory_space<vmem>>, vector<1x16xf32>,
        %swap3A_639 = vector.shape_cast %swap3A_638 : vector<1x16xf32> to vector<16xf32>
        %swap3A_640 = vector.shape_cast %mul3A_635 : vector<16xf32> to vector<1x16xf32>
        tpu.vector_store %arg10[%swap3A_636, %swap3A_637], %swap3A_640 {strides = array<i32>} : memref<128x128xf32, #tpu.memory_space<vmem>>, vector<1x16xf32>,
        %get3A_641 = arith.index_cast %add3A_627 : i32 to index
        %get3A_642 = arith.constant 16 : index
        %get3A_643 = tpu.vector_load %arg10[%get3A_641, %get3A_642] {strides = array<i32>} : memref<128x128xf32, #tpu.memory_space<vmem>>, vector<1x16xf32>,
        %get3A_644 = vector.shape_cast %get3A_643 : vector<1x16xf32> to vector<16xf32>
        %mul3A_645 = arith.mulf %get3A_644, %broadcast_in_dim3A_630 : vector<16xf32>
        %swap3A_646 = arith.index_cast %add3A_627 : i32 to index
        %swap3A_647 = arith.constant 16 : index
        %swap3A_648 = tpu.vector_load %arg10[%swap3A_646, %swap3A_647] {strides = array<i32>} : memref<128x128xf32, #tpu.memory_space<vmem>>, vector<1x16xf32>,
        %swap3A_649 = vector.shape_cast %swap3A_648 : vector<1x16xf32> to vector<16xf32>
        %swap3A_650 = vector.shape_cast %mul3A_645 : vector<16xf32> to vector<1x16xf32>
        tpu.vector_store %arg10[%swap3A_646, %swap3A_647], %swap3A_650 {strides = array<i32>} : memref<128x128xf32, #tpu.memory_space<vmem>>, vector<1x16xf32>,
        %get3A_651 = arith.index_cast %add3A_627 : i32 to index
        %get3A_652 = arith.constant 32 : index
        %get3A_653 = tpu.vector_load %arg10[%get3A_651, %get3A_652] {strides = array<i32>} : memref<128x128xf32, #tpu.memory_space<vmem>>, vector<1x16xf32>,
        %get3A_654 = vector.shape_cast %get3A_653 : vector<1x16xf32> to vector<16xf32>
        %mul3A_655 = arith.mulf %get3A_654, %broadcast_in_dim3A_630 : vector<16xf32>
        %swap3A_656 = arith.index_cast %add3A_627 : i32 to index
        %swap3A_657 = arith.constant 32 : index
        %swap3A_658 = tpu.vector_load %arg10[%swap3A_656, %swap3A_657] {strides = array<i32>} : memref<128x128xf32, #tpu.memory_space<vmem>>, vector<1x16xf32>,
        %swap3A_659 = vector.shape_cast %swap3A_658 : vector<1x16xf32> to vector<16xf32>
        %swap3A_660 = vector.shape_cast %mul3A_655 : vector<16xf32> to vector<1x16xf32>
        tpu.vector_store %arg10[%swap3A_656, %swap3A_657], %swap3A_660 {strides = array<i32>} : memref<128x128xf32, #tpu.memory_space<vmem>>, vector<1x16xf32>,
        %get3A_661 = arith.index_cast %add3A_627 : i32 to index
        %get3A_662 = arith.constant 48 : index
        %get3A_663 = tpu.vector_load %arg10[%get3A_661, %get3A_662] {strides = array<i32>} : memref<128x128xf32, #tpu.memory_space<vmem>>, vector<1x16xf32>,
        %get3A_664 = vector.shape_cast %get3A_663 : vector<1x16xf32> to vector<16xf32>
        %mul3A_665 = arith.mulf %get3A_664, %broadcast_in_dim3A_630 : vector<16xf32>
        %swap3A_666 = arith.index_cast %add3A_627 : i32 to index
        %swap3A_667 = arith.constant 48 : index
        %swap3A_668 = tpu.vector_load %arg10[%swap3A_666, %swap3A_667] {strides = array<i32>} : memref<128x128xf32, #tpu.memory_space<vmem>>, vector<1x16xf32>,
        %swap3A_669 = vector.shape_cast %swap3A_668 : vector<1x16xf32> to vector<16xf32>
        %swap3A_670 = vector.shape_cast %mul3A_665 : vector<16xf32> to vector<1x16xf32>
        tpu.vector_store %arg10[%swap3A_666, %swap3A_667], %swap3A_670 {strides = array<i32>} : memref<128x128xf32, #tpu.memory_space<vmem>>, vector<1x16xf32>,
        %get3A_671 = arith.index_cast %add3A_627 : i32 to index
        %get3A_672 = arith.constant 64 : index
        %get3A_673 = tpu.vector_load %arg10[%get3A_671, %get3A_672] {strides = array<i32>} : memref<128x128xf32, #tpu.memory_space<vmem>>, vector<1x16xf32>,
        %get3A_674 = vector.shape_cast %get3A_673 : vector<1x16xf32> to vector<16xf32>
        %mul3A_675 = arith.mulf %get3A_674, %broadcast_in_dim3A_630 : vector<16xf32>
        %swap3A_676 = arith.index_cast %add3A_627 : i32 to index
        %swap3A_677 = arith.constant 64 : index
        %swap3A_678 = tpu.vector_load %arg10[%swap3A_676, %swap3A_677] {strides = array<i32>} : memref<128x128xf32, #tpu.memory_space<vmem>>, vector<1x16xf32>,
        %swap3A_679 = vector.shape_cast %swap3A_678 : vector<1x16xf32> to vector<16xf32>
        %swap3A_680 = vector.shape_cast %mul3A_675 : vector<16xf32> to vector<1x16xf32>
        tpu.vector_store %arg10[%swap3A_676, %swap3A_677], %swap3A_680 {strides = array<i32>} : memref<128x128xf32, #tpu.memory_space<vmem>>, vector<1x16xf32>,
        %get3A_681 = arith.index_cast %add3A_627 : i32 to index
        %get3A_682 = arith.constant 80 : index
        %get3A_683 = tpu.vector_load %arg10[%get3A_681, %get3A_682] {strides = array<i32>} : memref<128x128xf32, #tpu.memory_space<vmem>>, vector<1x16xf32>,
        %get3A_684 = vector.shape_cast %get3A_683 : vector<1x16xf32> to vector<16xf32>
        %mul3A_685 = arith.mulf %get3A_684, %broadcast_in_dim3A_630 : vector<16xf32>
        %swap3A_686 = arith.index_cast %add3A_627 : i32 to index
        %swap3A_687 = arith.constant 80 : index
        %swap3A_688 = tpu.vector_load %arg10[%swap3A_686, %swap3A_687] {strides = array<i32>} : memref<128x128xf32, #tpu.memory_space<vmem>>, vector<1x16xf32>,
        %swap3A_689 = vector.shape_cast %swap3A_688 : vector<1x16xf32> to vector<16xf32>
        %swap3A_690 = vector.shape_cast %mul3A_685 : vector<16xf32> to vector<1x16xf32>
        tpu.vector_store %arg10[%swap3A_686, %swap3A_687], %swap3A_690 {strides = array<i32>} : memref<128x128xf32, #tpu.memory_space<vmem>>, vector<1x16xf32>,
        %get3A_691 = arith.index_cast %add3A_627 : i32 to index
        %get3A_692 = arith.constant 96 : index
        %get3A_693 = tpu.vector_load %arg10[%get3A_691, %get3A_692] {strides = array<i32>} : memref<128x128xf32, #tpu.memory_space<vmem>>, vector<1x16xf32>,
        %get3A_694 = vector.shape_cast %get3A_693 : vector<1x16xf32> to vector<16xf32>
        %mul3A_695 = arith.mulf %get3A_694, %broadcast_in_dim3A_630 : vector<16xf32>
        %swap3A_696 = arith.index_cast %add3A_627 : i32 to index
        %swap3A_697 = arith.constant 96 : index
        %swap3A_698 = tpu.vector_load %arg10[%swap3A_696, %swap3A_697] {strides = array<i32>} : memref<128x128xf32, #tpu.memory_space<vmem>>, vector<1x16xf32>,
        %swap3A_699 = vector.shape_cast %swap3A_698 : vector<1x16xf32> to vector<16xf32>
        %swap3A_700 = vector.shape_cast %mul3A_695 : vector<16xf32> to vector<1x16xf32>
        tpu.vector_store %arg10[%swap3A_696, %swap3A_697], %swap3A_700 {strides = array<i32>} : memref<128x128xf32, #tpu.memory_space<vmem>>, vector<1x16xf32>,
        %get3A_701 = arith.index_cast %add3A_627 : i32 to index
        %get3A_702 = arith.constant 112 : index
        %get3A_703 = tpu.vector_load %arg10[%get3A_701, %get3A_702] {strides = array<i32>} : memref<128x128xf32, #tpu.memory_space<vmem>>, vector<1x16xf32>,
        %get3A_704 = vector.shape_cast %get3A_703 : vector<1x16xf32> to vector<16xf32>
        %mul3A_705 = arith.mulf %get3A_704, %broadcast_in_dim3A_630 : vector<16xf32>
        %swap3A_706 = arith.index_cast %add3A_627 : i32 to index
        %swap3A_707 = arith.constant 112 : index
        %swap3A_708 = tpu.vector_load %arg10[%swap3A_706, %swap3A_707] {strides = array<i32>} : memref<128x128xf32, #tpu.memory_space<vmem>>, vector<1x16xf32>,
        %swap3A_709 = vector.shape_cast %swap3A_708 : vector<1x16xf32> to vector<16xf32>
        %swap3A_710 = vector.shape_cast %mul3A_705 : vector<16xf32> to vector<1x16xf32>
        tpu.vector_store %arg10[%swap3A_706, %swap3A_707], %swap3A_710 {strides = array<i32>} : memref<128x128xf32, #tpu.memory_space<vmem>>, vector<1x16xf32>,
        %mul3A_711 = arith.constant 16 : i32
        %mul3A_712 = arith.muli %scan3A_99, %mul3A_711 : i32
        %add3A_713 = arith.constant 7 : i32
        %add3A_714 = arith.addi %mul3A_712, %add3A_713 : i32
        %slice3A_715 = vector.extract_strided_slice %get3A_104 {offsets = [7], sizes = [1], strides = [1]} : vector<16xf32> to vector<1xf32>
        %squeeze3A_716 = vector.extract %slice3A_715[0] : f32 from vector<1xf32>
        %broadcast_in_dim3A_717 = vector.broadcast %squeeze3A_716 : f32 to vector<16xf32>
        %get3A_718 = arith.index_cast %add3A_714 : i32 to index
        %get3A_719 = arith.constant 0 : index
        %get3A_720 = tpu.vector_load %arg10[%get3A_718, %get3A_719] {strides = array<i32>} : memref<128x128xf32, #tpu.memory_space<vmem>>, vector<1x16xf32>,
        %get3A_721 = vector.shape_cast %get3A_720 : vector<1x16xf32> to vector<16xf32>
        %mul3A_722 = arith.mulf %get3A_721, %broadcast_in_dim3A_717 : vector<16xf32>
        %swap3A_723 = arith.index_cast %add3A_714 : i32 to index
        %swap3A_724 = arith.constant 0 : index
        %swap3A_725 = tpu.vector_load %arg10[%swap3A_723, %swap3A_724] {strides = array<i32>} : memref<128x128xf32, #tpu.memory_space<vmem>>, vector<1x16xf32>,
        %swap3A_726 = vector.shape_cast %swap3A_725 : vector<1x16xf32> to vector<16xf32>
        %swap3A_727 = vector.shape_cast %mul3A_722 : vector<16xf32> to vector<1x16xf32>
        tpu.vector_store %arg10[%swap3A_723, %swap3A_724], %swap3A_727 {strides = array<i32>} : memref<128x128xf32, #tpu.memory_space<vmem>>, vector<1x16xf32>,
        %get3A_728 = arith.index_cast %add3A_714 : i32 to index
        %get3A_729 = arith.constant 16 : index
        %get3A_730 = tpu.vector_load %arg10[%get3A_728, %get3A_729] {strides = array<i32>} : memref<128x128xf32, #tpu.memory_space<vmem>>, vector<1x16xf32>,
        %get3A_731 = vector.shape_cast %get3A_730 : vector<1x16xf32> to vector<16xf32>
        %mul3A_732 = arith.mulf %get3A_731, %broadcast_in_dim3A_717 : vector<16xf32>
        %swap3A_733 = arith.index_cast %add3A_714 : i32 to index
        %swap3A_734 = arith.constant 16 : index
        %swap3A_735 = tpu.vector_load %arg10[%swap3A_733, %swap3A_734] {strides = array<i32>} : memref<128x128xf32, #tpu.memory_space<vmem>>, vector<1x16xf32>,
        %swap3A_736 = vector.shape_cast %swap3A_735 : vector<1x16xf32> to vector<16xf32>
        %swap3A_737 = vector.shape_cast %mul3A_732 : vector<16xf32> to vector<1x16xf32>
        tpu.vector_store %arg10[%swap3A_733, %swap3A_734], %swap3A_737 {strides = array<i32>} : memref<128x128xf32, #tpu.memory_space<vmem>>, vector<1x16xf32>,
        %get3A_738 = arith.index_cast %add3A_714 : i32 to index
        %get3A_739 = arith.constant 32 : index
        %get3A_740 = tpu.vector_load %arg10[%get3A_738, %get3A_739] {strides = array<i32>} : memref<128x128xf32, #tpu.memory_space<vmem>>, vector<1x16xf32>,
        %get3A_741 = vector.shape_cast %get3A_740 : vector<1x16xf32> to vector<16xf32>
        %mul3A_742 = arith.mulf %get3A_741, %broadcast_in_dim3A_717 : vector<16xf32>
        %swap3A_743 = arith.index_cast %add3A_714 : i32 to index
        %swap3A_744 = arith.constant 32 : index
        %swap3A_745 = tpu.vector_load %arg10[%swap3A_743, %swap3A_744] {strides = array<i32>} : memref<128x128xf32, #tpu.memory_space<vmem>>, vector<1x16xf32>,
        %swap3A_746 = vector.shape_cast %swap3A_745 : vector<1x16xf32> to vector<16xf32>
        %swap3A_747 = vector.shape_cast %mul3A_742 : vector<16xf32> to vector<1x16xf32>
        tpu.vector_store %arg10[%swap3A_743, %swap3A_744], %swap3A_747 {strides = array<i32>} : memref<128x128xf32, #tpu.memory_space<vmem>>, vector<1x16xf32>,
        %get3A_748 = arith.index_cast %add3A_714 : i32 to index
        %get3A_749 = arith.constant 48 : index
        %get3A_750 = tpu.vector_load %arg10[%get3A_748, %get3A_749] {strides = array<i32>} : memref<128x128xf32, #tpu.memory_space<vmem>>, vector<1x16xf32>,
        %get3A_751 = vector.shape_cast %get3A_750 : vector<1x16xf32> to vector<16xf32>
        %mul3A_752 = arith.mulf %get3A_751, %broadcast_in_dim3A_717 : vector<16xf32>
        %swap3A_753 = arith.index_cast %add3A_714 : i32 to index
        %swap3A_754 = arith.constant 48 : index
        %swap3A_755 = tpu.vector_load %arg10[%swap3A_753, %swap3A_754] {strides = array<i32>} : memref<128x128xf32, #tpu.memory_space<vmem>>, vector<1x16xf32>,
        %swap3A_756 = vector.shape_cast %swap3A_755 : vector<1x16xf32> to vector<16xf32>
        %swap3A_757 = vector.shape_cast %mul3A_752 : vector<16xf32> to vector<1x16xf32>
        tpu.vector_store %arg10[%swap3A_753, %swap3A_754], %swap3A_757 {strides = array<i32>} : memref<128x128xf32, #tpu.memory_space<vmem>>, vector<1x16xf32>,
        %get3A_758 = arith.index_cast %add3A_714 : i32 to index
        %get3A_759 = arith.constant 64 : index
        %get3A_760 = tpu.vector_load %arg10[%get3A_758, %get3A_759] {strides = array<i32>} : memref<128x128xf32, #tpu.memory_space<vmem>>, vector<1x16xf32>,
        %get3A_761 = vector.shape_cast %get3A_760 : vector<1x16xf32> to vector<16xf32>
        %mul3A_762 = arith.mulf %get3A_761, %broadcast_in_dim3A_717 : vector<16xf32>
        %swap3A_763 = arith.index_cast %add3A_714 : i32 to index
        %swap3A_764 = arith.constant 64 : index
        %swap3A_765 = tpu.vector_load %arg10[%swap3A_763, %swap3A_764] {strides = array<i32>} : memref<128x128xf32, #tpu.memory_space<vmem>>, vector<1x16xf32>,
        %swap3A_766 = vector.shape_cast %swap3A_765 : vector<1x16xf32> to vector<16xf32>
        %swap3A_767 = vector.shape_cast %mul3A_762 : vector<16xf32> to vector<1x16xf32>
        tpu.vector_store %arg10[%swap3A_763, %swap3A_764], %swap3A_767 {strides = array<i32>} : memref<128x128xf32, #tpu.memory_space<vmem>>, vector<1x16xf32>,
        %get3A_768 = arith.index_cast %add3A_714 : i32 to index
        %get3A_769 = arith.constant 80 : index
        %get3A_770 = tpu.vector_load %arg10[%get3A_768, %get3A_769] {strides = array<i32>} : memref<128x128xf32, #tpu.memory_space<vmem>>, vector<1x16xf32>,
        %get3A_771 = vector.shape_cast %get3A_770 : vector<1x16xf32> to vector<16xf32>
        %mul3A_772 = arith.mulf %get3A_771, %broadcast_in_dim3A_717 : vector<16xf32>
        %swap3A_773 = arith.index_cast %add3A_714 : i32 to index
        %swap3A_774 = arith.constant 80 : index
        %swap3A_775 = tpu.vector_load %arg10[%swap3A_773, %swap3A_774] {strides = array<i32>} : memref<128x128xf32, #tpu.memory_space<vmem>>, vector<1x16xf32>,
        %swap3A_776 = vector.shape_cast %swap3A_775 : vector<1x16xf32> to vector<16xf32>
        %swap3A_777 = vector.shape_cast %mul3A_772 : vector<16xf32> to vector<1x16xf32>
        tpu.vector_store %arg10[%swap3A_773, %swap3A_774], %swap3A_777 {strides = array<i32>} : memref<128x128xf32, #tpu.memory_space<vmem>>, vector<1x16xf32>,
        %get3A_778 = arith.index_cast %add3A_714 : i32 to index
        %get3A_779 = arith.constant 96 : index
        %get3A_780 = tpu.vector_load %arg10[%get3A_778, %get3A_779] {strides = array<i32>} : memref<128x128xf32, #tpu.memory_space<vmem>>, vector<1x16xf32>,
        %get3A_781 = vector.shape_cast %get3A_780 : vector<1x16xf32> to vector<16xf32>
        %mul3A_782 = arith.mulf %get3A_781, %broadcast_in_dim3A_717 : vector<16xf32>
        %swap3A_783 = arith.index_cast %add3A_714 : i32 to index
        %swap3A_784 = arith.constant 96 : index
        %swap3A_785 = tpu.vector_load %arg10[%swap3A_783, %swap3A_784] {strides = array<i32>} : memref<128x128xf32, #tpu.memory_space<vmem>>, vector<1x16xf32>,
        %swap3A_786 = vector.shape_cast %swap3A_785 : vector<1x16xf32> to vector<16xf32>
        %swap3A_787 = vector.shape_cast %mul3A_782 : vector<16xf32> to vector<1x16xf32>
        tpu.vector_store %arg10[%swap3A_783, %swap3A_784], %swap3A_787 {strides = array<i32>} : memref<128x128xf32, #tpu.memory_space<vmem>>, vector<1x16xf32>,
        %get3A_788 = arith.index_cast %add3A_714 : i32 to index
        %get3A_789 = arith.constant 112 : index
        %get3A_790 = tpu.vector_load %arg10[%get3A_788, %get3A_789] {strides = array<i32>} : memref<128x128xf32, #tpu.memory_space<vmem>>, vector<1x16xf32>,
        %get3A_791 = vector.shape_cast %get3A_790 : vector<1x16xf32> to vector<16xf32>
        %mul3A_792 = arith.mulf %get3A_791, %broadcast_in_dim3A_717 : vector<16xf32>
        %swap3A_793 = arith.index_cast %add3A_714 : i32 to index
        %swap3A_794 = arith.constant 112 : index
        %swap3A_795 = tpu.vector_load %arg10[%swap3A_793, %swap3A_794] {strides = array<i32>} : memref<128x128xf32, #tpu.memory_space<vmem>>, vector<1x16xf32>,
        %swap3A_796 = vector.shape_cast %swap3A_795 : vector<1x16xf32> to vector<16xf32>
        %swap3A_797 = vector.shape_cast %mul3A_792 : vector<16xf32> to vector<1x16xf32>
        tpu.vector_store %arg10[%swap3A_793, %swap3A_794], %swap3A_797 {strides = array<i32>} : memref<128x128xf32, #tpu.memory_space<vmem>>, vector<1x16xf32>,
        %mul3A_798 = arith.constant 16 : i32
        %mul3A_799 = arith.muli %scan3A_99, %mul3A_798 : i32
        %add3A_800 = arith.constant 8 : i32
        %add3A_801 = arith.addi %mul3A_799, %add3A_800 : i32
        %slice3A_802 = vector.extract_strided_slice %get3A_104 {offsets = [8], sizes = [1], strides = [1]} : vector<16xf32> to vector<1xf32>
        %squeeze3A_803 = vector.extract %slice3A_802[0] : f32 from vector<1xf32>
        %broadcast_in_dim3A_804 = vector.broadcast %squeeze3A_803 : f32 to vector<16xf32>
        %get3A_805 = arith.index_cast %add3A_801 : i32 to index
        %get3A_806 = arith.constant 0 : index
        %get3A_807 = tpu.vector_load %arg10[%get3A_805, %get3A_806] {strides = array<i32>} : memref<128x128xf32, #tpu.memory_space<vmem>>, vector<1x16xf32>,
        %get3A_808 = vector.shape_cast %get3A_807 : vector<1x16xf32> to vector<16xf32>
        %mul3A_809 = arith.mulf %get3A_808, %broadcast_in_dim3A_804 : vector<16xf32>
        %swap3A_810 = arith.index_cast %add3A_801 : i32 to index
        %swap3A_811 = arith.constant 0 : index
        %swap3A_812 = tpu.vector_load %arg10[%swap3A_810, %swap3A_811] {strides = array<i32>} : memref<128x128xf32, #tpu.memory_space<vmem>>, vector<1x16xf32>,
        %swap3A_813 = vector.shape_cast %swap3A_812 : vector<1x16xf32> to vector<16xf32>
        %swap3A_814 = vector.shape_cast %mul3A_809 : vector<16xf32> to vector<1x16xf32>
        tpu.vector_store %arg10[%swap3A_810, %swap3A_811], %swap3A_814 {strides = array<i32>} : memref<128x128xf32, #tpu.memory_space<vmem>>, vector<1x16xf32>,
        %get3A_815 = arith.index_cast %add3A_801 : i32 to index
        %get3A_816 = arith.constant 16 : index
        %get3A_817 = tpu.vector_load %arg10[%get3A_815, %get3A_816] {strides = array<i32>} : memref<128x128xf32, #tpu.memory_space<vmem>>, vector<1x16xf32>,
        %get3A_818 = vector.shape_cast %get3A_817 : vector<1x16xf32> to vector<16xf32>
        %mul3A_819 = arith.mulf %get3A_818, %broadcast_in_dim3A_804 : vector<16xf32>
        %swap3A_820 = arith.index_cast %add3A_801 : i32 to index
        %swap3A_821 = arith.constant 16 : index
        %swap3A_822 = tpu.vector_load %arg10[%swap3A_820, %swap3A_821] {strides = array<i32>} : memref<128x128xf32, #tpu.memory_space<vmem>>, vector<1x16xf32>,
        %swap3A_823 = vector.shape_cast %swap3A_822 : vector<1x16xf32> to vector<16xf32>
        %swap3A_824 = vector.shape_cast %mul3A_819 : vector<16xf32> to vector<1x16xf32>
        tpu.vector_store %arg10[%swap3A_820, %swap3A_821], %swap3A_824 {strides = array<i32>} : memref<128x128xf32, #tpu.memory_space<vmem>>, vector<1x16xf32>,
        %get3A_825 = arith.index_cast %add3A_801 : i32 to index
        %get3A_826 = arith.constant 32 : index
        %get3A_827 = tpu.vector_load %arg10[%get3A_825, %get3A_826] {strides = array<i32>} : memref<128x128xf32, #tpu.memory_space<vmem>>, vector<1x16xf32>,
        %get3A_828 = vector.shape_cast %get3A_827 : vector<1x16xf32> to vector<16xf32>
        %mul3A_829 = arith.mulf %get3A_828, %broadcast_in_dim3A_804 : vector<16xf32>
        %swap3A_830 = arith.index_cast %add3A_801 : i32 to index
        %swap3A_831 = arith.constant 32 : index
        %swap3A_832 = tpu.vector_load %arg10[%swap3A_830, %swap3A_831] {strides = array<i32>} : memref<128x128xf32, #tpu.memory_space<vmem>>, vector<1x16xf32>,
        %swap3A_833 = vector.shape_cast %swap3A_832 : vector<1x16xf32> to vector<16xf32>
        %swap3A_834 = vector.shape_cast %mul3A_829 : vector<16xf32> to vector<1x16xf32>
        tpu.vector_store %arg10[%swap3A_830, %swap3A_831], %swap3A_834 {strides = array<i32>} : memref<128x128xf32, #tpu.memory_space<vmem>>, vector<1x16xf32>,
        %get3A_835 = arith.index_cast %add3A_801 : i32 to index
        %get3A_836 = arith.constant 48 : index
        %get3A_837 = tpu.vector_load %arg10[%get3A_835, %get3A_836] {strides = array<i32>} : memref<128x128xf32, #tpu.memory_space<vmem>>, vector<1x16xf32>,
        %get3A_838 = vector.shape_cast %get3A_837 : vector<1x16xf32> to vector<16xf32>
        %mul3A_839 = arith.mulf %get3A_838, %broadcast_in_dim3A_804 : vector<16xf32>
        %swap3A_840 = arith.index_cast %add3A_801 : i32 to index
        %swap3A_841 = arith.constant 48 : index
        %swap3A_842 = tpu.vector_load %arg10[%swap3A_840, %swap3A_841] {strides = array<i32>} : memref<128x128xf32, #tpu.memory_space<vmem>>, vector<1x16xf32>,
        %swap3A_843 = vector.shape_cast %swap3A_842 : vector<1x16xf32> to vector<16xf32>
        %swap3A_844 = vector.shape_cast %mul3A_839 : vector<16xf32> to vector<1x16xf32>
        tpu.vector_store %arg10[%swap3A_840, %swap3A_841], %swap3A_844 {strides = array<i32>} : memref<128x128xf32, #tpu.memory_space<vmem>>, vector<1x16xf32>,
        %get3A_845 = arith.index_cast %add3A_801 : i32 to index
        %get3A_846 = arith.constant 64 : index
        %get3A_847 = tpu.vector_load %arg10[%get3A_845, %get3A_846] {strides = array<i32>} : memref<128x128xf32, #tpu.memory_space<vmem>>, vector<1x16xf32>,
        %get3A_848 = vector.shape_cast %get3A_847 : vector<1x16xf32> to vector<16xf32>
        %mul3A_849 = arith.mulf %get3A_848, %broadcast_in_dim3A_804 : vector<16xf32>
        %swap3A_850 = arith.index_cast %add3A_801 : i32 to index
        %swap3A_851 = arith.constant 64 : index
        %swap3A_852 = tpu.vector_load %arg10[%swap3A_850, %swap3A_851] {strides = array<i32>} : memref<128x128xf32, #tpu.memory_space<vmem>>, vector<1x16xf32>,
        %swap3A_853 = vector.shape_cast %swap3A_852 : vector<1x16xf32> to vector<16xf32>
        %swap3A_854 = vector.shape_cast %mul3A_849 : vector<16xf32> to vector<1x16xf32>
        tpu.vector_store %arg10[%swap3A_850, %swap3A_851], %swap3A_854 {strides = array<i32>} : memref<128x128xf32, #tpu.memory_space<vmem>>, vector<1x16xf32>,
        %get3A_855 = arith.index_cast %add3A_801 : i32 to index
        %get3A_856 = arith.constant 80 : index
        %get3A_857 = tpu.vector_load %arg10[%get3A_855, %get3A_856] {strides = array<i32>} : memref<128x128xf32, #tpu.memory_space<vmem>>, vector<1x16xf32>,
        %get3A_858 = vector.shape_cast %get3A_857 : vector<1x16xf32> to vector<16xf32>
        %mul3A_859 = arith.mulf %get3A_858, %broadcast_in_dim3A_804 : vector<16xf32>
        %swap3A_860 = arith.index_cast %add3A_801 : i32 to index
        %swap3A_861 = arith.constant 80 : index
        %swap3A_862 = tpu.vector_load %arg10[%swap3A_860, %swap3A_861] {strides = array<i32>} : memref<128x128xf32, #tpu.memory_space<vmem>>, vector<1x16xf32>,
        %swap3A_863 = vector.shape_cast %swap3A_862 : vector<1x16xf32> to vector<16xf32>
        %swap3A_864 = vector.shape_cast %mul3A_859 : vector<16xf32> to vector<1x16xf32>
        tpu.vector_store %arg10[%swap3A_860, %swap3A_861], %swap3A_864 {strides = array<i32>} : memref<128x128xf32, #tpu.memory_space<vmem>>, vector<1x16xf32>,
        %get3A_865 = arith.index_cast %add3A_801 : i32 to index
        %get3A_866 = arith.constant 96 : index
        %get3A_867 = tpu.vector_load %arg10[%get3A_865, %get3A_866] {strides = array<i32>} : memref<128x128xf32, #tpu.memory_space<vmem>>, vector<1x16xf32>,
        %get3A_868 = vector.shape_cast %get3A_867 : vector<1x16xf32> to vector<16xf32>
        %mul3A_869 = arith.mulf %get3A_868, %broadcast_in_dim3A_804 : vector<16xf32>
        %swap3A_870 = arith.index_cast %add3A_801 : i32 to index
        %swap3A_871 = arith.constant 96 : index
        %swap3A_872 = tpu.vector_load %arg10[%swap3A_870, %swap3A_871] {strides = array<i32>} : memref<128x128xf32, #tpu.memory_space<vmem>>, vector<1x16xf32>,
        %swap3A_873 = vector.shape_cast %swap3A_872 : vector<1x16xf32> to vector<16xf32>
        %swap3A_874 = vector.shape_cast %mul3A_869 : vector<16xf32> to vector<1x16xf32>
        tpu.vector_store %arg10[%swap3A_870, %swap3A_871], %swap3A_874 {strides = array<i32>} : memref<128x128xf32, #tpu.memory_space<vmem>>, vector<1x16xf32>,
        %get3A_875 = arith.index_cast %add3A_801 : i32 to index
        %get3A_876 = arith.constant 112 : index
        %get3A_877 = tpu.vector_load %arg10[%get3A_875, %get3A_876] {strides = array<i32>} : memref<128x128xf32, #tpu.memory_space<vmem>>, vector<1x16xf32>,
        %get3A_878 = vector.shape_cast %get3A_877 : vector<1x16xf32> to vector<16xf32>
        %mul3A_879 = arith.mulf %get3A_878, %broadcast_in_dim3A_804 : vector<16xf32>
        %swap3A_880 = arith.index_cast %add3A_801 : i32 to index
        %swap3A_881 = arith.constant 112 : index
        %swap3A_882 = tpu.vector_load %arg10[%swap3A_880, %swap3A_881] {strides = array<i32>} : memref<128x128xf32, #tpu.memory_space<vmem>>, vector<1x16xf32>,
        %swap3A_883 = vector.shape_cast %swap3A_882 : vector<1x16xf32> to vector<16xf32>
        %swap3A_884 = vector.shape_cast %mul3A_879 : vector<16xf32> to vector<1x16xf32>
        tpu.vector_store %arg10[%swap3A_880, %swap3A_881], %swap3A_884 {strides = array<i32>} : memref<128x128xf32, #tpu.memory_space<vmem>>, vector<1x16xf32>,
        %mul3A_885 = arith.constant 16 : i32
        %mul3A_886 = arith.muli %scan3A_99, %mul3A_885 : i32
        %add3A_887 = arith.constant 9 : i32
        %add3A_888 = arith.addi %mul3A_886, %add3A_887 : i32
        %slice3A_889 = vector.extract_strided_slice %get3A_104 {offsets = [9], sizes = [1], strides = [1]} : vector<16xf32> to vector<1xf32>
        %squeeze3A_890 = vector.extract %slice3A_889[0] : f32 from vector<1xf32>
        %broadcast_in_dim3A_891 = vector.broadcast %squeeze3A_890 : f32 to vector<16xf32>
        %get3A_892 = arith.index_cast %add3A_888 : i32 to index
        %get3A_893 = arith.constant 0 : index
        %get3A_894 = tpu.vector_load %arg10[%get3A_892, %get3A_893] {strides = array<i32>} : memref<128x128xf32, #tpu.memory_space<vmem>>, vector<1x16xf32>,
        %get3A_895 = vector.shape_cast %get3A_894 : vector<1x16xf32> to vector<16xf32>
        %mul3A_896 = arith.mulf %get3A_895, %broadcast_in_dim3A_891 : vector<16xf32>
        %swap3A_897 = arith.index_cast %add3A_888 : i32 to index
        %swap3A_898 = arith.constant 0 : index
        %swap3A_899 = tpu.vector_load %arg10[%swap3A_897, %swap3A_898] {strides = array<i32>} : memref<128x128xf32, #tpu.memory_space<vmem>>, vector<1x16xf32>,
        %swap3A_900 = vector.shape_cast %swap3A_899 : vector<1x16xf32> to vector<16xf32>
        %swap3A_901 = vector.shape_cast %mul3A_896 : vector<16xf32> to vector<1x16xf32>
        tpu.vector_store %arg10[%swap3A_897, %swap3A_898], %swap3A_901 {strides = array<i32>} : memref<128x128xf32, #tpu.memory_space<vmem>>, vector<1x16xf32>,
        %get3A_902 = arith.index_cast %add3A_888 : i32 to index
        %get3A_903 = arith.constant 16 : index
        %get3A_904 = tpu.vector_load %arg10[%get3A_902, %get3A_903] {strides = array<i32>} : memref<128x128xf32, #tpu.memory_space<vmem>>, vector<1x16xf32>,
        %get3A_905 = vector.shape_cast %get3A_904 : vector<1x16xf32> to vector<16xf32>
        %mul3A_906 = arith.mulf %get3A_905, %broadcast_in_dim3A_891 : vector<16xf32>
        %swap3A_907 = arith.index_cast %add3A_888 : i32 to index
        %swap3A_908 = arith.constant 16 : index
        %swap3A_909 = tpu.vector_load %arg10[%swap3A_907, %swap3A_908] {strides = array<i32>} : memref<128x128xf32, #tpu.memory_space<vmem>>, vector<1x16xf32>,
        %swap3A_910 = vector.shape_cast %swap3A_909 : vector<1x16xf32> to vector<16xf32>
        %swap3A_911 = vector.shape_cast %mul3A_906 : vector<16xf32> to vector<1x16xf32>
        tpu.vector_store %arg10[%swap3A_907, %swap3A_908], %swap3A_911 {strides = array<i32>} : memref<128x128xf32, #tpu.memory_space<vmem>>, vector<1x16xf32>,
        %get3A_912 = arith.index_cast %add3A_888 : i32 to index
        %get3A_913 = arith.constant 32 : index
        %get3A_914 = tpu.vector_load %arg10[%get3A_912, %get3A_913] {strides = array<i32>} : memref<128x128xf32, #tpu.memory_space<vmem>>, vector<1x16xf32>,
        %get3A_915 = vector.shape_cast %get3A_914 : vector<1x16xf32> to vector<16xf32>
        %mul3A_916 = arith.mulf %get3A_915, %broadcast_in_dim3A_891 : vector<16xf32>
        %swap3A_917 = arith.index_cast %add3A_888 : i32 to index
        %swap3A_918 = arith.constant 32 : index
        %swap3A_919 = tpu.vector_load %arg10[%swap3A_917, %swap3A_918] {strides = array<i32>} : memref<128x128xf32, #tpu.memory_space<vmem>>, vector<1x16xf32>,
        %swap3A_920 = vector.shape_cast %swap3A_919 : vector<1x16xf32> to vector<16xf32>
        %swap3A_921 = vector.shape_cast %mul3A_916 : vector<16xf32> to vector<1x16xf32>
        tpu.vector_store %arg10[%swap3A_917, %swap3A_918], %swap3A_921 {strides = array<i32>} : memref<128x128xf32, #tpu.memory_space<vmem>>, vector<1x16xf32>,
        %get3A_922 = arith.index_cast %add3A_888 : i32 to index
        %get3A_923 = arith.constant 48 : index
        %get3A_924 = tpu.vector_load %arg10[%get3A_922, %get3A_923] {strides = array<i32>} : memref<128x128xf32, #tpu.memory_space<vmem>>, vector<1x16xf32>,
        %get3A_925 = vector.shape_cast %get3A_924 : vector<1x16xf32> to vector<16xf32>
        %mul3A_926 = arith.mulf %get3A_925, %broadcast_in_dim3A_891 : vector<16xf32>
        %swap3A_927 = arith.index_cast %add3A_888 : i32 to index
        %swap3A_928 = arith.constant 48 : index
        %swap3A_929 = tpu.vector_load %arg10[%swap3A_927, %swap3A_928] {strides = array<i32>} : memref<128x128xf32, #tpu.memory_space<vmem>>, vector<1x16xf32>,
        %swap3A_930 = vector.shape_cast %swap3A_929 : vector<1x16xf32> to vector<16xf32>
        %swap3A_931 = vector.shape_cast %mul3A_926 : vector<16xf32> to vector<1x16xf32>
        tpu.vector_store %arg10[%swap3A_927, %swap3A_928], %swap3A_931 {strides = array<i32>} : memref<128x128xf32, #tpu.memory_space<vmem>>, vector<1x16xf32>,
        %get3A_932 = arith.index_cast %add3A_888 : i32 to index
        %get3A_933 = arith.constant 64 : index
        %get3A_934 = tpu.vector_load %arg10[%get3A_932, %get3A_933] {strides = array<i32>} : memref<128x128xf32, #tpu.memory_space<vmem>>, vector<1x16xf32>,
        %get3A_935 = vector.shape_cast %get3A_934 : vector<1x16xf32> to vector<16xf32>
        %mul3A_936 = arith.mulf %get3A_935, %broadcast_in_dim3A_891 : vector<16xf32>
        %swap3A_937 = arith.index_cast %add3A_888 : i32 to index
        %swap3A_938 = arith.constant 64 : index
        %swap3A_939 = tpu.vector_load %arg10[%swap3A_937, %swap3A_938] {strides = array<i32>} : memref<128x128xf32, #tpu.memory_space<vmem>>, vector<1x16xf32>,
        %swap3A_940 = vector.shape_cast %swap3A_939 : vector<1x16xf32> to vector<16xf32>
        %swap3A_941 = vector.shape_cast %mul3A_936 : vector<16xf32> to vector<1x16xf32>
        tpu.vector_store %arg10[%swap3A_937, %swap3A_938], %swap3A_941 {strides = array<i32>} : memref<128x128xf32, #tpu.memory_space<vmem>>, vector<1x16xf32>,
        %get3A_942 = arith.index_cast %add3A_888 : i32 to index
        %get3A_943 = arith.constant 80 : index
        %get3A_944 = tpu.vector_load %arg10[%get3A_942, %get3A_943] {strides = array<i32>} : memref<128x128xf32, #tpu.memory_space<vmem>>, vector<1x16xf32>,
        %get3A_945 = vector.shape_cast %get3A_944 : vector<1x16xf32> to vector<16xf32>
        %mul3A_946 = arith.mulf %get3A_945, %broadcast_in_dim3A_891 : vector<16xf32>
        %swap3A_947 = arith.index_cast %add3A_888 : i32 to index
        %swap3A_948 = arith.constant 80 : index
        %swap3A_949 = tpu.vector_load %arg10[%swap3A_947, %swap3A_948] {strides = array<i32>} : memref<128x128xf32, #tpu.memory_space<vmem>>, vector<1x16xf32>,
        %swap3A_950 = vector.shape_cast %swap3A_949 : vector<1x16xf32> to vector<16xf32>
        %swap3A_951 = vector.shape_cast %mul3A_946 : vector<16xf32> to vector<1x16xf32>
        tpu.vector_store %arg10[%swap3A_947, %swap3A_948], %swap3A_951 {strides = array<i32>} : memref<128x128xf32, #tpu.memory_space<vmem>>, vector<1x16xf32>,
        %get3A_952 = arith.index_cast %add3A_888 : i32 to index
        %get3A_953 = arith.constant 96 : index
        %get3A_954 = tpu.vector_load %arg10[%get3A_952, %get3A_953] {strides = array<i32>} : memref<128x128xf32, #tpu.memory_space<vmem>>, vector<1x16xf32>,
        %get3A_955 = vector.shape_cast %get3A_954 : vector<1x16xf32> to vector<16xf32>
        %mul3A_956 = arith.mulf %get3A_955, %broadcast_in_dim3A_891 : vector<16xf32>
        %swap3A_957 = arith.index_cast %add3A_888 : i32 to index
        %swap3A_958 = arith.constant 96 : index
        %swap3A_959 = tpu.vector_load %arg10[%swap3A_957, %swap3A_958] {strides = array<i32>} : memref<128x128xf32, #tpu.memory_space<vmem>>, vector<1x16xf32>,
        %swap3A_960 = vector.shape_cast %swap3A_959 : vector<1x16xf32> to vector<16xf32>
        %swap3A_961 = vector.shape_cast %mul3A_956 : vector<16xf32> to vector<1x16xf32>
        tpu.vector_store %arg10[%swap3A_957, %swap3A_958], %swap3A_961 {strides = array<i32>} : memref<128x128xf32, #tpu.memory_space<vmem>>, vector<1x16xf32>,
        %get3A_962 = arith.index_cast %add3A_888 : i32 to index
        %get3A_963 = arith.constant 112 : index
        %get3A_964 = tpu.vector_load %arg10[%get3A_962, %get3A_963] {strides = array<i32>} : memref<128x128xf32, #tpu.memory_space<vmem>>, vector<1x16xf32>,
        %get3A_965 = vector.shape_cast %get3A_964 : vector<1x16xf32> to vector<16xf32>
        %mul3A_966 = arith.mulf %get3A_965, %broadcast_in_dim3A_891 : vector<16xf32>
        %swap3A_967 = arith.index_cast %add3A_888 : i32 to index
        %swap3A_968 = arith.constant 112 : index
        %swap3A_969 = tpu.vector_load %arg10[%swap3A_967, %swap3A_968] {strides = array<i32>} : memref<128x128xf32, #tpu.memory_space<vmem>>, vector<1x16xf32>,
        %swap3A_970 = vector.shape_cast %swap3A_969 : vector<1x16xf32> to vector<16xf32>
        %swap3A_971 = vector.shape_cast %mul3A_966 : vector<16xf32> to vector<1x16xf32>
        tpu.vector_store %arg10[%swap3A_967, %swap3A_968], %swap3A_971 {strides = array<i32>} : memref<128x128xf32, #tpu.memory_space<vmem>>, vector<1x16xf32>,
        %mul3A_972 = arith.constant 16 : i32
        %mul3A_973 = arith.muli %scan3A_99, %mul3A_972 : i32
        %add3A_974 = arith.constant 10 : i32
        %add3A_975 = arith.addi %mul3A_973, %add3A_974 : i32
        %slice3A_976 = vector.extract_strided_slice %get3A_104 {offsets = [10], sizes = [1], strides = [1]} : vector<16xf32> to vector<1xf32>
        %squeeze3A_977 = vector.extract %slice3A_976[0] : f32 from vector<1xf32>
        %broadcast_in_dim3A_978 = vector.broadcast %squeeze3A_977 : f32 to vector<16xf32>
        %get3A_979 = arith.index_cast %add3A_975 : i32 to index
        %get3A_980 = arith.constant 0 : index
        %get3A_981 = tpu.vector_load %arg10[%get3A_979, %get3A_980] {strides = array<i32>} : memref<128x128xf32, #tpu.memory_space<vmem>>, vector<1x16xf32>,
        %get3A_982 = vector.shape_cast %get3A_981 : vector<1x16xf32> to vector<16xf32>
        %mul3A_983 = arith.mulf %get3A_982, %broadcast_in_dim3A_978 : vector<16xf32>
        %swap3A_984 = arith.index_cast %add3A_975 : i32 to index
        %swap3A_985 = arith.constant 0 : index
        %swap3A_986 = tpu.vector_load %arg10[%swap3A_984, %swap3A_985] {strides = array<i32>} : memref<128x128xf32, #tpu.memory_space<vmem>>, vector<1x16xf32>,
        %swap3A_987 = vector.shape_cast %swap3A_986 : vector<1x16xf32> to vector<16xf32>
        %swap3A_988 = vector.shape_cast %mul3A_983 : vector<16xf32> to vector<1x16xf32>
        tpu.vector_store %arg10[%swap3A_984, %swap3A_985], %swap3A_988 {strides = array<i32>} : memref<128x128xf32, #tpu.memory_space<vmem>>, vector<1x16xf32>,
        %get3A_989 = arith.index_cast %add3A_975 : i32 to index
        %get3A_990 = arith.constant 16 : index
        %get3A_991 = tpu.vector_load %arg10[%get3A_989, %get3A_990] {strides = array<i32>} : memref<128x128xf32, #tpu.memory_space<vmem>>, vector<1x16xf32>,
        %get3A_992 = vector.shape_cast %get3A_991 : vector<1x16xf32> to vector<16xf32>
        %mul3A_993 = arith.mulf %get3A_992, %broadcast_in_dim3A_978 : vector<16xf32>
        %swap3A_994 = arith.index_cast %add3A_975 : i32 to index
        %swap3A_995 = arith.constant 16 : index
        %swap3A_996 = tpu.vector_load %arg10[%swap3A_994, %swap3A_995] {strides = array<i32>} : memref<128x128xf32, #tpu.memory_space<vmem>>, vector<1x16xf32>,
        %swap3A_997 = vector.shape_cast %swap3A_996 : vector<1x16xf32> to vector<16xf32>
        %swap3A_998 = vector.shape_cast %mul3A_993 : vector<16xf32> to vector<1x16xf32>
        tpu.vector_store %arg10[%swap3A_994, %swap3A_995], %swap3A_998 {strides = array<i32>} : memref<128x128xf32, #tpu.memory_space<vmem>>, vector<1x16xf32>,
        %get3A_999 = arith.index_cast %add3A_975 : i32 to index
        %get3A_1000 = arith.constant 32 : index
        %get3A_1001 = tpu.vector_load %arg10[%get3A_999, %get3A_1000] {strides = array<i32>} : memref<128x128xf32, #tpu.memory_space<vmem>>, vector<1x16xf32>,
        %get3A_1002 = vector.shape_cast %get3A_1001 : vector<1x16xf32> to vector<16xf32>
        %mul3A_1003 = arith.mulf %get3A_1002, %broadcast_in_dim3A_978 : vector<16xf32>
        %swap3A_1004 = arith.index_cast %add3A_975 : i32 to index
        %swap3A_1005 = arith.constant 32 : index
        %swap3A_1006 = tpu.vector_load %arg10[%swap3A_1004, %swap3A_1005] {strides = array<i32>} : memref<128x128xf32, #tpu.memory_space<vmem>>, vector<1x16xf32>,
        %swap3A_1007 = vector.shape_cast %swap3A_1006 : vector<1x16xf32> to vector<16xf32>
        %swap3A_1008 = vector.shape_cast %mul3A_1003 : vector<16xf32> to vector<1x16xf32>
        tpu.vector_store %arg10[%swap3A_1004, %swap3A_1005], %swap3A_1008 {strides = array<i32>} : memref<128x128xf32, #tpu.memory_space<vmem>>, vector<1x16xf32>,
        %get3A_1009 = arith.index_cast %add3A_975 : i32 to index
        %get3A_1010 = arith.constant 48 : index
        %get3A_1011 = tpu.vector_load %arg10[%get3A_1009, %get3A_1010] {strides = array<i32>} : memref<128x128xf32, #tpu.memory_space<vmem>>, vector<1x16xf32>,
        %get3A_1012 = vector.shape_cast %get3A_1011 : vector<1x16xf32> to vector<16xf32>
        %mul3A_1013 = arith.mulf %get3A_1012, %broadcast_in_dim3A_978 : vector<16xf32>
        %swap3A_1014 = arith.index_cast %add3A_975 : i32 to index
        %swap3A_1015 = arith.constant 48 : index
        %swap3A_1016 = tpu.vector_load %arg10[%swap3A_1014, %swap3A_1015] {strides = array<i32>} : memref<128x128xf32, #tpu.memory_space<vmem>>, vector<1x16xf32>,
        %swap3A_1017 = vector.shape_cast %swap3A_1016 : vector<1x16xf32> to vector<16xf32>
        %swap3A_1018 = vector.shape_cast %mul3A_1013 : vector<16xf32> to vector<1x16xf32>
        tpu.vector_store %arg10[%swap3A_1014, %swap3A_1015], %swap3A_1018 {strides = array<i32>} : memref<128x128xf32, #tpu.memory_space<vmem>>, vector<1x16xf32>,
        %get3A_1019 = arith.index_cast %add3A_975 : i32 to index
        %get3A_1020 = arith.constant 64 : index
        %get3A_1021 = tpu.vector_load %arg10[%get3A_1019, %get3A_1020] {strides = array<i32>} : memref<128x128xf32, #tpu.memory_space<vmem>>, vector<1x16xf32>,
        %get3A_1022 = vector.shape_cast %get3A_1021 : vector<1x16xf32> to vector<16xf32>
        %mul3A_1023 = arith.mulf %get3A_1022, %broadcast_in_dim3A_978 : vector<16xf32>
        %swap3A_1024 = arith.index_cast %add3A_975 : i32 to index
        %swap3A_1025 = arith.constant 64 : index
        %swap3A_1026 = tpu.vector_load %arg10[%swap3A_1024, %swap3A_1025] {strides = array<i32>} : memref<128x128xf32, #tpu.memory_space<vmem>>, vector<1x16xf32>,
        %swap3A_1027 = vector.shape_cast %swap3A_1026 : vector<1x16xf32> to vector<16xf32>
        %swap3A_1028 = vector.shape_cast %mul3A_1023 : vector<16xf32> to vector<1x16xf32>
        tpu.vector_store %arg10[%swap3A_1024, %swap3A_1025], %swap3A_1028 {strides = array<i32>} : memref<128x128xf32, #tpu.memory_space<vmem>>, vector<1x16xf32>,
        %get3A_1029 = arith.index_cast %add3A_975 : i32 to index
        %get3A_1030 = arith.constant 80 : index
        %get3A_1031 = tpu.vector_load %arg10[%get3A_1029, %get3A_1030] {strides = array<i32>} : memref<128x128xf32, #tpu.memory_space<vmem>>, vector<1x16xf32>,
        %get3A_1032 = vector.shape_cast %get3A_1031 : vector<1x16xf32> to vector<16xf32>
        %mul3A_1033 = arith.mulf %get3A_1032, %broadcast_in_dim3A_978 : vector<16xf32>
        %swap3A_1034 = arith.index_cast %add3A_975 : i32 to index
        %swap3A_1035 = arith.constant 80 : index
        %swap3A_1036 = tpu.vector_load %arg10[%swap3A_1034, %swap3A_1035] {strides = array<i32>} : memref<128x128xf32, #tpu.memory_space<vmem>>, vector<1x16xf32>,
        %swap3A_1037 = vector.shape_cast %swap3A_1036 : vector<1x16xf32> to vector<16xf32>
        %swap3A_1038 = vector.shape_cast %mul3A_1033 : vector<16xf32> to vector<1x16xf32>
        tpu.vector_store %arg10[%swap3A_1034, %swap3A_1035], %swap3A_1038 {strides = array<i32>} : memref<128x128xf32, #tpu.memory_space<vmem>>, vector<1x16xf32>,
        %get3A_1039 = arith.index_cast %add3A_975 : i32 to index
        %get3A_1040 = arith.constant 96 : index
        %get3A_1041 = tpu.vector_load %arg10[%get3A_1039, %get3A_1040] {strides = array<i32>} : memref<128x128xf32, #tpu.memory_space<vmem>>, vector<1x16xf32>,
        %get3A_1042 = vector.shape_cast %get3A_1041 : vector<1x16xf32> to vector<16xf32>
        %mul3A_1043 = arith.mulf %get3A_1042, %broadcast_in_dim3A_978 : vector<16xf32>
        %swap3A_1044 = arith.index_cast %add3A_975 : i32 to index
        %swap3A_1045 = arith.constant 96 : index
        %swap3A_1046 = tpu.vector_load %arg10[%swap3A_1044, %swap3A_1045] {strides = array<i32>} : memref<128x128xf32, #tpu.memory_space<vmem>>, vector<1x16xf32>,
        %swap3A_1047 = vector.shape_cast %swap3A_1046 : vector<1x16xf32> to vector<16xf32>
        %swap3A_1048 = vector.shape_cast %mul3A_1043 : vector<16xf32> to vector<1x16xf32>
        tpu.vector_store %arg10[%swap3A_1044, %swap3A_1045], %swap3A_1048 {strides = array<i32>} : memref<128x128xf32, #tpu.memory_space<vmem>>, vector<1x16xf32>,
        %get3A_1049 = arith.index_cast %add3A_975 : i32 to index
        %get3A_1050 = arith.constant 112 : index
        %get3A_1051 = tpu.vector_load %arg10[%get3A_1049, %get3A_1050] {strides = array<i32>} : memref<128x128xf32, #tpu.memory_space<vmem>>, vector<1x16xf32>,
        %get3A_1052 = vector.shape_cast %get3A_1051 : vector<1x16xf32> to vector<16xf32>
        %mul3A_1053 = arith.mulf %get3A_1052, %broadcast_in_dim3A_978 : vector<16xf32>
        %swap3A_1054 = arith.index_cast %add3A_975 : i32 to index
        %swap3A_1055 = arith.constant 112 : index
        %swap3A_1056 = tpu.vector_load %arg10[%swap3A_1054, %swap3A_1055] {strides = array<i32>} : memref<128x128xf32, #tpu.memory_space<vmem>>, vector<1x16xf32>,
        %swap3A_1057 = vector.shape_cast %swap3A_1056 : vector<1x16xf32> to vector<16xf32>
        %swap3A_1058 = vector.shape_cast %mul3A_1053 : vector<16xf32> to vector<1x16xf32>
        tpu.vector_store %arg10[%swap3A_1054, %swap3A_1055], %swap3A_1058 {strides = array<i32>} : memref<128x128xf32, #tpu.memory_space<vmem>>, vector<1x16xf32>,
        %mul3A_1059 = arith.constant 16 : i32
        %mul3A_1060 = arith.muli %scan3A_99, %mul3A_1059 : i32
        %add3A_1061 = arith.constant 11 : i32
        %add3A_1062 = arith.addi %mul3A_1060, %add3A_1061 : i32
        %slice3A_1063 = vector.extract_strided_slice %get3A_104 {offsets = [11], sizes = [1], strides = [1]} : vector<16xf32> to vector<1xf32>
        %squeeze3A_1064 = vector.extract %slice3A_1063[0] : f32 from vector<1xf32>
        %broadcast_in_dim3A_1065 = vector.broadcast %squeeze3A_1064 : f32 to vector<16xf32>
        %get3A_1066 = arith.index_cast %add3A_1062 : i32 to index
        %get3A_1067 = arith.constant 0 : index
        %get3A_1068 = tpu.vector_load %arg10[%get3A_1066, %get3A_1067] {strides = array<i32>} : memref<128x128xf32, #tpu.memory_space<vmem>>, vector<1x16xf32>,
        %get3A_1069 = vector.shape_cast %get3A_1068 : vector<1x16xf32> to vector<16xf32>
        %mul3A_1070 = arith.mulf %get3A_1069, %broadcast_in_dim3A_1065 : vector<16xf32>
        %swap3A_1071 = arith.index_cast %add3A_1062 : i32 to index
        %swap3A_1072 = arith.constant 0 : index
        %swap3A_1073 = tpu.vector_load %arg10[%swap3A_1071, %swap3A_1072] {strides = array<i32>} : memref<128x128xf32, #tpu.memory_space<vmem>>, vector<1x16xf32>,
        %swap3A_1074 = vector.shape_cast %swap3A_1073 : vector<1x16xf32> to vector<16xf32>
        %swap3A_1075 = vector.shape_cast %mul3A_1070 : vector<16xf32> to vector<1x16xf32>
        tpu.vector_store %arg10[%swap3A_1071, %swap3A_1072], %swap3A_1075 {strides = array<i32>} : memref<128x128xf32, #tpu.memory_space<vmem>>, vector<1x16xf32>,
        %get3A_1076 = arith.index_cast %add3A_1062 : i32 to index
        %get3A_1077 = arith.constant 16 : index
        %get3A_1078 = tpu.vector_load %arg10[%get3A_1076, %get3A_1077] {strides = array<i32>} : memref<128x128xf32, #tpu.memory_space<vmem>>, vector<1x16xf32>,
        %get3A_1079 = vector.shape_cast %get3A_1078 : vector<1x16xf32> to vector<16xf32>
        %mul3A_1080 = arith.mulf %get3A_1079, %broadcast_in_dim3A_1065 : vector<16xf32>
        %swap3A_1081 = arith.index_cast %add3A_1062 : i32 to index
        %swap3A_1082 = arith.constant 16 : index
        %swap3A_1083 = tpu.vector_load %arg10[%swap3A_1081, %swap3A_1082] {strides = array<i32>} : memref<128x128xf32, #tpu.memory_space<vmem>>, vector<1x16xf32>,
        %swap3A_1084 = vector.shape_cast %swap3A_1083 : vector<1x16xf32> to vector<16xf32>
        %swap3A_1085 = vector.shape_cast %mul3A_1080 : vector<16xf32> to vector<1x16xf32>
        tpu.vector_store %arg10[%swap3A_1081, %swap3A_1082], %swap3A_1085 {strides = array<i32>} : memref<128x128xf32, #tpu.memory_space<vmem>>, vector<1x16xf32>,
        %get3A_1086 = arith.index_cast %add3A_1062 : i32 to index
        %get3A_1087 = arith.constant 32 : index
        %get3A_1088 = tpu.vector_load %arg10[%get3A_1086, %get3A_1087] {strides = array<i32>} : memref<128x128xf32, #tpu.memory_space<vmem>>, vector<1x16xf32>,
        %get3A_1089 = vector.shape_cast %get3A_1088 : vector<1x16xf32> to vector<16xf32>
        %mul3A_1090 = arith.mulf %get3A_1089, %broadcast_in_dim3A_1065 : vector<16xf32>
        %swap3A_1091 = arith.index_cast %add3A_1062 : i32 to index
        %swap3A_1092 = arith.constant 32 : index
        %swap3A_1093 = tpu.vector_load %arg10[%swap3A_1091, %swap3A_1092] {strides = array<i32>} : memref<128x128xf32, #tpu.memory_space<vmem>>, vector<1x16xf32>,
        %swap3A_1094 = vector.shape_cast %swap3A_1093 : vector<1x16xf32> to vector<16xf32>
        %swap3A_1095 = vector.shape_cast %mul3A_1090 : vector<16xf32> to vector<1x16xf32>
        tpu.vector_store %arg10[%swap3A_1091, %swap3A_1092], %swap3A_1095 {strides = array<i32>} : memref<128x128xf32, #tpu.memory_space<vmem>>, vector<1x16xf32>,
        %get3A_1096 = arith.index_cast %add3A_1062 : i32 to index
        %get3A_1097 = arith.constant 48 : index
        %get3A_1098 = tpu.vector_load %arg10[%get3A_1096, %get3A_1097] {strides = array<i32>} : memref<128x128xf32, #tpu.memory_space<vmem>>, vector<1x16xf32>,
        %get3A_1099 = vector.shape_cast %get3A_1098 : vector<1x16xf32> to vector<16xf32>
        %mul3A_1100 = arith.mulf %get3A_1099, %broadcast_in_dim3A_1065 : vector<16xf32>
        %swap3A_1101 = arith.index_cast %add3A_1062 : i32 to index
        %swap3A_1102 = arith.constant 48 : index
        %swap3A_1103 = tpu.vector_load %arg10[%swap3A_1101, %swap3A_1102] {strides = array<i32>} : memref<128x128xf32, #tpu.memory_space<vmem>>, vector<1x16xf32>,
        %swap3A_1104 = vector.shape_cast %swap3A_1103 : vector<1x16xf32> to vector<16xf32>
        %swap3A_1105 = vector.shape_cast %mul3A_1100 : vector<16xf32> to vector<1x16xf32>
        tpu.vector_store %arg10[%swap3A_1101, %swap3A_1102], %swap3A_1105 {strides = array<i32>} : memref<128x128xf32, #tpu.memory_space<vmem>>, vector<1x16xf32>,
        %get3A_1106 = arith.index_cast %add3A_1062 : i32 to index
        %get3A_1107 = arith.constant 64 : index
        %get3A_1108 = tpu.vector_load %arg10[%get3A_1106, %get3A_1107] {strides = array<i32>} : memref<128x128xf32, #tpu.memory_space<vmem>>, vector<1x16xf32>,
        %get3A_1109 = vector.shape_cast %get3A_1108 : vector<1x16xf32> to vector<16xf32>
        %mul3A_1110 = arith.mulf %get3A_1109, %broadcast_in_dim3A_1065 : vector<16xf32>
        %swap3A_1111 = arith.index_cast %add3A_1062 : i32 to index
        %swap3A_1112 = arith.constant 64 : index
        %swap3A_1113 = tpu.vector_load %arg10[%swap3A_1111, %swap3A_1112] {strides = array<i32>} : memref<128x128xf32, #tpu.memory_space<vmem>>, vector<1x16xf32>,
        %swap3A_1114 = vector.shape_cast %swap3A_1113 : vector<1x16xf32> to vector<16xf32>
        %swap3A_1115 = vector.shape_cast %mul3A_1110 : vector<16xf32> to vector<1x16xf32>
        tpu.vector_store %arg10[%swap3A_1111, %swap3A_1112], %swap3A_1115 {strides = array<i32>} : memref<128x128xf32, #tpu.memory_space<vmem>>, vector<1x16xf32>,
        %get3A_1116 = arith.index_cast %add3A_1062 : i32 to index
        %get3A_1117 = arith.constant 80 : index
        %get3A_1118 = tpu.vector_load %arg10[%get3A_1116, %get3A_1117] {strides = array<i32>} : memref<128x128xf32, #tpu.memory_space<vmem>>, vector<1x16xf32>,
        %get3A_1119 = vector.shape_cast %get3A_1118 : vector<1x16xf32> to vector<16xf32>
        %mul3A_1120 = arith.mulf %get3A_1119, %broadcast_in_dim3A_1065 : vector<16xf32>
        %swap3A_1121 = arith.index_cast %add3A_1062 : i32 to index
        %swap3A_1122 = arith.constant 80 : index
        %swap3A_1123 = tpu.vector_load %arg10[%swap3A_1121, %swap3A_1122] {strides = array<i32>} : memref<128x128xf32, #tpu.memory_space<vmem>>, vector<1x16xf32>,
        %swap3A_1124 = vector.shape_cast %swap3A_1123 : vector<1x16xf32> to vector<16xf32>
        %swap3A_1125 = vector.shape_cast %mul3A_1120 : vector<16xf32> to vector<1x16xf32>
        tpu.vector_store %arg10[%swap3A_1121, %swap3A_1122], %swap3A_1125 {strides = array<i32>} : memref<128x128xf32, #tpu.memory_space<vmem>>, vector<1x16xf32>,
        %get3A_1126 = arith.index_cast %add3A_1062 : i32 to index
        %get3A_1127 = arith.constant 96 : index
        %get3A_1128 = tpu.vector_load %arg10[%get3A_1126, %get3A_1127] {strides = array<i32>} : memref<128x128xf32, #tpu.memory_space<vmem>>, vector<1x16xf32>,
        %get3A_1129 = vector.shape_cast %get3A_1128 : vector<1x16xf32> to vector<16xf32>
        %mul3A_1130 = arith.mulf %get3A_1129, %broadcast_in_dim3A_1065 : vector<16xf32>
        %swap3A_1131 = arith.index_cast %add3A_1062 : i32 to index
        %swap3A_1132 = arith.constant 96 : index
        %swap3A_1133 = tpu.vector_load %arg10[%swap3A_1131, %swap3A_1132] {strides = array<i32>} : memref<128x128xf32, #tpu.memory_space<vmem>>, vector<1x16xf32>,
        %swap3A_1134 = vector.shape_cast %swap3A_1133 : vector<1x16xf32> to vector<16xf32>
        %swap3A_1135 = vector.shape_cast %mul3A_1130 : vector<16xf32> to vector<1x16xf32>
        tpu.vector_store %arg10[%swap3A_1131, %swap3A_1132], %swap3A_1135 {strides = array<i32>} : memref<128x128xf32, #tpu.memory_space<vmem>>, vector<1x16xf32>,
        %get3A_1136 = arith.index_cast %add3A_1062 : i32 to index
        %get3A_1137 = arith.constant 112 : index
        %get3A_1138 = tpu.vector_load %arg10[%get3A_1136, %get3A_1137] {strides = array<i32>} : memref<128x128xf32, #tpu.memory_space<vmem>>, vector<1x16xf32>,
        %get3A_1139 = vector.shape_cast %get3A_1138 : vector<1x16xf32> to vector<16xf32>
        %mul3A_1140 = arith.mulf %get3A_1139, %broadcast_in_dim3A_1065 : vector<16xf32>
        %swap3A_1141 = arith.index_cast %add3A_1062 : i32 to index
        %swap3A_1142 = arith.constant 112 : index
        %swap3A_1143 = tpu.vector_load %arg10[%swap3A_1141, %swap3A_1142] {strides = array<i32>} : memref<128x128xf32, #tpu.memory_space<vmem>>, vector<1x16xf32>,
        %swap3A_1144 = vector.shape_cast %swap3A_1143 : vector<1x16xf32> to vector<16xf32>
        %swap3A_1145 = vector.shape_cast %mul3A_1140 : vector<16xf32> to vector<1x16xf32>
        tpu.vector_store %arg10[%swap3A_1141, %swap3A_1142], %swap3A_1145 {strides = array<i32>} : memref<128x128xf32, #tpu.memory_space<vmem>>, vector<1x16xf32>,
        %mul3A_1146 = arith.constant 16 : i32
        %mul3A_1147 = arith.muli %scan3A_99, %mul3A_1146 : i32
        %add3A_1148 = arith.constant 12 : i32
        %add3A_1149 = arith.addi %mul3A_1147, %add3A_1148 : i32
        %slice3A_1150 = vector.extract_strided_slice %get3A_104 {offsets = [12], sizes = [1], strides = [1]} : vector<16xf32> to vector<1xf32>
        %squeeze3A_1151 = vector.extract %slice3A_1150[0] : f32 from vector<1xf32>
        %broadcast_in_dim3A_1152 = vector.broadcast %squeeze3A_1151 : f32 to vector<16xf32>
        %get3A_1153 = arith.index_cast %add3A_1149 : i32 to index
        %get3A_1154 = arith.constant 0 : index
        %get3A_1155 = tpu.vector_load %arg10[%get3A_1153, %get3A_1154] {strides = array<i32>} : memref<128x128xf32, #tpu.memory_space<vmem>>, vector<1x16xf32>,
        %get3A_1156 = vector.shape_cast %get3A_1155 : vector<1x16xf32> to vector<16xf32>
        %mul3A_1157 = arith.mulf %get3A_1156, %broadcast_in_dim3A_1152 : vector<16xf32>
        %swap3A_1158 = arith.index_cast %add3A_1149 : i32 to index
        %swap3A_1159 = arith.constant 0 : index
        %swap3A_1160 = tpu.vector_load %arg10[%swap3A_1158, %swap3A_1159] {strides = array<i32>} : memref<128x128xf32, #tpu.memory_space<vmem>>, vector<1x16xf32>,
        %swap3A_1161 = vector.shape_cast %swap3A_1160 : vector<1x16xf32> to vector<16xf32>
        %swap3A_1162 = vector.shape_cast %mul3A_1157 : vector<16xf32> to vector<1x16xf32>
        tpu.vector_store %arg10[%swap3A_1158, %swap3A_1159], %swap3A_1162 {strides = array<i32>} : memref<128x128xf32, #tpu.memory_space<vmem>>, vector<1x16xf32>,
        %get3A_1163 = arith.index_cast %add3A_1149 : i32 to index
        %get3A_1164 = arith.constant 16 : index
        %get3A_1165 = tpu.vector_load %arg10[%get3A_1163, %get3A_1164] {strides = array<i32>} : memref<128x128xf32, #tpu.memory_space<vmem>>, vector<1x16xf32>,
        %get3A_1166 = vector.shape_cast %get3A_1165 : vector<1x16xf32> to vector<16xf32>
        %mul3A_1167 = arith.mulf %get3A_1166, %broadcast_in_dim3A_1152 : vector<16xf32>
        %swap3A_1168 = arith.index_cast %add3A_1149 : i32 to index
        %swap3A_1169 = arith.constant 16 : index
        %swap3A_1170 = tpu.vector_load %arg10[%swap3A_1168, %swap3A_1169] {strides = array<i32>} : memref<128x128xf32, #tpu.memory_space<vmem>>, vector<1x16xf32>,
        %swap3A_1171 = vector.shape_cast %swap3A_1170 : vector<1x16xf32> to vector<16xf32>
        %swap3A_1172 = vector.shape_cast %mul3A_1167 : vector<16xf32> to vector<1x16xf32>
        tpu.vector_store %arg10[%swap3A_1168, %swap3A_1169], %swap3A_1172 {strides = array<i32>} : memref<128x128xf32, #tpu.memory_space<vmem>>, vector<1x16xf32>,
        %get3A_1173 = arith.index_cast %add3A_1149 : i32 to index
        %get3A_1174 = arith.constant 32 : index
        %get3A_1175 = tpu.vector_load %arg10[%get3A_1173, %get3A_1174] {strides = array<i32>} : memref<128x128xf32, #tpu.memory_space<vmem>>, vector<1x16xf32>,
        %get3A_1176 = vector.shape_cast %get3A_1175 : vector<1x16xf32> to vector<16xf32>
        %mul3A_1177 = arith.mulf %get3A_1176, %broadcast_in_dim3A_1152 : vector<16xf32>
        %swap3A_1178 = arith.index_cast %add3A_1149 : i32 to index
        %swap3A_1179 = arith.constant 32 : index
        %swap3A_1180 = tpu.vector_load %arg10[%swap3A_1178, %swap3A_1179] {strides = array<i32>} : memref<128x128xf32, #tpu.memory_space<vmem>>, vector<1x16xf32>,
        %swap3A_1181 = vector.shape_cast %swap3A_1180 : vector<1x16xf32> to vector<16xf32>
        %swap3A_1182 = vector.shape_cast %mul3A_1177 : vector<16xf32> to vector<1x16xf32>
        tpu.vector_store %arg10[%swap3A_1178, %swap3A_1179], %swap3A_1182 {strides = array<i32>} : memref<128x128xf32, #tpu.memory_space<vmem>>, vector<1x16xf32>,
        %get3A_1183 = arith.index_cast %add3A_1149 : i32 to index
        %get3A_1184 = arith.constant 48 : index
        %get3A_1185 = tpu.vector_load %arg10[%get3A_1183, %get3A_1184] {strides = array<i32>} : memref<128x128xf32, #tpu.memory_space<vmem>>, vector<1x16xf32>,
        %get3A_1186 = vector.shape_cast %get3A_1185 : vector<1x16xf32> to vector<16xf32>
        %mul3A_1187 = arith.mulf %get3A_1186, %broadcast_in_dim3A_1152 : vector<16xf32>
        %swap3A_1188 = arith.index_cast %add3A_1149 : i32 to index
        %swap3A_1189 = arith.constant 48 : index
        %swap3A_1190 = tpu.vector_load %arg10[%swap3A_1188, %swap3A_1189] {strides = array<i32>} : memref<128x128xf32, #tpu.memory_space<vmem>>, vector<1x16xf32>,
        %swap3A_1191 = vector.shape_cast %swap3A_1190 : vector<1x16xf32> to vector<16xf32>
        %swap3A_1192 = vector.shape_cast %mul3A_1187 : vector<16xf32> to vector<1x16xf32>
        tpu.vector_store %arg10[%swap3A_1188, %swap3A_1189], %swap3A_1192 {strides = array<i32>} : memref<128x128xf32, #tpu.memory_space<vmem>>, vector<1x16xf32>,
        %get3A_1193 = arith.index_cast %add3A_1149 : i32 to index
        %get3A_1194 = arith.constant 64 : index
        %get3A_1195 = tpu.vector_load %arg10[%get3A_1193, %get3A_1194] {strides = array<i32>} : memref<128x128xf32, #tpu.memory_space<vmem>>, vector<1x16xf32>,
        %get3A_1196 = vector.shape_cast %get3A_1195 : vector<1x16xf32> to vector<16xf32>
        %mul3A_1197 = arith.mulf %get3A_1196, %broadcast_in_dim3A_1152 : vector<16xf32>
        %swap3A_1198 = arith.index_cast %add3A_1149 : i32 to index
        %swap3A_1199 = arith.constant 64 : index
        %swap3A_1200 = tpu.vector_load %arg10[%swap3A_1198, %swap3A_1199] {strides = array<i32>} : memref<128x128xf32, #tpu.memory_space<vmem>>, vector<1x16xf32>,
        %swap3A_1201 = vector.shape_cast %swap3A_1200 : vector<1x16xf32> to vector<16xf32>
        %swap3A_1202 = vector.shape_cast %mul3A_1197 : vector<16xf32> to vector<1x16xf32>
        tpu.vector_store %arg10[%swap3A_1198, %swap3A_1199], %swap3A_1202 {strides = array<i32>} : memref<128x128xf32, #tpu.memory_space<vmem>>, vector<1x16xf32>,
        %get3A_1203 = arith.index_cast %add3A_1149 : i32 to index
        %get3A_1204 = arith.constant 80 : index
        %get3A_1205 = tpu.vector_load %arg10[%get3A_1203, %get3A_1204] {strides = array<i32>} : memref<128x128xf32, #tpu.memory_space<vmem>>, vector<1x16xf32>,
        %get3A_1206 = vector.shape_cast %get3A_1205 : vector<1x16xf32> to vector<16xf32>
        %mul3A_1207 = arith.mulf %get3A_1206, %broadcast_in_dim3A_1152 : vector<16xf32>
        %swap3A_1208 = arith.index_cast %add3A_1149 : i32 to index
        %swap3A_1209 = arith.constant 80 : index
        %swap3A_1210 = tpu.vector_load %arg10[%swap3A_1208, %swap3A_1209] {strides = array<i32>} : memref<128x128xf32, #tpu.memory_space<vmem>>, vector<1x16xf32>,
        %swap3A_1211 = vector.shape_cast %swap3A_1210 : vector<1x16xf32> to vector<16xf32>
        %swap3A_1212 = vector.shape_cast %mul3A_1207 : vector<16xf32> to vector<1x16xf32>
        tpu.vector_store %arg10[%swap3A_1208, %swap3A_1209], %swap3A_1212 {strides = array<i32>} : memref<128x128xf32, #tpu.memory_space<vmem>>, vector<1x16xf32>,
        %get3A_1213 = arith.index_cast %add3A_1149 : i32 to index
        %get3A_1214 = arith.constant 96 : index
        %get3A_1215 = tpu.vector_load %arg10[%get3A_1213, %get3A_1214] {strides = array<i32>} : memref<128x128xf32, #tpu.memory_space<vmem>>, vector<1x16xf32>,
        %get3A_1216 = vector.shape_cast %get3A_1215 : vector<1x16xf32> to vector<16xf32>
        %mul3A_1217 = arith.mulf %get3A_1216, %broadcast_in_dim3A_1152 : vector<16xf32>
        %swap3A_1218 = arith.index_cast %add3A_1149 : i32 to index
        %swap3A_1219 = arith.constant 96 : index
        %swap3A_1220 = tpu.vector_load %arg10[%swap3A_1218, %swap3A_1219] {strides = array<i32>} : memref<128x128xf32, #tpu.memory_space<vmem>>, vector<1x16xf32>,
        %swap3A_1221 = vector.shape_cast %swap3A_1220 : vector<1x16xf32> to vector<16xf32>
        %swap3A_1222 = vector.shape_cast %mul3A_1217 : vector<16xf32> to vector<1x16xf32>
        tpu.vector_store %arg10[%swap3A_1218, %swap3A_1219], %swap3A_1222 {strides = array<i32>} : memref<128x128xf32, #tpu.memory_space<vmem>>, vector<1x16xf32>,
        %get3A_1223 = arith.index_cast %add3A_1149 : i32 to index
        %get3A_1224 = arith.constant 112 : index
        %get3A_1225 = tpu.vector_load %arg10[%get3A_1223, %get3A_1224] {strides = array<i32>} : memref<128x128xf32, #tpu.memory_space<vmem>>, vector<1x16xf32>,
        %get3A_1226 = vector.shape_cast %get3A_1225 : vector<1x16xf32> to vector<16xf32>
        %mul3A_1227 = arith.mulf %get3A_1226, %broadcast_in_dim3A_1152 : vector<16xf32>
        %swap3A_1228 = arith.index_cast %add3A_1149 : i32 to index
        %swap3A_1229 = arith.constant 112 : index
        %swap3A_1230 = tpu.vector_load %arg10[%swap3A_1228, %swap3A_1229] {strides = array<i32>} : memref<128x128xf32, #tpu.memory_space<vmem>>, vector<1x16xf32>,
        %swap3A_1231 = vector.shape_cast %swap3A_1230 : vector<1x16xf32> to vector<16xf32>
        %swap3A_1232 = vector.shape_cast %mul3A_1227 : vector<16xf32> to vector<1x16xf32>
        tpu.vector_store %arg10[%swap3A_1228, %swap3A_1229], %swap3A_1232 {strides = array<i32>} : memref<128x128xf32, #tpu.memory_space<vmem>>, vector<1x16xf32>,
        %mul3A_1233 = arith.constant 16 : i32
        %mul3A_1234 = arith.muli %scan3A_99, %mul3A_1233 : i32
        %add3A_1235 = arith.constant 13 : i32
        %add3A_1236 = arith.addi %mul3A_1234, %add3A_1235 : i32
        %slice3A_1237 = vector.extract_strided_slice %get3A_104 {offsets = [13], sizes = [1], strides = [1]} : vector<16xf32> to vector<1xf32>
        %squeeze3A_1238 = vector.extract %slice3A_1237[0] : f32 from vector<1xf32>
        %broadcast_in_dim3A_1239 = vector.broadcast %squeeze3A_1238 : f32 to vector<16xf32>
        %get3A_1240 = arith.index_cast %add3A_1236 : i32 to index
        %get3A_1241 = arith.constant 0 : index
        %get3A_1242 = tpu.vector_load %arg10[%get3A_1240, %get3A_1241] {strides = array<i32>} : memref<128x128xf32, #tpu.memory_space<vmem>>, vector<1x16xf32>,
        %get3A_1243 = vector.shape_cast %get3A_1242 : vector<1x16xf32> to vector<16xf32>
        %mul3A_1244 = arith.mulf %get3A_1243, %broadcast_in_dim3A_1239 : vector<16xf32>
        %swap3A_1245 = arith.index_cast %add3A_1236 : i32 to index
        %swap3A_1246 = arith.constant 0 : index
        %swap3A_1247 = tpu.vector_load %arg10[%swap3A_1245, %swap3A_1246] {strides = array<i32>} : memref<128x128xf32, #tpu.memory_space<vmem>>, vector<1x16xf32>,
        %swap3A_1248 = vector.shape_cast %swap3A_1247 : vector<1x16xf32> to vector<16xf32>
        %swap3A_1249 = vector.shape_cast %mul3A_1244 : vector<16xf32> to vector<1x16xf32>
        tpu.vector_store %arg10[%swap3A_1245, %swap3A_1246], %swap3A_1249 {strides = array<i32>} : memref<128x128xf32, #tpu.memory_space<vmem>>, vector<1x16xf32>,
        %get3A_1250 = arith.index_cast %add3A_1236 : i32 to index
        %get3A_1251 = arith.constant 16 : index
        %get3A_1252 = tpu.vector_load %arg10[%get3A_1250, %get3A_1251] {strides = array<i32>} : memref<128x128xf32, #tpu.memory_space<vmem>>, vector<1x16xf32>,
        %get3A_1253 = vector.shape_cast %get3A_1252 : vector<1x16xf32> to vector<16xf32>
        %mul3A_1254 = arith.mulf %get3A_1253, %broadcast_in_dim3A_1239 : vector<16xf32>
        %swap3A_1255 = arith.index_cast %add3A_1236 : i32 to index
        %swap3A_1256 = arith.constant 16 : index
        %swap3A_1257 = tpu.vector_load %arg10[%swap3A_1255, %swap3A_1256] {strides = array<i32>} : memref<128x128xf32, #tpu.memory_space<vmem>>, vector<1x16xf32>,
        %swap3A_1258 = vector.shape_cast %swap3A_1257 : vector<1x16xf32> to vector<16xf32>
        %swap3A_1259 = vector.shape_cast %mul3A_1254 : vector<16xf32> to vector<1x16xf32>
        tpu.vector_store %arg10[%swap3A_1255, %swap3A_1256], %swap3A_1259 {strides = array<i32>} : memref<128x128xf32, #tpu.memory_space<vmem>>, vector<1x16xf32>,
        %get3A_1260 = arith.index_cast %add3A_1236 : i32 to index
        %get3A_1261 = arith.constant 32 : index
        %get3A_1262 = tpu.vector_load %arg10[%get3A_1260, %get3A_1261] {strides = array<i32>} : memref<128x128xf32, #tpu.memory_space<vmem>>, vector<1x16xf32>,
        %get3A_1263 = vector.shape_cast %get3A_1262 : vector<1x16xf32> to vector<16xf32>
        %mul3A_1264 = arith.mulf %get3A_1263, %broadcast_in_dim3A_1239 : vector<16xf32>
        %swap3A_1265 = arith.index_cast %add3A_1236 : i32 to index
        %swap3A_1266 = arith.constant 32 : index
        %swap3A_1267 = tpu.vector_load %arg10[%swap3A_1265, %swap3A_1266] {strides = array<i32>} : memref<128x128xf32, #tpu.memory_space<vmem>>, vector<1x16xf32>,
        %swap3A_1268 = vector.shape_cast %swap3A_1267 : vector<1x16xf32> to vector<16xf32>
        %swap3A_1269 = vector.shape_cast %mul3A_1264 : vector<16xf32> to vector<1x16xf32>
        tpu.vector_store %arg10[%swap3A_1265, %swap3A_1266], %swap3A_1269 {strides = array<i32>} : memref<128x128xf32, #tpu.memory_space<vmem>>, vector<1x16xf32>,
        %get3A_1270 = arith.index_cast %add3A_1236 : i32 to index
        %get3A_1271 = arith.constant 48 : index
        %get3A_1272 = tpu.vector_load %arg10[%get3A_1270, %get3A_1271] {strides = array<i32>} : memref<128x128xf32, #tpu.memory_space<vmem>>, vector<1x16xf32>,
        %get3A_1273 = vector.shape_cast %get3A_1272 : vector<1x16xf32> to vector<16xf32>
        %mul3A_1274 = arith.mulf %get3A_1273, %broadcast_in_dim3A_1239 : vector<16xf32>
        %swap3A_1275 = arith.index_cast %add3A_1236 : i32 to index
        %swap3A_1276 = arith.constant 48 : index
        %swap3A_1277 = tpu.vector_load %arg10[%swap3A_1275, %swap3A_1276] {strides = array<i32>} : memref<128x128xf32, #tpu.memory_space<vmem>>, vector<1x16xf32>,
        %swap3A_1278 = vector.shape_cast %swap3A_1277 : vector<1x16xf32> to vector<16xf32>
        %swap3A_1279 = vector.shape_cast %mul3A_1274 : vector<16xf32> to vector<1x16xf32>
        tpu.vector_store %arg10[%swap3A_1275, %swap3A_1276], %swap3A_1279 {strides = array<i32>} : memref<128x128xf32, #tpu.memory_space<vmem>>, vector<1x16xf32>,
        %get3A_1280 = arith.index_cast %add3A_1236 : i32 to index
        %get3A_1281 = arith.constant 64 : index
        %get3A_1282 = tpu.vector_load %arg10[%get3A_1280, %get3A_1281] {strides = array<i32>} : memref<128x128xf32, #tpu.memory_space<vmem>>, vector<1x16xf32>,
        %get3A_1283 = vector.shape_cast %get3A_1282 : vector<1x16xf32> to vector<16xf32>
        %mul3A_1284 = arith.mulf %get3A_1283, %broadcast_in_dim3A_1239 : vector<16xf32>
        %swap3A_1285 = arith.index_cast %add3A_1236 : i32 to index
        %swap3A_1286 = arith.constant 64 : index
        %swap3A_1287 = tpu.vector_load %arg10[%swap3A_1285, %swap3A_1286] {strides = array<i32>} : memref<128x128xf32, #tpu.memory_space<vmem>>, vector<1x16xf32>,
        %swap3A_1288 = vector.shape_cast %swap3A_1287 : vector<1x16xf32> to vector<16xf32>
        %swap3A_1289 = vector.shape_cast %mul3A_1284 : vector<16xf32> to vector<1x16xf32>
        tpu.vector_store %arg10[%swap3A_1285, %swap3A_1286], %swap3A_1289 {strides = array<i32>} : memref<128x128xf32, #tpu.memory_space<vmem>>, vector<1x16xf32>,
        %get3A_1290 = arith.index_cast %add3A_1236 : i32 to index
        %get3A_1291 = arith.constant 80 : index
        %get3A_1292 = tpu.vector_load %arg10[%get3A_1290, %get3A_1291] {strides = array<i32>} : memref<128x128xf32, #tpu.memory_space<vmem>>, vector<1x16xf32>,
        %get3A_1293 = vector.shape_cast %get3A_1292 : vector<1x16xf32> to vector<16xf32>
        %mul3A_1294 = arith.mulf %get3A_1293, %broadcast_in_dim3A_1239 : vector<16xf32>
        %swap3A_1295 = arith.index_cast %add3A_1236 : i32 to index
        %swap3A_1296 = arith.constant 80 : index
        %swap3A_1297 = tpu.vector_load %arg10[%swap3A_1295, %swap3A_1296] {strides = array<i32>} : memref<128x128xf32, #tpu.memory_space<vmem>>, vector<1x16xf32>,
        %swap3A_1298 = vector.shape_cast %swap3A_1297 : vector<1x16xf32> to vector<16xf32>
        %swap3A_1299 = vector.shape_cast %mul3A_1294 : vector<16xf32> to vector<1x16xf32>
        tpu.vector_store %arg10[%swap3A_1295, %swap3A_1296], %swap3A_1299 {strides = array<i32>} : memref<128x128xf32, #tpu.memory_space<vmem>>, vector<1x16xf32>,
        %get3A_1300 = arith.index_cast %add3A_1236 : i32 to index
        %get3A_1301 = arith.constant 96 : index
        %get3A_1302 = tpu.vector_load %arg10[%get3A_1300, %get3A_1301] {strides = array<i32>} : memref<128x128xf32, #tpu.memory_space<vmem>>, vector<1x16xf32>,
        %get3A_1303 = vector.shape_cast %get3A_1302 : vector<1x16xf32> to vector<16xf32>
        %mul3A_1304 = arith.mulf %get3A_1303, %broadcast_in_dim3A_1239 : vector<16xf32>
        %swap3A_1305 = arith.index_cast %add3A_1236 : i32 to index
        %swap3A_1306 = arith.constant 96 : index
        %swap3A_1307 = tpu.vector_load %arg10[%swap3A_1305, %swap3A_1306] {strides = array<i32>} : memref<128x128xf32, #tpu.memory_space<vmem>>, vector<1x16xf32>,
        %swap3A_1308 = vector.shape_cast %swap3A_1307 : vector<1x16xf32> to vector<16xf32>
        %swap3A_1309 = vector.shape_cast %mul3A_1304 : vector<16xf32> to vector<1x16xf32>
        tpu.vector_store %arg10[%swap3A_1305, %swap3A_1306], %swap3A_1309 {strides = array<i32>} : memref<128x128xf32, #tpu.memory_space<vmem>>, vector<1x16xf32>,
        %get3A_1310 = arith.index_cast %add3A_1236 : i32 to index
        %get3A_1311 = arith.constant 112 : index
        %get3A_1312 = tpu.vector_load %arg10[%get3A_1310, %get3A_1311] {strides = array<i32>} : memref<128x128xf32, #tpu.memory_space<vmem>>, vector<1x16xf32>,
        %get3A_1313 = vector.shape_cast %get3A_1312 : vector<1x16xf32> to vector<16xf32>
        %mul3A_1314 = arith.mulf %get3A_1313, %broadcast_in_dim3A_1239 : vector<16xf32>
        %swap3A_1315 = arith.index_cast %add3A_1236 : i32 to index
        %swap3A_1316 = arith.constant 112 : index
        %swap3A_1317 = tpu.vector_load %arg10[%swap3A_1315, %swap3A_1316] {strides = array<i32>} : memref<128x128xf32, #tpu.memory_space<vmem>>, vector<1x16xf32>,
        %swap3A_1318 = vector.shape_cast %swap3A_1317 : vector<1x16xf32> to vector<16xf32>
        %swap3A_1319 = vector.shape_cast %mul3A_1314 : vector<16xf32> to vector<1x16xf32>
        tpu.vector_store %arg10[%swap3A_1315, %swap3A_1316], %swap3A_1319 {strides = array<i32>} : memref<128x128xf32, #tpu.memory_space<vmem>>, vector<1x16xf32>,
        %mul3A_1320 = arith.constant 16 : i32
        %mul3A_1321 = arith.muli %scan3A_99, %mul3A_1320 : i32
        %add3A_1322 = arith.constant 14 : i32
        %add3A_1323 = arith.addi %mul3A_1321, %add3A_1322 : i32
        %slice3A_1324 = vector.extract_strided_slice %get3A_104 {offsets = [14], sizes = [1], strides = [1]} : vector<16xf32> to vector<1xf32>
        %squeeze3A_1325 = vector.extract %slice3A_1324[0] : f32 from vector<1xf32>
        %broadcast_in_dim3A_1326 = vector.broadcast %squeeze3A_1325 : f32 to vector<16xf32>
        %get3A_1327 = arith.index_cast %add3A_1323 : i32 to index
        %get3A_1328 = arith.constant 0 : index
        %get3A_1329 = tpu.vector_load %arg10[%get3A_1327, %get3A_1328] {strides = array<i32>} : memref<128x128xf32, #tpu.memory_space<vmem>>, vector<1x16xf32>,
        %get3A_1330 = vector.shape_cast %get3A_1329 : vector<1x16xf32> to vector<16xf32>
        %mul3A_1331 = arith.mulf %get3A_1330, %broadcast_in_dim3A_1326 : vector<16xf32>
        %swap3A_1332 = arith.index_cast %add3A_1323 : i32 to index
        %swap3A_1333 = arith.constant 0 : index
        %swap3A_1334 = tpu.vector_load %arg10[%swap3A_1332, %swap3A_1333] {strides = array<i32>} : memref<128x128xf32, #tpu.memory_space<vmem>>, vector<1x16xf32>,
        %swap3A_1335 = vector.shape_cast %swap3A_1334 : vector<1x16xf32> to vector<16xf32>
        %swap3A_1336 = vector.shape_cast %mul3A_1331 : vector<16xf32> to vector<1x16xf32>
        tpu.vector_store %arg10[%swap3A_1332, %swap3A_1333], %swap3A_1336 {strides = array<i32>} : memref<128x128xf32, #tpu.memory_space<vmem>>, vector<1x16xf32>,
        %get3A_1337 = arith.index_cast %add3A_1323 : i32 to index
        %get3A_1338 = arith.constant 16 : index
        %get3A_1339 = tpu.vector_load %arg10[%get3A_1337, %get3A_1338] {strides = array<i32>} : memref<128x128xf32, #tpu.memory_space<vmem>>, vector<1x16xf32>,
        %get3A_1340 = vector.shape_cast %get3A_1339 : vector<1x16xf32> to vector<16xf32>
        %mul3A_1341 = arith.mulf %get3A_1340, %broadcast_in_dim3A_1326 : vector<16xf32>
        %swap3A_1342 = arith.index_cast %add3A_1323 : i32 to index
        %swap3A_1343 = arith.constant 16 : index
        %swap3A_1344 = tpu.vector_load %arg10[%swap3A_1342, %swap3A_1343] {strides = array<i32>} : memref<128x128xf32, #tpu.memory_space<vmem>>, vector<1x16xf32>,
        %swap3A_1345 = vector.shape_cast %swap3A_1344 : vector<1x16xf32> to vector<16xf32>
        %swap3A_1346 = vector.shape_cast %mul3A_1341 : vector<16xf32> to vector<1x16xf32>
        tpu.vector_store %arg10[%swap3A_1342, %swap3A_1343], %swap3A_1346 {strides = array<i32>} : memref<128x128xf32, #tpu.memory_space<vmem>>, vector<1x16xf32>,
        %get3A_1347 = arith.index_cast %add3A_1323 : i32 to index
        %get3A_1348 = arith.constant 32 : index
        %get3A_1349 = tpu.vector_load %arg10[%get3A_1347, %get3A_1348] {strides = array<i32>} : memref<128x128xf32, #tpu.memory_space<vmem>>, vector<1x16xf32>,
        %get3A_1350 = vector.shape_cast %get3A_1349 : vector<1x16xf32> to vector<16xf32>
        %mul3A_1351 = arith.mulf %get3A_1350, %broadcast_in_dim3A_1326 : vector<16xf32>
        %swap3A_1352 = arith.index_cast %add3A_1323 : i32 to index
        %swap3A_1353 = arith.constant 32 : index
        %swap3A_1354 = tpu.vector_load %arg10[%swap3A_1352, %swap3A_1353] {strides = array<i32>} : memref<128x128xf32, #tpu.memory_space<vmem>>, vector<1x16xf32>,
        %swap3A_1355 = vector.shape_cast %swap3A_1354 : vector<1x16xf32> to vector<16xf32>
        %swap3A_1356 = vector.shape_cast %mul3A_1351 : vector<16xf32> to vector<1x16xf32>
        tpu.vector_store %arg10[%swap3A_1352, %swap3A_1353], %swap3A_1356 {strides = array<i32>} : memref<128x128xf32, #tpu.memory_space<vmem>>, vector<1x16xf32>,
        %get3A_1357 = arith.index_cast %add3A_1323 : i32 to index
        %get3A_1358 = arith.constant 48 : index
        %get3A_1359 = tpu.vector_load %arg10[%get3A_1357, %get3A_1358] {strides = array<i32>} : memref<128x128xf32, #tpu.memory_space<vmem>>, vector<1x16xf32>,
        %get3A_1360 = vector.shape_cast %get3A_1359 : vector<1x16xf32> to vector<16xf32>
        %mul3A_1361 = arith.mulf %get3A_1360, %broadcast_in_dim3A_1326 : vector<16xf32>
        %swap3A_1362 = arith.index_cast %add3A_1323 : i32 to index
        %swap3A_1363 = arith.constant 48 : index
        %swap3A_1364 = tpu.vector_load %arg10[%swap3A_1362, %swap3A_1363] {strides = array<i32>} : memref<128x128xf32, #tpu.memory_space<vmem>>, vector<1x16xf32>,
        %swap3A_1365 = vector.shape_cast %swap3A_1364 : vector<1x16xf32> to vector<16xf32>
        %swap3A_1366 = vector.shape_cast %mul3A_1361 : vector<16xf32> to vector<1x16xf32>
        tpu.vector_store %arg10[%swap3A_1362, %swap3A_1363], %swap3A_1366 {strides = array<i32>} : memref<128x128xf32, #tpu.memory_space<vmem>>, vector<1x16xf32>,
        %get3A_1367 = arith.index_cast %add3A_1323 : i32 to index
        %get3A_1368 = arith.constant 64 : index
        %get3A_1369 = tpu.vector_load %arg10[%get3A_1367, %get3A_1368] {strides = array<i32>} : memref<128x128xf32, #tpu.memory_space<vmem>>, vector<1x16xf32>,
        %get3A_1370 = vector.shape_cast %get3A_1369 : vector<1x16xf32> to vector<16xf32>
        %mul3A_1371 = arith.mulf %get3A_1370, %broadcast_in_dim3A_1326 : vector<16xf32>
        %swap3A_1372 = arith.index_cast %add3A_1323 : i32 to index
        %swap3A_1373 = arith.constant 64 : index
        %swap3A_1374 = tpu.vector_load %arg10[%swap3A_1372, %swap3A_1373] {strides = array<i32>} : memref<128x128xf32, #tpu.memory_space<vmem>>, vector<1x16xf32>,
        %swap3A_1375 = vector.shape_cast %swap3A_1374 : vector<1x16xf32> to vector<16xf32>
        %swap3A_1376 = vector.shape_cast %mul3A_1371 : vector<16xf32> to vector<1x16xf32>
        tpu.vector_store %arg10[%swap3A_1372, %swap3A_1373], %swap3A_1376 {strides = array<i32>} : memref<128x128xf32, #tpu.memory_space<vmem>>, vector<1x16xf32>,
        %get3A_1377 = arith.index_cast %add3A_1323 : i32 to index
        %get3A_1378 = arith.constant 80 : index
        %get3A_1379 = tpu.vector_load %arg10[%get3A_1377, %get3A_1378] {strides = array<i32>} : memref<128x128xf32, #tpu.memory_space<vmem>>, vector<1x16xf32>,
        %get3A_1380 = vector.shape_cast %get3A_1379 : vector<1x16xf32> to vector<16xf32>
        %mul3A_1381 = arith.mulf %get3A_1380, %broadcast_in_dim3A_1326 : vector<16xf32>
        %swap3A_1382 = arith.index_cast %add3A_1323 : i32 to index
        %swap3A_1383 = arith.constant 80 : index
        %swap3A_1384 = tpu.vector_load %arg10[%swap3A_1382, %swap3A_1383] {strides = array<i32>} : memref<128x128xf32, #tpu.memory_space<vmem>>, vector<1x16xf32>,
        %swap3A_1385 = vector.shape_cast %swap3A_1384 : vector<1x16xf32> to vector<16xf32>
        %swap3A_1386 = vector.shape_cast %mul3A_1381 : vector<16xf32> to vector<1x16xf32>
        tpu.vector_store %arg10[%swap3A_1382, %swap3A_1383], %swap3A_1386 {strides = array<i32>} : memref<128x128xf32, #tpu.memory_space<vmem>>, vector<1x16xf32>,
        %get3A_1387 = arith.index_cast %add3A_1323 : i32 to index
        %get3A_1388 = arith.constant 96 : index
        %get3A_1389 = tpu.vector_load %arg10[%get3A_1387, %get3A_1388] {strides = array<i32>} : memref<128x128xf32, #tpu.memory_space<vmem>>, vector<1x16xf32>,
        %get3A_1390 = vector.shape_cast %get3A_1389 : vector<1x16xf32> to vector<16xf32>
        %mul3A_1391 = arith.mulf %get3A_1390, %broadcast_in_dim3A_1326 : vector<16xf32>
        %swap3A_1392 = arith.index_cast %add3A_1323 : i32 to index
        %swap3A_1393 = arith.constant 96 : index
        %swap3A_1394 = tpu.vector_load %arg10[%swap3A_1392, %swap3A_1393] {strides = array<i32>} : memref<128x128xf32, #tpu.memory_space<vmem>>, vector<1x16xf32>,
        %swap3A_1395 = vector.shape_cast %swap3A_1394 : vector<1x16xf32> to vector<16xf32>
        %swap3A_1396 = vector.shape_cast %mul3A_1391 : vector<16xf32> to vector<1x16xf32>
        tpu.vector_store %arg10[%swap3A_1392, %swap3A_1393], %swap3A_1396 {strides = array<i32>} : memref<128x128xf32, #tpu.memory_space<vmem>>, vector<1x16xf32>,
        %get3A_1397 = arith.index_cast %add3A_1323 : i32 to index
        %get3A_1398 = arith.constant 112 : index
        %get3A_1399 = tpu.vector_load %arg10[%get3A_1397, %get3A_1398] {strides = array<i32>} : memref<128x128xf32, #tpu.memory_space<vmem>>, vector<1x16xf32>,
        %get3A_1400 = vector.shape_cast %get3A_1399 : vector<1x16xf32> to vector<16xf32>
        %mul3A_1401 = arith.mulf %get3A_1400, %broadcast_in_dim3A_1326 : vector<16xf32>
        %swap3A_1402 = arith.index_cast %add3A_1323 : i32 to index
        %swap3A_1403 = arith.constant 112 : index
        %swap3A_1404 = tpu.vector_load %arg10[%swap3A_1402, %swap3A_1403] {strides = array<i32>} : memref<128x128xf32, #tpu.memory_space<vmem>>, vector<1x16xf32>,
        %swap3A_1405 = vector.shape_cast %swap3A_1404 : vector<1x16xf32> to vector<16xf32>
        %swap3A_1406 = vector.shape_cast %mul3A_1401 : vector<16xf32> to vector<1x16xf32>
        tpu.vector_store %arg10[%swap3A_1402, %swap3A_1403], %swap3A_1406 {strides = array<i32>} : memref<128x128xf32, #tpu.memory_space<vmem>>, vector<1x16xf32>,
        %mul3A_1407 = arith.constant 16 : i32
        %mul3A_1408 = arith.muli %scan3A_99, %mul3A_1407 : i32
        %add3A_1409 = arith.constant 15 : i32
        %add3A_1410 = arith.addi %mul3A_1408, %add3A_1409 : i32
        %slice3A_1411 = vector.extract_strided_slice %get3A_104 {offsets = [15], sizes = [1], strides = [1]} : vector<16xf32> to vector<1xf32>
        %squeeze3A_1412 = vector.extract %slice3A_1411[0] : f32 from vector<1xf32>
        %broadcast_in_dim3A_1413 = vector.broadcast %squeeze3A_1412 : f32 to vector<16xf32>
        %get3A_1414 = arith.index_cast %add3A_1410 : i32 to index
        %get3A_1415 = arith.constant 0 : index
        %get3A_1416 = tpu.vector_load %arg10[%get3A_1414, %get3A_1415] {strides = array<i32>} : memref<128x128xf32, #tpu.memory_space<vmem>>, vector<1x16xf32>,
        %get3A_1417 = vector.shape_cast %get3A_1416 : vector<1x16xf32> to vector<16xf32>
        %mul3A_1418 = arith.mulf %get3A_1417, %broadcast_in_dim3A_1413 : vector<16xf32>
        %swap3A_1419 = arith.index_cast %add3A_1410 : i32 to index
        %swap3A_1420 = arith.constant 0 : index
        %swap3A_1421 = tpu.vector_load %arg10[%swap3A_1419, %swap3A_1420] {strides = array<i32>} : memref<128x128xf32, #tpu.memory_space<vmem>>, vector<1x16xf32>,
        %swap3A_1422 = vector.shape_cast %swap3A_1421 : vector<1x16xf32> to vector<16xf32>
        %swap3A_1423 = vector.shape_cast %mul3A_1418 : vector<16xf32> to vector<1x16xf32>
        tpu.vector_store %arg10[%swap3A_1419, %swap3A_1420], %swap3A_1423 {strides = array<i32>} : memref<128x128xf32, #tpu.memory_space<vmem>>, vector<1x16xf32>,
        %get3A_1424 = arith.index_cast %add3A_1410 : i32 to index
        %get3A_1425 = arith.constant 16 : index
        %get3A_1426 = tpu.vector_load %arg10[%get3A_1424, %get3A_1425] {strides = array<i32>} : memref<128x128xf32, #tpu.memory_space<vmem>>, vector<1x16xf32>,
        %get3A_1427 = vector.shape_cast %get3A_1426 : vector<1x16xf32> to vector<16xf32>
        %mul3A_1428 = arith.mulf %get3A_1427, %broadcast_in_dim3A_1413 : vector<16xf32>
        %swap3A_1429 = arith.index_cast %add3A_1410 : i32 to index
        %swap3A_1430 = arith.constant 16 : index
        %swap3A_1431 = tpu.vector_load %arg10[%swap3A_1429, %swap3A_1430] {strides = array<i32>} : memref<128x128xf32, #tpu.memory_space<vmem>>, vector<1x16xf32>,
        %swap3A_1432 = vector.shape_cast %swap3A_1431 : vector<1x16xf32> to vector<16xf32>
        %swap3A_1433 = vector.shape_cast %mul3A_1428 : vector<16xf32> to vector<1x16xf32>
        tpu.vector_store %arg10[%swap3A_1429, %swap3A_1430], %swap3A_1433 {strides = array<i32>} : memref<128x128xf32, #tpu.memory_space<vmem>>, vector<1x16xf32>,
        %get3A_1434 = arith.index_cast %add3A_1410 : i32 to index
        %get3A_1435 = arith.constant 32 : index
        %get3A_1436 = tpu.vector_load %arg10[%get3A_1434, %get3A_1435] {strides = array<i32>} : memref<128x128xf32, #tpu.memory_space<vmem>>, vector<1x16xf32>,
        %get3A_1437 = vector.shape_cast %get3A_1436 : vector<1x16xf32> to vector<16xf32>
        %mul3A_1438 = arith.mulf %get3A_1437, %broadcast_in_dim3A_1413 : vector<16xf32>
        %swap3A_1439 = arith.index_cast %add3A_1410 : i32 to index
        %swap3A_1440 = arith.constant 32 : index
        %swap3A_1441 = tpu.vector_load %arg10[%swap3A_1439, %swap3A_1440] {strides = array<i32>} : memref<128x128xf32, #tpu.memory_space<vmem>>, vector<1x16xf32>,
        %swap3A_1442 = vector.shape_cast %swap3A_1441 : vector<1x16xf32> to vector<16xf32>
        %swap3A_1443 = vector.shape_cast %mul3A_1438 : vector<16xf32> to vector<1x16xf32>
        tpu.vector_store %arg10[%swap3A_1439, %swap3A_1440], %swap3A_1443 {strides = array<i32>} : memref<128x128xf32, #tpu.memory_space<vmem>>, vector<1x16xf32>,
        %get3A_1444 = arith.index_cast %add3A_1410 : i32 to index
        %get3A_1445 = arith.constant 48 : index
        %get3A_1446 = tpu.vector_load %arg10[%get3A_1444, %get3A_1445] {strides = array<i32>} : memref<128x128xf32, #tpu.memory_space<vmem>>, vector<1x16xf32>,
        %get3A_1447 = vector.shape_cast %get3A_1446 : vector<1x16xf32> to vector<16xf32>
        %mul3A_1448 = arith.mulf %get3A_1447, %broadcast_in_dim3A_1413 : vector<16xf32>
        %swap3A_1449 = arith.index_cast %add3A_1410 : i32 to index
        %swap3A_1450 = arith.constant 48 : index
        %swap3A_1451 = tpu.vector_load %arg10[%swap3A_1449, %swap3A_1450] {strides = array<i32>} : memref<128x128xf32, #tpu.memory_space<vmem>>, vector<1x16xf32>,
        %swap3A_1452 = vector.shape_cast %swap3A_1451 : vector<1x16xf32> to vector<16xf32>
        %swap3A_1453 = vector.shape_cast %mul3A_1448 : vector<16xf32> to vector<1x16xf32>
        tpu.vector_store %arg10[%swap3A_1449, %swap3A_1450], %swap3A_1453 {strides = array<i32>} : memref<128x128xf32, #tpu.memory_space<vmem>>, vector<1x16xf32>,
        %get3A_1454 = arith.index_cast %add3A_1410 : i32 to index
        %get3A_1455 = arith.constant 64 : index
        %get3A_1456 = tpu.vector_load %arg10[%get3A_1454, %get3A_1455] {strides = array<i32>} : memref<128x128xf32, #tpu.memory_space<vmem>>, vector<1x16xf32>,
        %get3A_1457 = vector.shape_cast %get3A_1456 : vector<1x16xf32> to vector<16xf32>
        %mul3A_1458 = arith.mulf %get3A_1457, %broadcast_in_dim3A_1413 : vector<16xf32>
        %swap3A_1459 = arith.index_cast %add3A_1410 : i32 to index
        %swap3A_1460 = arith.constant 64 : index
        %swap3A_1461 = tpu.vector_load %arg10[%swap3A_1459, %swap3A_1460] {strides = array<i32>} : memref<128x128xf32, #tpu.memory_space<vmem>>, vector<1x16xf32>,
        %swap3A_1462 = vector.shape_cast %swap3A_1461 : vector<1x16xf32> to vector<16xf32>
        %swap3A_1463 = vector.shape_cast %mul3A_1458 : vector<16xf32> to vector<1x16xf32>
        tpu.vector_store %arg10[%swap3A_1459, %swap3A_1460], %swap3A_1463 {strides = array<i32>} : memref<128x128xf32, #tpu.memory_space<vmem>>, vector<1x16xf32>,
        %get3A_1464 = arith.index_cast %add3A_1410 : i32 to index
        %get3A_1465 = arith.constant 80 : index
        %get3A_1466 = tpu.vector_load %arg10[%get3A_1464, %get3A_1465] {strides = array<i32>} : memref<128x128xf32, #tpu.memory_space<vmem>>, vector<1x16xf32>,
        %get3A_1467 = vector.shape_cast %get3A_1466 : vector<1x16xf32> to vector<16xf32>
        %mul3A_1468 = arith.mulf %get3A_1467, %broadcast_in_dim3A_1413 : vector<16xf32>
        %swap3A_1469 = arith.index_cast %add3A_1410 : i32 to index
        %swap3A_1470 = arith.constant 80 : index
        %swap3A_1471 = tpu.vector_load %arg10[%swap3A_1469, %swap3A_1470] {strides = array<i32>} : memref<128x128xf32, #tpu.memory_space<vmem>>, vector<1x16xf32>,
        %swap3A_1472 = vector.shape_cast %swap3A_1471 : vector<1x16xf32> to vector<16xf32>
        %swap3A_1473 = vector.shape_cast %mul3A_1468 : vector<16xf32> to vector<1x16xf32>
        tpu.vector_store %arg10[%swap3A_1469, %swap3A_1470], %swap3A_1473 {strides = array<i32>} : memref<128x128xf32, #tpu.memory_space<vmem>>, vector<1x16xf32>,
        %get3A_1474 = arith.index_cast %add3A_1410 : i32 to index
        %get3A_1475 = arith.constant 96 : index
        %get3A_1476 = tpu.vector_load %arg10[%get3A_1474, %get3A_1475] {strides = array<i32>} : memref<128x128xf32, #tpu.memory_space<vmem>>, vector<1x16xf32>,
        %get3A_1477 = vector.shape_cast %get3A_1476 : vector<1x16xf32> to vector<16xf32>
        %mul3A_1478 = arith.mulf %get3A_1477, %broadcast_in_dim3A_1413 : vector<16xf32>
        %swap3A_1479 = arith.index_cast %add3A_1410 : i32 to index
        %swap3A_1480 = arith.constant 96 : index
        %swap3A_1481 = tpu.vector_load %arg10[%swap3A_1479, %swap3A_1480] {strides = array<i32>} : memref<128x128xf32, #tpu.memory_space<vmem>>, vector<1x16xf32>,
        %swap3A_1482 = vector.shape_cast %swap3A_1481 : vector<1x16xf32> to vector<16xf32>
        %swap3A_1483 = vector.shape_cast %mul3A_1478 : vector<16xf32> to vector<1x16xf32>
        tpu.vector_store %arg10[%swap3A_1479, %swap3A_1480], %swap3A_1483 {strides = array<i32>} : memref<128x128xf32, #tpu.memory_space<vmem>>, vector<1x16xf32>,
        %get3A_1484 = arith.index_cast %add3A_1410 : i32 to index
        %get3A_1485 = arith.constant 112 : index
        %get3A_1486 = tpu.vector_load %arg10[%get3A_1484, %get3A_1485] {strides = array<i32>} : memref<128x128xf32, #tpu.memory_space<vmem>>, vector<1x16xf32>,
        %get3A_1487 = vector.shape_cast %get3A_1486 : vector<1x16xf32> to vector<16xf32>
        %mul3A_1488 = arith.mulf %get3A_1487, %broadcast_in_dim3A_1413 : vector<16xf32>
        %swap3A_1489 = arith.index_cast %add3A_1410 : i32 to index
        %swap3A_1490 = arith.constant 112 : index
        %swap3A_1491 = tpu.vector_load %arg10[%swap3A_1489, %swap3A_1490] {strides = array<i32>} : memref<128x128xf32, #tpu.memory_space<vmem>>, vector<1x16xf32>,
        %swap3A_1492 = vector.shape_cast %swap3A_1491 : vector<1x16xf32> to vector<16xf32>
        %swap3A_1493 = vector.shape_cast %mul3A_1488 : vector<16xf32> to vector<1x16xf32>
        tpu.vector_store %arg10[%swap3A_1489, %swap3A_1490], %swap3A_1493 {strides = array<i32>} : memref<128x128xf32, #tpu.memory_space<vmem>>, vector<1x16xf32>,
        %scan3A_1494 = arith.constant 0 : i32
        scf.yield %scan3A_1494 : i32
      }
      %scan3A_97 = arith.constant 8 : i32
      "tpu.region"() ({
        %run_scoped3A = tpu.sem_alloc : memref<!tpu.dma_semaphore, #tpu.memory_space<semaphore_mem>>
        %dma_start3A_99 = arith.constant 0 : i32
        %dma_start3A_100 = arith.constant 0 : i32
        %dma_start3A_101 = tpu.memref_slice %arg11[%dma_start3A_99, %dma_start3A_100] : memref<10000x128xf32, #tpu.memory_space<vmem_shared>> -> memref<10000x128xf32, #tpu.memory_space<vmem_shared>>
        tpu.enqueue_indirect_dma source(%arg10 : memref<128x128xf32, #tpu.memory_space<vmem>>) target(%dma_start3A_101 : memref<10000x128xf32, #tpu.memory_space<vmem_shared>>) offsets(%arg8 : memref<128xi32, #tpu.memory_space<vmem>>) semaphore(%run_scoped3A : memref<!tpu.dma_semaphore, #tpu.memory_space<semaphore_mem>>) {add = true}
        %dma_wait3A_102 = arith.constant 0 : i32
        %dma_wait3A_103 = arith.constant 0 : i32
        %dma_wait3A_104 = tpu.memref_slice %arg11[%dma_wait3A_102, %dma_wait3A_103] : memref<10000x128xf32, #tpu.memory_space<vmem_shared>> -> memref<10000x128xf32, #tpu.memory_space<vmem_shared>>
        tpu.wait_indirect_dma semaphore(%run_scoped3A : memref<!tpu.dma_semaphore, #tpu.memory_space<semaphore_mem>>) src(%arg10 : memref<128x128xf32, #tpu.memory_space<vmem>>) dst(%dma_wait3A_104 : memref<10000x128xf32, #tpu.memory_space<vmem_shared>>)
        tpu.yield
      }) : () -> ()
      %while3A_98 = arith.constant 0 : i32
      scf.yield %while3A_98 : i32
    }
    %while3A_39 = arith.constant 1 : i32
    %while3A_40 = scf.for %while3A_70 = %while3A_36 to %while3A_32 step %while3A_39 iter_args(%while3A_71 = %while3A_38) -> (i32)  : i32 {
      %add3A_72 = arith.addi %add3A_25, %while3A_70 : i32
      %mul3A_73 = arith.constant 128 : i32
      %mul3A_74 = arith.muli %add3A_72, %mul3A_73 : i32
      %dma_start3A = tpu.memref_slice %arg4[%mul3A_74] : memref<320000xi32, #tpu.memory_space<hbm>> -> memref<128xi32, #tpu.memory_space<hbm>>
      %dma_start3A_75 = tpu.memref_slice %arg4[%mul3A_74] : memref<320000xi32, #tpu.memory_space<hbm>> -> memref<128xi32, #tpu.memory_space<hbm>>
      tpu.enqueue_dma source(%dma_start3A_75 : memref<128xi32, #tpu.memory_space<hbm>>) target(%arg7 : memref<128xi32, #tpu.memory_space<vmem>>) target_semaphore(%arg13 : memref<!tpu.dma_semaphore, #tpu.memory_space<semaphore_mem>>)
      %dma_start3A_76 = tpu.memref_slice %arg3[%mul3A_74] : memref<320000xi32, #tpu.memory_space<hbm>> -> memref<128xi32, #tpu.memory_space<hbm>>
      %dma_start3A_77 = tpu.memref_slice %arg3[%mul3A_74] : memref<320000xi32, #tpu.memory_space<hbm>> -> memref<128xi32, #tpu.memory_space<hbm>>
      tpu.enqueue_dma source(%dma_start3A_77 : memref<128xi32, #tpu.memory_space<hbm>>) target(%arg8 : memref<128xi32, #tpu.memory_space<vmem>>) target_semaphore(%arg14 : memref<!tpu.dma_semaphore, #tpu.memory_space<semaphore_mem>>)
      %dma_start3A_78 = tpu.memref_slice %arg5[%mul3A_74] : memref<320000xf32, #tpu.memory_space<hbm>> -> memref<128xf32, #tpu.memory_space<hbm>>
      %dma_start3A_79 = tpu.memref_slice %arg5[%mul3A_74] : memref<320000xf32, #tpu.memory_space<hbm>> -> memref<128xf32, #tpu.memory_space<hbm>>
      tpu.enqueue_dma source(%dma_start3A_79 : memref<128xf32, #tpu.memory_space<hbm>>) target(%arg9 : memref<128xf32, #tpu.memory_space<vmem>>) target_semaphore(%arg15 : memref<!tpu.dma_semaphore, #tpu.memory_space<semaphore_mem>>)
      %dma_wait3A = tpu.memref_slice %arg4[%mul3A_74] : memref<320000xi32, #tpu.memory_space<hbm>> -> memref<128xi32, #tpu.memory_space<hbm>>
      %dma_wait3A_80 = tpu.memref_slice %arg4[%mul3A_74] : memref<320000xi32, #tpu.memory_space<hbm>> -> memref<128xi32, #tpu.memory_space<hbm>>
      tpu.wait_dma2 semaphore(%arg13 : memref<!tpu.dma_semaphore, #tpu.memory_space<semaphore_mem>>) src(%dma_wait3A_80 : memref<128xi32, #tpu.memory_space<hbm>>) dst(%arg7 : memref<128xi32, #tpu.memory_space<vmem>>)
      %dma_wait3A_81 = tpu.memref_slice %arg3[%mul3A_74] : memref<320000xi32, #tpu.memory_space<hbm>> -> memref<128xi32, #tpu.memory_space<hbm>>
      %dma_wait3A_82 = tpu.memref_slice %arg3[%mul3A_74] : memref<320000xi32, #tpu.memory_space<hbm>> -> memref<128xi32, #tpu.memory_space<hbm>>
      tpu.wait_dma2 semaphore(%arg14 : memref<!tpu.dma_semaphore, #tpu.memory_space<semaphore_mem>>) src(%dma_wait3A_82 : memref<128xi32, #tpu.memory_space<hbm>>) dst(%arg8 : memref<128xi32, #tpu.memory_space<vmem>>)
      %dma_wait3A_83 = tpu.memref_slice %arg5[%mul3A_74] : memref<320000xf32, #tpu.memory_space<hbm>> -> memref<128xf32, #tpu.memory_space<hbm>>
      %dma_wait3A_84 = tpu.memref_slice %arg5[%mul3A_74] : memref<320000xf32, #tpu.memory_space<hbm>> -> memref<128xf32, #tpu.memory_space<hbm>>
      tpu.wait_dma2 semaphore(%arg15 : memref<!tpu.dma_semaphore, #tpu.memory_space<semaphore_mem>>) src(%dma_wait3A_84 : memref<128xf32, #tpu.memory_space<hbm>>) dst(%arg9 : memref<128xf32, #tpu.memory_space<vmem>>)
      %dma_start3A_85 = arith.constant 0 : i32
      %dma_start3A_86 = arith.constant 0 : i32
      %dma_start3A_87 = tpu.memref_slice %arg2[%dma_start3A_85, %dma_start3A_86] : memref<10000x128xf32, #tpu.memory_space<hbm>> -> memref<10000x128xf32, #tpu.memory_space<hbm>>
      tpu.enqueue_indirect_dma source(%dma_start3A_87 : memref<10000x128xf32, #tpu.memory_space<hbm>>) target(%arg10 : memref<128x128xf32, #tpu.memory_space<vmem>>) offsets(%arg7 : memref<128xi32, #tpu.memory_space<vmem>>) semaphore(%arg12 : memref<!tpu.dma_semaphore, #tpu.memory_space<semaphore_mem>>)
      %dma_wait3A_88 = arith.constant 0 : i32
      %dma_wait3A_89 = arith.constant 0 : i32
      %dma_wait3A_90 = tpu.memref_slice %arg2[%dma_wait3A_88, %dma_wait3A_89] : memref<10000x128xf32, #tpu.memory_space<hbm>> -> memref<10000x128xf32, #tpu.memory_space<hbm>>
      tpu.wait_indirect_dma semaphore(%arg12 : memref<!tpu.dma_semaphore, #tpu.memory_space<semaphore_mem>>) src(%dma_wait3A_90 : memref<10000x128xf32, #tpu.memory_space<hbm>>) dst(%arg10 : memref<128x128xf32, #tpu.memory_space<vmem>>)
      %scan3A_91 = arith.constant 0 : i32
      %scan3A_92 = arith.constant 0 : i32
      %scan3A_93 = arith.constant 8 : i32
      %scan3A_94 = arith.addi %scan3A_92, %scan3A_93 : i32
      %scan3A_95 = arith.constant 1 : i32
      %scan3A_96 = scf.for %scan3A_99 = %scan3A_92 to %scan3A_94 step %scan3A_95 iter_args(%scan3A_100 = %scan3A_91) -> (i32)  : i32 {
        %mul3A_101 = arith.constant 16 : i32
        %mul3A_102 = arith.muli %scan3A_99, %mul3A_101 : i32
        %get3A = arith.index_cast %mul3A_102 : i32 to index
        %get3A_103 = tpu.vector_load %arg9[%get3A] {strides = array<i32>} : memref<128xf32, #tpu.memory_space<vmem>>, vector<16xf32>,
        %get3A_104 = vector.shape_cast %get3A_103 : vector<16xf32> to vector<16xf32>
        %mul3A_105 = arith.constant 16 : i32
        %mul3A_106 = arith.muli %scan3A_99, %mul3A_105 : i32
        %add3A_107 = arith.constant 0 : i32
        %add3A_108 = arith.addi %mul3A_106, %add3A_107 : i32
        %slice3A = vector.extract_strided_slice %get3A_104 {offsets = [0], sizes = [1], strides = [1]} : vector<16xf32> to vector<1xf32>
        %squeeze3A = vector.extract %slice3A[0] : f32 from vector<1xf32>
        %broadcast_in_dim3A_109 = vector.broadcast %squeeze3A : f32 to vector<16xf32>
        %get3A_110 = arith.index_cast %add3A_108 : i32 to index
        %get3A_111 = arith.constant 0 : index
        %get3A_112 = tpu.vector_load %arg10[%get3A_110, %get3A_111] {strides = array<i32>} : memref<128x128xf32, #tpu.memory_space<vmem>>, vector<1x16xf32>,
        %get3A_113 = vector.shape_cast %get3A_112 : vector<1x16xf32> to vector<16xf32>
        %mul3A_114 = arith.mulf %get3A_113, %broadcast_in_dim3A_109 : vector<16xf32>
        %swap3A = arith.index_cast %add3A_108 : i32 to index
        %swap3A_115 = arith.constant 0 : index
        %swap3A_116 = tpu.vector_load %arg10[%swap3A, %swap3A_115] {strides = array<i32>} : memref<128x128xf32, #tpu.memory_space<vmem>>, vector<1x16xf32>,
        %swap3A_117 = vector.shape_cast %swap3A_116 : vector<1x16xf32> to vector<16xf32>
        %swap3A_118 = vector.shape_cast %mul3A_114 : vector<16xf32> to vector<1x16xf32>
        tpu.vector_store %arg10[%swap3A, %swap3A_115], %swap3A_118 {strides = array<i32>} : memref<128x128xf32, #tpu.memory_space<vmem>>, vector<1x16xf32>,
        %get3A_119 = arith.index_cast %add3A_108 : i32 to index
        %get3A_120 = arith.constant 16 : index
        %get3A_121 = tpu.vector_load %arg10[%get3A_119, %get3A_120] {strides = array<i32>} : memref<128x128xf32, #tpu.memory_space<vmem>>, vector<1x16xf32>,
        %get3A_122 = vector.shape_cast %get3A_121 : vector<1x16xf32> to vector<16xf32>
        %mul3A_123 = arith.mulf %get3A_122, %broadcast_in_dim3A_109 : vector<16xf32>
        %swap3A_124 = arith.index_cast %add3A_108 : i32 to index
        %swap3A_125 = arith.constant 16 : index
        %swap3A_126 = tpu.vector_load %arg10[%swap3A_124, %swap3A_125] {strides = array<i32>} : memref<128x128xf32, #tpu.memory_space<vmem>>, vector<1x16xf32>,
        %swap3A_127 = vector.shape_cast %swap3A_126 : vector<1x16xf32> to vector<16xf32>
        %swap3A_128 = vector.shape_cast %mul3A_123 : vector<16xf32> to vector<1x16xf32>
        tpu.vector_store %arg10[%swap3A_124, %swap3A_125], %swap3A_128 {strides = array<i32>} : memref<128x128xf32, #tpu.memory_space<vmem>>, vector<1x16xf32>,
        %get3A_129 = arith.index_cast %add3A_108 : i32 to index
        %get3A_130 = arith.constant 32 : index
        %get3A_131 = tpu.vector_load %arg10[%get3A_129, %get3A_130] {strides = array<i32>} : memref<128x128xf32, #tpu.memory_space<vmem>>, vector<1x16xf32>,
        %get3A_132 = vector.shape_cast %get3A_131 : vector<1x16xf32> to vector<16xf32>
        %mul3A_133 = arith.mulf %get3A_132, %broadcast_in_dim3A_109 : vector<16xf32>
        %swap3A_134 = arith.index_cast %add3A_108 : i32 to index
        %swap3A_135 = arith.constant 32 : index
        %swap3A_136 = tpu.vector_load %arg10[%swap3A_134, %swap3A_135] {strides = array<i32>} : memref<128x128xf32, #tpu.memory_space<vmem>>, vector<1x16xf32>,
        %swap3A_137 = vector.shape_cast %swap3A_136 : vector<1x16xf32> to vector<16xf32>
        %swap3A_138 = vector.shape_cast %mul3A_133 : vector<16xf32> to vector<1x16xf32>
        tpu.vector_store %arg10[%swap3A_134, %swap3A_135], %swap3A_138 {strides = array<i32>} : memref<128x128xf32, #tpu.memory_space<vmem>>, vector<1x16xf32>,
        %get3A_139 = arith.index_cast %add3A_108 : i32 to index
        %get3A_140 = arith.constant 48 : index
        %get3A_141 = tpu.vector_load %arg10[%get3A_139, %get3A_140] {strides = array<i32>} : memref<128x128xf32, #tpu.memory_space<vmem>>, vector<1x16xf32>,
        %get3A_142 = vector.shape_cast %get3A_141 : vector<1x16xf32> to vector<16xf32>
        %mul3A_143 = arith.mulf %get3A_142, %broadcast_in_dim3A_109 : vector<16xf32>
        %swap3A_144 = arith.index_cast %add3A_108 : i32 to index
        %swap3A_145 = arith.constant 48 : index
        %swap3A_146 = tpu.vector_load %arg10[%swap3A_144, %swap3A_145] {strides = array<i32>} : memref<128x128xf32, #tpu.memory_space<vmem>>, vector<1x16xf32>,
        %swap3A_147 = vector.shape_cast %swap3A_146 : vector<1x16xf32> to vector<16xf32>
        %swap3A_148 = vector.shape_cast %mul3A_143 : vector<16xf32> to vector<1x16xf32>
        tpu.vector_store %arg10[%swap3A_144, %swap3A_145], %swap3A_148 {strides = array<i32>} : memref<128x128xf32, #tpu.memory_space<vmem>>, vector<1x16xf32>,
        %get3A_149 = arith.index_cast %add3A_108 : i32 to index
        %get3A_150 = arith.constant 64 : index
        %get3A_151 = tpu.vector_load %arg10[%get3A_149, %get3A_150] {strides = array<i32>} : memref<128x128xf32, #tpu.memory_space<vmem>>, vector<1x16xf32>,
        %get3A_152 = vector.shape_cast %get3A_151 : vector<1x16xf32> to vector<16xf32>
        %mul3A_153 = arith.mulf %get3A_152, %broadcast_in_dim3A_109 : vector<16xf32>
        %swap3A_154 = arith.index_cast %add3A_108 : i32 to index
        %swap3A_155 = arith.constant 64 : index
        %swap3A_156 = tpu.vector_load %arg10[%swap3A_154, %swap3A_155] {strides = array<i32>} : memref<128x128xf32, #tpu.memory_space<vmem>>, vector<1x16xf32>,
        %swap3A_157 = vector.shape_cast %swap3A_156 : vector<1x16xf32> to vector<16xf32>
        %swap3A_158 = vector.shape_cast %mul3A_153 : vector<16xf32> to vector<1x16xf32>
        tpu.vector_store %arg10[%swap3A_154, %swap3A_155], %swap3A_158 {strides = array<i32>} : memref<128x128xf32, #tpu.memory_space<vmem>>, vector<1x16xf32>,
        %get3A_159 = arith.index_cast %add3A_108 : i32 to index
        %get3A_160 = arith.constant 80 : index
        %get3A_161 = tpu.vector_load %arg10[%get3A_159, %get3A_160] {strides = array<i32>} : memref<128x128xf32, #tpu.memory_space<vmem>>, vector<1x16xf32>,
        %get3A_162 = vector.shape_cast %get3A_161 : vector<1x16xf32> to vector<16xf32>
        %mul3A_163 = arith.mulf %get3A_162, %broadcast_in_dim3A_109 : vector<16xf32>
        %swap3A_164 = arith.index_cast %add3A_108 : i32 to index
        %swap3A_165 = arith.constant 80 : index
        %swap3A_166 = tpu.vector_load %arg10[%swap3A_164, %swap3A_165] {strides = array<i32>} : memref<128x128xf32, #tpu.memory_space<vmem>>, vector<1x16xf32>,
        %swap3A_167 = vector.shape_cast %swap3A_166 : vector<1x16xf32> to vector<16xf32>
        %swap3A_168 = vector.shape_cast %mul3A_163 : vector<16xf32> to vector<1x16xf32>
        tpu.vector_store %arg10[%swap3A_164, %swap3A_165], %swap3A_168 {strides = array<i32>} : memref<128x128xf32, #tpu.memory_space<vmem>>, vector<1x16xf32>,
        %get3A_169 = arith.index_cast %add3A_108 : i32 to index
        %get3A_170 = arith.constant 96 : index
        %get3A_171 = tpu.vector_load %arg10[%get3A_169, %get3A_170] {strides = array<i32>} : memref<128x128xf32, #tpu.memory_space<vmem>>, vector<1x16xf32>,
        %get3A_172 = vector.shape_cast %get3A_171 : vector<1x16xf32> to vector<16xf32>
        %mul3A_173 = arith.mulf %get3A_172, %broadcast_in_dim3A_109 : vector<16xf32>
        %swap3A_174 = arith.index_cast %add3A_108 : i32 to index
        %swap3A_175 = arith.constant 96 : index
        %swap3A_176 = tpu.vector_load %arg10[%swap3A_174, %swap3A_175] {strides = array<i32>} : memref<128x128xf32, #tpu.memory_space<vmem>>, vector<1x16xf32>,
        %swap3A_177 = vector.shape_cast %swap3A_176 : vector<1x16xf32> to vector<16xf32>
        %swap3A_178 = vector.shape_cast %mul3A_173 : vector<16xf32> to vector<1x16xf32>
        tpu.vector_store %arg10[%swap3A_174, %swap3A_175], %swap3A_178 {strides = array<i32>} : memref<128x128xf32, #tpu.memory_space<vmem>>, vector<1x16xf32>,
        %get3A_179 = arith.index_cast %add3A_108 : i32 to index
        %get3A_180 = arith.constant 112 : index
        %get3A_181 = tpu.vector_load %arg10[%get3A_179, %get3A_180] {strides = array<i32>} : memref<128x128xf32, #tpu.memory_space<vmem>>, vector<1x16xf32>,
        %get3A_182 = vector.shape_cast %get3A_181 : vector<1x16xf32> to vector<16xf32>
        %mul3A_183 = arith.mulf %get3A_182, %broadcast_in_dim3A_109 : vector<16xf32>
        %swap3A_184 = arith.index_cast %add3A_108 : i32 to index
        %swap3A_185 = arith.constant 112 : index
        %swap3A_186 = tpu.vector_load %arg10[%swap3A_184, %swap3A_185] {strides = array<i32>} : memref<128x128xf32, #tpu.memory_space<vmem>>, vector<1x16xf32>,
        %swap3A_187 = vector.shape_cast %swap3A_186 : vector<1x16xf32> to vector<16xf32>
        %swap3A_188 = vector.shape_cast %mul3A_183 : vector<16xf32> to vector<1x16xf32>
        tpu.vector_store %arg10[%swap3A_184, %swap3A_185], %swap3A_188 {strides = array<i32>} : memref<128x128xf32, #tpu.memory_space<vmem>>, vector<1x16xf32>,
        %mul3A_189 = arith.constant 16 : i32
        %mul3A_190 = arith.muli %scan3A_99, %mul3A_189 : i32
        %add3A_191 = arith.constant 1 : i32
        %add3A_192 = arith.addi %mul3A_190, %add3A_191 : i32
        %slice3A_193 = vector.extract_strided_slice %get3A_104 {offsets = [1], sizes = [1], strides = [1]} : vector<16xf32> to vector<1xf32>
        %squeeze3A_194 = vector.extract %slice3A_193[0] : f32 from vector<1xf32>
        %broadcast_in_dim3A_195 = vector.broadcast %squeeze3A_194 : f32 to vector<16xf32>
        %get3A_196 = arith.index_cast %add3A_192 : i32 to index
        %get3A_197 = arith.constant 0 : index
        %get3A_198 = tpu.vector_load %arg10[%get3A_196, %get3A_197] {strides = array<i32>} : memref<128x128xf32, #tpu.memory_space<vmem>>, vector<1x16xf32>,
        %get3A_199 = vector.shape_cast %get3A_198 : vector<1x16xf32> to vector<16xf32>
        %mul3A_200 = arith.mulf %get3A_199, %broadcast_in_dim3A_195 : vector<16xf32>
        %swap3A_201 = arith.index_cast %add3A_192 : i32 to index
        %swap3A_202 = arith.constant 0 : index
        %swap3A_203 = tpu.vector_load %arg10[%swap3A_201, %swap3A_202] {strides = array<i32>} : memref<128x128xf32, #tpu.memory_space<vmem>>, vector<1x16xf32>,
        %swap3A_204 = vector.shape_cast %swap3A_203 : vector<1x16xf32> to vector<16xf32>
        %swap3A_205 = vector.shape_cast %mul3A_200 : vector<16xf32> to vector<1x16xf32>
        tpu.vector_store %arg10[%swap3A_201, %swap3A_202], %swap3A_205 {strides = array<i32>} : memref<128x128xf32, #tpu.memory_space<vmem>>, vector<1x16xf32>,
        %get3A_206 = arith.index_cast %add3A_192 : i32 to index
        %get3A_207 = arith.constant 16 : index
        %get3A_208 = tpu.vector_load %arg10[%get3A_206, %get3A_207] {strides = array<i32>} : memref<128x128xf32, #tpu.memory_space<vmem>>, vector<1x16xf32>,
        %get3A_209 = vector.shape_cast %get3A_208 : vector<1x16xf32> to vector<16xf32>
        %mul3A_210 = arith.mulf %get3A_209, %broadcast_in_dim3A_195 : vector<16xf32>
        %swap3A_211 = arith.index_cast %add3A_192 : i32 to index
        %swap3A_212 = arith.constant 16 : index
        %swap3A_213 = tpu.vector_load %arg10[%swap3A_211, %swap3A_212] {strides = array<i32>} : memref<128x128xf32, #tpu.memory_space<vmem>>, vector<1x16xf32>,
        %swap3A_214 = vector.shape_cast %swap3A_213 : vector<1x16xf32> to vector<16xf32>
        %swap3A_215 = vector.shape_cast %mul3A_210 : vector<16xf32> to vector<1x16xf32>
        tpu.vector_store %arg10[%swap3A_211, %swap3A_212], %swap3A_215 {strides = array<i32>} : memref<128x128xf32, #tpu.memory_space<vmem>>, vector<1x16xf32>,
        %get3A_216 = arith.index_cast %add3A_192 : i32 to index
        %get3A_217 = arith.constant 32 : index
        %get3A_218 = tpu.vector_load %arg10[%get3A_216, %get3A_217] {strides = array<i32>} : memref<128x128xf32, #tpu.memory_space<vmem>>, vector<1x16xf32>,
        %get3A_219 = vector.shape_cast %get3A_218 : vector<1x16xf32> to vector<16xf32>
        %mul3A_220 = arith.mulf %get3A_219, %broadcast_in_dim3A_195 : vector<16xf32>
        %swap3A_221 = arith.index_cast %add3A_192 : i32 to index
        %swap3A_222 = arith.constant 32 : index
        %swap3A_223 = tpu.vector_load %arg10[%swap3A_221, %swap3A_222] {strides = array<i32>} : memref<128x128xf32, #tpu.memory_space<vmem>>, vector<1x16xf32>,
        %swap3A_224 = vector.shape_cast %swap3A_223 : vector<1x16xf32> to vector<16xf32>
        %swap3A_225 = vector.shape_cast %mul3A_220 : vector<16xf32> to vector<1x16xf32>
        tpu.vector_store %arg10[%swap3A_221, %swap3A_222], %swap3A_225 {strides = array<i32>} : memref<128x128xf32, #tpu.memory_space<vmem>>, vector<1x16xf32>,
        %get3A_226 = arith.index_cast %add3A_192 : i32 to index
        %get3A_227 = arith.constant 48 : index
        %get3A_228 = tpu.vector_load %arg10[%get3A_226, %get3A_227] {strides = array<i32>} : memref<128x128xf32, #tpu.memory_space<vmem>>, vector<1x16xf32>,
        %get3A_229 = vector.shape_cast %get3A_228 : vector<1x16xf32> to vector<16xf32>
        %mul3A_230 = arith.mulf %get3A_229, %broadcast_in_dim3A_195 : vector<16xf32>
        %swap3A_231 = arith.index_cast %add3A_192 : i32 to index
        %swap3A_232 = arith.constant 48 : index
        %swap3A_233 = tpu.vector_load %arg10[%swap3A_231, %swap3A_232] {strides = array<i32>} : memref<128x128xf32, #tpu.memory_space<vmem>>, vector<1x16xf32>,
        %swap3A_234 = vector.shape_cast %swap3A_233 : vector<1x16xf32> to vector<16xf32>
        %swap3A_235 = vector.shape_cast %mul3A_230 : vector<16xf32> to vector<1x16xf32>
        tpu.vector_store %arg10[%swap3A_231, %swap3A_232], %swap3A_235 {strides = array<i32>} : memref<128x128xf32, #tpu.memory_space<vmem>>, vector<1x16xf32>,
        %get3A_236 = arith.index_cast %add3A_192 : i32 to index
        %get3A_237 = arith.constant 64 : index
        %get3A_238 = tpu.vector_load %arg10[%get3A_236, %get3A_237] {strides = array<i32>} : memref<128x128xf32, #tpu.memory_space<vmem>>, vector<1x16xf32>,
        %get3A_239 = vector.shape_cast %get3A_238 : vector<1x16xf32> to vector<16xf32>
        %mul3A_240 = arith.mulf %get3A_239, %broadcast_in_dim3A_195 : vector<16xf32>
        %swap3A_241 = arith.index_cast %add3A_192 : i32 to index
        %swap3A_242 = arith.constant 64 : index
        %swap3A_243 = tpu.vector_load %arg10[%swap3A_241, %swap3A_242] {strides = array<i32>} : memref<128x128xf32, #tpu.memory_space<vmem>>, vector<1x16xf32>,
        %swap3A_244 = vector.shape_cast %swap3A_243 : vector<1x16xf32> to vector<16xf32>
        %swap3A_245 = vector.shape_cast %mul3A_240 : vector<16xf32> to vector<1x16xf32>
        tpu.vector_store %arg10[%swap3A_241, %swap3A_242], %swap3A_245 {strides = array<i32>} : memref<128x128xf32, #tpu.memory_space<vmem>>, vector<1x16xf32>,
        %get3A_246 = arith.index_cast %add3A_192 : i32 to index
        %get3A_247 = arith.constant 80 : index
        %get3A_248 = tpu.vector_load %arg10[%get3A_246, %get3A_247] {strides = array<i32>} : memref<128x128xf32, #tpu.memory_space<vmem>>, vector<1x16xf32>,
        %get3A_249 = vector.shape_cast %get3A_248 : vector<1x16xf32> to vector<16xf32>
        %mul3A_250 = arith.mulf %get3A_249, %broadcast_in_dim3A_195 : vector<16xf32>
        %swap3A_251 = arith.index_cast %add3A_192 : i32 to index
        %swap3A_252 = arith.constant 80 : index
        %swap3A_253 = tpu.vector_load %arg10[%swap3A_251, %swap3A_252] {strides = array<i32>} : memref<128x128xf32, #tpu.memory_space<vmem>>, vector<1x16xf32>,
        %swap3A_254 = vector.shape_cast %swap3A_253 : vector<1x16xf32> to vector<16xf32>
        %swap3A_255 = vector.shape_cast %mul3A_250 : vector<16xf32> to vector<1x16xf32>
        tpu.vector_store %arg10[%swap3A_251, %swap3A_252], %swap3A_255 {strides = array<i32>} : memref<128x128xf32, #tpu.memory_space<vmem>>, vector<1x16xf32>,
        %get3A_256 = arith.index_cast %add3A_192 : i32 to index
        %get3A_257 = arith.constant 96 : index
        %get3A_258 = tpu.vector_load %arg10[%get3A_256, %get3A_257] {strides = array<i32>} : memref<128x128xf32, #tpu.memory_space<vmem>>, vector<1x16xf32>,
        %get3A_259 = vector.shape_cast %get3A_258 : vector<1x16xf32> to vector<16xf32>
        %mul3A_260 = arith.mulf %get3A_259, %broadcast_in_dim3A_195 : vector<16xf32>
        %swap3A_261 = arith.index_cast %add3A_192 : i32 to index
        %swap3A_262 = arith.constant 96 : index
        %swap3A_263 = tpu.vector_load %arg10[%swap3A_261, %swap3A_262] {strides = array<i32>} : memref<128x128xf32, #tpu.memory_space<vmem>>, vector<1x16xf32>,
        %swap3A_264 = vector.shape_cast %swap3A_263 : vector<1x16xf32> to vector<16xf32>
        %swap3A_265 = vector.shape_cast %mul3A_260 : vector<16xf32> to vector<1x16xf32>
        tpu.vector_store %arg10[%swap3A_261, %swap3A_262], %swap3A_265 {strides = array<i32>} : memref<128x128xf32, #tpu.memory_space<vmem>>, vector<1x16xf32>,
        %get3A_266 = arith.index_cast %add3A_192 : i32 to index
        %get3A_267 = arith.constant 112 : index
        %get3A_268 = tpu.vector_load %arg10[%get3A_266, %get3A_267] {strides = array<i32>} : memref<128x128xf32, #tpu.memory_space<vmem>>, vector<1x16xf32>,
        %get3A_269 = vector.shape_cast %get3A_268 : vector<1x16xf32> to vector<16xf32>
        %mul3A_270 = arith.mulf %get3A_269, %broadcast_in_dim3A_195 : vector<16xf32>
        %swap3A_271 = arith.index_cast %add3A_192 : i32 to index
        %swap3A_272 = arith.constant 112 : index
        %swap3A_273 = tpu.vector_load %arg10[%swap3A_271, %swap3A_272] {strides = array<i32>} : memref<128x128xf32, #tpu.memory_space<vmem>>, vector<1x16xf32>,
        %swap3A_274 = vector.shape_cast %swap3A_273 : vector<1x16xf32> to vector<16xf32>
        %swap3A_275 = vector.shape_cast %mul3A_270 : vector<16xf32> to vector<1x16xf32>
        tpu.vector_store %arg10[%swap3A_271, %swap3A_272], %swap3A_275 {strides = array<i32>} : memref<128x128xf32, #tpu.memory_space<vmem>>, vector<1x16xf32>,
        %mul3A_276 = arith.constant 16 : i32
        %mul3A_277 = arith.muli %scan3A_99, %mul3A_276 : i32
        %add3A_278 = arith.constant 2 : i32
        %add3A_279 = arith.addi %mul3A_277, %add3A_278 : i32
        %slice3A_280 = vector.extract_strided_slice %get3A_104 {offsets = [2], sizes = [1], strides = [1]} : vector<16xf32> to vector<1xf32>
        %squeeze3A_281 = vector.extract %slice3A_280[0] : f32 from vector<1xf32>
        %broadcast_in_dim3A_282 = vector.broadcast %squeeze3A_281 : f32 to vector<16xf32>
        %get3A_283 = arith.index_cast %add3A_279 : i32 to index
        %get3A_284 = arith.constant 0 : index
        %get3A_285 = tpu.vector_load %arg10[%get3A_283, %get3A_284] {strides = array<i32>} : memref<128x128xf32, #tpu.memory_space<vmem>>, vector<1x16xf32>,
        %get3A_286 = vector.shape_cast %get3A_285 : vector<1x16xf32> to vector<16xf32>
        %mul3A_287 = arith.mulf %get3A_286, %broadcast_in_dim3A_282 : vector<16xf32>
        %swap3A_288 = arith.index_cast %add3A_279 : i32 to index
        %swap3A_289 = arith.constant 0 : index
        %swap3A_290 = tpu.vector_load %arg10[%swap3A_288, %swap3A_289] {strides = array<i32>} : memref<128x128xf32, #tpu.memory_space<vmem>>, vector<1x16xf32>,
        %swap3A_291 = vector.shape_cast %swap3A_290 : vector<1x16xf32> to vector<16xf32>
        %swap3A_292 = vector.shape_cast %mul3A_287 : vector<16xf32> to vector<1x16xf32>
        tpu.vector_store %arg10[%swap3A_288, %swap3A_289], %swap3A_292 {strides = array<i32>} : memref<128x128xf32, #tpu.memory_space<vmem>>, vector<1x16xf32>,
        %get3A_293 = arith.index_cast %add3A_279 : i32 to index
        %get3A_294 = arith.constant 16 : index
        %get3A_295 = tpu.vector_load %arg10[%get3A_293, %get3A_294] {strides = array<i32>} : memref<128x128xf32, #tpu.memory_space<vmem>>, vector<1x16xf32>,
        %get3A_296 = vector.shape_cast %get3A_295 : vector<1x16xf32> to vector<16xf32>
        %mul3A_297 = arith.mulf %get3A_296, %broadcast_in_dim3A_282 : vector<16xf32>
        %swap3A_298 = arith.index_cast %add3A_279 : i32 to index
        %swap3A_299 = arith.constant 16 : index
        %swap3A_300 = tpu.vector_load %arg10[%swap3A_298, %swap3A_299] {strides = array<i32>} : memref<128x128xf32, #tpu.memory_space<vmem>>, vector<1x16xf32>,
        %swap3A_301 = vector.shape_cast %swap3A_300 : vector<1x16xf32> to vector<16xf32>
        %swap3A_302 = vector.shape_cast %mul3A_297 : vector<16xf32> to vector<1x16xf32>
        tpu.vector_store %arg10[%swap3A_298, %swap3A_299], %swap3A_302 {strides = array<i32>} : memref<128x128xf32, #tpu.memory_space<vmem>>, vector<1x16xf32>,
        %get3A_303 = arith.index_cast %add3A_279 : i32 to index
        %get3A_304 = arith.constant 32 : index
        %get3A_305 = tpu.vector_load %arg10[%get3A_303, %get3A_304] {strides = array<i32>} : memref<128x128xf32, #tpu.memory_space<vmem>>, vector<1x16xf32>,
        %get3A_306 = vector.shape_cast %get3A_305 : vector<1x16xf32> to vector<16xf32>
        %mul3A_307 = arith.mulf %get3A_306, %broadcast_in_dim3A_282 : vector<16xf32>
        %swap3A_308 = arith.index_cast %add3A_279 : i32 to index
        %swap3A_309 = arith.constant 32 : index
        %swap3A_310 = tpu.vector_load %arg10[%swap3A_308, %swap3A_309] {strides = array<i32>} : memref<128x128xf32, #tpu.memory_space<vmem>>, vector<1x16xf32>,
        %swap3A_311 = vector.shape_cast %swap3A_310 : vector<1x16xf32> to vector<16xf32>
        %swap3A_312 = vector.shape_cast %mul3A_307 : vector<16xf32> to vector<1x16xf32>
        tpu.vector_store %arg10[%swap3A_308, %swap3A_309], %swap3A_312 {strides = array<i32>} : memref<128x128xf32, #tpu.memory_space<vmem>>, vector<1x16xf32>,
        %get3A_313 = arith.index_cast %add3A_279 : i32 to index
        %get3A_314 = arith.constant 48 : index
        %get3A_315 = tpu.vector_load %arg10[%get3A_313, %get3A_314] {strides = array<i32>} : memref<128x128xf32, #tpu.memory_space<vmem>>, vector<1x16xf32>,
        %get3A_316 = vector.shape_cast %get3A_315 : vector<1x16xf32> to vector<16xf32>
        %mul3A_317 = arith.mulf %get3A_316, %broadcast_in_dim3A_282 : vector<16xf32>
        %swap3A_318 = arith.index_cast %add3A_279 : i32 to index
        %swap3A_319 = arith.constant 48 : index
        %swap3A_320 = tpu.vector_load %arg10[%swap3A_318, %swap3A_319] {strides = array<i32>} : memref<128x128xf32, #tpu.memory_space<vmem>>, vector<1x16xf32>,
        %swap3A_321 = vector.shape_cast %swap3A_320 : vector<1x16xf32> to vector<16xf32>
        %swap3A_322 = vector.shape_cast %mul3A_317 : vector<16xf32> to vector<1x16xf32>
        tpu.vector_store %arg10[%swap3A_318, %swap3A_319], %swap3A_322 {strides = array<i32>} : memref<128x128xf32, #tpu.memory_space<vmem>>, vector<1x16xf32>,
        %get3A_323 = arith.index_cast %add3A_279 : i32 to index
        %get3A_324 = arith.constant 64 : index
        %get3A_325 = tpu.vector_load %arg10[%get3A_323, %get3A_324] {strides = array<i32>} : memref<128x128xf32, #tpu.memory_space<vmem>>, vector<1x16xf32>,
        %get3A_326 = vector.shape_cast %get3A_325 : vector<1x16xf32> to vector<16xf32>
        %mul3A_327 = arith.mulf %get3A_326, %broadcast_in_dim3A_282 : vector<16xf32>
        %swap3A_328 = arith.index_cast %add3A_279 : i32 to index
        %swap3A_329 = arith.constant 64 : index
        %swap3A_330 = tpu.vector_load %arg10[%swap3A_328, %swap3A_329] {strides = array<i32>} : memref<128x128xf32, #tpu.memory_space<vmem>>, vector<1x16xf32>,
        %swap3A_331 = vector.shape_cast %swap3A_330 : vector<1x16xf32> to vector<16xf32>
        %swap3A_332 = vector.shape_cast %mul3A_327 : vector<16xf32> to vector<1x16xf32>
        tpu.vector_store %arg10[%swap3A_328, %swap3A_329], %swap3A_332 {strides = array<i32>} : memref<128x128xf32, #tpu.memory_space<vmem>>, vector<1x16xf32>,
        %get3A_333 = arith.index_cast %add3A_279 : i32 to index
        %get3A_334 = arith.constant 80 : index
        %get3A_335 = tpu.vector_load %arg10[%get3A_333, %get3A_334] {strides = array<i32>} : memref<128x128xf32, #tpu.memory_space<vmem>>, vector<1x16xf32>,
        %get3A_336 = vector.shape_cast %get3A_335 : vector<1x16xf32> to vector<16xf32>
        %mul3A_337 = arith.mulf %get3A_336, %broadcast_in_dim3A_282 : vector<16xf32>
        %swap3A_338 = arith.index_cast %add3A_279 : i32 to index
        %swap3A_339 = arith.constant 80 : index
        %swap3A_340 = tpu.vector_load %arg10[%swap3A_338, %swap3A_339] {strides = array<i32>} : memref<128x128xf32, #tpu.memory_space<vmem>>, vector<1x16xf32>,
        %swap3A_341 = vector.shape_cast %swap3A_340 : vector<1x16xf32> to vector<16xf32>
        %swap3A_342 = vector.shape_cast %mul3A_337 : vector<16xf32> to vector<1x16xf32>
        tpu.vector_store %arg10[%swap3A_338, %swap3A_339], %swap3A_342 {strides = array<i32>} : memref<128x128xf32, #tpu.memory_space<vmem>>, vector<1x16xf32>,
        %get3A_343 = arith.index_cast %add3A_279 : i32 to index
        %get3A_344 = arith.constant 96 : index
        %get3A_345 = tpu.vector_load %arg10[%get3A_343, %get3A_344] {strides = array<i32>} : memref<128x128xf32, #tpu.memory_space<vmem>>, vector<1x16xf32>,
        %get3A_346 = vector.shape_cast %get3A_345 : vector<1x16xf32> to vector<16xf32>
        %mul3A_347 = arith.mulf %get3A_346, %broadcast_in_dim3A_282 : vector<16xf32>
        %swap3A_348 = arith.index_cast %add3A_279 : i32 to index
        %swap3A_349 = arith.constant 96 : index
        %swap3A_350 = tpu.vector_load %arg10[%swap3A_348, %swap3A_349] {strides = array<i32>} : memref<128x128xf32, #tpu.memory_space<vmem>>, vector<1x16xf32>,
        %swap3A_351 = vector.shape_cast %swap3A_350 : vector<1x16xf32> to vector<16xf32>
        %swap3A_352 = vector.shape_cast %mul3A_347 : vector<16xf32> to vector<1x16xf32>
        tpu.vector_store %arg10[%swap3A_348, %swap3A_349], %swap3A_352 {strides = array<i32>} : memref<128x128xf32, #tpu.memory_space<vmem>>, vector<1x16xf32>,
        %get3A_353 = arith.index_cast %add3A_279 : i32 to index
        %get3A_354 = arith.constant 112 : index
        %get3A_355 = tpu.vector_load %arg10[%get3A_353, %get3A_354] {strides = array<i32>} : memref<128x128xf32, #tpu.memory_space<vmem>>, vector<1x16xf32>,
        %get3A_356 = vector.shape_cast %get3A_355 : vector<1x16xf32> to vector<16xf32>
        %mul3A_357 = arith.mulf %get3A_356, %broadcast_in_dim3A_282 : vector<16xf32>
        %swap3A_358 = arith.index_cast %add3A_279 : i32 to index
        %swap3A_359 = arith.constant 112 : index
        %swap3A_360 = tpu.vector_load %arg10[%swap3A_358, %swap3A_359] {strides = array<i32>} : memref<128x128xf32, #tpu.memory_space<vmem>>, vector<1x16xf32>,
        %swap3A_361 = vector.shape_cast %swap3A_360 : vector<1x16xf32> to vector<16xf32>
        %swap3A_362 = vector.shape_cast %mul3A_357 : vector<16xf32> to vector<1x16xf32>
        tpu.vector_store %arg10[%swap3A_358, %swap3A_359], %swap3A_362 {strides = array<i32>} : memref<128x128xf32, #tpu.memory_space<vmem>>, vector<1x16xf32>,
        %mul3A_363 = arith.constant 16 : i32
        %mul3A_364 = arith.muli %scan3A_99, %mul3A_363 : i32
        %add3A_365 = arith.constant 3 : i32
        %add3A_366 = arith.addi %mul3A_364, %add3A_365 : i32
        %slice3A_367 = vector.extract_strided_slice %get3A_104 {offsets = [3], sizes = [1], strides = [1]} : vector<16xf32> to vector<1xf32>
        %squeeze3A_368 = vector.extract %slice3A_367[0] : f32 from vector<1xf32>
        %broadcast_in_dim3A_369 = vector.broadcast %squeeze3A_368 : f32 to vector<16xf32>
        %get3A_370 = arith.index_cast %add3A_366 : i32 to index
        %get3A_371 = arith.constant 0 : index
        %get3A_372 = tpu.vector_load %arg10[%get3A_370, %get3A_371] {strides = array<i32>} : memref<128x128xf32, #tpu.memory_space<vmem>>, vector<1x16xf32>,
        %get3A_373 = vector.shape_cast %get3A_372 : vector<1x16xf32> to vector<16xf32>
        %mul3A_374 = arith.mulf %get3A_373, %broadcast_in_dim3A_369 : vector<16xf32>
        %swap3A_375 = arith.index_cast %add3A_366 : i32 to index
        %swap3A_376 = arith.constant 0 : index
        %swap3A_377 = tpu.vector_load %arg10[%swap3A_375, %swap3A_376] {strides = array<i32>} : memref<128x128xf32, #tpu.memory_space<vmem>>, vector<1x16xf32>,
        %swap3A_378 = vector.shape_cast %swap3A_377 : vector<1x16xf32> to vector<16xf32>
        %swap3A_379 = vector.shape_cast %mul3A_374 : vector<16xf32> to vector<1x16xf32>
        tpu.vector_store %arg10[%swap3A_375, %swap3A_376], %swap3A_379 {strides = array<i32>} : memref<128x128xf32, #tpu.memory_space<vmem>>, vector<1x16xf32>,
        %get3A_380 = arith.index_cast %add3A_366 : i32 to index
        %get3A_381 = arith.constant 16 : index
        %get3A_382 = tpu.vector_load %arg10[%get3A_380, %get3A_381] {strides = array<i32>} : memref<128x128xf32, #tpu.memory_space<vmem>>, vector<1x16xf32>,
        %get3A_383 = vector.shape_cast %get3A_382 : vector<1x16xf32> to vector<16xf32>
        %mul3A_384 = arith.mulf %get3A_383, %broadcast_in_dim3A_369 : vector<16xf32>
        %swap3A_385 = arith.index_cast %add3A_366 : i32 to index
        %swap3A_386 = arith.constant 16 : index
        %swap3A_387 = tpu.vector_load %arg10[%swap3A_385, %swap3A_386] {strides = array<i32>} : memref<128x128xf32, #tpu.memory_space<vmem>>, vector<1x16xf32>,
        %swap3A_388 = vector.shape_cast %swap3A_387 : vector<1x16xf32> to vector<16xf32>
        %swap3A_389 = vector.shape_cast %mul3A_384 : vector<16xf32> to vector<1x16xf32>
        tpu.vector_store %arg10[%swap3A_385, %swap3A_386], %swap3A_389 {strides = array<i32>} : memref<128x128xf32, #tpu.memory_space<vmem>>, vector<1x16xf32>,
        %get3A_390 = arith.index_cast %add3A_366 : i32 to index
        %get3A_391 = arith.constant 32 : index
        %get3A_392 = tpu.vector_load %arg10[%get3A_390, %get3A_391] {strides = array<i32>} : memref<128x128xf32, #tpu.memory_space<vmem>>, vector<1x16xf32>,
        %get3A_393 = vector.shape_cast %get3A_392 : vector<1x16xf32> to vector<16xf32>
        %mul3A_394 = arith.mulf %get3A_393, %broadcast_in_dim3A_369 : vector<16xf32>
        %swap3A_395 = arith.index_cast %add3A_366 : i32 to index
        %swap3A_396 = arith.constant 32 : index
        %swap3A_397 = tpu.vector_load %arg10[%swap3A_395, %swap3A_396] {strides = array<i32>} : memref<128x128xf32, #tpu.memory_space<vmem>>, vector<1x16xf32>,
        %swap3A_398 = vector.shape_cast %swap3A_397 : vector<1x16xf32> to vector<16xf32>
        %swap3A_399 = vector.shape_cast %mul3A_394 : vector<16xf32> to vector<1x16xf32>
        tpu.vector_store %arg10[%swap3A_395, %swap3A_396], %swap3A_399 {strides = array<i32>} : memref<128x128xf32, #tpu.memory_space<vmem>>, vector<1x16xf32>,
        %get3A_400 = arith.index_cast %add3A_366 : i32 to index
        %get3A_401 = arith.constant 48 : index
        %get3A_402 = tpu.vector_load %arg10[%get3A_400, %get3A_401] {strides = array<i32>} : memref<128x128xf32, #tpu.memory_space<vmem>>, vector<1x16xf32>,
        %get3A_403 = vector.shape_cast %get3A_402 : vector<1x16xf32> to vector<16xf32>
        %mul3A_404 = arith.mulf %get3A_403, %broadcast_in_dim3A_369 : vector<16xf32>
        %swap3A_405 = arith.index_cast %add3A_366 : i32 to index
        %swap3A_406 = arith.constant 48 : index
        %swap3A_407 = tpu.vector_load %arg10[%swap3A_405, %swap3A_406] {strides = array<i32>} : memref<128x128xf32, #tpu.memory_space<vmem>>, vector<1x16xf32>,
        %swap3A_408 = vector.shape_cast %swap3A_407 : vector<1x16xf32> to vector<16xf32>
        %swap3A_409 = vector.shape_cast %mul3A_404 : vector<16xf32> to vector<1x16xf32>
        tpu.vector_store %arg10[%swap3A_405, %swap3A_406], %swap3A_409 {strides = array<i32>} : memref<128x128xf32, #tpu.memory_space<vmem>>, vector<1x16xf32>,
        %get3A_410 = arith.index_cast %add3A_366 : i32 to index
        %get3A_411 = arith.constant 64 : index
        %get3A_412 = tpu.vector_load %arg10[%get3A_410, %get3A_411] {strides = array<i32>} : memref<128x128xf32, #tpu.memory_space<vmem>>, vector<1x16xf32>,
        %get3A_413 = vector.shape_cast %get3A_412 : vector<1x16xf32> to vector<16xf32>
        %mul3A_414 = arith.mulf %get3A_413, %broadcast_in_dim3A_369 : vector<16xf32>
        %swap3A_415 = arith.index_cast %add3A_366 : i32 to index
        %swap3A_416 = arith.constant 64 : index
        %swap3A_417 = tpu.vector_load %arg10[%swap3A_415, %swap3A_416] {strides = array<i32>} : memref<128x128xf32, #tpu.memory_space<vmem>>, vector<1x16xf32>,
        %swap3A_418 = vector.shape_cast %swap3A_417 : vector<1x16xf32> to vector<16xf32>
        %swap3A_419 = vector.shape_cast %mul3A_414 : vector<16xf32> to vector<1x16xf32>
        tpu.vector_store %arg10[%swap3A_415, %swap3A_416], %swap3A_419 {strides = array<i32>} : memref<128x128xf32, #tpu.memory_space<vmem>>, vector<1x16xf32>,
        %get3A_420 = arith.index_cast %add3A_366 : i32 to index
        %get3A_421 = arith.constant 80 : index
        %get3A_422 = tpu.vector_load %arg10[%get3A_420, %get3A_421] {strides = array<i32>} : memref<128x128xf32, #tpu.memory_space<vmem>>, vector<1x16xf32>,
        %get3A_423 = vector.shape_cast %get3A_422 : vector<1x16xf32> to vector<16xf32>
        %mul3A_424 = arith.mulf %get3A_423, %broadcast_in_dim3A_369 : vector<16xf32>
        %swap3A_425 = arith.index_cast %add3A_366 : i32 to index
        %swap3A_426 = arith.constant 80 : index
        %swap3A_427 = tpu.vector_load %arg10[%swap3A_425, %swap3A_426] {strides = array<i32>} : memref<128x128xf32, #tpu.memory_space<vmem>>, vector<1x16xf32>,
        %swap3A_428 = vector.shape_cast %swap3A_427 : vector<1x16xf32> to vector<16xf32>
        %swap3A_429 = vector.shape_cast %mul3A_424 : vector<16xf32> to vector<1x16xf32>
        tpu.vector_store %arg10[%swap3A_425, %swap3A_426], %swap3A_429 {strides = array<i32>} : memref<128x128xf32, #tpu.memory_space<vmem>>, vector<1x16xf32>,
        %get3A_430 = arith.index_cast %add3A_366 : i32 to index
        %get3A_431 = arith.constant 96 : index
        %get3A_432 = tpu.vector_load %arg10[%get3A_430, %get3A_431] {strides = array<i32>} : memref<128x128xf32, #tpu.memory_space<vmem>>, vector<1x16xf32>,
        %get3A_433 = vector.shape_cast %get3A_432 : vector<1x16xf32> to vector<16xf32>
        %mul3A_434 = arith.mulf %get3A_433, %broadcast_in_dim3A_369 : vector<16xf32>
        %swap3A_435 = arith.index_cast %add3A_366 : i32 to index
        %swap3A_436 = arith.constant 96 : index
        %swap3A_437 = tpu.vector_load %arg10[%swap3A_435, %swap3A_436] {strides = array<i32>} : memref<128x128xf32, #tpu.memory_space<vmem>>, vector<1x16xf32>,
        %swap3A_438 = vector.shape_cast %swap3A_437 : vector<1x16xf32> to vector<16xf32>
        %swap3A_439 = vector.shape_cast %mul3A_434 : vector<16xf32> to vector<1x16xf32>
        tpu.vector_store %arg10[%swap3A_435, %swap3A_436], %swap3A_439 {strides = array<i32>} : memref<128x128xf32, #tpu.memory_space<vmem>>, vector<1x16xf32>,
        %get3A_440 = arith.index_cast %add3A_366 : i32 to index
        %get3A_441 = arith.constant 112 : index
        %get3A_442 = tpu.vector_load %arg10[%get3A_440, %get3A_441] {strides = array<i32>} : memref<128x128xf32, #tpu.memory_space<vmem>>, vector<1x16xf32>,
        %get3A_443 = vector.shape_cast %get3A_442 : vector<1x16xf32> to vector<16xf32>
        %mul3A_444 = arith.mulf %get3A_443, %broadcast_in_dim3A_369 : vector<16xf32>
        %swap3A_445 = arith.index_cast %add3A_366 : i32 to index
        %swap3A_446 = arith.constant 112 : index
        %swap3A_447 = tpu.vector_load %arg10[%swap3A_445, %swap3A_446] {strides = array<i32>} : memref<128x128xf32, #tpu.memory_space<vmem>>, vector<1x16xf32>,
        %swap3A_448 = vector.shape_cast %swap3A_447 : vector<1x16xf32> to vector<16xf32>
        %swap3A_449 = vector.shape_cast %mul3A_444 : vector<16xf32> to vector<1x16xf32>
        tpu.vector_store %arg10[%swap3A_445, %swap3A_446], %swap3A_449 {strides = array<i32>} : memref<128x128xf32, #tpu.memory_space<vmem>>, vector<1x16xf32>,
        %mul3A_450 = arith.constant 16 : i32
        %mul3A_451 = arith.muli %scan3A_99, %mul3A_450 : i32
        %add3A_452 = arith.constant 4 : i32
        %add3A_453 = arith.addi %mul3A_451, %add3A_452 : i32
        %slice3A_454 = vector.extract_strided_slice %get3A_104 {offsets = [4], sizes = [1], strides = [1]} : vector<16xf32> to vector<1xf32>
        %squeeze3A_455 = vector.extract %slice3A_454[0] : f32 from vector<1xf32>
        %broadcast_in_dim3A_456 = vector.broadcast %squeeze3A_455 : f32 to vector<16xf32>
        %get3A_457 = arith.index_cast %add3A_453 : i32 to index
        %get3A_458 = arith.constant 0 : index
        %get3A_459 = tpu.vector_load %arg10[%get3A_457, %get3A_458] {strides = array<i32>} : memref<128x128xf32, #tpu.memory_space<vmem>>, vector<1x16xf32>,
        %get3A_460 = vector.shape_cast %get3A_459 : vector<1x16xf32> to vector<16xf32>
        %mul3A_461 = arith.mulf %get3A_460, %broadcast_in_dim3A_456 : vector<16xf32>
        %swap3A_462 = arith.index_cast %add3A_453 : i32 to index
        %swap3A_463 = arith.constant 0 : index
        %swap3A_464 = tpu.vector_load %arg10[%swap3A_462, %swap3A_463] {strides = array<i32>} : memref<128x128xf32, #tpu.memory_space<vmem>>, vector<1x16xf32>,
        %swap3A_465 = vector.shape_cast %swap3A_464 : vector<1x16xf32> to vector<16xf32>
        %swap3A_466 = vector.shape_cast %mul3A_461 : vector<16xf32> to vector<1x16xf32>
        tpu.vector_store %arg10[%swap3A_462, %swap3A_463], %swap3A_466 {strides = array<i32>} : memref<128x128xf32, #tpu.memory_space<vmem>>, vector<1x16xf32>,
        %get3A_467 = arith.index_cast %add3A_453 : i32 to index
        %get3A_468 = arith.constant 16 : index
        %get3A_469 = tpu.vector_load %arg10[%get3A_467, %get3A_468] {strides = array<i32>} : memref<128x128xf32, #tpu.memory_space<vmem>>, vector<1x16xf32>,
        %get3A_470 = vector.shape_cast %get3A_469 : vector<1x16xf32> to vector<16xf32>
        %mul3A_471 = arith.mulf %get3A_470, %broadcast_in_dim3A_456 : vector<16xf32>
        %swap3A_472 = arith.index_cast %add3A_453 : i32 to index
        %swap3A_473 = arith.constant 16 : index
        %swap3A_474 = tpu.vector_load %arg10[%swap3A_472, %swap3A_473] {strides = array<i32>} : memref<128x128xf32, #tpu.memory_space<vmem>>, vector<1x16xf32>,
        %swap3A_475 = vector.shape_cast %swap3A_474 : vector<1x16xf32> to vector<16xf32>
        %swap3A_476 = vector.shape_cast %mul3A_471 : vector<16xf32> to vector<1x16xf32>
        tpu.vector_store %arg10[%swap3A_472, %swap3A_473], %swap3A_476 {strides = array<i32>} : memref<128x128xf32, #tpu.memory_space<vmem>>, vector<1x16xf32>,
        %get3A_477 = arith.index_cast %add3A_453 : i32 to index
        %get3A_478 = arith.constant 32 : index
        %get3A_479 = tpu.vector_load %arg10[%get3A_477, %get3A_478] {strides = array<i32>} : memref<128x128xf32, #tpu.memory_space<vmem>>, vector<1x16xf32>,
        %get3A_480 = vector.shape_cast %get3A_479 : vector<1x16xf32> to vector<16xf32>
        %mul3A_481 = arith.mulf %get3A_480, %broadcast_in_dim3A_456 : vector<16xf32>
        %swap3A_482 = arith.index_cast %add3A_453 : i32 to index
        %swap3A_483 = arith.constant 32 : index
        %swap3A_484 = tpu.vector_load %arg10[%swap3A_482, %swap3A_483] {strides = array<i32>} : memref<128x128xf32, #tpu.memory_space<vmem>>, vector<1x16xf32>,
        %swap3A_485 = vector.shape_cast %swap3A_484 : vector<1x16xf32> to vector<16xf32>
        %swap3A_486 = vector.shape_cast %mul3A_481 : vector<16xf32> to vector<1x16xf32>
        tpu.vector_store %arg10[%swap3A_482, %swap3A_483], %swap3A_486 {strides = array<i32>} : memref<128x128xf32, #tpu.memory_space<vmem>>, vector<1x16xf32>,
        %get3A_487 = arith.index_cast %add3A_453 : i32 to index
        %get3A_488 = arith.constant 48 : index
        %get3A_489 = tpu.vector_load %arg10[%get3A_487, %get3A_488] {strides = array<i32>} : memref<128x128xf32, #tpu.memory_space<vmem>>, vector<1x16xf32>,
        %get3A_490 = vector.shape_cast %get3A_489 : vector<1x16xf32> to vector<16xf32>
        %mul3A_491 = arith.mulf %get3A_490, %broadcast_in_dim3A_456 : vector<16xf32>
        %swap3A_492 = arith.index_cast %add3A_453 : i32 to index
        %swap3A_493 = arith.constant 48 : index
        %swap3A_494 = tpu.vector_load %arg10[%swap3A_492, %swap3A_493] {strides = array<i32>} : memref<128x128xf32, #tpu.memory_space<vmem>>, vector<1x16xf32>,
        %swap3A_495 = vector.shape_cast %swap3A_494 : vector<1x16xf32> to vector<16xf32>
        %swap3A_496 = vector.shape_cast %mul3A_491 : vector<16xf32> to vector<1x16xf32>
        tpu.vector_store %arg10[%swap3A_492, %swap3A_493], %swap3A_496 {strides = array<i32>} : memref<128x128xf32, #tpu.memory_space<vmem>>, vector<1x16xf32>,
        %get3A_497 = arith.index_cast %add3A_453 : i32 to index
        %get3A_498 = arith.constant 64 : index
        %get3A_499 = tpu.vector_load %arg10[%get3A_497, %get3A_498] {strides = array<i32>} : memref<128x128xf32, #tpu.memory_space<vmem>>, vector<1x16xf32>,
        %get3A_500 = vector.shape_cast %get3A_499 : vector<1x16xf32> to vector<16xf32>
        %mul3A_501 = arith.mulf %get3A_500, %broadcast_in_dim3A_456 : vector<16xf32>
        %swap3A_502 = arith.index_cast %add3A_453 : i32 to index
        %swap3A_503 = arith.constant 64 : index
        %swap3A_504 = tpu.vector_load %arg10[%swap3A_502, %swap3A_503] {strides = array<i32>} : memref<128x128xf32, #tpu.memory_space<vmem>>, vector<1x16xf32>,
        %swap3A_505 = vector.shape_cast %swap3A_504 : vector<1x16xf32> to vector<16xf32>
        %swap3A_506 = vector.shape_cast %mul3A_501 : vector<16xf32> to vector<1x16xf32>
        tpu.vector_store %arg10[%swap3A_502, %swap3A_503], %swap3A_506 {strides = array<i32>} : memref<128x128xf32, #tpu.memory_space<vmem>>, vector<1x16xf32>,
        %get3A_507 = arith.index_cast %add3A_453 : i32 to index
        %get3A_508 = arith.constant 80 : index
        %get3A_509 = tpu.vector_load %arg10[%get3A_507, %get3A_508] {strides = array<i32>} : memref<128x128xf32, #tpu.memory_space<vmem>>, vector<1x16xf32>,
        %get3A_510 = vector.shape_cast %get3A_509 : vector<1x16xf32> to vector<16xf32>
        %mul3A_511 = arith.mulf %get3A_510, %broadcast_in_dim3A_456 : vector<16xf32>
        %swap3A_512 = arith.index_cast %add3A_453 : i32 to index
        %swap3A_513 = arith.constant 80 : index
        %swap3A_514 = tpu.vector_load %arg10[%swap3A_512, %swap3A_513] {strides = array<i32>} : memref<128x128xf32, #tpu.memory_space<vmem>>, vector<1x16xf32>,
        %swap3A_515 = vector.shape_cast %swap3A_514 : vector<1x16xf32> to vector<16xf32>
        %swap3A_516 = vector.shape_cast %mul3A_511 : vector<16xf32> to vector<1x16xf32>
        tpu.vector_store %arg10[%swap3A_512, %swap3A_513], %swap3A_516 {strides = array<i32>} : memref<128x128xf32, #tpu.memory_space<vmem>>, vector<1x16xf32>,
        %get3A_517 = arith.index_cast %add3A_453 : i32 to index
        %get3A_518 = arith.constant 96 : index
        %get3A_519 = tpu.vector_load %arg10[%get3A_517, %get3A_518] {strides = array<i32>} : memref<128x128xf32, #tpu.memory_space<vmem>>, vector<1x16xf32>,
        %get3A_520 = vector.shape_cast %get3A_519 : vector<1x16xf32> to vector<16xf32>
        %mul3A_521 = arith.mulf %get3A_520, %broadcast_in_dim3A_456 : vector<16xf32>
        %swap3A_522 = arith.index_cast %add3A_453 : i32 to index
        %swap3A_523 = arith.constant 96 : index
        %swap3A_524 = tpu.vector_load %arg10[%swap3A_522, %swap3A_523] {strides = array<i32>} : memref<128x128xf32, #tpu.memory_space<vmem>>, vector<1x16xf32>,
        %swap3A_525 = vector.shape_cast %swap3A_524 : vector<1x16xf32> to vector<16xf32>
        %swap3A_526 = vector.shape_cast %mul3A_521 : vector<16xf32> to vector<1x16xf32>
        tpu.vector_store %arg10[%swap3A_522, %swap3A_523], %swap3A_526 {strides = array<i32>} : memref<128x128xf32, #tpu.memory_space<vmem>>, vector<1x16xf32>,
        %get3A_527 = arith.index_cast %add3A_453 : i32 to index
        %get3A_528 = arith.constant 112 : index
        %get3A_529 = tpu.vector_load %arg10[%get3A_527, %get3A_528] {strides = array<i32>} : memref<128x128xf32, #tpu.memory_space<vmem>>, vector<1x16xf32>,
        %get3A_530 = vector.shape_cast %get3A_529 : vector<1x16xf32> to vector<16xf32>
        %mul3A_531 = arith.mulf %get3A_530, %broadcast_in_dim3A_456 : vector<16xf32>
        %swap3A_532 = arith.index_cast %add3A_453 : i32 to index
        %swap3A_533 = arith.constant 112 : index
        %swap3A_534 = tpu.vector_load %arg10[%swap3A_532, %swap3A_533] {strides = array<i32>} : memref<128x128xf32, #tpu.memory_space<vmem>>, vector<1x16xf32>,
        %swap3A_535 = vector.shape_cast %swap3A_534 : vector<1x16xf32> to vector<16xf32>
        %swap3A_536 = vector.shape_cast %mul3A_531 : vector<16xf32> to vector<1x16xf32>
        tpu.vector_store %arg10[%swap3A_532, %swap3A_533], %swap3A_536 {strides = array<i32>} : memref<128x128xf32, #tpu.memory_space<vmem>>, vector<1x16xf32>,
        %mul3A_537 = arith.constant 16 : i32
        %mul3A_538 = arith.muli %scan3A_99, %mul3A_537 : i32
        %add3A_539 = arith.constant 5 : i32
        %add3A_540 = arith.addi %mul3A_538, %add3A_539 : i32
        %slice3A_541 = vector.extract_strided_slice %get3A_104 {offsets = [5], sizes = [1], strides = [1]} : vector<16xf32> to vector<1xf32>
        %squeeze3A_542 = vector.extract %slice3A_541[0] : f32 from vector<1xf32>
        %broadcast_in_dim3A_543 = vector.broadcast %squeeze3A_542 : f32 to vector<16xf32>
        %get3A_544 = arith.index_cast %add3A_540 : i32 to index
        %get3A_545 = arith.constant 0 : index
        %get3A_546 = tpu.vector_load %arg10[%get3A_544, %get3A_545] {strides = array<i32>} : memref<128x128xf32, #tpu.memory_space<vmem>>, vector<1x16xf32>,
        %get3A_547 = vector.shape_cast %get3A_546 : vector<1x16xf32> to vector<16xf32>
        %mul3A_548 = arith.mulf %get3A_547, %broadcast_in_dim3A_543 : vector<16xf32>
        %swap3A_549 = arith.index_cast %add3A_540 : i32 to index
        %swap3A_550 = arith.constant 0 : index
        %swap3A_551 = tpu.vector_load %arg10[%swap3A_549, %swap3A_550] {strides = array<i32>} : memref<128x128xf32, #tpu.memory_space<vmem>>, vector<1x16xf32>,
        %swap3A_552 = vector.shape_cast %swap3A_551 : vector<1x16xf32> to vector<16xf32>
        %swap3A_553 = vector.shape_cast %mul3A_548 : vector<16xf32> to vector<1x16xf32>
        tpu.vector_store %arg10[%swap3A_549, %swap3A_550], %swap3A_553 {strides = array<i32>} : memref<128x128xf32, #tpu.memory_space<vmem>>, vector<1x16xf32>,
        %get3A_554 = arith.index_cast %add3A_540 : i32 to index
        %get3A_555 = arith.constant 16 : index
        %get3A_556 = tpu.vector_load %arg10[%get3A_554, %get3A_555] {strides = array<i32>} : memref<128x128xf32, #tpu.memory_space<vmem>>, vector<1x16xf32>,
        %get3A_557 = vector.shape_cast %get3A_556 : vector<1x16xf32> to vector<16xf32>
        %mul3A_558 = arith.mulf %get3A_557, %broadcast_in_dim3A_543 : vector<16xf32>
        %swap3A_559 = arith.index_cast %add3A_540 : i32 to index
        %swap3A_560 = arith.constant 16 : index
        %swap3A_561 = tpu.vector_load %arg10[%swap3A_559, %swap3A_560] {strides = array<i32>} : memref<128x128xf32, #tpu.memory_space<vmem>>, vector<1x16xf32>,
        %swap3A_562 = vector.shape_cast %swap3A_561 : vector<1x16xf32> to vector<16xf32>
        %swap3A_563 = vector.shape_cast %mul3A_558 : vector<16xf32> to vector<1x16xf32>
        tpu.vector_store %arg10[%swap3A_559, %swap3A_560], %swap3A_563 {strides = array<i32>} : memref<128x128xf32, #tpu.memory_space<vmem>>, vector<1x16xf32>,
        %get3A_564 = arith.index_cast %add3A_540 : i32 to index
        %get3A_565 = arith.constant 32 : index
        %get3A_566 = tpu.vector_load %arg10[%get3A_564, %get3A_565] {strides = array<i32>} : memref<128x128xf32, #tpu.memory_space<vmem>>, vector<1x16xf32>,
        %get3A_567 = vector.shape_cast %get3A_566 : vector<1x16xf32> to vector<16xf32>
        %mul3A_568 = arith.mulf %get3A_567, %broadcast_in_dim3A_543 : vector<16xf32>
        %swap3A_569 = arith.index_cast %add3A_540 : i32 to index
        %swap3A_570 = arith.constant 32 : index
        %swap3A_571 = tpu.vector_load %arg10[%swap3A_569, %swap3A_570] {strides = array<i32>} : memref<128x128xf32, #tpu.memory_space<vmem>>, vector<1x16xf32>,
        %swap3A_572 = vector.shape_cast %swap3A_571 : vector<1x16xf32> to vector<16xf32>
        %swap3A_573 = vector.shape_cast %mul3A_568 : vector<16xf32> to vector<1x16xf32>
        tpu.vector_store %arg10[%swap3A_569, %swap3A_570], %swap3A_573 {strides = array<i32>} : memref<128x128xf32, #tpu.memory_space<vmem>>, vector<1x16xf32>,
        %get3A_574 = arith.index_cast %add3A_540 : i32 to index
        %get3A_575 = arith.constant 48 : index
        %get3A_576 = tpu.vector_load %arg10[%get3A_574, %get3A_575] {strides = array<i32>} : memref<128x128xf32, #tpu.memory_space<vmem>>, vector<1x16xf32>,
        %get3A_577 = vector.shape_cast %get3A_576 : vector<1x16xf32> to vector<16xf32>
        %mul3A_578 = arith.mulf %get3A_577, %broadcast_in_dim3A_543 : vector<16xf32>
        %swap3A_579 = arith.index_cast %add3A_540 : i32 to index
        %swap3A_580 = arith.constant 48 : index
        %swap3A_581 = tpu.vector_load %arg10[%swap3A_579, %swap3A_580] {strides = array<i32>} : memref<128x128xf32, #tpu.memory_space<vmem>>, vector<1x16xf32>,
        %swap3A_582 = vector.shape_cast %swap3A_581 : vector<1x16xf32> to vector<16xf32>
        %swap3A_583 = vector.shape_cast %mul3A_578 : vector<16xf32> to vector<1x16xf32>
        tpu.vector_store %arg10[%swap3A_579, %swap3A_580], %swap3A_583 {strides = array<i32>} : memref<128x128xf32, #tpu.memory_space<vmem>>, vector<1x16xf32>,
        %get3A_584 = arith.index_cast %add3A_540 : i32 to index
        %get3A_585 = arith.constant 64 : index
        %get3A_586 = tpu.vector_load %arg10[%get3A_584, %get3A_585] {strides = array<i32>} : memref<128x128xf32, #tpu.memory_space<vmem>>, vector<1x16xf32>,
        %get3A_587 = vector.shape_cast %get3A_586 : vector<1x16xf32> to vector<16xf32>
        %mul3A_588 = arith.mulf %get3A_587, %broadcast_in_dim3A_543 : vector<16xf32>
        %swap3A_589 = arith.index_cast %add3A_540 : i32 to index
        %swap3A_590 = arith.constant 64 : index
        %swap3A_591 = tpu.vector_load %arg10[%swap3A_589, %swap3A_590] {strides = array<i32>} : memref<128x128xf32, #tpu.memory_space<vmem>>, vector<1x16xf32>,
        %swap3A_592 = vector.shape_cast %swap3A_591 : vector<1x16xf32> to vector<16xf32>
        %swap3A_593 = vector.shape_cast %mul3A_588 : vector<16xf32> to vector<1x16xf32>
        tpu.vector_store %arg10[%swap3A_589, %swap3A_590], %swap3A_593 {strides = array<i32>} : memref<128x128xf32, #tpu.memory_space<vmem>>, vector<1x16xf32>,
        %get3A_594 = arith.index_cast %add3A_540 : i32 to index
        %get3A_595 = arith.constant 80 : index
        %get3A_596 = tpu.vector_load %arg10[%get3A_594, %get3A_595] {strides = array<i32>} : memref<128x128xf32, #tpu.memory_space<vmem>>, vector<1x16xf32>,
        %get3A_597 = vector.shape_cast %get3A_596 : vector<1x16xf32> to vector<16xf32>
        %mul3A_598 = arith.mulf %get3A_597, %broadcast_in_dim3A_543 : vector<16xf32>
        %swap3A_599 = arith.index_cast %add3A_540 : i32 to index
        %swap3A_600 = arith.constant 80 : index
        %swap3A_601 = tpu.vector_load %arg10[%swap3A_599, %swap3A_600] {strides = array<i32>} : memref<128x128xf32, #tpu.memory_space<vmem>>, vector<1x16xf32>,
        %swap3A_602 = vector.shape_cast %swap3A_601 : vector<1x16xf32> to vector<16xf32>
        %swap3A_603 = vector.shape_cast %mul3A_598 : vector<16xf32> to vector<1x16xf32>
        tpu.vector_store %arg10[%swap3A_599, %swap3A_600], %swap3A_603 {strides = array<i32>} : memref<128x128xf32, #tpu.memory_space<vmem>>, vector<1x16xf32>,
        %get3A_604 = arith.index_cast %add3A_540 : i32 to index
        %get3A_605 = arith.constant 96 : index
        %get3A_606 = tpu.vector_load %arg10[%get3A_604, %get3A_605] {strides = array<i32>} : memref<128x128xf32, #tpu.memory_space<vmem>>, vector<1x16xf32>,
        %get3A_607 = vector.shape_cast %get3A_606 : vector<1x16xf32> to vector<16xf32>
        %mul3A_608 = arith.mulf %get3A_607, %broadcast_in_dim3A_543 : vector<16xf32>
        %swap3A_609 = arith.index_cast %add3A_540 : i32 to index
        %swap3A_610 = arith.constant 96 : index
        %swap3A_611 = tpu.vector_load %arg10[%swap3A_609, %swap3A_610] {strides = array<i32>} : memref<128x128xf32, #tpu.memory_space<vmem>>, vector<1x16xf32>,
        %swap3A_612 = vector.shape_cast %swap3A_611 : vector<1x16xf32> to vector<16xf32>
        %swap3A_613 = vector.shape_cast %mul3A_608 : vector<16xf32> to vector<1x16xf32>
        tpu.vector_store %arg10[%swap3A_609, %swap3A_610], %swap3A_613 {strides = array<i32>} : memref<128x128xf32, #tpu.memory_space<vmem>>, vector<1x16xf32>,
        %get3A_614 = arith.index_cast %add3A_540 : i32 to index
        %get3A_615 = arith.constant 112 : index
        %get3A_616 = tpu.vector_load %arg10[%get3A_614, %get3A_615] {strides = array<i32>} : memref<128x128xf32, #tpu.memory_space<vmem>>, vector<1x16xf32>,
        %get3A_617 = vector.shape_cast %get3A_616 : vector<1x16xf32> to vector<16xf32>
        %mul3A_618 = arith.mulf %get3A_617, %broadcast_in_dim3A_543 : vector<16xf32>
        %swap3A_619 = arith.index_cast %add3A_540 : i32 to index
        %swap3A_620 = arith.constant 112 : index
        %swap3A_621 = tpu.vector_load %arg10[%swap3A_619, %swap3A_620] {strides = array<i32>} : memref<128x128xf32, #tpu.memory_space<vmem>>, vector<1x16xf32>,
        %swap3A_622 = vector.shape_cast %swap3A_621 : vector<1x16xf32> to vector<16xf32>
        %swap3A_623 = vector.shape_cast %mul3A_618 : vector<16xf32> to vector<1x16xf32>
        tpu.vector_store %arg10[%swap3A_619, %swap3A_620], %swap3A_623 {strides = array<i32>} : memref<128x128xf32, #tpu.memory_space<vmem>>, vector<1x16xf32>,
        %mul3A_624 = arith.constant 16 : i32
        %mul3A_625 = arith.muli %scan3A_99, %mul3A_624 : i32
        %add3A_626 = arith.constant 6 : i32
        %add3A_627 = arith.addi %mul3A_625, %add3A_626 : i32
        %slice3A_628 = vector.extract_strided_slice %get3A_104 {offsets = [6], sizes = [1], strides = [1]} : vector<16xf32> to vector<1xf32>
        %squeeze3A_629 = vector.extract %slice3A_628[0] : f32 from vector<1xf32>
        %broadcast_in_dim3A_630 = vector.broadcast %squeeze3A_629 : f32 to vector<16xf32>
        %get3A_631 = arith.index_cast %add3A_627 : i32 to index
        %get3A_632 = arith.constant 0 : index
        %get3A_633 = tpu.vector_load %arg10[%get3A_631, %get3A_632] {strides = array<i32>} : memref<128x128xf32, #tpu.memory_space<vmem>>, vector<1x16xf32>,
        %get3A_634 = vector.shape_cast %get3A_633 : vector<1x16xf32> to vector<16xf32>
        %mul3A_635 = arith.mulf %get3A_634, %broadcast_in_dim3A_630 : vector<16xf32>
        %swap3A_636 = arith.index_cast %add3A_627 : i32 to index
        %swap3A_637 = arith.constant 0 : index
        %swap3A_638 = tpu.vector_load %arg10[%swap3A_636, %swap3A_637] {strides = array<i32>} : memref<128x128xf32, #tpu.memory_space<vmem>>, vector<1x16xf32>,
        %swap3A_639 = vector.shape_cast %swap3A_638 : vector<1x16xf32> to vector<16xf32>
        %swap3A_640 = vector.shape_cast %mul3A_635 : vector<16xf32> to vector<1x16xf32>
        tpu.vector_store %arg10[%swap3A_636, %swap3A_637], %swap3A_640 {strides = array<i32>} : memref<128x128xf32, #tpu.memory_space<vmem>>, vector<1x16xf32>,
        %get3A_641 = arith.index_cast %add3A_627 : i32 to index
        %get3A_642 = arith.constant 16 : index
        %get3A_643 = tpu.vector_load %arg10[%get3A_641, %get3A_642] {strides = array<i32>} : memref<128x128xf32, #tpu.memory_space<vmem>>, vector<1x16xf32>,
        %get3A_644 = vector.shape_cast %get3A_643 : vector<1x16xf32> to vector<16xf32>
        %mul3A_645 = arith.mulf %get3A_644, %broadcast_in_dim3A_630 : vector<16xf32>
        %swap3A_646 = arith.index_cast %add3A_627 : i32 to index
        %swap3A_647 = arith.constant 16 : index
        %swap3A_648 = tpu.vector_load %arg10[%swap3A_646, %swap3A_647] {strides = array<i32>} : memref<128x128xf32, #tpu.memory_space<vmem>>, vector<1x16xf32>,
        %swap3A_649 = vector.shape_cast %swap3A_648 : vector<1x16xf32> to vector<16xf32>
        %swap3A_650 = vector.shape_cast %mul3A_645 : vector<16xf32> to vector<1x16xf32>
        tpu.vector_store %arg10[%swap3A_646, %swap3A_647], %swap3A_650 {strides = array<i32>} : memref<128x128xf32, #tpu.memory_space<vmem>>, vector<1x16xf32>,
        %get3A_651 = arith.index_cast %add3A_627 : i32 to index
        %get3A_652 = arith.constant 32 : index
        %get3A_653 = tpu.vector_load %arg10[%get3A_651, %get3A_652] {strides = array<i32>} : memref<128x128xf32, #tpu.memory_space<vmem>>, vector<1x16xf32>,
        %get3A_654 = vector.shape_cast %get3A_653 : vector<1x16xf32> to vector<16xf32>
        %mul3A_655 = arith.mulf %get3A_654, %broadcast_in_dim3A_630 : vector<16xf32>
        %swap3A_656 = arith.index_cast %add3A_627 : i32 to index
        %swap3A_657 = arith.constant 32 : index
        %swap3A_658 = tpu.vector_load %arg10[%swap3A_656, %swap3A_657] {strides = array<i32>} : memref<128x128xf32, #tpu.memory_space<vmem>>, vector<1x16xf32>,
        %swap3A_659 = vector.shape_cast %swap3A_658 : vector<1x16xf32> to vector<16xf32>
        %swap3A_660 = vector.shape_cast %mul3A_655 : vector<16xf32> to vector<1x16xf32>
        tpu.vector_store %arg10[%swap3A_656, %swap3A_657], %swap3A_660 {strides = array<i32>} : memref<128x128xf32, #tpu.memory_space<vmem>>, vector<1x16xf32>,
        %get3A_661 = arith.index_cast %add3A_627 : i32 to index
        %get3A_662 = arith.constant 48 : index
        %get3A_663 = tpu.vector_load %arg10[%get3A_661, %get3A_662] {strides = array<i32>} : memref<128x128xf32, #tpu.memory_space<vmem>>, vector<1x16xf32>,
        %get3A_664 = vector.shape_cast %get3A_663 : vector<1x16xf32> to vector<16xf32>
        %mul3A_665 = arith.mulf %get3A_664, %broadcast_in_dim3A_630 : vector<16xf32>
        %swap3A_666 = arith.index_cast %add3A_627 : i32 to index
        %swap3A_667 = arith.constant 48 : index
        %swap3A_668 = tpu.vector_load %arg10[%swap3A_666, %swap3A_667] {strides = array<i32>} : memref<128x128xf32, #tpu.memory_space<vmem>>, vector<1x16xf32>,
        %swap3A_669 = vector.shape_cast %swap3A_668 : vector<1x16xf32> to vector<16xf32>
        %swap3A_670 = vector.shape_cast %mul3A_665 : vector<16xf32> to vector<1x16xf32>
        tpu.vector_store %arg10[%swap3A_666, %swap3A_667], %swap3A_670 {strides = array<i32>} : memref<128x128xf32, #tpu.memory_space<vmem>>, vector<1x16xf32>,
        %get3A_671 = arith.index_cast %add3A_627 : i32 to index
        %get3A_672 = arith.constant 64 : index
        %get3A_673 = tpu.vector_load %arg10[%get3A_671, %get3A_672] {strides = array<i32>} : memref<128x128xf32, #tpu.memory_space<vmem>>, vector<1x16xf32>,
        %get3A_674 = vector.shape_cast %get3A_673 : vector<1x16xf32> to vector<16xf32>
        %mul3A_675 = arith.mulf %get3A_674, %broadcast_in_dim3A_630 : vector<16xf32>
        %swap3A_676 = arith.index_cast %add3A_627 : i32 to index
        %swap3A_677 = arith.constant 64 : index
        %swap3A_678 = tpu.vector_load %arg10[%swap3A_676, %swap3A_677] {strides = array<i32>} : memref<128x128xf32, #tpu.memory_space<vmem>>, vector<1x16xf32>,
        %swap3A_679 = vector.shape_cast %swap3A_678 : vector<1x16xf32> to vector<16xf32>
        %swap3A_680 = vector.shape_cast %mul3A_675 : vector<16xf32> to vector<1x16xf32>
        tpu.vector_store %arg10[%swap3A_676, %swap3A_677], %swap3A_680 {strides = array<i32>} : memref<128x128xf32, #tpu.memory_space<vmem>>, vector<1x16xf32>,
        %get3A_681 = arith.index_cast %add3A_627 : i32 to index
        %get3A_682 = arith.constant 80 : index
        %get3A_683 = tpu.vector_load %arg10[%get3A_681, %get3A_682] {strides = array<i32>} : memref<128x128xf32, #tpu.memory_space<vmem>>, vector<1x16xf32>,
        %get3A_684 = vector.shape_cast %get3A_683 : vector<1x16xf32> to vector<16xf32>
        %mul3A_685 = arith.mulf %get3A_684, %broadcast_in_dim3A_630 : vector<16xf32>
        %swap3A_686 = arith.index_cast %add3A_627 : i32 to index
        %swap3A_687 = arith.constant 80 : index
        %swap3A_688 = tpu.vector_load %arg10[%swap3A_686, %swap3A_687] {strides = array<i32>} : memref<128x128xf32, #tpu.memory_space<vmem>>, vector<1x16xf32>,
        %swap3A_689 = vector.shape_cast %swap3A_688 : vector<1x16xf32> to vector<16xf32>
        %swap3A_690 = vector.shape_cast %mul3A_685 : vector<16xf32> to vector<1x16xf32>
        tpu.vector_store %arg10[%swap3A_686, %swap3A_687], %swap3A_690 {strides = array<i32>} : memref<128x128xf32, #tpu.memory_space<vmem>>, vector<1x16xf32>,
        %get3A_691 = arith.index_cast %add3A_627 : i32 to index
        %get3A_692 = arith.constant 96 : index
        %get3A_693 = tpu.vector_load %arg10[%get3A_691, %get3A_692] {strides = array<i32>} : memref<128x128xf32, #tpu.memory_space<vmem>>, vector<1x16xf32>,
        %get3A_694 = vector.shape_cast %get3A_693 : vector<1x16xf32> to vector<16xf32>
        %mul3A_695 = arith.mulf %get3A_694, %broadcast_in_dim3A_630 : vector<16xf32>
        %swap3A_696 = arith.index_cast %add3A_627 : i32 to index
        %swap3A_697 = arith.constant 96 : index
        %swap3A_698 = tpu.vector_load %arg10[%swap3A_696, %swap3A_697] {strides = array<i32>} : memref<128x128xf32, #tpu.memory_space<vmem>>, vector<1x16xf32>,
        %swap3A_699 = vector.shape_cast %swap3A_698 : vector<1x16xf32> to vector<16xf32>
        %swap3A_700 = vector.shape_cast %mul3A_695 : vector<16xf32> to vector<1x16xf32>
        tpu.vector_store %arg10[%swap3A_696, %swap3A_697], %swap3A_700 {strides = array<i32>} : memref<128x128xf32, #tpu.memory_space<vmem>>, vector<1x16xf32>,
        %get3A_701 = arith.index_cast %add3A_627 : i32 to index
        %get3A_702 = arith.constant 112 : index
        %get3A_703 = tpu.vector_load %arg10[%get3A_701, %get3A_702] {strides = array<i32>} : memref<128x128xf32, #tpu.memory_space<vmem>>, vector<1x16xf32>,
        %get3A_704 = vector.shape_cast %get3A_703 : vector<1x16xf32> to vector<16xf32>
        %mul3A_705 = arith.mulf %get3A_704, %broadcast_in_dim3A_630 : vector<16xf32>
        %swap3A_706 = arith.index_cast %add3A_627 : i32 to index
        %swap3A_707 = arith.constant 112 : index
        %swap3A_708 = tpu.vector_load %arg10[%swap3A_706, %swap3A_707] {strides = array<i32>} : memref<128x128xf32, #tpu.memory_space<vmem>>, vector<1x16xf32>,
        %swap3A_709 = vector.shape_cast %swap3A_708 : vector<1x16xf32> to vector<16xf32>
        %swap3A_710 = vector.shape_cast %mul3A_705 : vector<16xf32> to vector<1x16xf32>
        tpu.vector_store %arg10[%swap3A_706, %swap3A_707], %swap3A_710 {strides = array<i32>} : memref<128x128xf32, #tpu.memory_space<vmem>>, vector<1x16xf32>,
        %mul3A_711 = arith.constant 16 : i32
        %mul3A_712 = arith.muli %scan3A_99, %mul3A_711 : i32
        %add3A_713 = arith.constant 7 : i32
        %add3A_714 = arith.addi %mul3A_712, %add3A_713 : i32
        %slice3A_715 = vector.extract_strided_slice %get3A_104 {offsets = [7], sizes = [1], strides = [1]} : vector<16xf32> to vector<1xf32>
        %squeeze3A_716 = vector.extract %slice3A_715[0] : f32 from vector<1xf32>
        %broadcast_in_dim3A_717 = vector.broadcast %squeeze3A_716 : f32 to vector<16xf32>
        %get3A_718 = arith.index_cast %add3A_714 : i32 to index
        %get3A_719 = arith.constant 0 : index
        %get3A_720 = tpu.vector_load %arg10[%get3A_718, %get3A_719] {strides = array<i32>} : memref<128x128xf32, #tpu.memory_space<vmem>>, vector<1x16xf32>,
        %get3A_721 = vector.shape_cast %get3A_720 : vector<1x16xf32> to vector<16xf32>
        %mul3A_722 = arith.mulf %get3A_721, %broadcast_in_dim3A_717 : vector<16xf32>
        %swap3A_723 = arith.index_cast %add3A_714 : i32 to index
        %swap3A_724 = arith.constant 0 : index
        %swap3A_725 = tpu.vector_load %arg10[%swap3A_723, %swap3A_724] {strides = array<i32>} : memref<128x128xf32, #tpu.memory_space<vmem>>, vector<1x16xf32>,
        %swap3A_726 = vector.shape_cast %swap3A_725 : vector<1x16xf32> to vector<16xf32>
        %swap3A_727 = vector.shape_cast %mul3A_722 : vector<16xf32> to vector<1x16xf32>
        tpu.vector_store %arg10[%swap3A_723, %swap3A_724], %swap3A_727 {strides = array<i32>} : memref<128x128xf32, #tpu.memory_space<vmem>>, vector<1x16xf32>,
        %get3A_728 = arith.index_cast %add3A_714 : i32 to index
        %get3A_729 = arith.constant 16 : index
        %get3A_730 = tpu.vector_load %arg10[%get3A_728, %get3A_729] {strides = array<i32>} : memref<128x128xf32, #tpu.memory_space<vmem>>, vector<1x16xf32>,
        %get3A_731 = vector.shape_cast %get3A_730 : vector<1x16xf32> to vector<16xf32>
        %mul3A_732 = arith.mulf %get3A_731, %broadcast_in_dim3A_717 : vector<16xf32>
        %swap3A_733 = arith.index_cast %add3A_714 : i32 to index
        %swap3A_734 = arith.constant 16 : index
        %swap3A_735 = tpu.vector_load %arg10[%swap3A_733, %swap3A_734] {strides = array<i32>} : memref<128x128xf32, #tpu.memory_space<vmem>>, vector<1x16xf32>,
        %swap3A_736 = vector.shape_cast %swap3A_735 : vector<1x16xf32> to vector<16xf32>
        %swap3A_737 = vector.shape_cast %mul3A_732 : vector<16xf32> to vector<1x16xf32>
        tpu.vector_store %arg10[%swap3A_733, %swap3A_734], %swap3A_737 {strides = array<i32>} : memref<128x128xf32, #tpu.memory_space<vmem>>, vector<1x16xf32>,
        %get3A_738 = arith.index_cast %add3A_714 : i32 to index
        %get3A_739 = arith.constant 32 : index
        %get3A_740 = tpu.vector_load %arg10[%get3A_738, %get3A_739] {strides = array<i32>} : memref<128x128xf32, #tpu.memory_space<vmem>>, vector<1x16xf32>,
        %get3A_741 = vector.shape_cast %get3A_740 : vector<1x16xf32> to vector<16xf32>
        %mul3A_742 = arith.mulf %get3A_741, %broadcast_in_dim3A_717 : vector<16xf32>
        %swap3A_743 = arith.index_cast %add3A_714 : i32 to index
        %swap3A_744 = arith.constant 32 : index
        %swap3A_745 = tpu.vector_load %arg10[%swap3A_743, %swap3A_744] {strides = array<i32>} : memref<128x128xf32, #tpu.memory_space<vmem>>, vector<1x16xf32>,
        %swap3A_746 = vector.shape_cast %swap3A_745 : vector<1x16xf32> to vector<16xf32>
        %swap3A_747 = vector.shape_cast %mul3A_742 : vector<16xf32> to vector<1x16xf32>
        tpu.vector_store %arg10[%swap3A_743, %swap3A_744], %swap3A_747 {strides = array<i32>} : memref<128x128xf32, #tpu.memory_space<vmem>>, vector<1x16xf32>,
        %get3A_748 = arith.index_cast %add3A_714 : i32 to index
        %get3A_749 = arith.constant 48 : index
        %get3A_750 = tpu.vector_load %arg10[%get3A_748, %get3A_749] {strides = array<i32>} : memref<128x128xf32, #tpu.memory_space<vmem>>, vector<1x16xf32>,
        %get3A_751 = vector.shape_cast %get3A_750 : vector<1x16xf32> to vector<16xf32>
        %mul3A_752 = arith.mulf %get3A_751, %broadcast_in_dim3A_717 : vector<16xf32>
        %swap3A_753 = arith.index_cast %add3A_714 : i32 to index
        %swap3A_754 = arith.constant 48 : index
        %swap3A_755 = tpu.vector_load %arg10[%swap3A_753, %swap3A_754] {strides = array<i32>} : memref<128x128xf32, #tpu.memory_space<vmem>>, vector<1x16xf32>,
        %swap3A_756 = vector.shape_cast %swap3A_755 : vector<1x16xf32> to vector<16xf32>
        %swap3A_757 = vector.shape_cast %mul3A_752 : vector<16xf32> to vector<1x16xf32>
        tpu.vector_store %arg10[%swap3A_753, %swap3A_754], %swap3A_757 {strides = array<i32>} : memref<128x128xf32, #tpu.memory_space<vmem>>, vector<1x16xf32>,
        %get3A_758 = arith.index_cast %add3A_714 : i32 to index
        %get3A_759 = arith.constant 64 : index
        %get3A_760 = tpu.vector_load %arg10[%get3A_758, %get3A_759] {strides = array<i32>} : memref<128x128xf32, #tpu.memory_space<vmem>>, vector<1x16xf32>,
        %get3A_761 = vector.shape_cast %get3A_760 : vector<1x16xf32> to vector<16xf32>
        %mul3A_762 = arith.mulf %get3A_761, %broadcast_in_dim3A_717 : vector<16xf32>
        %swap3A_763 = arith.index_cast %add3A_714 : i32 to index
        %swap3A_764 = arith.constant 64 : index
        %swap3A_765 = tpu.vector_load %arg10[%swap3A_763, %swap3A_764] {strides = array<i32>} : memref<128x128xf32, #tpu.memory_space<vmem>>, vector<1x16xf32>,
        %swap3A_766 = vector.shape_cast %swap3A_765 : vector<1x16xf32> to vector<16xf32>
        %swap3A_767 = vector.shape_cast %mul3A_762 : vector<16xf32> to vector<1x16xf32>
        tpu.vector_store %arg10[%swap3A_763, %swap3A_764], %swap3A_767 {strides = array<i32>} : memref<128x128xf32, #tpu.memory_space<vmem>>, vector<1x16xf32>,
        %get3A_768 = arith.index_cast %add3A_714 : i32 to index
        %get3A_769 = arith.constant 80 : index
        %get3A_770 = tpu.vector_load %arg10[%get3A_768, %get3A_769] {strides = array<i32>} : memref<128x128xf32, #tpu.memory_space<vmem>>, vector<1x16xf32>,
        %get3A_771 = vector.shape_cast %get3A_770 : vector<1x16xf32> to vector<16xf32>
        %mul3A_772 = arith.mulf %get3A_771, %broadcast_in_dim3A_717 : vector<16xf32>
        %swap3A_773 = arith.index_cast %add3A_714 : i32 to index
        %swap3A_774 = arith.constant 80 : index
        %swap3A_775 = tpu.vector_load %arg10[%swap3A_773, %swap3A_774] {strides = array<i32>} : memref<128x128xf32, #tpu.memory_space<vmem>>, vector<1x16xf32>,
        %swap3A_776 = vector.shape_cast %swap3A_775 : vector<1x16xf32> to vector<16xf32>
        %swap3A_777 = vector.shape_cast %mul3A_772 : vector<16xf32> to vector<1x16xf32>
        tpu.vector_store %arg10[%swap3A_773, %swap3A_774], %swap3A_777 {strides = array<i32>} : memref<128x128xf32, #tpu.memory_space<vmem>>, vector<1x16xf32>,
        %get3A_778 = arith.index_cast %add3A_714 : i32 to index
        %get3A_779 = arith.constant 96 : index
        %get3A_780 = tpu.vector_load %arg10[%get3A_778, %get3A_779] {strides = array<i32>} : memref<128x128xf32, #tpu.memory_space<vmem>>, vector<1x16xf32>,
        %get3A_781 = vector.shape_cast %get3A_780 : vector<1x16xf32> to vector<16xf32>
        %mul3A_782 = arith.mulf %get3A_781, %broadcast_in_dim3A_717 : vector<16xf32>
        %swap3A_783 = arith.index_cast %add3A_714 : i32 to index
        %swap3A_784 = arith.constant 96 : index
        %swap3A_785 = tpu.vector_load %arg10[%swap3A_783, %swap3A_784] {strides = array<i32>} : memref<128x128xf32, #tpu.memory_space<vmem>>, vector<1x16xf32>,
        %swap3A_786 = vector.shape_cast %swap3A_785 : vector<1x16xf32> to vector<16xf32>
        %swap3A_787 = vector.shape_cast %mul3A_782 : vector<16xf32> to vector<1x16xf32>
        tpu.vector_store %arg10[%swap3A_783, %swap3A_784], %swap3A_787 {strides = array<i32>} : memref<128x128xf32, #tpu.memory_space<vmem>>, vector<1x16xf32>,
        %get3A_788 = arith.index_cast %add3A_714 : i32 to index
        %get3A_789 = arith.constant 112 : index
        %get3A_790 = tpu.vector_load %arg10[%get3A_788, %get3A_789] {strides = array<i32>} : memref<128x128xf32, #tpu.memory_space<vmem>>, vector<1x16xf32>,
        %get3A_791 = vector.shape_cast %get3A_790 : vector<1x16xf32> to vector<16xf32>
        %mul3A_792 = arith.mulf %get3A_791, %broadcast_in_dim3A_717 : vector<16xf32>
        %swap3A_793 = arith.index_cast %add3A_714 : i32 to index
        %swap3A_794 = arith.constant 112 : index
        %swap3A_795 = tpu.vector_load %arg10[%swap3A_793, %swap3A_794] {strides = array<i32>} : memref<128x128xf32, #tpu.memory_space<vmem>>, vector<1x16xf32>,
        %swap3A_796 = vector.shape_cast %swap3A_795 : vector<1x16xf32> to vector<16xf32>
        %swap3A_797 = vector.shape_cast %mul3A_792 : vector<16xf32> to vector<1x16xf32>
        tpu.vector_store %arg10[%swap3A_793, %swap3A_794], %swap3A_797 {strides = array<i32>} : memref<128x128xf32, #tpu.memory_space<vmem>>, vector<1x16xf32>,
        %mul3A_798 = arith.constant 16 : i32
        %mul3A_799 = arith.muli %scan3A_99, %mul3A_798 : i32
        %add3A_800 = arith.constant 8 : i32
        %add3A_801 = arith.addi %mul3A_799, %add3A_800 : i32
        %slice3A_802 = vector.extract_strided_slice %get3A_104 {offsets = [8], sizes = [1], strides = [1]} : vector<16xf32> to vector<1xf32>
        %squeeze3A_803 = vector.extract %slice3A_802[0] : f32 from vector<1xf32>
        %broadcast_in_dim3A_804 = vector.broadcast %squeeze3A_803 : f32 to vector<16xf32>
        %get3A_805 = arith.index_cast %add3A_801 : i32 to index
        %get3A_806 = arith.constant 0 : index
        %get3A_807 = tpu.vector_load %arg10[%get3A_805, %get3A_806] {strides = array<i32>} : memref<128x128xf32, #tpu.memory_space<vmem>>, vector<1x16xf32>,
        %get3A_808 = vector.shape_cast %get3A_807 : vector<1x16xf32> to vector<16xf32>
        %mul3A_809 = arith.mulf %get3A_808, %broadcast_in_dim3A_804 : vector<16xf32>
        %swap3A_810 = arith.index_cast %add3A_801 : i32 to index
        %swap3A_811 = arith.constant 0 : index
        %swap3A_812 = tpu.vector_load %arg10[%swap3A_810, %swap3A_811] {strides = array<i32>} : memref<128x128xf32, #tpu.memory_space<vmem>>, vector<1x16xf32>,
        %swap3A_813 = vector.shape_cast %swap3A_812 : vector<1x16xf32> to vector<16xf32>
        %swap3A_814 = vector.shape_cast %mul3A_809 : vector<16xf32> to vector<1x16xf32>
        tpu.vector_store %arg10[%swap3A_810, %swap3A_811], %swap3A_814 {strides = array<i32>} : memref<128x128xf32, #tpu.memory_space<vmem>>, vector<1x16xf32>,
        %get3A_815 = arith.index_cast %add3A_801 : i32 to index
        %get3A_816 = arith.constant 16 : index
        %get3A_817 = tpu.vector_load %arg10[%get3A_815, %get3A_816] {strides = array<i32>} : memref<128x128xf32, #tpu.memory_space<vmem>>, vector<1x16xf32>,
        %get3A_818 = vector.shape_cast %get3A_817 : vector<1x16xf32> to vector<16xf32>
        %mul3A_819 = arith.mulf %get3A_818, %broadcast_in_dim3A_804 : vector<16xf32>
        %swap3A_820 = arith.index_cast %add3A_801 : i32 to index
        %swap3A_821 = arith.constant 16 : index
        %swap3A_822 = tpu.vector_load %arg10[%swap3A_820, %swap3A_821] {strides = array<i32>} : memref<128x128xf32, #tpu.memory_space<vmem>>, vector<1x16xf32>,
        %swap3A_823 = vector.shape_cast %swap3A_822 : vector<1x16xf32> to vector<16xf32>
        %swap3A_824 = vector.shape_cast %mul3A_819 : vector<16xf32> to vector<1x16xf32>
        tpu.vector_store %arg10[%swap3A_820, %swap3A_821], %swap3A_824 {strides = array<i32>} : memref<128x128xf32, #tpu.memory_space<vmem>>, vector<1x16xf32>,
        %get3A_825 = arith.index_cast %add3A_801 : i32 to index
        %get3A_826 = arith.constant 32 : index
        %get3A_827 = tpu.vector_load %arg10[%get3A_825, %get3A_826] {strides = array<i32>} : memref<128x128xf32, #tpu.memory_space<vmem>>, vector<1x16xf32>,
        %get3A_828 = vector.shape_cast %get3A_827 : vector<1x16xf32> to vector<16xf32>
        %mul3A_829 = arith.mulf %get3A_828, %broadcast_in_dim3A_804 : vector<16xf32>
        %swap3A_830 = arith.index_cast %add3A_801 : i32 to index
        %swap3A_831 = arith.constant 32 : index
        %swap3A_832 = tpu.vector_load %arg10[%swap3A_830, %swap3A_831] {strides = array<i32>} : memref<128x128xf32, #tpu.memory_space<vmem>>, vector<1x16xf32>,
        %swap3A_833 = vector.shape_cast %swap3A_832 : vector<1x16xf32> to vector<16xf32>
        %swap3A_834 = vector.shape_cast %mul3A_829 : vector<16xf32> to vector<1x16xf32>
        tpu.vector_store %arg10[%swap3A_830, %swap3A_831], %swap3A_834 {strides = array<i32>} : memref<128x128xf32, #tpu.memory_space<vmem>>, vector<1x16xf32>,
        %get3A_835 = arith.index_cast %add3A_801 : i32 to index
        %get3A_836 = arith.constant 48 : index
        %get3A_837 = tpu.vector_load %arg10[%get3A_835, %get3A_836] {strides = array<i32>} : memref<128x128xf32, #tpu.memory_space<vmem>>, vector<1x16xf32>,
        %get3A_838 = vector.shape_cast %get3A_837 : vector<1x16xf32> to vector<16xf32>
        %mul3A_839 = arith.mulf %get3A_838, %broadcast_in_dim3A_804 : vector<16xf32>
        %swap3A_840 = arith.index_cast %add3A_801 : i32 to index
        %swap3A_841 = arith.constant 48 : index
        %swap3A_842 = tpu.vector_load %arg10[%swap3A_840, %swap3A_841] {strides = array<i32>} : memref<128x128xf32, #tpu.memory_space<vmem>>, vector<1x16xf32>,
        %swap3A_843 = vector.shape_cast %swap3A_842 : vector<1x16xf32> to vector<16xf32>
        %swap3A_844 = vector.shape_cast %mul3A_839 : vector<16xf32> to vector<1x16xf32>
        tpu.vector_store %arg10[%swap3A_840, %swap3A_841], %swap3A_844 {strides = array<i32>} : memref<128x128xf32, #tpu.memory_space<vmem>>, vector<1x16xf32>,
        %get3A_845 = arith.index_cast %add3A_801 : i32 to index
        %get3A_846 = arith.constant 64 : index
        %get3A_847 = tpu.vector_load %arg10[%get3A_845, %get3A_846] {strides = array<i32>} : memref<128x128xf32, #tpu.memory_space<vmem>>, vector<1x16xf32>,
        %get3A_848 = vector.shape_cast %get3A_847 : vector<1x16xf32> to vector<16xf32>
        %mul3A_849 = arith.mulf %get3A_848, %broadcast_in_dim3A_804 : vector<16xf32>
        %swap3A_850 = arith.index_cast %add3A_801 : i32 to index
        %swap3A_851 = arith.constant 64 : index
        %swap3A_852 = tpu.vector_load %arg10[%swap3A_850, %swap3A_851] {strides = array<i32>} : memref<128x128xf32, #tpu.memory_space<vmem>>, vector<1x16xf32>,
        %swap3A_853 = vector.shape_cast %swap3A_852 : vector<1x16xf32> to vector<16xf32>
        %swap3A_854 = vector.shape_cast %mul3A_849 : vector<16xf32> to vector<1x16xf32>
        tpu.vector_store %arg10[%swap3A_850, %swap3A_851], %swap3A_854 {strides = array<i32>} : memref<128x128xf32, #tpu.memory_space<vmem>>, vector<1x16xf32>,
        %get3A_855 = arith.index_cast %add3A_801 : i32 to index
        %get3A_856 = arith.constant 80 : index
        %get3A_857 = tpu.vector_load %arg10[%get3A_855, %get3A_856] {strides = array<i32>} : memref<128x128xf32, #tpu.memory_space<vmem>>, vector<1x16xf32>,
        %get3A_858 = vector.shape_cast %get3A_857 : vector<1x16xf32> to vector<16xf32>
        %mul3A_859 = arith.mulf %get3A_858, %broadcast_in_dim3A_804 : vector<16xf32>
        %swap3A_860 = arith.index_cast %add3A_801 : i32 to index
        %swap3A_861 = arith.constant 80 : index
        %swap3A_862 = tpu.vector_load %arg10[%swap3A_860, %swap3A_861] {strides = array<i32>} : memref<128x128xf32, #tpu.memory_space<vmem>>, vector<1x16xf32>,
        %swap3A_863 = vector.shape_cast %swap3A_862 : vector<1x16xf32> to vector<16xf32>
        %swap3A_864 = vector.shape_cast %mul3A_859 : vector<16xf32> to vector<1x16xf32>
        tpu.vector_store %arg10[%swap3A_860, %swap3A_861], %swap3A_864 {strides = array<i32>} : memref<128x128xf32, #tpu.memory_space<vmem>>, vector<1x16xf32>,
        %get3A_865 = arith.index_cast %add3A_801 : i32 to index
        %get3A_866 = arith.constant 96 : index
        %get3A_867 = tpu.vector_load %arg10[%get3A_865, %get3A_866] {strides = array<i32>} : memref<128x128xf32, #tpu.memory_space<vmem>>, vector<1x16xf32>,
        %get3A_868 = vector.shape_cast %get3A_867 : vector<1x16xf32> to vector<16xf32>
        %mul3A_869 = arith.mulf %get3A_868, %broadcast_in_dim3A_804 : vector<16xf32>
        %swap3A_870 = arith.index_cast %add3A_801 : i32 to index
        %swap3A_871 = arith.constant 96 : index
        %swap3A_872 = tpu.vector_load %arg10[%swap3A_870, %swap3A_871] {strides = array<i32>} : memref<128x128xf32, #tpu.memory_space<vmem>>, vector<1x16xf32>,
        %swap3A_873 = vector.shape_cast %swap3A_872 : vector<1x16xf32> to vector<16xf32>
        %swap3A_874 = vector.shape_cast %mul3A_869 : vector<16xf32> to vector<1x16xf32>
        tpu.vector_store %arg10[%swap3A_870, %swap3A_871], %swap3A_874 {strides = array<i32>} : memref<128x128xf32, #tpu.memory_space<vmem>>, vector<1x16xf32>,
        %get3A_875 = arith.index_cast %add3A_801 : i32 to index
        %get3A_876 = arith.constant 112 : index
        %get3A_877 = tpu.vector_load %arg10[%get3A_875, %get3A_876] {strides = array<i32>} : memref<128x128xf32, #tpu.memory_space<vmem>>, vector<1x16xf32>,
        %get3A_878 = vector.shape_cast %get3A_877 : vector<1x16xf32> to vector<16xf32>
        %mul3A_879 = arith.mulf %get3A_878, %broadcast_in_dim3A_804 : vector<16xf32>
        %swap3A_880 = arith.index_cast %add3A_801 : i32 to index
        %swap3A_881 = arith.constant 112 : index
        %swap3A_882 = tpu.vector_load %arg10[%swap3A_880, %swap3A_881] {strides = array<i32>} : memref<128x128xf32, #tpu.memory_space<vmem>>, vector<1x16xf32>,
        %swap3A_883 = vector.shape_cast %swap3A_882 : vector<1x16xf32> to vector<16xf32>
        %swap3A_884 = vector.shape_cast %mul3A_879 : vector<16xf32> to vector<1x16xf32>
        tpu.vector_store %arg10[%swap3A_880, %swap3A_881], %swap3A_884 {strides = array<i32>} : memref<128x128xf32, #tpu.memory_space<vmem>>, vector<1x16xf32>,
        %mul3A_885 = arith.constant 16 : i32
        %mul3A_886 = arith.muli %scan3A_99, %mul3A_885 : i32
        %add3A_887 = arith.constant 9 : i32
        %add3A_888 = arith.addi %mul3A_886, %add3A_887 : i32
        %slice3A_889 = vector.extract_strided_slice %get3A_104 {offsets = [9], sizes = [1], strides = [1]} : vector<16xf32> to vector<1xf32>
        %squeeze3A_890 = vector.extract %slice3A_889[0] : f32 from vector<1xf32>
        %broadcast_in_dim3A_891 = vector.broadcast %squeeze3A_890 : f32 to vector<16xf32>
        %get3A_892 = arith.index_cast %add3A_888 : i32 to index
        %get3A_893 = arith.constant 0 : index
        %get3A_894 = tpu.vector_load %arg10[%get3A_892, %get3A_893] {strides = array<i32>} : memref<128x128xf32, #tpu.memory_space<vmem>>, vector<1x16xf32>,
        %get3A_895 = vector.shape_cast %get3A_894 : vector<1x16xf32> to vector<16xf32>
        %mul3A_896 = arith.mulf %get3A_895, %broadcast_in_dim3A_891 : vector<16xf32>
        %swap3A_897 = arith.index_cast %add3A_888 : i32 to index
        %swap3A_898 = arith.constant 0 : index
        %swap3A_899 = tpu.vector_load %arg10[%swap3A_897, %swap3A_898] {strides = array<i32>} : memref<128x128xf32, #tpu.memory_space<vmem>>, vector<1x16xf32>,
        %swap3A_900 = vector.shape_cast %swap3A_899 : vector<1x16xf32> to vector<16xf32>
        %swap3A_901 = vector.shape_cast %mul3A_896 : vector<16xf32> to vector<1x16xf32>
        tpu.vector_store %arg10[%swap3A_897, %swap3A_898], %swap3A_901 {strides = array<i32>} : memref<128x128xf32, #tpu.memory_space<vmem>>, vector<1x16xf32>,
        %get3A_902 = arith.index_cast %add3A_888 : i32 to index
        %get3A_903 = arith.constant 16 : index
        %get3A_904 = tpu.vector_load %arg10[%get3A_902, %get3A_903] {strides = array<i32>} : memref<128x128xf32, #tpu.memory_space<vmem>>, vector<1x16xf32>,
        %get3A_905 = vector.shape_cast %get3A_904 : vector<1x16xf32> to vector<16xf32>
        %mul3A_906 = arith.mulf %get3A_905, %broadcast_in_dim3A_891 : vector<16xf32>
        %swap3A_907 = arith.index_cast %add3A_888 : i32 to index
        %swap3A_908 = arith.constant 16 : index
        %swap3A_909 = tpu.vector_load %arg10[%swap3A_907, %swap3A_908] {strides = array<i32>} : memref<128x128xf32, #tpu.memory_space<vmem>>, vector<1x16xf32>,
        %swap3A_910 = vector.shape_cast %swap3A_909 : vector<1x16xf32> to vector<16xf32>
        %swap3A_911 = vector.shape_cast %mul3A_906 : vector<16xf32> to vector<1x16xf32>
        tpu.vector_store %arg10[%swap3A_907, %swap3A_908], %swap3A_911 {strides = array<i32>} : memref<128x128xf32, #tpu.memory_space<vmem>>, vector<1x16xf32>,
        %get3A_912 = arith.index_cast %add3A_888 : i32 to index
        %get3A_913 = arith.constant 32 : index
        %get3A_914 = tpu.vector_load %arg10[%get3A_912, %get3A_913] {strides = array<i32>} : memref<128x128xf32, #tpu.memory_space<vmem>>, vector<1x16xf32>,
        %get3A_915 = vector.shape_cast %get3A_914 : vector<1x16xf32> to vector<16xf32>
        %mul3A_916 = arith.mulf %get3A_915, %broadcast_in_dim3A_891 : vector<16xf32>
        %swap3A_917 = arith.index_cast %add3A_888 : i32 to index
        %swap3A_918 = arith.constant 32 : index
        %swap3A_919 = tpu.vector_load %arg10[%swap3A_917, %swap3A_918] {strides = array<i32>} : memref<128x128xf32, #tpu.memory_space<vmem>>, vector<1x16xf32>,
        %swap3A_920 = vector.shape_cast %swap3A_919 : vector<1x16xf32> to vector<16xf32>
        %swap3A_921 = vector.shape_cast %mul3A_916 : vector<16xf32> to vector<1x16xf32>
        tpu.vector_store %arg10[%swap3A_917, %swap3A_918], %swap3A_921 {strides = array<i32>} : memref<128x128xf32, #tpu.memory_space<vmem>>, vector<1x16xf32>,
        %get3A_922 = arith.index_cast %add3A_888 : i32 to index
        %get3A_923 = arith.constant 48 : index
        %get3A_924 = tpu.vector_load %arg10[%get3A_922, %get3A_923] {strides = array<i32>} : memref<128x128xf32, #tpu.memory_space<vmem>>, vector<1x16xf32>,
        %get3A_925 = vector.shape_cast %get3A_924 : vector<1x16xf32> to vector<16xf32>
        %mul3A_926 = arith.mulf %get3A_925, %broadcast_in_dim3A_891 : vector<16xf32>
        %swap3A_927 = arith.index_cast %add3A_888 : i32 to index
        %swap3A_928 = arith.constant 48 : index
        %swap3A_929 = tpu.vector_load %arg10[%swap3A_927, %swap3A_928] {strides = array<i32>} : memref<128x128xf32, #tpu.memory_space<vmem>>, vector<1x16xf32>,
        %swap3A_930 = vector.shape_cast %swap3A_929 : vector<1x16xf32> to vector<16xf32>
        %swap3A_931 = vector.shape_cast %mul3A_926 : vector<16xf32> to vector<1x16xf32>
        tpu.vector_store %arg10[%swap3A_927, %swap3A_928], %swap3A_931 {strides = array<i32>} : memref<128x128xf32, #tpu.memory_space<vmem>>, vector<1x16xf32>,
        %get3A_932 = arith.index_cast %add3A_888 : i32 to index
        %get3A_933 = arith.constant 64 : index
        %get3A_934 = tpu.vector_load %arg10[%get3A_932, %get3A_933] {strides = array<i32>} : memref<128x128xf32, #tpu.memory_space<vmem>>, vector<1x16xf32>,
        %get3A_935 = vector.shape_cast %get3A_934 : vector<1x16xf32> to vector<16xf32>
        %mul3A_936 = arith.mulf %get3A_935, %broadcast_in_dim3A_891 : vector<16xf32>
        %swap3A_937 = arith.index_cast %add3A_888 : i32 to index
        %swap3A_938 = arith.constant 64 : index
        %swap3A_939 = tpu.vector_load %arg10[%swap3A_937, %swap3A_938] {strides = array<i32>} : memref<128x128xf32, #tpu.memory_space<vmem>>, vector<1x16xf32>,
        %swap3A_940 = vector.shape_cast %swap3A_939 : vector<1x16xf32> to vector<16xf32>
        %swap3A_941 = vector.shape_cast %mul3A_936 : vector<16xf32> to vector<1x16xf32>
        tpu.vector_store %arg10[%swap3A_937, %swap3A_938], %swap3A_941 {strides = array<i32>} : memref<128x128xf32, #tpu.memory_space<vmem>>, vector<1x16xf32>,
        %get3A_942 = arith.index_cast %add3A_888 : i32 to index
        %get3A_943 = arith.constant 80 : index
        %get3A_944 = tpu.vector_load %arg10[%get3A_942, %get3A_943] {strides = array<i32>} : memref<128x128xf32, #tpu.memory_space<vmem>>, vector<1x16xf32>,
        %get3A_945 = vector.shape_cast %get3A_944 : vector<1x16xf32> to vector<16xf32>
        %mul3A_946 = arith.mulf %get3A_945, %broadcast_in_dim3A_891 : vector<16xf32>
        %swap3A_947 = arith.index_cast %add3A_888 : i32 to index
        %swap3A_948 = arith.constant 80 : index
        %swap3A_949 = tpu.vector_load %arg10[%swap3A_947, %swap3A_948] {strides = array<i32>} : memref<128x128xf32, #tpu.memory_space<vmem>>, vector<1x16xf32>,
        %swap3A_950 = vector.shape_cast %swap3A_949 : vector<1x16xf32> to vector<16xf32>
        %swap3A_951 = vector.shape_cast %mul3A_946 : vector<16xf32> to vector<1x16xf32>
        tpu.vector_store %arg10[%swap3A_947, %swap3A_948], %swap3A_951 {strides = array<i32>} : memref<128x128xf32, #tpu.memory_space<vmem>>, vector<1x16xf32>,
        %get3A_952 = arith.index_cast %add3A_888 : i32 to index
        %get3A_953 = arith.constant 96 : index
        %get3A_954 = tpu.vector_load %arg10[%get3A_952, %get3A_953] {strides = array<i32>} : memref<128x128xf32, #tpu.memory_space<vmem>>, vector<1x16xf32>,
        %get3A_955 = vector.shape_cast %get3A_954 : vector<1x16xf32> to vector<16xf32>
        %mul3A_956 = arith.mulf %get3A_955, %broadcast_in_dim3A_891 : vector<16xf32>
        %swap3A_957 = arith.index_cast %add3A_888 : i32 to index
        %swap3A_958 = arith.constant 96 : index
        %swap3A_959 = tpu.vector_load %arg10[%swap3A_957, %swap3A_958] {strides = array<i32>} : memref<128x128xf32, #tpu.memory_space<vmem>>, vector<1x16xf32>,
        %swap3A_960 = vector.shape_cast %swap3A_959 : vector<1x16xf32> to vector<16xf32>
        %swap3A_961 = vector.shape_cast %mul3A_956 : vector<16xf32> to vector<1x16xf32>
        tpu.vector_store %arg10[%swap3A_957, %swap3A_958], %swap3A_961 {strides = array<i32>} : memref<128x128xf32, #tpu.memory_space<vmem>>, vector<1x16xf32>,
        %get3A_962 = arith.index_cast %add3A_888 : i32 to index
        %get3A_963 = arith.constant 112 : index
        %get3A_964 = tpu.vector_load %arg10[%get3A_962, %get3A_963] {strides = array<i32>} : memref<128x128xf32, #tpu.memory_space<vmem>>, vector<1x16xf32>,
        %get3A_965 = vector.shape_cast %get3A_964 : vector<1x16xf32> to vector<16xf32>
        %mul3A_966 = arith.mulf %get3A_965, %broadcast_in_dim3A_891 : vector<16xf32>
        %swap3A_967 = arith.index_cast %add3A_888 : i32 to index
        %swap3A_968 = arith.constant 112 : index
        %swap3A_969 = tpu.vector_load %arg10[%swap3A_967, %swap3A_968] {strides = array<i32>} : memref<128x128xf32, #tpu.memory_space<vmem>>, vector<1x16xf32>,
        %swap3A_970 = vector.shape_cast %swap3A_969 : vector<1x16xf32> to vector<16xf32>
        %swap3A_971 = vector.shape_cast %mul3A_966 : vector<16xf32> to vector<1x16xf32>
        tpu.vector_store %arg10[%swap3A_967, %swap3A_968], %swap3A_971 {strides = array<i32>} : memref<128x128xf32, #tpu.memory_space<vmem>>, vector<1x16xf32>,
        %mul3A_972 = arith.constant 16 : i32
        %mul3A_973 = arith.muli %scan3A_99, %mul3A_972 : i32
        %add3A_974 = arith.constant 10 : i32
        %add3A_975 = arith.addi %mul3A_973, %add3A_974 : i32
        %slice3A_976 = vector.extract_strided_slice %get3A_104 {offsets = [10], sizes = [1], strides = [1]} : vector<16xf32> to vector<1xf32>
        %squeeze3A_977 = vector.extract %slice3A_976[0] : f32 from vector<1xf32>
        %broadcast_in_dim3A_978 = vector.broadcast %squeeze3A_977 : f32 to vector<16xf32>
        %get3A_979 = arith.index_cast %add3A_975 : i32 to index
        %get3A_980 = arith.constant 0 : index
        %get3A_981 = tpu.vector_load %arg10[%get3A_979, %get3A_980] {strides = array<i32>} : memref<128x128xf32, #tpu.memory_space<vmem>>, vector<1x16xf32>,
        %get3A_982 = vector.shape_cast %get3A_981 : vector<1x16xf32> to vector<16xf32>
        %mul3A_983 = arith.mulf %get3A_982, %broadcast_in_dim3A_978 : vector<16xf32>
        %swap3A_984 = arith.index_cast %add3A_975 : i32 to index
        %swap3A_985 = arith.constant 0 : index
        %swap3A_986 = tpu.vector_load %arg10[%swap3A_984, %swap3A_985] {strides = array<i32>} : memref<128x128xf32, #tpu.memory_space<vmem>>, vector<1x16xf32>,
        %swap3A_987 = vector.shape_cast %swap3A_986 : vector<1x16xf32> to vector<16xf32>
        %swap3A_988 = vector.shape_cast %mul3A_983 : vector<16xf32> to vector<1x16xf32>
        tpu.vector_store %arg10[%swap3A_984, %swap3A_985], %swap3A_988 {strides = array<i32>} : memref<128x128xf32, #tpu.memory_space<vmem>>, vector<1x16xf32>,
        %get3A_989 = arith.index_cast %add3A_975 : i32 to index
        %get3A_990 = arith.constant 16 : index
        %get3A_991 = tpu.vector_load %arg10[%get3A_989, %get3A_990] {strides = array<i32>} : memref<128x128xf32, #tpu.memory_space<vmem>>, vector<1x16xf32>,
        %get3A_992 = vector.shape_cast %get3A_991 : vector<1x16xf32> to vector<16xf32>
        %mul3A_993 = arith.mulf %get3A_992, %broadcast_in_dim3A_978 : vector<16xf32>
        %swap3A_994 = arith.index_cast %add3A_975 : i32 to index
        %swap3A_995 = arith.constant 16 : index
        %swap3A_996 = tpu.vector_load %arg10[%swap3A_994, %swap3A_995] {strides = array<i32>} : memref<128x128xf32, #tpu.memory_space<vmem>>, vector<1x16xf32>,
        %swap3A_997 = vector.shape_cast %swap3A_996 : vector<1x16xf32> to vector<16xf32>
        %swap3A_998 = vector.shape_cast %mul3A_993 : vector<16xf32> to vector<1x16xf32>
        tpu.vector_store %arg10[%swap3A_994, %swap3A_995], %swap3A_998 {strides = array<i32>} : memref<128x128xf32, #tpu.memory_space<vmem>>, vector<1x16xf32>,
        %get3A_999 = arith.index_cast %add3A_975 : i32 to index
        %get3A_1000 = arith.constant 32 : index
        %get3A_1001 = tpu.vector_load %arg10[%get3A_999, %get3A_1000] {strides = array<i32>} : memref<128x128xf32, #tpu.memory_space<vmem>>, vector<1x16xf32>,
        %get3A_1002 = vector.shape_cast %get3A_1001 : vector<1x16xf32> to vector<16xf32>
        %mul3A_1003 = arith.mulf %get3A_1002, %broadcast_in_dim3A_978 : vector<16xf32>
        %swap3A_1004 = arith.index_cast %add3A_975 : i32 to index
        %swap3A_1005 = arith.constant 32 : index
        %swap3A_1006 = tpu.vector_load %arg10[%swap3A_1004, %swap3A_1005] {strides = array<i32>} : memref<128x128xf32, #tpu.memory_space<vmem>>, vector<1x16xf32>,
        %swap3A_1007 = vector.shape_cast %swap3A_1006 : vector<1x16xf32> to vector<16xf32>
        %swap3A_1008 = vector.shape_cast %mul3A_1003 : vector<16xf32> to vector<1x16xf32>
        tpu.vector_store %arg10[%swap3A_1004, %swap3A_1005], %swap3A_1008 {strides = array<i32>} : memref<128x128xf32, #tpu.memory_space<vmem>>, vector<1x16xf32>,
        %get3A_1009 = arith.index_cast %add3A_975 : i32 to index
        %get3A_1010 = arith.constant 48 : index
        %get3A_1011 = tpu.vector_load %arg10[%get3A_1009, %get3A_1010] {strides = array<i32>} : memref<128x128xf32, #tpu.memory_space<vmem>>, vector<1x16xf32>,
        %get3A_1012 = vector.shape_cast %get3A_1011 : vector<1x16xf32> to vector<16xf32>
        %mul3A_1013 = arith.mulf %get3A_1012, %broadcast_in_dim3A_978 : vector<16xf32>
        %swap3A_1014 = arith.index_cast %add3A_975 : i32 to index
        %swap3A_1015 = arith.constant 48 : index
        %swap3A_1016 = tpu.vector_load %arg10[%swap3A_1014, %swap3A_1015] {strides = array<i32>} : memref<128x128xf32, #tpu.memory_space<vmem>>, vector<1x16xf32>,
        %swap3A_1017 = vector.shape_cast %swap3A_1016 : vector<1x16xf32> to vector<16xf32>
        %swap3A_1018 = vector.shape_cast %mul3A_1013 : vector<16xf32> to vector<1x16xf32>
        tpu.vector_store %arg10[%swap3A_1014, %swap3A_1015], %swap3A_1018 {strides = array<i32>} : memref<128x128xf32, #tpu.memory_space<vmem>>, vector<1x16xf32>,
        %get3A_1019 = arith.index_cast %add3A_975 : i32 to index
        %get3A_1020 = arith.constant 64 : index
        %get3A_1021 = tpu.vector_load %arg10[%get3A_1019, %get3A_1020] {strides = array<i32>} : memref<128x128xf32, #tpu.memory_space<vmem>>, vector<1x16xf32>,
        %get3A_1022 = vector.shape_cast %get3A_1021 : vector<1x16xf32> to vector<16xf32>
        %mul3A_1023 = arith.mulf %get3A_1022, %broadcast_in_dim3A_978 : vector<16xf32>
        %swap3A_1024 = arith.index_cast %add3A_975 : i32 to index
        %swap3A_1025 = arith.constant 64 : index
        %swap3A_1026 = tpu.vector_load %arg10[%swap3A_1024, %swap3A_1025] {strides = array<i32>} : memref<128x128xf32, #tpu.memory_space<vmem>>, vector<1x16xf32>,
        %swap3A_1027 = vector.shape_cast %swap3A_1026 : vector<1x16xf32> to vector<16xf32>
        %swap3A_1028 = vector.shape_cast %mul3A_1023 : vector<16xf32> to vector<1x16xf32>
        tpu.vector_store %arg10[%swap3A_1024, %swap3A_1025], %swap3A_1028 {strides = array<i32>} : memref<128x128xf32, #tpu.memory_space<vmem>>, vector<1x16xf32>,
        %get3A_1029 = arith.index_cast %add3A_975 : i32 to index
        %get3A_1030 = arith.constant 80 : index
        %get3A_1031 = tpu.vector_load %arg10[%get3A_1029, %get3A_1030] {strides = array<i32>} : memref<128x128xf32, #tpu.memory_space<vmem>>, vector<1x16xf32>,
        %get3A_1032 = vector.shape_cast %get3A_1031 : vector<1x16xf32> to vector<16xf32>
        %mul3A_1033 = arith.mulf %get3A_1032, %broadcast_in_dim3A_978 : vector<16xf32>
        %swap3A_1034 = arith.index_cast %add3A_975 : i32 to index
        %swap3A_1035 = arith.constant 80 : index
        %swap3A_1036 = tpu.vector_load %arg10[%swap3A_1034, %swap3A_1035] {strides = array<i32>} : memref<128x128xf32, #tpu.memory_space<vmem>>, vector<1x16xf32>,
        %swap3A_1037 = vector.shape_cast %swap3A_1036 : vector<1x16xf32> to vector<16xf32>
        %swap3A_1038 = vector.shape_cast %mul3A_1033 : vector<16xf32> to vector<1x16xf32>
        tpu.vector_store %arg10[%swap3A_1034, %swap3A_1035], %swap3A_1038 {strides = array<i32>} : memref<128x128xf32, #tpu.memory_space<vmem>>, vector<1x16xf32>,
        %get3A_1039 = arith.index_cast %add3A_975 : i32 to index
        %get3A_1040 = arith.constant 96 : index
        %get3A_1041 = tpu.vector_load %arg10[%get3A_1039, %get3A_1040] {strides = array<i32>} : memref<128x128xf32, #tpu.memory_space<vmem>>, vector<1x16xf32>,
        %get3A_1042 = vector.shape_cast %get3A_1041 : vector<1x16xf32> to vector<16xf32>
        %mul3A_1043 = arith.mulf %get3A_1042, %broadcast_in_dim3A_978 : vector<16xf32>
        %swap3A_1044 = arith.index_cast %add3A_975 : i32 to index
        %swap3A_1045 = arith.constant 96 : index
        %swap3A_1046 = tpu.vector_load %arg10[%swap3A_1044, %swap3A_1045] {strides = array<i32>} : memref<128x128xf32, #tpu.memory_space<vmem>>, vector<1x16xf32>,
        %swap3A_1047 = vector.shape_cast %swap3A_1046 : vector<1x16xf32> to vector<16xf32>
        %swap3A_1048 = vector.shape_cast %mul3A_1043 : vector<16xf32> to vector<1x16xf32>
        tpu.vector_store %arg10[%swap3A_1044, %swap3A_1045], %swap3A_1048 {strides = array<i32>} : memref<128x128xf32, #tpu.memory_space<vmem>>, vector<1x16xf32>,
        %get3A_1049 = arith.index_cast %add3A_975 : i32 to index
        %get3A_1050 = arith.constant 112 : index
        %get3A_1051 = tpu.vector_load %arg10[%get3A_1049, %get3A_1050] {strides = array<i32>} : memref<128x128xf32, #tpu.memory_space<vmem>>, vector<1x16xf32>,
        %get3A_1052 = vector.shape_cast %get3A_1051 : vector<1x16xf32> to vector<16xf32>
        %mul3A_1053 = arith.mulf %get3A_1052, %broadcast_in_dim3A_978 : vector<16xf32>
        %swap3A_1054 = arith.index_cast %add3A_975 : i32 to index
        %swap3A_1055 = arith.constant 112 : index
        %swap3A_1056 = tpu.vector_load %arg10[%swap3A_1054, %swap3A_1055] {strides = array<i32>} : memref<128x128xf32, #tpu.memory_space<vmem>>, vector<1x16xf32>,
        %swap3A_1057 = vector.shape_cast %swap3A_1056 : vector<1x16xf32> to vector<16xf32>
        %swap3A_1058 = vector.shape_cast %mul3A_1053 : vector<16xf32> to vector<1x16xf32>
        tpu.vector_store %arg10[%swap3A_1054, %swap3A_1055], %swap3A_1058 {strides = array<i32>} : memref<128x128xf32, #tpu.memory_space<vmem>>, vector<1x16xf32>,
        %mul3A_1059 = arith.constant 16 : i32
        %mul3A_1060 = arith.muli %scan3A_99, %mul3A_1059 : i32
        %add3A_1061 = arith.constant 11 : i32
        %add3A_1062 = arith.addi %mul3A_1060, %add3A_1061 : i32
        %slice3A_1063 = vector.extract_strided_slice %get3A_104 {offsets = [11], sizes = [1], strides = [1]} : vector<16xf32> to vector<1xf32>
        %squeeze3A_1064 = vector.extract %slice3A_1063[0] : f32 from vector<1xf32>
        %broadcast_in_dim3A_1065 = vector.broadcast %squeeze3A_1064 : f32 to vector<16xf32>
        %get3A_1066 = arith.index_cast %add3A_1062 : i32 to index
        %get3A_1067 = arith.constant 0 : index
        %get3A_1068 = tpu.vector_load %arg10[%get3A_1066, %get3A_1067] {strides = array<i32>} : memref<128x128xf32, #tpu.memory_space<vmem>>, vector<1x16xf32>,
        %get3A_1069 = vector.shape_cast %get3A_1068 : vector<1x16xf32> to vector<16xf32>
        %mul3A_1070 = arith.mulf %get3A_1069, %broadcast_in_dim3A_1065 : vector<16xf32>
        %swap3A_1071 = arith.index_cast %add3A_1062 : i32 to index
        %swap3A_1072 = arith.constant 0 : index
        %swap3A_1073 = tpu.vector_load %arg10[%swap3A_1071, %swap3A_1072] {strides = array<i32>} : memref<128x128xf32, #tpu.memory_space<vmem>>, vector<1x16xf32>,
        %swap3A_1074 = vector.shape_cast %swap3A_1073 : vector<1x16xf32> to vector<16xf32>
        %swap3A_1075 = vector.shape_cast %mul3A_1070 : vector<16xf32> to vector<1x16xf32>
        tpu.vector_store %arg10[%swap3A_1071, %swap3A_1072], %swap3A_1075 {strides = array<i32>} : memref<128x128xf32, #tpu.memory_space<vmem>>, vector<1x16xf32>,
        %get3A_1076 = arith.index_cast %add3A_1062 : i32 to index
        %get3A_1077 = arith.constant 16 : index
        %get3A_1078 = tpu.vector_load %arg10[%get3A_1076, %get3A_1077] {strides = array<i32>} : memref<128x128xf32, #tpu.memory_space<vmem>>, vector<1x16xf32>,
        %get3A_1079 = vector.shape_cast %get3A_1078 : vector<1x16xf32> to vector<16xf32>
        %mul3A_1080 = arith.mulf %get3A_1079, %broadcast_in_dim3A_1065 : vector<16xf32>
        %swap3A_1081 = arith.index_cast %add3A_1062 : i32 to index
        %swap3A_1082 = arith.constant 16 : index
        %swap3A_1083 = tpu.vector_load %arg10[%swap3A_1081, %swap3A_1082] {strides = array<i32>} : memref<128x128xf32, #tpu.memory_space<vmem>>, vector<1x16xf32>,
        %swap3A_1084 = vector.shape_cast %swap3A_1083 : vector<1x16xf32> to vector<16xf32>
        %swap3A_1085 = vector.shape_cast %mul3A_1080 : vector<16xf32> to vector<1x16xf32>
        tpu.vector_store %arg10[%swap3A_1081, %swap3A_1082], %swap3A_1085 {strides = array<i32>} : memref<128x128xf32, #tpu.memory_space<vmem>>, vector<1x16xf32>,
        %get3A_1086 = arith.index_cast %add3A_1062 : i32 to index
        %get3A_1087 = arith.constant 32 : index
        %get3A_1088 = tpu.vector_load %arg10[%get3A_1086, %get3A_1087] {strides = array<i32>} : memref<128x128xf32, #tpu.memory_space<vmem>>, vector<1x16xf32>,
        %get3A_1089 = vector.shape_cast %get3A_1088 : vector<1x16xf32> to vector<16xf32>
        %mul3A_1090 = arith.mulf %get3A_1089, %broadcast_in_dim3A_1065 : vector<16xf32>
        %swap3A_1091 = arith.index_cast %add3A_1062 : i32 to index
        %swap3A_1092 = arith.constant 32 : index
        %swap3A_1093 = tpu.vector_load %arg10[%swap3A_1091, %swap3A_1092] {strides = array<i32>} : memref<128x128xf32, #tpu.memory_space<vmem>>, vector<1x16xf32>,
        %swap3A_1094 = vector.shape_cast %swap3A_1093 : vector<1x16xf32> to vector<16xf32>
        %swap3A_1095 = vector.shape_cast %mul3A_1090 : vector<16xf32> to vector<1x16xf32>
        tpu.vector_store %arg10[%swap3A_1091, %swap3A_1092], %swap3A_1095 {strides = array<i32>} : memref<128x128xf32, #tpu.memory_space<vmem>>, vector<1x16xf32>,
        %get3A_1096 = arith.index_cast %add3A_1062 : i32 to index
        %get3A_1097 = arith.constant 48 : index
        %get3A_1098 = tpu.vector_load %arg10[%get3A_1096, %get3A_1097] {strides = array<i32>} : memref<128x128xf32, #tpu.memory_space<vmem>>, vector<1x16xf32>,
        %get3A_1099 = vector.shape_cast %get3A_1098 : vector<1x16xf32> to vector<16xf32>
        %mul3A_1100 = arith.mulf %get3A_1099, %broadcast_in_dim3A_1065 : vector<16xf32>
        %swap3A_1101 = arith.index_cast %add3A_1062 : i32 to index
        %swap3A_1102 = arith.constant 48 : index
        %swap3A_1103 = tpu.vector_load %arg10[%swap3A_1101, %swap3A_1102] {strides = array<i32>} : memref<128x128xf32, #tpu.memory_space<vmem>>, vector<1x16xf32>,
        %swap3A_1104 = vector.shape_cast %swap3A_1103 : vector<1x16xf32> to vector<16xf32>
        %swap3A_1105 = vector.shape_cast %mul3A_1100 : vector<16xf32> to vector<1x16xf32>
        tpu.vector_store %arg10[%swap3A_1101, %swap3A_1102], %swap3A_1105 {strides = array<i32>} : memref<128x128xf32, #tpu.memory_space<vmem>>, vector<1x16xf32>,
        %get3A_1106 = arith.index_cast %add3A_1062 : i32 to index
        %get3A_1107 = arith.constant 64 : index
        %get3A_1108 = tpu.vector_load %arg10[%get3A_1106, %get3A_1107] {strides = array<i32>} : memref<128x128xf32, #tpu.memory_space<vmem>>, vector<1x16xf32>,
        %get3A_1109 = vector.shape_cast %get3A_1108 : vector<1x16xf32> to vector<16xf32>
        %mul3A_1110 = arith.mulf %get3A_1109, %broadcast_in_dim3A_1065 : vector<16xf32>
        %swap3A_1111 = arith.index_cast %add3A_1062 : i32 to index
        %swap3A_1112 = arith.constant 64 : index
        %swap3A_1113 = tpu.vector_load %arg10[%swap3A_1111, %swap3A_1112] {strides = array<i32>} : memref<128x128xf32, #tpu.memory_space<vmem>>, vector<1x16xf32>,
        %swap3A_1114 = vector.shape_cast %swap3A_1113 : vector<1x16xf32> to vector<16xf32>
        %swap3A_1115 = vector.shape_cast %mul3A_1110 : vector<16xf32> to vector<1x16xf32>
        tpu.vector_store %arg10[%swap3A_1111, %swap3A_1112], %swap3A_1115 {strides = array<i32>} : memref<128x128xf32, #tpu.memory_space<vmem>>, vector<1x16xf32>,
        %get3A_1116 = arith.index_cast %add3A_1062 : i32 to index
        %get3A_1117 = arith.constant 80 : index
        %get3A_1118 = tpu.vector_load %arg10[%get3A_1116, %get3A_1117] {strides = array<i32>} : memref<128x128xf32, #tpu.memory_space<vmem>>, vector<1x16xf32>,
        %get3A_1119 = vector.shape_cast %get3A_1118 : vector<1x16xf32> to vector<16xf32>
        %mul3A_1120 = arith.mulf %get3A_1119, %broadcast_in_dim3A_1065 : vector<16xf32>
        %swap3A_1121 = arith.index_cast %add3A_1062 : i32 to index
        %swap3A_1122 = arith.constant 80 : index
        %swap3A_1123 = tpu.vector_load %arg10[%swap3A_1121, %swap3A_1122] {strides = array<i32>} : memref<128x128xf32, #tpu.memory_space<vmem>>, vector<1x16xf32>,
        %swap3A_1124 = vector.shape_cast %swap3A_1123 : vector<1x16xf32> to vector<16xf32>
        %swap3A_1125 = vector.shape_cast %mul3A_1120 : vector<16xf32> to vector<1x16xf32>
        tpu.vector_store %arg10[%swap3A_1121, %swap3A_1122], %swap3A_1125 {strides = array<i32>} : memref<128x128xf32, #tpu.memory_space<vmem>>, vector<1x16xf32>,
        %get3A_1126 = arith.index_cast %add3A_1062 : i32 to index
        %get3A_1127 = arith.constant 96 : index
        %get3A_1128 = tpu.vector_load %arg10[%get3A_1126, %get3A_1127] {strides = array<i32>} : memref<128x128xf32, #tpu.memory_space<vmem>>, vector<1x16xf32>,
        %get3A_1129 = vector.shape_cast %get3A_1128 : vector<1x16xf32> to vector<16xf32>
        %mul3A_1130 = arith.mulf %get3A_1129, %broadcast_in_dim3A_1065 : vector<16xf32>
        %swap3A_1131 = arith.index_cast %add3A_1062 : i32 to index
        %swap3A_1132 = arith.constant 96 : index
        %swap3A_1133 = tpu.vector_load %arg10[%swap3A_1131, %swap3A_1132] {strides = array<i32>} : memref<128x128xf32, #tpu.memory_space<vmem>>, vector<1x16xf32>,
        %swap3A_1134 = vector.shape_cast %swap3A_1133 : vector<1x16xf32> to vector<16xf32>
        %swap3A_1135 = vector.shape_cast %mul3A_1130 : vector<16xf32> to vector<1x16xf32>
        tpu.vector_store %arg10[%swap3A_1131, %swap3A_1132], %swap3A_1135 {strides = array<i32>} : memref<128x128xf32, #tpu.memory_space<vmem>>, vector<1x16xf32>,
        %get3A_1136 = arith.index_cast %add3A_1062 : i32 to index
        %get3A_1137 = arith.constant 112 : index
        %get3A_1138 = tpu.vector_load %arg10[%get3A_1136, %get3A_1137] {strides = array<i32>} : memref<128x128xf32, #tpu.memory_space<vmem>>, vector<1x16xf32>,
        %get3A_1139 = vector.shape_cast %get3A_1138 : vector<1x16xf32> to vector<16xf32>
        %mul3A_1140 = arith.mulf %get3A_1139, %broadcast_in_dim3A_1065 : vector<16xf32>
        %swap3A_1141 = arith.index_cast %add3A_1062 : i32 to index
        %swap3A_1142 = arith.constant 112 : index
        %swap3A_1143 = tpu.vector_load %arg10[%swap3A_1141, %swap3A_1142] {strides = array<i32>} : memref<128x128xf32, #tpu.memory_space<vmem>>, vector<1x16xf32>,
        %swap3A_1144 = vector.shape_cast %swap3A_1143 : vector<1x16xf32> to vector<16xf32>
        %swap3A_1145 = vector.shape_cast %mul3A_1140 : vector<16xf32> to vector<1x16xf32>
        tpu.vector_store %arg10[%swap3A_1141, %swap3A_1142], %swap3A_1145 {strides = array<i32>} : memref<128x128xf32, #tpu.memory_space<vmem>>, vector<1x16xf32>,
        %mul3A_1146 = arith.constant 16 : i32
        %mul3A_1147 = arith.muli %scan3A_99, %mul3A_1146 : i32
        %add3A_1148 = arith.constant 12 : i32
        %add3A_1149 = arith.addi %mul3A_1147, %add3A_1148 : i32
        %slice3A_1150 = vector.extract_strided_slice %get3A_104 {offsets = [12], sizes = [1], strides = [1]} : vector<16xf32> to vector<1xf32>
        %squeeze3A_1151 = vector.extract %slice3A_1150[0] : f32 from vector<1xf32>
        %broadcast_in_dim3A_1152 = vector.broadcast %squeeze3A_1151 : f32 to vector<16xf32>
        %get3A_1153 = arith.index_cast %add3A_1149 : i32 to index
        %get3A_1154 = arith.constant 0 : index
        %get3A_1155 = tpu.vector_load %arg10[%get3A_1153, %get3A_1154] {strides = array<i32>} : memref<128x128xf32, #tpu.memory_space<vmem>>, vector<1x16xf32>,
        %get3A_1156 = vector.shape_cast %get3A_1155 : vector<1x16xf32> to vector<16xf32>
        %mul3A_1157 = arith.mulf %get3A_1156, %broadcast_in_dim3A_1152 : vector<16xf32>
        %swap3A_1158 = arith.index_cast %add3A_1149 : i32 to index
        %swap3A_1159 = arith.constant 0 : index
        %swap3A_1160 = tpu.vector_load %arg10[%swap3A_1158, %swap3A_1159] {strides = array<i32>} : memref<128x128xf32, #tpu.memory_space<vmem>>, vector<1x16xf32>,
        %swap3A_1161 = vector.shape_cast %swap3A_1160 : vector<1x16xf32> to vector<16xf32>
        %swap3A_1162 = vector.shape_cast %mul3A_1157 : vector<16xf32> to vector<1x16xf32>
        tpu.vector_store %arg10[%swap3A_1158, %swap3A_1159], %swap3A_1162 {strides = array<i32>} : memref<128x128xf32, #tpu.memory_space<vmem>>, vector<1x16xf32>,
        %get3A_1163 = arith.index_cast %add3A_1149 : i32 to index
        %get3A_1164 = arith.constant 16 : index
        %get3A_1165 = tpu.vector_load %arg10[%get3A_1163, %get3A_1164] {strides = array<i32>} : memref<128x128xf32, #tpu.memory_space<vmem>>, vector<1x16xf32>,
        %get3A_1166 = vector.shape_cast %get3A_1165 : vector<1x16xf32> to vector<16xf32>
        %mul3A_1167 = arith.mulf %get3A_1166, %broadcast_in_dim3A_1152 : vector<16xf32>
        %swap3A_1168 = arith.index_cast %add3A_1149 : i32 to index
        %swap3A_1169 = arith.constant 16 : index
        %swap3A_1170 = tpu.vector_load %arg10[%swap3A_1168, %swap3A_1169] {strides = array<i32>} : memref<128x128xf32, #tpu.memory_space<vmem>>, vector<1x16xf32>,
        %swap3A_1171 = vector.shape_cast %swap3A_1170 : vector<1x16xf32> to vector<16xf32>
        %swap3A_1172 = vector.shape_cast %mul3A_1167 : vector<16xf32> to vector<1x16xf32>
        tpu.vector_store %arg10[%swap3A_1168, %swap3A_1169], %swap3A_1172 {strides = array<i32>} : memref<128x128xf32, #tpu.memory_space<vmem>>, vector<1x16xf32>,
        %get3A_1173 = arith.index_cast %add3A_1149 : i32 to index
        %get3A_1174 = arith.constant 32 : index
        %get3A_1175 = tpu.vector_load %arg10[%get3A_1173, %get3A_1174] {strides = array<i32>} : memref<128x128xf32, #tpu.memory_space<vmem>>, vector<1x16xf32>,
        %get3A_1176 = vector.shape_cast %get3A_1175 : vector<1x16xf32> to vector<16xf32>
        %mul3A_1177 = arith.mulf %get3A_1176, %broadcast_in_dim3A_1152 : vector<16xf32>
        %swap3A_1178 = arith.index_cast %add3A_1149 : i32 to index
        %swap3A_1179 = arith.constant 32 : index
        %swap3A_1180 = tpu.vector_load %arg10[%swap3A_1178, %swap3A_1179] {strides = array<i32>} : memref<128x128xf32, #tpu.memory_space<vmem>>, vector<1x16xf32>,
        %swap3A_1181 = vector.shape_cast %swap3A_1180 : vector<1x16xf32> to vector<16xf32>
        %swap3A_1182 = vector.shape_cast %mul3A_1177 : vector<16xf32> to vector<1x16xf32>
        tpu.vector_store %arg10[%swap3A_1178, %swap3A_1179], %swap3A_1182 {strides = array<i32>} : memref<128x128xf32, #tpu.memory_space<vmem>>, vector<1x16xf32>,
        %get3A_1183 = arith.index_cast %add3A_1149 : i32 to index
        %get3A_1184 = arith.constant 48 : index
        %get3A_1185 = tpu.vector_load %arg10[%get3A_1183, %get3A_1184] {strides = array<i32>} : memref<128x128xf32, #tpu.memory_space<vmem>>, vector<1x16xf32>,
        %get3A_1186 = vector.shape_cast %get3A_1185 : vector<1x16xf32> to vector<16xf32>
        %mul3A_1187 = arith.mulf %get3A_1186, %broadcast_in_dim3A_1152 : vector<16xf32>
        %swap3A_1188 = arith.index_cast %add3A_1149 : i32 to index
        %swap3A_1189 = arith.constant 48 : index
        %swap3A_1190 = tpu.vector_load %arg10[%swap3A_1188, %swap3A_1189] {strides = array<i32>} : memref<128x128xf32, #tpu.memory_space<vmem>>, vector<1x16xf32>,
        %swap3A_1191 = vector.shape_cast %swap3A_1190 : vector<1x16xf32> to vector<16xf32>
        %swap3A_1192 = vector.shape_cast %mul3A_1187 : vector<16xf32> to vector<1x16xf32>
        tpu.vector_store %arg10[%swap3A_1188, %swap3A_1189], %swap3A_1192 {strides = array<i32>} : memref<128x128xf32, #tpu.memory_space<vmem>>, vector<1x16xf32>,
        %get3A_1193 = arith.index_cast %add3A_1149 : i32 to index
        %get3A_1194 = arith.constant 64 : index
        %get3A_1195 = tpu.vector_load %arg10[%get3A_1193, %get3A_1194] {strides = array<i32>} : memref<128x128xf32, #tpu.memory_space<vmem>>, vector<1x16xf32>,
        %get3A_1196 = vector.shape_cast %get3A_1195 : vector<1x16xf32> to vector<16xf32>
        %mul3A_1197 = arith.mulf %get3A_1196, %broadcast_in_dim3A_1152 : vector<16xf32>
        %swap3A_1198 = arith.index_cast %add3A_1149 : i32 to index
        %swap3A_1199 = arith.constant 64 : index
        %swap3A_1200 = tpu.vector_load %arg10[%swap3A_1198, %swap3A_1199] {strides = array<i32>} : memref<128x128xf32, #tpu.memory_space<vmem>>, vector<1x16xf32>,
        %swap3A_1201 = vector.shape_cast %swap3A_1200 : vector<1x16xf32> to vector<16xf32>
        %swap3A_1202 = vector.shape_cast %mul3A_1197 : vector<16xf32> to vector<1x16xf32>
        tpu.vector_store %arg10[%swap3A_1198, %swap3A_1199], %swap3A_1202 {strides = array<i32>} : memref<128x128xf32, #tpu.memory_space<vmem>>, vector<1x16xf32>,
        %get3A_1203 = arith.index_cast %add3A_1149 : i32 to index
        %get3A_1204 = arith.constant 80 : index
        %get3A_1205 = tpu.vector_load %arg10[%get3A_1203, %get3A_1204] {strides = array<i32>} : memref<128x128xf32, #tpu.memory_space<vmem>>, vector<1x16xf32>,
        %get3A_1206 = vector.shape_cast %get3A_1205 : vector<1x16xf32> to vector<16xf32>
        %mul3A_1207 = arith.mulf %get3A_1206, %broadcast_in_dim3A_1152 : vector<16xf32>
        %swap3A_1208 = arith.index_cast %add3A_1149 : i32 to index
        %swap3A_1209 = arith.constant 80 : index
        %swap3A_1210 = tpu.vector_load %arg10[%swap3A_1208, %swap3A_1209] {strides = array<i32>} : memref<128x128xf32, #tpu.memory_space<vmem>>, vector<1x16xf32>,
        %swap3A_1211 = vector.shape_cast %swap3A_1210 : vector<1x16xf32> to vector<16xf32>
        %swap3A_1212 = vector.shape_cast %mul3A_1207 : vector<16xf32> to vector<1x16xf32>
        tpu.vector_store %arg10[%swap3A_1208, %swap3A_1209], %swap3A_1212 {strides = array<i32>} : memref<128x128xf32, #tpu.memory_space<vmem>>, vector<1x16xf32>,
        %get3A_1213 = arith.index_cast %add3A_1149 : i32 to index
        %get3A_1214 = arith.constant 96 : index
        %get3A_1215 = tpu.vector_load %arg10[%get3A_1213, %get3A_1214] {strides = array<i32>} : memref<128x128xf32, #tpu.memory_space<vmem>>, vector<1x16xf32>,
        %get3A_1216 = vector.shape_cast %get3A_1215 : vector<1x16xf32> to vector<16xf32>
        %mul3A_1217 = arith.mulf %get3A_1216, %broadcast_in_dim3A_1152 : vector<16xf32>
        %swap3A_1218 = arith.index_cast %add3A_1149 : i32 to index
        %swap3A_1219 = arith.constant 96 : index
        %swap3A_1220 = tpu.vector_load %arg10[%swap3A_1218, %swap3A_1219] {strides = array<i32>} : memref<128x128xf32, #tpu.memory_space<vmem>>, vector<1x16xf32>,
        %swap3A_1221 = vector.shape_cast %swap3A_1220 : vector<1x16xf32> to vector<16xf32>
        %swap3A_1222 = vector.shape_cast %mul3A_1217 : vector<16xf32> to vector<1x16xf32>
        tpu.vector_store %arg10[%swap3A_1218, %swap3A_1219], %swap3A_1222 {strides = array<i32>} : memref<128x128xf32, #tpu.memory_space<vmem>>, vector<1x16xf32>,
        %get3A_1223 = arith.index_cast %add3A_1149 : i32 to index
        %get3A_1224 = arith.constant 112 : index
        %get3A_1225 = tpu.vector_load %arg10[%get3A_1223, %get3A_1224] {strides = array<i32>} : memref<128x128xf32, #tpu.memory_space<vmem>>, vector<1x16xf32>,
        %get3A_1226 = vector.shape_cast %get3A_1225 : vector<1x16xf32> to vector<16xf32>
        %mul3A_1227 = arith.mulf %get3A_1226, %broadcast_in_dim3A_1152 : vector<16xf32>
        %swap3A_1228 = arith.index_cast %add3A_1149 : i32 to index
        %swap3A_1229 = arith.constant 112 : index
        %swap3A_1230 = tpu.vector_load %arg10[%swap3A_1228, %swap3A_1229] {strides = array<i32>} : memref<128x128xf32, #tpu.memory_space<vmem>>, vector<1x16xf32>,
        %swap3A_1231 = vector.shape_cast %swap3A_1230 : vector<1x16xf32> to vector<16xf32>
        %swap3A_1232 = vector.shape_cast %mul3A_1227 : vector<16xf32> to vector<1x16xf32>
        tpu.vector_store %arg10[%swap3A_1228, %swap3A_1229], %swap3A_1232 {strides = array<i32>} : memref<128x128xf32, #tpu.memory_space<vmem>>, vector<1x16xf32>,
        %mul3A_1233 = arith.constant 16 : i32
        %mul3A_1234 = arith.muli %scan3A_99, %mul3A_1233 : i32
        %add3A_1235 = arith.constant 13 : i32
        %add3A_1236 = arith.addi %mul3A_1234, %add3A_1235 : i32
        %slice3A_1237 = vector.extract_strided_slice %get3A_104 {offsets = [13], sizes = [1], strides = [1]} : vector<16xf32> to vector<1xf32>
        %squeeze3A_1238 = vector.extract %slice3A_1237[0] : f32 from vector<1xf32>
        %broadcast_in_dim3A_1239 = vector.broadcast %squeeze3A_1238 : f32 to vector<16xf32>
        %get3A_1240 = arith.index_cast %add3A_1236 : i32 to index
        %get3A_1241 = arith.constant 0 : index
        %get3A_1242 = tpu.vector_load %arg10[%get3A_1240, %get3A_1241] {strides = array<i32>} : memref<128x128xf32, #tpu.memory_space<vmem>>, vector<1x16xf32>,
        %get3A_1243 = vector.shape_cast %get3A_1242 : vector<1x16xf32> to vector<16xf32>
        %mul3A_1244 = arith.mulf %get3A_1243, %broadcast_in_dim3A_1239 : vector<16xf32>
        %swap3A_1245 = arith.index_cast %add3A_1236 : i32 to index
        %swap3A_1246 = arith.constant 0 : index
        %swap3A_1247 = tpu.vector_load %arg10[%swap3A_1245, %swap3A_1246] {strides = array<i32>} : memref<128x128xf32, #tpu.memory_space<vmem>>, vector<1x16xf32>,
        %swap3A_1248 = vector.shape_cast %swap3A_1247 : vector<1x16xf32> to vector<16xf32>
        %swap3A_1249 = vector.shape_cast %mul3A_1244 : vector<16xf32> to vector<1x16xf32>
        tpu.vector_store %arg10[%swap3A_1245, %swap3A_1246], %swap3A_1249 {strides = array<i32>} : memref<128x128xf32, #tpu.memory_space<vmem>>, vector<1x16xf32>,
        %get3A_1250 = arith.index_cast %add3A_1236 : i32 to index
        %get3A_1251 = arith.constant 16 : index
        %get3A_1252 = tpu.vector_load %arg10[%get3A_1250, %get3A_1251] {strides = array<i32>} : memref<128x128xf32, #tpu.memory_space<vmem>>, vector<1x16xf32>,
        %get3A_1253 = vector.shape_cast %get3A_1252 : vector<1x16xf32> to vector<16xf32>
        %mul3A_1254 = arith.mulf %get3A_1253, %broadcast_in_dim3A_1239 : vector<16xf32>
        %swap3A_1255 = arith.index_cast %add3A_1236 : i32 to index
        %swap3A_1256 = arith.constant 16 : index
        %swap3A_1257 = tpu.vector_load %arg10[%swap3A_1255, %swap3A_1256] {strides = array<i32>} : memref<128x128xf32, #tpu.memory_space<vmem>>, vector<1x16xf32>,
        %swap3A_1258 = vector.shape_cast %swap3A_1257 : vector<1x16xf32> to vector<16xf32>
        %swap3A_1259 = vector.shape_cast %mul3A_1254 : vector<16xf32> to vector<1x16xf32>
        tpu.vector_store %arg10[%swap3A_1255, %swap3A_1256], %swap3A_1259 {strides = array<i32>} : memref<128x128xf32, #tpu.memory_space<vmem>>, vector<1x16xf32>,
        %get3A_1260 = arith.index_cast %add3A_1236 : i32 to index
        %get3A_1261 = arith.constant 32 : index
        %get3A_1262 = tpu.vector_load %arg10[%get3A_1260, %get3A_1261] {strides = array<i32>} : memref<128x128xf32, #tpu.memory_space<vmem>>, vector<1x16xf32>,
        %get3A_1263 = vector.shape_cast %get3A_1262 : vector<1x16xf32> to vector<16xf32>
        %mul3A_1264 = arith.mulf %get3A_1263, %broadcast_in_dim3A_1239 : vector<16xf32>
        %swap3A_1265 = arith.index_cast %add3A_1236 : i32 to index
        %swap3A_1266 = arith.constant 32 : index
        %swap3A_1267 = tpu.vector_load %arg10[%swap3A_1265, %swap3A_1266] {strides = array<i32>} : memref<128x128xf32, #tpu.memory_space<vmem>>, vector<1x16xf32>,
        %swap3A_1268 = vector.shape_cast %swap3A_1267 : vector<1x16xf32> to vector<16xf32>
        %swap3A_1269 = vector.shape_cast %mul3A_1264 : vector<16xf32> to vector<1x16xf32>
        tpu.vector_store %arg10[%swap3A_1265, %swap3A_1266], %swap3A_1269 {strides = array<i32>} : memref<128x128xf32, #tpu.memory_space<vmem>>, vector<1x16xf32>,
        %get3A_1270 = arith.index_cast %add3A_1236 : i32 to index
        %get3A_1271 = arith.constant 48 : index
        %get3A_1272 = tpu.vector_load %arg10[%get3A_1270, %get3A_1271] {strides = array<i32>} : memref<128x128xf32, #tpu.memory_space<vmem>>, vector<1x16xf32>,
        %get3A_1273 = vector.shape_cast %get3A_1272 : vector<1x16xf32> to vector<16xf32>
        %mul3A_1274 = arith.mulf %get3A_1273, %broadcast_in_dim3A_1239 : vector<16xf32>
        %swap3A_1275 = arith.index_cast %add3A_1236 : i32 to index
        %swap3A_1276 = arith.constant 48 : index
        %swap3A_1277 = tpu.vector_load %arg10[%swap3A_1275, %swap3A_1276] {strides = array<i32>} : memref<128x128xf32, #tpu.memory_space<vmem>>, vector<1x16xf32>,
        %swap3A_1278 = vector.shape_cast %swap3A_1277 : vector<1x16xf32> to vector<16xf32>
        %swap3A_1279 = vector.shape_cast %mul3A_1274 : vector<16xf32> to vector<1x16xf32>
        tpu.vector_store %arg10[%swap3A_1275, %swap3A_1276], %swap3A_1279 {strides = array<i32>} : memref<128x128xf32, #tpu.memory_space<vmem>>, vector<1x16xf32>,
        %get3A_1280 = arith.index_cast %add3A_1236 : i32 to index
        %get3A_1281 = arith.constant 64 : index
        %get3A_1282 = tpu.vector_load %arg10[%get3A_1280, %get3A_1281] {strides = array<i32>} : memref<128x128xf32, #tpu.memory_space<vmem>>, vector<1x16xf32>,
        %get3A_1283 = vector.shape_cast %get3A_1282 : vector<1x16xf32> to vector<16xf32>
        %mul3A_1284 = arith.mulf %get3A_1283, %broadcast_in_dim3A_1239 : vector<16xf32>
        %swap3A_1285 = arith.index_cast %add3A_1236 : i32 to index
        %swap3A_1286 = arith.constant 64 : index
        %swap3A_1287 = tpu.vector_load %arg10[%swap3A_1285, %swap3A_1286] {strides = array<i32>} : memref<128x128xf32, #tpu.memory_space<vmem>>, vector<1x16xf32>,
        %swap3A_1288 = vector.shape_cast %swap3A_1287 : vector<1x16xf32> to vector<16xf32>
        %swap3A_1289 = vector.shape_cast %mul3A_1284 : vector<16xf32> to vector<1x16xf32>
        tpu.vector_store %arg10[%swap3A_1285, %swap3A_1286], %swap3A_1289 {strides = array<i32>} : memref<128x128xf32, #tpu.memory_space<vmem>>, vector<1x16xf32>,
        %get3A_1290 = arith.index_cast %add3A_1236 : i32 to index
        %get3A_1291 = arith.constant 80 : index
        %get3A_1292 = tpu.vector_load %arg10[%get3A_1290, %get3A_1291] {strides = array<i32>} : memref<128x128xf32, #tpu.memory_space<vmem>>, vector<1x16xf32>,
        %get3A_1293 = vector.shape_cast %get3A_1292 : vector<1x16xf32> to vector<16xf32>
        %mul3A_1294 = arith.mulf %get3A_1293, %broadcast_in_dim3A_1239 : vector<16xf32>
        %swap3A_1295 = arith.index_cast %add3A_1236 : i32 to index
        %swap3A_1296 = arith.constant 80 : index
        %swap3A_1297 = tpu.vector_load %arg10[%swap3A_1295, %swap3A_1296] {strides = array<i32>} : memref<128x128xf32, #tpu.memory_space<vmem>>, vector<1x16xf32>,
        %swap3A_1298 = vector.shape_cast %swap3A_1297 : vector<1x16xf32> to vector<16xf32>
        %swap3A_1299 = vector.shape_cast %mul3A_1294 : vector<16xf32> to vector<1x16xf32>
        tpu.vector_store %arg10[%swap3A_1295, %swap3A_1296], %swap3A_1299 {strides = array<i32>} : memref<128x128xf32, #tpu.memory_space<vmem>>, vector<1x16xf32>,
        %get3A_1300 = arith.index_cast %add3A_1236 : i32 to index
        %get3A_1301 = arith.constant 96 : index
        %get3A_1302 = tpu.vector_load %arg10[%get3A_1300, %get3A_1301] {strides = array<i32>} : memref<128x128xf32, #tpu.memory_space<vmem>>, vector<1x16xf32>,
        %get3A_1303 = vector.shape_cast %get3A_1302 : vector<1x16xf32> to vector<16xf32>
        %mul3A_1304 = arith.mulf %get3A_1303, %broadcast_in_dim3A_1239 : vector<16xf32>
        %swap3A_1305 = arith.index_cast %add3A_1236 : i32 to index
        %swap3A_1306 = arith.constant 96 : index
        %swap3A_1307 = tpu.vector_load %arg10[%swap3A_1305, %swap3A_1306] {strides = array<i32>} : memref<128x128xf32, #tpu.memory_space<vmem>>, vector<1x16xf32>,
        %swap3A_1308 = vector.shape_cast %swap3A_1307 : vector<1x16xf32> to vector<16xf32>
        %swap3A_1309 = vector.shape_cast %mul3A_1304 : vector<16xf32> to vector<1x16xf32>
        tpu.vector_store %arg10[%swap3A_1305, %swap3A_1306], %swap3A_1309 {strides = array<i32>} : memref<128x128xf32, #tpu.memory_space<vmem>>, vector<1x16xf32>,
        %get3A_1310 = arith.index_cast %add3A_1236 : i32 to index
        %get3A_1311 = arith.constant 112 : index
        %get3A_1312 = tpu.vector_load %arg10[%get3A_1310, %get3A_1311] {strides = array<i32>} : memref<128x128xf32, #tpu.memory_space<vmem>>, vector<1x16xf32>,
        %get3A_1313 = vector.shape_cast %get3A_1312 : vector<1x16xf32> to vector<16xf32>
        %mul3A_1314 = arith.mulf %get3A_1313, %broadcast_in_dim3A_1239 : vector<16xf32>
        %swap3A_1315 = arith.index_cast %add3A_1236 : i32 to index
        %swap3A_1316 = arith.constant 112 : index
        %swap3A_1317 = tpu.vector_load %arg10[%swap3A_1315, %swap3A_1316] {strides = array<i32>} : memref<128x128xf32, #tpu.memory_space<vmem>>, vector<1x16xf32>,
        %swap3A_1318 = vector.shape_cast %swap3A_1317 : vector<1x16xf32> to vector<16xf32>
        %swap3A_1319 = vector.shape_cast %mul3A_1314 : vector<16xf32> to vector<1x16xf32>
        tpu.vector_store %arg10[%swap3A_1315, %swap3A_1316], %swap3A_1319 {strides = array<i32>} : memref<128x128xf32, #tpu.memory_space<vmem>>, vector<1x16xf32>,
        %mul3A_1320 = arith.constant 16 : i32
        %mul3A_1321 = arith.muli %scan3A_99, %mul3A_1320 : i32
        %add3A_1322 = arith.constant 14 : i32
        %add3A_1323 = arith.addi %mul3A_1321, %add3A_1322 : i32
        %slice3A_1324 = vector.extract_strided_slice %get3A_104 {offsets = [14], sizes = [1], strides = [1]} : vector<16xf32> to vector<1xf32>
        %squeeze3A_1325 = vector.extract %slice3A_1324[0] : f32 from vector<1xf32>
        %broadcast_in_dim3A_1326 = vector.broadcast %squeeze3A_1325 : f32 to vector<16xf32>
        %get3A_1327 = arith.index_cast %add3A_1323 : i32 to index
        %get3A_1328 = arith.constant 0 : index
        %get3A_1329 = tpu.vector_load %arg10[%get3A_1327, %get3A_1328] {strides = array<i32>} : memref<128x128xf32, #tpu.memory_space<vmem>>, vector<1x16xf32>,
        %get3A_1330 = vector.shape_cast %get3A_1329 : vector<1x16xf32> to vector<16xf32>
        %mul3A_1331 = arith.mulf %get3A_1330, %broadcast_in_dim3A_1326 : vector<16xf32>
        %swap3A_1332 = arith.index_cast %add3A_1323 : i32 to index
        %swap3A_1333 = arith.constant 0 : index
        %swap3A_1334 = tpu.vector_load %arg10[%swap3A_1332, %swap3A_1333] {strides = array<i32>} : memref<128x128xf32, #tpu.memory_space<vmem>>, vector<1x16xf32>,
        %swap3A_1335 = vector.shape_cast %swap3A_1334 : vector<1x16xf32> to vector<16xf32>
        %swap3A_1336 = vector.shape_cast %mul3A_1331 : vector<16xf32> to vector<1x16xf32>
        tpu.vector_store %arg10[%swap3A_1332, %swap3A_1333], %swap3A_1336 {strides = array<i32>} : memref<128x128xf32, #tpu.memory_space<vmem>>, vector<1x16xf32>,
        %get3A_1337 = arith.index_cast %add3A_1323 : i32 to index
        %get3A_1338 = arith.constant 16 : index
        %get3A_1339 = tpu.vector_load %arg10[%get3A_1337, %get3A_1338] {strides = array<i32>} : memref<128x128xf32, #tpu.memory_space<vmem>>, vector<1x16xf32>,
        %get3A_1340 = vector.shape_cast %get3A_1339 : vector<1x16xf32> to vector<16xf32>
        %mul3A_1341 = arith.mulf %get3A_1340, %broadcast_in_dim3A_1326 : vector<16xf32>
        %swap3A_1342 = arith.index_cast %add3A_1323 : i32 to index
        %swap3A_1343 = arith.constant 16 : index
        %swap3A_1344 = tpu.vector_load %arg10[%swap3A_1342, %swap3A_1343] {strides = array<i32>} : memref<128x128xf32, #tpu.memory_space<vmem>>, vector<1x16xf32>,
        %swap3A_1345 = vector.shape_cast %swap3A_1344 : vector<1x16xf32> to vector<16xf32>
        %swap3A_1346 = vector.shape_cast %mul3A_1341 : vector<16xf32> to vector<1x16xf32>
        tpu.vector_store %arg10[%swap3A_1342, %swap3A_1343], %swap3A_1346 {strides = array<i32>} : memref<128x128xf32, #tpu.memory_space<vmem>>, vector<1x16xf32>,
        %get3A_1347 = arith.index_cast %add3A_1323 : i32 to index
        %get3A_1348 = arith.constant 32 : index
        %get3A_1349 = tpu.vector_load %arg10[%get3A_1347, %get3A_1348] {strides = array<i32>} : memref<128x128xf32, #tpu.memory_space<vmem>>, vector<1x16xf32>,
        %get3A_1350 = vector.shape_cast %get3A_1349 : vector<1x16xf32> to vector<16xf32>
        %mul3A_1351 = arith.mulf %get3A_1350, %broadcast_in_dim3A_1326 : vector<16xf32>
        %swap3A_1352 = arith.index_cast %add3A_1323 : i32 to index
        %swap3A_1353 = arith.constant 32 : index
        %swap3A_1354 = tpu.vector_load %arg10[%swap3A_1352, %swap3A_1353] {strides = array<i32>} : memref<128x128xf32, #tpu.memory_space<vmem>>, vector<1x16xf32>,
        %swap3A_1355 = vector.shape_cast %swap3A_1354 : vector<1x16xf32> to vector<16xf32>
        %swap3A_1356 = vector.shape_cast %mul3A_1351 : vector<16xf32> to vector<1x16xf32>
        tpu.vector_store %arg10[%swap3A_1352, %swap3A_1353], %swap3A_1356 {strides = array<i32>} : memref<128x128xf32, #tpu.memory_space<vmem>>, vector<1x16xf32>,
        %get3A_1357 = arith.index_cast %add3A_1323 : i32 to index
        %get3A_1358 = arith.constant 48 : index
        %get3A_1359 = tpu.vector_load %arg10[%get3A_1357, %get3A_1358] {strides = array<i32>} : memref<128x128xf32, #tpu.memory_space<vmem>>, vector<1x16xf32>,
        %get3A_1360 = vector.shape_cast %get3A_1359 : vector<1x16xf32> to vector<16xf32>
        %mul3A_1361 = arith.mulf %get3A_1360, %broadcast_in_dim3A_1326 : vector<16xf32>
        %swap3A_1362 = arith.index_cast %add3A_1323 : i32 to index
        %swap3A_1363 = arith.constant 48 : index
        %swap3A_1364 = tpu.vector_load %arg10[%swap3A_1362, %swap3A_1363] {strides = array<i32>} : memref<128x128xf32, #tpu.memory_space<vmem>>, vector<1x16xf32>,
        %swap3A_1365 = vector.shape_cast %swap3A_1364 : vector<1x16xf32> to vector<16xf32>
        %swap3A_1366 = vector.shape_cast %mul3A_1361 : vector<16xf32> to vector<1x16xf32>
        tpu.vector_store %arg10[%swap3A_1362, %swap3A_1363], %swap3A_1366 {strides = array<i32>} : memref<128x128xf32, #tpu.memory_space<vmem>>, vector<1x16xf32>,
        %get3A_1367 = arith.index_cast %add3A_1323 : i32 to index
        %get3A_1368 = arith.constant 64 : index
        %get3A_1369 = tpu.vector_load %arg10[%get3A_1367, %get3A_1368] {strides = array<i32>} : memref<128x128xf32, #tpu.memory_space<vmem>>, vector<1x16xf32>,
        %get3A_1370 = vector.shape_cast %get3A_1369 : vector<1x16xf32> to vector<16xf32>
        %mul3A_1371 = arith.mulf %get3A_1370, %broadcast_in_dim3A_1326 : vector<16xf32>
        %swap3A_1372 = arith.index_cast %add3A_1323 : i32 to index
        %swap3A_1373 = arith.constant 64 : index
        %swap3A_1374 = tpu.vector_load %arg10[%swap3A_1372, %swap3A_1373] {strides = array<i32>} : memref<128x128xf32, #tpu.memory_space<vmem>>, vector<1x16xf32>,
        %swap3A_1375 = vector.shape_cast %swap3A_1374 : vector<1x16xf32> to vector<16xf32>
        %swap3A_1376 = vector.shape_cast %mul3A_1371 : vector<16xf32> to vector<1x16xf32>
        tpu.vector_store %arg10[%swap3A_1372, %swap3A_1373], %swap3A_1376 {strides = array<i32>} : memref<128x128xf32, #tpu.memory_space<vmem>>, vector<1x16xf32>,
        %get3A_1377 = arith.index_cast %add3A_1323 : i32 to index
        %get3A_1378 = arith.constant 80 : index
        %get3A_1379 = tpu.vector_load %arg10[%get3A_1377, %get3A_1378] {strides = array<i32>} : memref<128x128xf32, #tpu.memory_space<vmem>>, vector<1x16xf32>,
        %get3A_1380 = vector.shape_cast %get3A_1379 : vector<1x16xf32> to vector<16xf32>
        %mul3A_1381 = arith.mulf %get3A_1380, %broadcast_in_dim3A_1326 : vector<16xf32>
        %swap3A_1382 = arith.index_cast %add3A_1323 : i32 to index
        %swap3A_1383 = arith.constant 80 : index
        %swap3A_1384 = tpu.vector_load %arg10[%swap3A_1382, %swap3A_1383] {strides = array<i32>} : memref<128x128xf32, #tpu.memory_space<vmem>>, vector<1x16xf32>,
        %swap3A_1385 = vector.shape_cast %swap3A_1384 : vector<1x16xf32> to vector<16xf32>
        %swap3A_1386 = vector.shape_cast %mul3A_1381 : vector<16xf32> to vector<1x16xf32>
        tpu.vector_store %arg10[%swap3A_1382, %swap3A_1383], %swap3A_1386 {strides = array<i32>} : memref<128x128xf32, #tpu.memory_space<vmem>>, vector<1x16xf32>,
        %get3A_1387 = arith.index_cast %add3A_1323 : i32 to index
        %get3A_1388 = arith.constant 96 : index
        %get3A_1389 = tpu.vector_load %arg10[%get3A_1387, %get3A_1388] {strides = array<i32>} : memref<128x128xf32, #tpu.memory_space<vmem>>, vector<1x16xf32>,
        %get3A_1390 = vector.shape_cast %get3A_1389 : vector<1x16xf32> to vector<16xf32>
        %mul3A_1391 = arith.mulf %get3A_1390, %broadcast_in_dim3A_1326 : vector<16xf32>
        %swap3A_1392 = arith.index_cast %add3A_1323 : i32 to index
        %swap3A_1393 = arith.constant 96 : index
        %swap3A_1394 = tpu.vector_load %arg10[%swap3A_1392, %swap3A_1393] {strides = array<i32>} : memref<128x128xf32, #tpu.memory_space<vmem>>, vector<1x16xf32>,
        %swap3A_1395 = vector.shape_cast %swap3A_1394 : vector<1x16xf32> to vector<16xf32>
        %swap3A_1396 = vector.shape_cast %mul3A_1391 : vector<16xf32> to vector<1x16xf32>
        tpu.vector_store %arg10[%swap3A_1392, %swap3A_1393], %swap3A_1396 {strides = array<i32>} : memref<128x128xf32, #tpu.memory_space<vmem>>, vector<1x16xf32>,
        %get3A_1397 = arith.index_cast %add3A_1323 : i32 to index
        %get3A_1398 = arith.constant 112 : index
        %get3A_1399 = tpu.vector_load %arg10[%get3A_1397, %get3A_1398] {strides = array<i32>} : memref<128x128xf32, #tpu.memory_space<vmem>>, vector<1x16xf32>,
        %get3A_1400 = vector.shape_cast %get3A_1399 : vector<1x16xf32> to vector<16xf32>
        %mul3A_1401 = arith.mulf %get3A_1400, %broadcast_in_dim3A_1326 : vector<16xf32>
        %swap3A_1402 = arith.index_cast %add3A_1323 : i32 to index
        %swap3A_1403 = arith.constant 112 : index
        %swap3A_1404 = tpu.vector_load %arg10[%swap3A_1402, %swap3A_1403] {strides = array<i32>} : memref<128x128xf32, #tpu.memory_space<vmem>>, vector<1x16xf32>,
        %swap3A_1405 = vector.shape_cast %swap3A_1404 : vector<1x16xf32> to vector<16xf32>
        %swap3A_1406 = vector.shape_cast %mul3A_1401 : vector<16xf32> to vector<1x16xf32>
        tpu.vector_store %arg10[%swap3A_1402, %swap3A_1403], %swap3A_1406 {strides = array<i32>} : memref<128x128xf32, #tpu.memory_space<vmem>>, vector<1x16xf32>,
        %mul3A_1407 = arith.constant 16 : i32
        %mul3A_1408 = arith.muli %scan3A_99, %mul3A_1407 : i32
        %add3A_1409 = arith.constant 15 : i32
        %add3A_1410 = arith.addi %mul3A_1408, %add3A_1409 : i32
        %slice3A_1411 = vector.extract_strided_slice %get3A_104 {offsets = [15], sizes = [1], strides = [1]} : vector<16xf32> to vector<1xf32>
        %squeeze3A_1412 = vector.extract %slice3A_1411[0] : f32 from vector<1xf32>
        %broadcast_in_dim3A_1413 = vector.broadcast %squeeze3A_1412 : f32 to vector<16xf32>
        %get3A_1414 = arith.index_cast %add3A_1410 : i32 to index
        %get3A_1415 = arith.constant 0 : index
        %get3A_1416 = tpu.vector_load %arg10[%get3A_1414, %get3A_1415] {strides = array<i32>} : memref<128x128xf32, #tpu.memory_space<vmem>>, vector<1x16xf32>,
        %get3A_1417 = vector.shape_cast %get3A_1416 : vector<1x16xf32> to vector<16xf32>
        %mul3A_1418 = arith.mulf %get3A_1417, %broadcast_in_dim3A_1413 : vector<16xf32>
        %swap3A_1419 = arith.index_cast %add3A_1410 : i32 to index
        %swap3A_1420 = arith.constant 0 : index
        %swap3A_1421 = tpu.vector_load %arg10[%swap3A_1419, %swap3A_1420] {strides = array<i32>} : memref<128x128xf32, #tpu.memory_space<vmem>>, vector<1x16xf32>,
        %swap3A_1422 = vector.shape_cast %swap3A_1421 : vector<1x16xf32> to vector<16xf32>
        %swap3A_1423 = vector.shape_cast %mul3A_1418 : vector<16xf32> to vector<1x16xf32>
        tpu.vector_store %arg10[%swap3A_1419, %swap3A_1420], %swap3A_1423 {strides = array<i32>} : memref<128x128xf32, #tpu.memory_space<vmem>>, vector<1x16xf32>,
        %get3A_1424 = arith.index_cast %add3A_1410 : i32 to index
        %get3A_1425 = arith.constant 16 : index
        %get3A_1426 = tpu.vector_load %arg10[%get3A_1424, %get3A_1425] {strides = array<i32>} : memref<128x128xf32, #tpu.memory_space<vmem>>, vector<1x16xf32>,
        %get3A_1427 = vector.shape_cast %get3A_1426 : vector<1x16xf32> to vector<16xf32>
        %mul3A_1428 = arith.mulf %get3A_1427, %broadcast_in_dim3A_1413 : vector<16xf32>
        %swap3A_1429 = arith.index_cast %add3A_1410 : i32 to index
        %swap3A_1430 = arith.constant 16 : index
        %swap3A_1431 = tpu.vector_load %arg10[%swap3A_1429, %swap3A_1430] {strides = array<i32>} : memref<128x128xf32, #tpu.memory_space<vmem>>, vector<1x16xf32>,
        %swap3A_1432 = vector.shape_cast %swap3A_1431 : vector<1x16xf32> to vector<16xf32>
        %swap3A_1433 = vector.shape_cast %mul3A_1428 : vector<16xf32> to vector<1x16xf32>
        tpu.vector_store %arg10[%swap3A_1429, %swap3A_1430], %swap3A_1433 {strides = array<i32>} : memref<128x128xf32, #tpu.memory_space<vmem>>, vector<1x16xf32>,
        %get3A_1434 = arith.index_cast %add3A_1410 : i32 to index
        %get3A_1435 = arith.constant 32 : index
        %get3A_1436 = tpu.vector_load %arg10[%get3A_1434, %get3A_1435] {strides = array<i32>} : memref<128x128xf32, #tpu.memory_space<vmem>>, vector<1x16xf32>,
        %get3A_1437 = vector.shape_cast %get3A_1436 : vector<1x16xf32> to vector<16xf32>
        %mul3A_1438 = arith.mulf %get3A_1437, %broadcast_in_dim3A_1413 : vector<16xf32>
        %swap3A_1439 = arith.index_cast %add3A_1410 : i32 to index
        %swap3A_1440 = arith.constant 32 : index
        %swap3A_1441 = tpu.vector_load %arg10[%swap3A_1439, %swap3A_1440] {strides = array<i32>} : memref<128x128xf32, #tpu.memory_space<vmem>>, vector<1x16xf32>,
        %swap3A_1442 = vector.shape_cast %swap3A_1441 : vector<1x16xf32> to vector<16xf32>
        %swap3A_1443 = vector.shape_cast %mul3A_1438 : vector<16xf32> to vector<1x16xf32>
        tpu.vector_store %arg10[%swap3A_1439, %swap3A_1440], %swap3A_1443 {strides = array<i32>} : memref<128x128xf32, #tpu.memory_space<vmem>>, vector<1x16xf32>,
        %get3A_1444 = arith.index_cast %add3A_1410 : i32 to index
        %get3A_1445 = arith.constant 48 : index
        %get3A_1446 = tpu.vector_load %arg10[%get3A_1444, %get3A_1445] {strides = array<i32>} : memref<128x128xf32, #tpu.memory_space<vmem>>, vector<1x16xf32>,
        %get3A_1447 = vector.shape_cast %get3A_1446 : vector<1x16xf32> to vector<16xf32>
        %mul3A_1448 = arith.mulf %get3A_1447, %broadcast_in_dim3A_1413 : vector<16xf32>
        %swap3A_1449 = arith.index_cast %add3A_1410 : i32 to index
        %swap3A_1450 = arith.constant 48 : index
        %swap3A_1451 = tpu.vector_load %arg10[%swap3A_1449, %swap3A_1450] {strides = array<i32>} : memref<128x128xf32, #tpu.memory_space<vmem>>, vector<1x16xf32>,
        %swap3A_1452 = vector.shape_cast %swap3A_1451 : vector<1x16xf32> to vector<16xf32>
        %swap3A_1453 = vector.shape_cast %mul3A_1448 : vector<16xf32> to vector<1x16xf32>
        tpu.vector_store %arg10[%swap3A_1449, %swap3A_1450], %swap3A_1453 {strides = array<i32>} : memref<128x128xf32, #tpu.memory_space<vmem>>, vector<1x16xf32>,
        %get3A_1454 = arith.index_cast %add3A_1410 : i32 to index
        %get3A_1455 = arith.constant 64 : index
        %get3A_1456 = tpu.vector_load %arg10[%get3A_1454, %get3A_1455] {strides = array<i32>} : memref<128x128xf32, #tpu.memory_space<vmem>>, vector<1x16xf32>,
        %get3A_1457 = vector.shape_cast %get3A_1456 : vector<1x16xf32> to vector<16xf32>
        %mul3A_1458 = arith.mulf %get3A_1457, %broadcast_in_dim3A_1413 : vector<16xf32>
        %swap3A_1459 = arith.index_cast %add3A_1410 : i32 to index
        %swap3A_1460 = arith.constant 64 : index
        %swap3A_1461 = tpu.vector_load %arg10[%swap3A_1459, %swap3A_1460] {strides = array<i32>} : memref<128x128xf32, #tpu.memory_space<vmem>>, vector<1x16xf32>,
        %swap3A_1462 = vector.shape_cast %swap3A_1461 : vector<1x16xf32> to vector<16xf32>
        %swap3A_1463 = vector.shape_cast %mul3A_1458 : vector<16xf32> to vector<1x16xf32>
        tpu.vector_store %arg10[%swap3A_1459, %swap3A_1460], %swap3A_1463 {strides = array<i32>} : memref<128x128xf32, #tpu.memory_space<vmem>>, vector<1x16xf32>,
        %get3A_1464 = arith.index_cast %add3A_1410 : i32 to index
        %get3A_1465 = arith.constant 80 : index
        %get3A_1466 = tpu.vector_load %arg10[%get3A_1464, %get3A_1465] {strides = array<i32>} : memref<128x128xf32, #tpu.memory_space<vmem>>, vector<1x16xf32>,
        %get3A_1467 = vector.shape_cast %get3A_1466 : vector<1x16xf32> to vector<16xf32>
        %mul3A_1468 = arith.mulf %get3A_1467, %broadcast_in_dim3A_1413 : vector<16xf32>
        %swap3A_1469 = arith.index_cast %add3A_1410 : i32 to index
        %swap3A_1470 = arith.constant 80 : index
        %swap3A_1471 = tpu.vector_load %arg10[%swap3A_1469, %swap3A_1470] {strides = array<i32>} : memref<128x128xf32, #tpu.memory_space<vmem>>, vector<1x16xf32>,
        %swap3A_1472 = vector.shape_cast %swap3A_1471 : vector<1x16xf32> to vector<16xf32>
        %swap3A_1473 = vector.shape_cast %mul3A_1468 : vector<16xf32> to vector<1x16xf32>
        tpu.vector_store %arg10[%swap3A_1469, %swap3A_1470], %swap3A_1473 {strides = array<i32>} : memref<128x128xf32, #tpu.memory_space<vmem>>, vector<1x16xf32>,
        %get3A_1474 = arith.index_cast %add3A_1410 : i32 to index
        %get3A_1475 = arith.constant 96 : index
        %get3A_1476 = tpu.vector_load %arg10[%get3A_1474, %get3A_1475] {strides = array<i32>} : memref<128x128xf32, #tpu.memory_space<vmem>>, vector<1x16xf32>,
        %get3A_1477 = vector.shape_cast %get3A_1476 : vector<1x16xf32> to vector<16xf32>
        %mul3A_1478 = arith.mulf %get3A_1477, %broadcast_in_dim3A_1413 : vector<16xf32>
        %swap3A_1479 = arith.index_cast %add3A_1410 : i32 to index
        %swap3A_1480 = arith.constant 96 : index
        %swap3A_1481 = tpu.vector_load %arg10[%swap3A_1479, %swap3A_1480] {strides = array<i32>} : memref<128x128xf32, #tpu.memory_space<vmem>>, vector<1x16xf32>,
        %swap3A_1482 = vector.shape_cast %swap3A_1481 : vector<1x16xf32> to vector<16xf32>
        %swap3A_1483 = vector.shape_cast %mul3A_1478 : vector<16xf32> to vector<1x16xf32>
        tpu.vector_store %arg10[%swap3A_1479, %swap3A_1480], %swap3A_1483 {strides = array<i32>} : memref<128x128xf32, #tpu.memory_space<vmem>>, vector<1x16xf32>,
        %get3A_1484 = arith.index_cast %add3A_1410 : i32 to index
        %get3A_1485 = arith.constant 112 : index
        %get3A_1486 = tpu.vector_load %arg10[%get3A_1484, %get3A_1485] {strides = array<i32>} : memref<128x128xf32, #tpu.memory_space<vmem>>, vector<1x16xf32>,
        %get3A_1487 = vector.shape_cast %get3A_1486 : vector<1x16xf32> to vector<16xf32>
        %mul3A_1488 = arith.mulf %get3A_1487, %broadcast_in_dim3A_1413 : vector<16xf32>
        %swap3A_1489 = arith.index_cast %add3A_1410 : i32 to index
        %swap3A_1490 = arith.constant 112 : index
        %swap3A_1491 = tpu.vector_load %arg10[%swap3A_1489, %swap3A_1490] {strides = array<i32>} : memref<128x128xf32, #tpu.memory_space<vmem>>, vector<1x16xf32>,
        %swap3A_1492 = vector.shape_cast %swap3A_1491 : vector<1x16xf32> to vector<16xf32>
        %swap3A_1493 = vector.shape_cast %mul3A_1488 : vector<16xf32> to vector<1x16xf32>
        tpu.vector_store %arg10[%swap3A_1489, %swap3A_1490], %swap3A_1493 {strides = array<i32>} : memref<128x128xf32, #tpu.memory_space<vmem>>, vector<1x16xf32>,
        %scan3A_1494 = arith.constant 0 : i32
        scf.yield %scan3A_1494 : i32
      }
      %scan3A_97 = arith.constant 8 : i32
      "tpu.region"() ({
        %run_scoped3A = tpu.sem_alloc : memref<!tpu.dma_semaphore, #tpu.memory_space<semaphore_mem>>
        %dma_start3A_99 = arith.constant 0 : i32
        %dma_start3A_100 = arith.constant 0 : i32
        %dma_start3A_101 = tpu.memref_slice %arg11[%dma_start3A_99, %dma_start3A_100] : memref<10000x128xf32, #tpu.memory_space<vmem_shared>> -> memref<10000x128xf32, #tpu.memory_space<vmem_shared>>
        tpu.enqueue_indirect_dma source(%arg10 : memref<128x128xf32, #tpu.memory_space<vmem>>) target(%dma_start3A_101 : memref<10000x128xf32, #tpu.memory_space<vmem_shared>>) offsets(%arg8 : memref<128xi32, #tpu.memory_space<vmem>>) semaphore(%run_scoped3A : memref<!tpu.dma_semaphore, #tpu.memory_space<semaphore_mem>>) {add = true}
        %dma_wait3A_102 = arith.constant 0 : i32
        %dma_wait3A_103 = arith.constant 0 : i32
        %dma_wait3A_104 = tpu.memref_slice %arg11[%dma_wait3A_102, %dma_wait3A_103] : memref<10000x128xf32, #tpu.memory_space<vmem_shared>> -> memref<10000x128xf32, #tpu.memory_space<vmem_shared>>
        tpu.wait_indirect_dma semaphore(%run_scoped3A : memref<!tpu.dma_semaphore, #tpu.memory_space<semaphore_mem>>) src(%arg10 : memref<128x128xf32, #tpu.memory_space<vmem>>) dst(%dma_wait3A_104 : memref<10000x128xf32, #tpu.memory_space<vmem_shared>>)
        tpu.yield
      }) : () -> ()
      %while3A_98 = arith.constant 0 : i32
      scf.yield %while3A_98 : i32
    }
    %barrier3A_41 = arith.constant 0 : index
    tpu.barrier barrier_id(%barrier3A_41)
    %mul3A_42 = arith.constant 10000 : i32
    %mul3A_43 = arith.muli %arg0, %mul3A_42 : i32
    %add3A_44 = arith.addi %mul3A_43, %mul3A_9 : i32
    %add3A_45 = arith.constant 0 : i32
    %add3A_46 = arith.addi %mul3A_9, %add3A_45 : i32
    %add3A_47 = arith.constant 0 : i32
    %add3A_48 = arith.addi %add3A_44, %add3A_47 : i32
    "tpu.region"() ({
      %run_scoped3A = tpu.sem_alloc : memref<!tpu.dma_semaphore, #tpu.memory_space<semaphore_mem>>
      %dma_start3A = arith.constant 0 : i32
      %dma_start3A_70 = tpu.memref_slice %arg6[%add3A_48, %dma_start3A] : memref<20000x128xf32, #tpu.memory_space<hbm>> -> memref<128x128xf32, #tpu.memory_space<hbm>>
      %dma_start3A_71 = arith.constant 0 : i32
      %dma_start3A_72 = tpu.memref_slice %arg11[%add3A_46, %dma_start3A_71] : memref<10000x128xf32, #tpu.memory_space<vmem_shared>> -> memref<128x128xf32, #tpu.memory_space<vmem_shared>>
      tpu.enqueue_dma source(%dma_start3A_72 : memref<128x128xf32, #tpu.memory_space<vmem_shared>>) target(%dma_start3A_70 : memref<128x128xf32, #tpu.memory_space<hbm>>) target_semaphore(%run_scoped3A : memref<!tpu.dma_semaphore, #tpu.memory_space<semaphore_mem>>)
      %dma_wait3A = arith.constant 0 : i32
      %dma_wait3A_73 = tpu.memref_slice %arg6[%add3A_48, %dma_wait3A] : memref<20000x128xf32, #tpu.memory_space<hbm>> -> memref<128x128xf32, #tpu.memory_space<hbm>>
      %dma_wait3A_74 = arith.constant 0 : i32
      %dma_wait3A_75 = tpu.memref_slice %arg11[%add3A_46, %dma_wait3A_74] : memref<10000x128xf32, #tpu.memory_space<vmem_shared>> -> memref<128x128xf32, #tpu.memory_space<vmem_shared>>
      tpu.wait_dma2 semaphore(%run_scoped3A : memref<!tpu.dma_semaphore, #tpu.memory_space<semaphore_mem>>) src(%dma_wait3A_75 : memref<128x128xf32, #tpu.memory_space<vmem_shared>>) dst(%dma_wait3A_73 : memref<128x128xf32, #tpu.memory_space<hbm>>)
      tpu.yield
    }) : () -> ()
    %add3A_49 = arith.constant 128 : i32
    %add3A_50 = arith.addi %mul3A_9, %add3A_49 : i32
    %add3A_51 = arith.constant 128 : i32
    %add3A_52 = arith.addi %add3A_44, %add3A_51 : i32
    "tpu.region"() ({
      %run_scoped3A = tpu.sem_alloc : memref<!tpu.dma_semaphore, #tpu.memory_space<semaphore_mem>>
      %dma_start3A = arith.constant 0 : i32
      %dma_start3A_70 = tpu.memref_slice %arg6[%add3A_52, %dma_start3A] : memref<20000x128xf32, #tpu.memory_space<hbm>> -> memref<128x128xf32, #tpu.memory_space<hbm>>
      %dma_start3A_71 = arith.constant 0 : i32
      %dma_start3A_72 = tpu.memref_slice %arg11[%add3A_50, %dma_start3A_71] : memref<10000x128xf32, #tpu.memory_space<vmem_shared>> -> memref<128x128xf32, #tpu.memory_space<vmem_shared>>
      tpu.enqueue_dma source(%dma_start3A_72 : memref<128x128xf32, #tpu.memory_space<vmem_shared>>) target(%dma_start3A_70 : memref<128x128xf32, #tpu.memory_space<hbm>>) target_semaphore(%run_scoped3A : memref<!tpu.dma_semaphore, #tpu.memory_space<semaphore_mem>>)
      %dma_wait3A = arith.constant 0 : i32
      %dma_wait3A_73 = tpu.memref_slice %arg6[%add3A_52, %dma_wait3A] : memref<20000x128xf32, #tpu.memory_space<hbm>> -> memref<128x128xf32, #tpu.memory_space<hbm>>
      %dma_wait3A_74 = arith.constant 0 : i32
      %dma_wait3A_75 = tpu.memref_slice %arg11[%add3A_50, %dma_wait3A_74] : memref<10000x128xf32, #tpu.memory_space<vmem_shared>> -> memref<128x128xf32, #tpu.memory_space<vmem_shared>>
      tpu.wait_dma2 semaphore(%run_scoped3A : memref<!tpu.dma_semaphore, #tpu.memory_space<semaphore_mem>>) src(%dma_wait3A_75 : memref<128x128xf32, #tpu.memory_space<vmem_shared>>) dst(%dma_wait3A_73 : memref<128x128xf32, #tpu.memory_space<hbm>>)
      tpu.yield
    }) : () -> ()
    %add3A_53 = arith.constant 256 : i32
    %add3A_54 = arith.addi %mul3A_9, %add3A_53 : i32
    %add3A_55 = arith.constant 256 : i32
    %add3A_56 = arith.addi %add3A_44, %add3A_55 : i32
    "tpu.region"() ({
      %run_scoped3A = tpu.sem_alloc : memref<!tpu.dma_semaphore, #tpu.memory_space<semaphore_mem>>
      %dma_start3A = arith.constant 0 : i32
      %dma_start3A_70 = tpu.memref_slice %arg6[%add3A_56, %dma_start3A] : memref<20000x128xf32, #tpu.memory_space<hbm>> -> memref<128x128xf32, #tpu.memory_space<hbm>>
      %dma_start3A_71 = arith.constant 0 : i32
      %dma_start3A_72 = tpu.memref_slice %arg11[%add3A_54, %dma_start3A_71] : memref<10000x128xf32, #tpu.memory_space<vmem_shared>> -> memref<128x128xf32, #tpu.memory_space<vmem_shared>>
      tpu.enqueue_dma source(%dma_start3A_72 : memref<128x128xf32, #tpu.memory_space<vmem_shared>>) target(%dma_start3A_70 : memref<128x128xf32, #tpu.memory_space<hbm>>) target_semaphore(%run_scoped3A : memref<!tpu.dma_semaphore, #tpu.memory_space<semaphore_mem>>)
      %dma_wait3A = arith.constant 0 : i32
      %dma_wait3A_73 = tpu.memref_slice %arg6[%add3A_56, %dma_wait3A] : memref<20000x128xf32, #tpu.memory_space<hbm>> -> memref<128x128xf32, #tpu.memory_space<hbm>>
      %dma_wait3A_74 = arith.constant 0 : i32
      %dma_wait3A_75 = tpu.memref_slice %arg11[%add3A_54, %dma_wait3A_74] : memref<10000x128xf32, #tpu.memory_space<vmem_shared>> -> memref<128x128xf32, #tpu.memory_space<vmem_shared>>
      tpu.wait_dma2 semaphore(%run_scoped3A : memref<!tpu.dma_semaphore, #tpu.memory_space<semaphore_mem>>) src(%dma_wait3A_75 : memref<128x128xf32, #tpu.memory_space<vmem_shared>>) dst(%dma_wait3A_73 : memref<128x128xf32, #tpu.memory_space<hbm>>)
      tpu.yield
    }) : () -> ()
    %add3A_57 = arith.constant 384 : i32
    %add3A_58 = arith.addi %mul3A_9, %add3A_57 : i32
    %add3A_59 = arith.constant 384 : i32
    %add3A_60 = arith.addi %add3A_44, %add3A_59 : i32
    "tpu.region"() ({
      %run_scoped3A = tpu.sem_alloc : memref<!tpu.dma_semaphore, #tpu.memory_space<semaphore_mem>>
      %dma_start3A = arith.constant 0 : i32
      %dma_start3A_70 = tpu.memref_slice %arg6[%add3A_60, %dma_start3A] : memref<20000x128xf32, #tpu.memory_space<hbm>> -> memref<128x128xf32, #tpu.memory_space<hbm>>
      %dma_start3A_71 = arith.constant 0 : i32
      %dma_start3A_72 = tpu.memref_slice %arg11[%add3A_58, %dma_start3A_71] : memref<10000x128xf32, #tpu.memory_space<vmem_shared>> -> memref<128x128xf32, #tpu.memory_space<vmem_shared>>
      tpu.enqueue_dma source(%dma_start3A_72 : memref<128x128xf32, #tpu.memory_space<vmem_shared>>) target(%dma_start3A_70 : memref<128x128xf32, #tpu.memory_space<hbm>>) target_semaphore(%run_scoped3A : memref<!tpu.dma_semaphore, #tpu.memory_space<semaphore_mem>>)
      %dma_wait3A = arith.constant 0 : i32
      %dma_wait3A_73 = tpu.memref_slice %arg6[%add3A_60, %dma_wait3A] : memref<20000x128xf32, #tpu.memory_space<hbm>> -> memref<128x128xf32, #tpu.memory_space<hbm>>
      %dma_wait3A_74 = arith.constant 0 : i32
      %dma_wait3A_75 = tpu.memref_slice %arg11[%add3A_58, %dma_wait3A_74] : memref<10000x128xf32, #tpu.memory_space<vmem_shared>> -> memref<128x128xf32, #tpu.memory_space<vmem_shared>>
      tpu.wait_dma2 semaphore(%run_scoped3A : memref<!tpu.dma_semaphore, #tpu.memory_space<semaphore_mem>>) src(%dma_wait3A_75 : memref<128x128xf32, #tpu.memory_space<vmem_shared>>) dst(%dma_wait3A_73 : memref<128x128xf32, #tpu.memory_space<hbm>>)
      tpu.yield
    }) : () -> ()
    %add3A_61 = arith.constant 512 : i32
    %add3A_62 = arith.addi %mul3A_9, %add3A_61 : i32
    %add3A_63 = arith.constant 512 : i32
    %add3A_64 = arith.addi %add3A_44, %add3A_63 : i32
    "tpu.region"() ({
      %run_scoped3A = tpu.sem_alloc : memref<!tpu.dma_semaphore, #tpu.memory_space<semaphore_mem>>
      %dma_start3A = arith.constant 0 : i32
      %dma_start3A_70 = tpu.memref_slice %arg6[%add3A_64, %dma_start3A] : memref<20000x128xf32, #tpu.memory_space<hbm>> -> memref<112x128xf32, #tpu.memory_space<hbm>>
      %dma_start3A_71 = arith.constant 0 : i32
      %dma_start3A_72 = tpu.memref_slice %arg11[%add3A_62, %dma_start3A_71] : memref<10000x128xf32, #tpu.memory_space<vmem_shared>> -> memref<112x128xf32, #tpu.memory_space<vmem_shared>>
      tpu.enqueue_dma source(%dma_start3A_72 : memref<112x128xf32, #tpu.memory_space<vmem_shared>>) target(%dma_start3A_70 : memref<112x128xf32, #tpu.memory_space<hbm>>) target_semaphore(%run_scoped3A : memref<!tpu.dma_semaphore, #tpu.memory_space<semaphore_mem>>)
      %dma_wait3A = arith.constant 0 : i32
      %dma_wait3A_73 = tpu.memref_slice %arg6[%add3A_64, %dma_wait3A] : memref<20000x128xf32, #tpu.memory_space<hbm>> -> memref<112x128xf32, #tpu.memory_space<hbm>>
      %dma_wait3A_74 = arith.constant 0 : i32
      %dma_wait3A_75 = tpu.memref_slice %arg11[%add3A_62, %dma_wait3A_74] : memref<10000x128xf32, #tpu.memory_space<vmem_shared>> -> memref<112x128xf32, #tpu.memory_space<vmem_shared>>
      tpu.wait_dma2 semaphore(%run_scoped3A : memref<!tpu.dma_semaphore, #tpu.memory_space<semaphore_mem>>) src(%dma_wait3A_75 : memref<112x128xf32, #tpu.memory_space<vmem_shared>>) dst(%dma_wait3A_73 : memref<112x128xf32, #tpu.memory_space<hbm>>)
      tpu.yield
    }) : () -> ()
    %eq3A_65 = arith.constant 15 : i32
    %eq3A_66 = arith.cmpi eq, %arg1, %eq3A_65 : i32
    %convert_element_type3A_67 = arith.extui %eq3A_66 : i1 to i32
    %cond3A_68 = arith.constant 0 : i32
    %cond3A_69 = arith.cmpi ne, %convert_element_type3A_67, %cond3A_68 : i32
    scf.if %cond3A_69 {
      %add3A_70 = arith.constant 624 : i32
      %add3A_71 = arith.addi %mul3A_9, %add3A_70 : i32
      %add3A_72 = arith.constant 624 : i32
      %add3A_73 = arith.addi %add3A_44, %add3A_72 : i32
      "tpu.region"() ({
        %run_scoped3A = tpu.sem_alloc : memref<!tpu.dma_semaphore, #tpu.memory_space<semaphore_mem>>
        %dma_start3A = arith.constant 0 : i32
        %dma_start3A_74 = tpu.memref_slice %arg6[%add3A_73, %dma_start3A] : memref<20000x128xf32, #tpu.memory_space<hbm>> -> memref<16x128xf32, #tpu.memory_space<hbm>>
        %dma_start3A_75 = arith.constant 0 : i32
        %dma_start3A_76 = tpu.memref_slice %arg11[%add3A_71, %dma_start3A_75] : memref<10000x128xf32, #tpu.memory_space<vmem_shared>> -> memref<16x128xf32, #tpu.memory_space<vmem_shared>>
        tpu.enqueue_dma source(%dma_start3A_76 : memref<16x128xf32, #tpu.memory_space<vmem_shared>>) target(%dma_start3A_74 : memref<16x128xf32, #tpu.memory_space<hbm>>) target_semaphore(%run_scoped3A : memref<!tpu.dma_semaphore, #tpu.memory_space<semaphore_mem>>)
        %dma_wait3A = arith.constant 0 : i32
        %dma_wait3A_77 = tpu.memref_slice %arg6[%add3A_73, %dma_wait3A] : memref<20000x128xf32, #tpu.memory_space<hbm>> -> memref<16x128xf32, #tpu.memory_space<hbm>>
        %dma_wait3A_78 = arith.constant 0 : i32
        %dma_wait3A_79 = tpu.memref_slice %arg11[%add3A_71, %dma_wait3A_78] : memref<10000x128xf32, #tpu.memory_space<vmem_shared>> -> memref<16x128xf32, #tpu.memory_space<vmem_shared>>
        tpu.wait_dma2 semaphore(%run_scoped3A : memref<!tpu.dma_semaphore, #tpu.memory_space<semaphore_mem>>) src(%dma_wait3A_79 : memref<16x128xf32, #tpu.memory_space<vmem_shared>>) dst(%dma_wait3A_77 : memref<16x128xf32, #tpu.memory_space<hbm>>)
        tpu.yield
      }) : () -> ()
    } else {
    }
    return
  }
}

module attributes {stable_mosaic.version = 14 : i64} {
  func.func @_matmul_body(%arg0: i32, %arg1: memref<1000x128xf32, #tpu.memory_space<vmem>>, %arg2: memref<128x128xf32, #tpu.memory_space<vmem>>, %arg3: memref<1x128xf32, #tpu.memory_space<vmem>>, %arg4: memref<1000x128xf32, #tpu.memory_space<vmem>>) attributes {dimension_semantics = [#tpu.dimension_semantics<arbitrary>], iteration_bounds = array<i64: 10>, scalar_prefetch = 0 : i64, scratch_operands = 0 : i64, tpu.core_type = #tpu.core_type<tc>, window_params = [{transform_indices = @transform_0, window_bounds = array<i64: 1000, 128>}, {pipeline_mode = #tpu.pipeline_mode<synchronous>, transform_indices = @transform_1, window_bounds = array<i64: 128, 128>}, {pipeline_mode = #tpu.pipeline_mode<synchronous>, transform_indices = @transform_2, window_bounds = array<i64: 1, 128>}, {transform_indices = @transform_3, window_bounds = array<i64: 1000, 128>}]} {
    %get3A = arith.constant 0 : index
    %get3A_0 = arith.constant 0 : index
    %get3A_1 = vector.load %arg1[%get3A, %get3A_0] : memref<1000x128xf32, #tpu.memory_space<vmem>>, vector<1000x128xf32>
    %get3A_2 = arith.constant 0 : index
    %get3A_3 = arith.constant 0 : index
    %get3A_4 = vector.load %arg2[%get3A_2, %get3A_3] : memref<128x128xf32, #tpu.memory_space<vmem>>, vector<128x128xf32>
    %dot_general3A = arith.constant dense<0.000000e+00> : vector<1000x128xf32>
    %dot_general3A_5 = tpu.matmul %get3A_1, %get3A_4, %dot_general3A {dimension_numbers = #tpu.dot_dimension_numbers<[1], [0], [0], [1], [0, 0, 1, 1], [], []>, transpose_lhs_hint = false} : vector<1000x128xf32>, vector<128x128xf32>, vector<1000x128xf32> -> vector<1000x128xf32>
    %get3A_6 = arith.constant 0 : index
    %get3A_7 = arith.constant 0 : index
    %get3A_8 = vector.load %arg3[%get3A_6, %get3A_7] : memref<1x128xf32, #tpu.memory_space<vmem>>, vector<1x128xf32>
    %add3A = vector.broadcast %get3A_8 : vector<1x128xf32> to vector<1000x128xf32>
    %add3A_9 = arith.addf %dot_general3A_5, %add3A : vector<1000x128xf32>
    %swap3A = arith.constant 0 : index
    %swap3A_10 = arith.constant 0 : index
    %swap3A_11 = vector.load %arg4[%swap3A, %swap3A_10] : memref<1000x128xf32, #tpu.memory_space<vmem>>, vector<1000x128xf32>
    tpu.vector_store %arg4[%swap3A, %swap3A_10], %add3A_9 {strides = array<i32>} : memref<1000x128xf32, #tpu.memory_space<vmem>>, vector<1000x128xf32>,
    return
  }
  func.func @transform_0(%arg0: i32) -> (i32, i32) {
    %c0_i32 = arith.constant 0 : i32
    %c0_i32_0 = arith.constant 0 : i32
    return %arg0, %c0_i32 : i32, i32
  }
  func.func @transform_1(%arg0: i32) -> (i32, i32) {
    %c0_i32 = arith.constant 0 : i32
    %c0_i32_0 = arith.constant 0 : i32
    %c0_i32_1 = arith.constant 0 : i32
    return %c0_i32, %c0_i32_0 : i32, i32
  }
  func.func @transform_2(%arg0: i32) -> (i32, i32) {
    %c0_i32 = arith.constant 0 : i32
    %c0_i32_0 = arith.constant 0 : i32
    %c0_i32_1 = arith.constant 0 : i32
    return %c0_i32, %c0_i32_0 : i32, i32
  }
  func.func @transform_3(%arg0: i32) -> (i32, i32) {
    %c0_i32 = arith.constant 0 : i32
    %c0_i32_0 = arith.constant 0 : i32
    return %arg0, %c0_i32 : i32, i32
  }
}

module attributes {stable_mosaic.version = 14 : i64} {
  func.func @_add_body(%arg0: i32, %arg1: memref<1000x128xf32, #tpu.memory_space<vmem>>, %arg2: memref<1000x128xf32, #tpu.memory_space<vmem>>, %arg3: memref<1000x128xf32, #tpu.memory_space<vmem>>) attributes {dimension_semantics = [#tpu.dimension_semantics<arbitrary>], iteration_bounds = array<i64: 10>, scalar_prefetch = 0 : i64, scratch_operands = 0 : i64, tpu.core_type = #tpu.core_type<tc>, window_params = [{transform_indices = @transform_0, window_bounds = array<i64: 1000, 128>}, {transform_indices = @transform_1, window_bounds = array<i64: 1000, 128>}, {transform_indices = @transform_2, window_bounds = array<i64: 1000, 128>}]} {
    %get3A = arith.constant 0 : index
    %get3A_0 = arith.constant 0 : index
    %get3A_1 = vector.load %arg1[%get3A, %get3A_0] : memref<1000x128xf32, #tpu.memory_space<vmem>>, vector<1000x128xf32>
    %get3A_2 = arith.constant 0 : index
    %get3A_3 = arith.constant 0 : index
    %get3A_4 = vector.load %arg2[%get3A_2, %get3A_3] : memref<1000x128xf32, #tpu.memory_space<vmem>>, vector<1000x128xf32>
    %add3A = arith.addf %get3A_1, %get3A_4 : vector<1000x128xf32>
    %swap3A = arith.constant 0 : index
    %swap3A_5 = arith.constant 0 : index
    %swap3A_6 = vector.load %arg3[%swap3A, %swap3A_5] : memref<1000x128xf32, #tpu.memory_space<vmem>>, vector<1000x128xf32>
    tpu.vector_store %arg3[%swap3A, %swap3A_5], %add3A {strides = array<i32>} : memref<1000x128xf32, #tpu.memory_space<vmem>>, vector<1000x128xf32>,
    return
  }
  func.func @transform_0(%arg0: i32) -> (i32, i32) {
    %c0_i32 = arith.constant 0 : i32
    %c0_i32_0 = arith.constant 0 : i32
    return %arg0, %c0_i32 : i32, i32
  }
  func.func @transform_1(%arg0: i32) -> (i32, i32) {
    %add3A = arith.constant 10 : i32
    %add3A_0 = arith.addi %arg0, %add3A : i32
    %c0_i32 = arith.constant 0 : i32
    %c0_i32_1 = arith.constant 0 : i32
    return %add3A_0, %c0_i32 : i32, i32
  }
  func.func @transform_2(%arg0: i32) -> (i32, i32) {
    %c0_i32 = arith.constant 0 : i32
    %c0_i32_0 = arith.constant 0 : i32
    return %arg0, %c0_i32 : i32, i32
  }
}

</mosaic_0001>

<sc_bundles>
// kernel: kernel.5.cloned.1.call-start
scs
__scs_entry_jumppad:
0x0: {  	(pc) =	sbr.rel $0x88, $3  }
0x1: {  	(tag) =	ssettag $0x0;
	lr =	simm.s32 $0x1  }
0x2: {  	[smem:$0x3F9C] =	sst lr;
	_ =	strace $0xD0000000  }
0x3: {  	_ = 	snop  }
0x4: {  	_ = 	snop  }
0x5: {  	_ = 	snop  }
0x6: {  	_ = 	snop  }
0x7: {  	_ = 	snop  }
__scs_overlays_trampoline_lowered:
0x8: {  	[smem:$0x3FAB] =	sst s0  }
0x9: {  	[smem:$0x3FAC] =	sst s1  }
0xa: {  	[smem:$0x3FAD] =	sst s2  }
0xb: {  	[smem:$0x3FAE] =	sst s3  }
0xc: {  	[smem:$0x3FAF] =	sst s4  }
0xd: {  	[smem:$0x3FB0] =	sst s5  }
0xe: {  	[smem:$0x3FB1] =	sst s6  }
0xf: {  	[smem:$0x3FB2] =	sst s7  }
0x10: {  	[smem:$0x3FB3] =	sst s8  }
0x11: {  	[smem:$0x3FB4] =	sst s9;
	s0 =	simm.s32 @!p0 $0x0  }
0x12: {  	s1 =	sld [smem:$0x3F9A];
	s0 =	simm.s32 @p0 $0x1  }
0x13: {  	[smem:$0x3FB5] =	sst s0;
	s0 =	simm.s32 @!p1 $0x0  }
0x14: {  	s2 =	sld [smem:$0x3F99];
	s0 =	simm.s32 @p1 $0x1  }
0x15: {  	[smem:$0x3FB6] =	sst s0;
	s0 =	simm.s32 @!p2 $0x0  }
0x16: {  	s3 =	sld [smem:$0x3FDB];
	s0 =	simm.s32 @p2 $0x1  }
0x17: {  	s4 =	simm.s32 $0x1BF5;
	[smem:$0x3FB8] =	sst s0  }
0x18: {  	s0 =	sld [smem:$0x3F9B];
	_ =	swait.ge [sflag:s4], $0x0  }
0x19: {  	s7 =	sld [smem:$0x3F9C]  }
0x1a: {  	s8 =	sadd.s32 $0xFFFFE003, lr  }
0x1b: {  	s9 =	sadd.s32 $0xFFFFFEF7, lr;
	s5 =	simm.s32 $0xFFFFFFFF;
	p2 =	slt.u32 s8, $0xFFFFF086  }
0x1c: {  	p1 =	slt.u32 s9, $0xF7A;
	s5 =	simm.s32 @!p2 $0x0  }
0x1d: {  	s5 =	simm.s32 @p1 $0x1;
	p0 =	seq.s32 s7, s2  }
0x1e: {  	s7 =	smul.u32 @!p0 $0xF7A, s2;
	p2 =	seq.s32 @!p0 s5, $0x0  }
0x1f: {  	s9 =	smul.u32 $0xF7A, s1;
	s8 =	simm.s32 @!p0 $0x1BF5;
	p2 =	por !p2, p0  }
0x20: {  	[sflag:s8] =	ssyncset.s32 @!p0 $0xFFFFF086;
	s6 =	sadd.s32 @!p0 s3, s7;
	s7 =	simm.s32 @!p0 $0x108  }
0x21: {  	s3 =	sadd.s32 s3, s9;
	s6 =	sadd.s32 @!p0 $0x88, s6;
	s7 =	simm.s32 @p2 $0x1082  }
0x22: {  	[simem:s7], [sflag:s8] =	dma.local @!p0 [hbm:s6], $0xF7A  }
0x23: {  	s9 =	sor.u32 $0xD0000000, s2;
	s6 =	simm.s32 $0x108;
	_ =	swait.ge @!p0 [sflag:s8], $0x0  }
0x24: {  	s3 =	sadd.s32 $0x88, s3;
	s6 =	simm.s32 @!p1 $0x1082;
	[sflag:s4] =	ssyncset.s32 $0xFFFFF086  }
0x25: {  	[simem:s6], [sflag:s4] =	dma.local [hbm:s3], $0xF7A  }
0x26: {  	[smem:$0x3F9C] =	sst s1;
	(tag) =	ssettag s2;
	_ =	strace s9  }
0x27: {  	s1 =	sld [smem:$0x3FAC]  }
0x28: {  	s2 =	sld [smem:$0x3FAD]  }
0x29: {  	s4 =	sld [smem:$0x3FAF]  }
0x2a: {  	p0 =	seq.s32 s5, $0x0;
	s5 =	sld [smem:$0x3FB0]  }
0x2b: {  	s6 =	sld [smem:$0x3FB1]  }
0x2c: {  	s7 =	sld [smem:$0x3FB2]  }
0x2d: {  	s3 =	simm.s32 $0x108;
	s8 =	sld [smem:$0x3FB3]  }
0x2e: {  	s3 =	simm.s32 @!p0 $0x1082;
	s9 =	sld [smem:$0x3FB4]  }
0x2f: {  	lr =	sadd.s32 s0, s3;
	s0 =	sld [smem:$0x3FAB]  }
0x30: {  	s3 =	sld [smem:$0x3FAE]  }
0x31: {  	[smem:$0x3FB7] =	sst s10  }
0x32: {  	s10 =	sld [smem:$0x3FB5];
	_ =	sdelay $0x3  }
0x33: {  	p0 =	seq.s32 s10, $0x1;
	s10 =	sld [smem:$0x3FB7];
	_ =	sdelay $0x3  }
0x34: {  	[smem:$0x3FB7] =	sst s10  }
0x35: {  	s10 =	sld [smem:$0x3FB6];
	_ =	sdelay $0x3  }
0x36: {  	p1 =	seq.s32 s10, $0x1;
	s10 =	sld [smem:$0x3FB7];
	_ =	sdelay $0x3  }
0x37: {  	[smem:$0x3FB7] =	sst s10  }
0x38: {  	s10 =	sld [smem:$0x3FB8]  }
0x39: {  	_ = 	snop;
	(pc) =	sbr.ind lr, $3  }
0x3a: {  	_ = 	snop  }
0x3b: {  	_ = 	snop  }
0x3c: {  	p2 =	seq.s32 s10, $0x1;
	s10 =	sld [smem:$0x3FB7]  }
0x3d: {  	_ =	shalt  }
0x3e: {  	_ =	shalt  }
0x3f: {  	_ =	shalt  }
0x40: {  	_ =	shalt  }
0x41: {  	_ =	shalt  }
0x42: {  	_ =	shalt  }
0x43: {  	_ =	shalt  }
0x44: {  	_ =	shalt  }
0x45: {  	_ =	shalt  }
0x46: {  	_ =	shalt  }
0x47: {  	_ =	shalt  }
0x48: {  	_ =	shalt  }
0x49: {  	_ =	shalt  }
0x4a: {  	_ =	shalt  }
0x4b: {  	_ =	shalt  }
0x4c: {  	_ =	shalt  }
0x4d: {  	_ =	shalt  }
0x4e: {  	_ =	shalt  }
0x4f: {  	_ =	shalt  }
0x50: {  	_ =	shalt  }
0x51: {  	_ =	shalt  }
0x52: {  	_ =	shalt  }
0x53: {  	_ =	shalt  }
0x54: {  	_ =	shalt  }
0x55: {  	_ =	shalt  }
0x56: {  	_ =	shalt  }
0x57: {  	_ =	shalt  }
0x58: {  	_ =	shalt  }
0x59: {  	_ =	shalt  }
0x5a: {  	_ =	shalt  }
0x5b: {  	_ =	shalt  }
0x5c: {  	_ =	shalt  }
0x5d: {  	_ =	shalt  }
0x5e: {  	_ =	shalt  }
0x5f: {  	_ =	shalt  }
0x60: {  	_ =	shalt  }
0x61: {  	_ =	shalt  }
0x62: {  	_ =	shalt  }
0x63: {  	_ =	shalt  }
0x64: {  	_ =	shalt  }
0x65: {  	_ =	shalt  }
0x66: {  	_ =	shalt  }
0x67: {  	_ =	shalt  }
0x68: {  	_ =	shalt  }
0x69: {  	_ =	shalt  }
0x6a: {  	_ =	shalt  }
0x6b: {  	_ =	shalt  }
0x6c: {  	_ =	shalt  }
0x6d: {  	_ =	shalt  }
0x6e: {  	_ =	shalt  }
0x6f: {  	_ =	shalt  }
0x70: {  	_ =	shalt  }
0x71: {  	_ =	shalt  }
0x72: {  	_ =	shalt  }
0x73: {  	_ =	shalt  }
0x74: {  	_ =	shalt  }
0x75: {  	_ =	shalt  }
0x76: {  	_ =	shalt  }
0x77: {  	_ =	shalt  }
0x78: {  	_ =	shalt  }
0x79: {  	_ =	shalt  }
0x7a: {  	_ =	shalt  }
0x7b: {  	_ =	shalt  }
0x7c: {  	_ =	shalt  }
0x7d: {  	_ =	shalt  }
0x7e: {  	_ =	shalt  }
0x7f: {  	_ =	shalt  }
0x80: {  	_ =	shalt  }
0x81: {  	_ =	shalt  }
0x82: {  	_ =	shalt  }
0x83: {  	_ =	shalt  }
0x84: {  	_ =	shalt  }
0x85: {  	_ =	shalt  }
0x86: {  	_ =	shalt  }
0x87: {  	_ =	shalt  }
.Lfunc_end0:
.L_simem_size_0:
called_computation_lowered:
.L_overlay_start_0:
0x88: {  	s2 =	sld [smem:$0x3FD9]  }
0x89: {  	s3 =	sld [smem:$0x3FFE];
	_ =	sdelay $0x1  }
0x8a: {  	s1 =	srdreg.scid  }
0x8b: {  	s0 =	sand.u32 $0x1, s1  }
0x8c: {  	s17 =	sshll.u32 s0, $0xA;
	s2 =	sadd.s32 s3, s2  }
0x8d: {  	s2 =	sadd.s32 s2, s17  }
0x8e: {  	[smem:$0x3FC3] =	sst s2  }
0x8f: {  	_ = 	snop  }
0x90: {  	s2 =	sld [smem:$0x3FC7]  }
0x91: {  	s18 =	sld [smem:$0x3FD0];
	(tm) =	ssettm $0x1  }
0x92: {  	s4 =	sld [smem:$0x3FFB];
	_ =	sdelay $0x3  }
0x93: {  	_ =	strace s4  }
0x94: {  	s4 =	sld [smem:$0x3FFC];
	_ =	sdelay $0x3  }
0x95: {  	_ =	strace s4  }
0x96: {  	s4 =	sld [smem:$0x3FFD];
	_ =	sdelay $0x3  }
0x97: {  	_ =	strace s4  }
0x98: {  	_ =	strace $0x8FFFFFFF  }
0x99: {  	s19 =	sld [smem:$0x3FDB];
	_ =	sdelay $0x1  }
0x9a: {  	s5 =	simm.s32 $_scs_section_size  }
0x9b: {  	s6 =	simm.s32 $_size__tile_overlayer_lowered;
	s7 =	simm.s32 $_tile_overlayer_lowered  }
0x9c: {  	s22 =	simm.s32 $0x1BFF;
	s21 =	sshll.u32 s7, $0x1;
	s4 =	sadd.s32 s5, s19  }
0x9d: {  	s8 =	simm.s32 $0x0;
	s20 =	sshll.u32 s6, $0x1;
	s6 =	sadd.s32 s21, s4  }
0x9e: {  	[timem:s8], [sflag:s22] =	dma.local [hbm:s6], s20  }
0x9f: {  	_ =	swait.ge [sflag:s22], s20  }
0xa0: {  	s5 =	ssub.s32 $0x0, s20;
	[sflag:s22] =	ssyncset.done $0x0  }
0xa1: {  	[sflag:s22] =	ssyncadd.s32 s5;
	_ =	sdelay $0x1  }
0xa2: {  	s23 =	simm.s32 $0x1B8B  }
0xa3: {  	_ =	swait.ge [sflag:s23], $0x1  }
0xa4: {  	[sflag:s23] =	ssyncset.done $0x0  }
0xa5: {  	s25 =	simm.s32 $0x1B8E;
	s24 =	sld [smem:$0x3FFE];
	[sflag:s23] =	ssyncadd.s32 $0xFFFFFFFF  }
0xa6: {  	s26 =	simm.s32 $execute0_lowered;
	[smem:$0x3FD2] =	sst s25  }
0xa7: {  	s6 =	sshll.u32 s26, $0x1;
	_ =	strace $0x80000046;
	[dreg:$0x1] =	wrdreg $0xFFFFFFFF  }
0xa8: {  	s28 =	simm.s32 $_size_execute0_lowered;
	s4 =	sadd.s32 s4, s6;
	[dreg:$0x0] =	wrdreg $0x0  }
0xa9: {  	s6 =	sshll.u32 s28, $0x1;
	[dreg:$0x2] =	wrdreg s4  }
0xaa: {  	[dreg:$0x3] =	wrdreg s6  }
0xab: {  	[dreg:$0x4] =	wrdreg $0xC0  }
0xac: {  	_ =	task [dreg:s8], $0x5FFFF  }
0xad: {  	[dreg:$0x1] =	wrdreg $0xFFFFFFFF  }
0xae: {  	[dreg:$0x0] =	wrdreg $0x60  }
0xaf: {  	[dreg:$0x2] =	wrdreg s18  }
0xb0: {  	[dreg:$0x3] =	wrdreg s24  }
0xb1: {  	[dreg:$0x4] =	wrdreg s2  }
0xb2: {  	[dreg:$0x5] =	wrdreg $0x41800  }
0xb3: {  	[dreg:$0x6] =	wrdreg $0x9  }
0xb4: {  	_ =	task.clear_ibuf [dreg:s8], $0x7FFFF;
	_ =	strace $0x90000046  }
0xb5: {  	s29 =	simm.s32 $0x9;
	_ =	strace $0x80000048  }
0xb6: {  	_ =	swait.ge [sflag:s29], $0x1  }
0xb7: {  	[sflag:s29] =	ssyncadd.s32 $0xFFFFFFFF  }
0xb8: {  	_ =	strace $0x90000048  }
0xb9: {  	_ =	sfence  }
0xba: {  	s30 =	sld [smem:$0x0];
	_ =	sdelay $0x2  }
0xbb: {  	s31 =	sshll.u32 s1, $0xD;
	s1 =	sshrl.u32 s1, $0x2  }
0xbc: {  	s3 =	sand.u32 $0x4000, s31;
	s1 =	sadd.s32 s1, s30  }
0xbd: {  	s0 =	sor.u32 s3, s0;
	s1 =	sshll.u32 s1, $0x11  }
0xbe: {  	s0 =	sor.u32 s1, s0  }
0xbf: {  	s0 =	sadd.s32 $0x8F2B, s0  }
0xc0: {  	[sflag:s0] =	ssyncadd.remote.s32 $0x1  }
0xc1: {  	_ =	sfence.sel $0xFFFF  }
0xc2: {  	[dreg:$0x0] =	wrdreg $0xFFFFFFFF;
	(pc) =	sbr.abs _section_cstart, $3  }
0xc3: {  	[dreg:$0x1] =	wrdreg $0xFFFFFFFF  }
0xc4: {  	_ =	task.clear_ibuf [dreg:s8], $0x2FFFF;
	_ =	strace $0x9FFFFFFF  }
0xc5: {  	(tm) =	ssettm $0x7FFFFFFF  }
tec
execute0_lowered:
.L_overlay_start_1:
0x0: {  	(tag) =	ssettag $0x1  }
0x1: {  	s1 =	rddreg [dreg:$0x0]  }
0x2: {  	s0 =	rddreg [dreg:$0x1]  }
0x3: {  	s3 =	rddreg [dreg:$0x2];
	s2 =	srdreg.scid  }
0x4: {  	s17 =	stileid.u32;
	s4 =	rddreg [dreg:$0x3]  }
0x5: {  	s5 =	simm.s32 $0x0;
	s14 =	simm.s32 $0x4F;
	s23 =	simm.s32 $0x180  }
0x6: {  	s28 =	simm.s32 $0x2;
	s29 =	simm.s32 $0x3;
	s30 =	simm.s32 $0x4  }
0x7: {  	s31 =	simm.s32 $0x1;
	s2 =	sand.u32 $0x1, s2;
	s6 =	smul.u32 $0x270, s17  }
0x8: {  	[smem:$0x7FF] =	sst s5;
	s9 =	smul.u32 $0x4E000, s17;
	s11 =	sshll.u32 s17, $0x1  }
0x9: {  	s13 =	sadd.s32 $0x138000, s4;
	p0 =	slt.u32 s17, $0x2;
	s7 =	smul.u32 $0x2710, s2  }
0xa: {  	_ =	strace $0x80000047;
	s24 =	ssub.s32 $0x2, s2;
	s2 =	sor.u32 s2, s11  }
0xb: {  	s14 =	simm.s32 @!p0 $0x4E;
	p0 =	sne.s32 s17, $0xF;
	s10 =	sshrl.u32 s24, $0x1  }
0xc: {  	s9 =	sshrl.u32 s9, $0x2;
	s15 =	smul.u32 $0x4E, s2;
	s2 =	smin.u32 s2, $0x4  }
0xd: {  	s7 =	sadd.s32 s6, s7;
	s6 =	sadd.s32 $0xA200, s0;
	s16 =	ssub.s32 s24, s10  }
0xe: {  	s24 =	simm.s32 $0x5;
	s8 =	sshll.u32 s7, $0x4;
	s7 =	sadd.s32 $0x400, s0  }
0xf: {  	s15 =	sadd.s32 s2, s15;
	s0 =	sadd.s32 s8, s0;
	s8 =	sadd.s32 s9, s4  }
0x10: {  	s22 =	smax.u32 s16, $0x1;
	s9 =	sadd.s32 $0x4000, s8;
	s10 =	sadd.s32 $0x8000, s8  }
0x11: {  	s11 =	sadd.s32 $0xC000, s8;
	s12 =	sadd.s32 $0x10000, s8;
	s25 =	sadd.s32 $0x14000, s0  }
0x12: {  	s26 =	sadd.s32 $0x14800, s0;
	s18 =	sadd.s32 $0x15000, s0;
	s19 =	sadd.s32 $0x15800, s0  }
0x13: {  	s20 =	sadd.s32 $0x16000, s0;
	s21 =	sadd.s32 $0x16700, s0;
	[dreg:$0x5] =	wrdreg s25  }
0x14: {  	v0 =	vimm.f32 $0.0e+00;
	[dreg:$0x6] =	wrdreg s26;
	s25 =	simm.s32 $0x80;
	s26 =	simm.s32 $0x100  }
.LBB2_1:
0x15: {  	s0 =	simm.s32 $0x0;
	s2 =	simm.s32 $0x200  }
.LBB2_2:
0x16: {  	p1 =	sne.s32 s2, $0xFE00;
	[tilespmem:s0+$0x1F0] =	vst v0  }
0x17: {  	[tilespmem:s0+$0x180] =	vst v0  }
0x18: {  	[tilespmem:s0+$0x190] =	vst v0  }
.Ltmp0:
0x19: {  	[tilespmem:s0+$0x1A0] =	vst v0;
	(pc) =	sbr.rel @p1 .LBB2_2-.Ltmp0, $4  }
0x1a: {  	[tilespmem:s0+$0x1B0] =	vst v0  }
0x1b: {  	[tilespmem:s0+$0x1C0] =	vst v0  }
0x1c: {  	[tilespmem:s0+$0x1D0] =	vst v0  }
0x1d: {  	[tilespmem:s0+$0x1E0] =	vst v0;
	s0 =	sshra.s32 s2, $0x2;
	s2 =	sadd.s32 $0x200, s2  }
0x1e: {  	[tilespmem:s0+$0x1F0] =	vst v0  }
0x1f: {  	[tilespmem:s0+$0x180] =	vst v0  }
0x20: {  	[tilespmem:s0+$0x190] =	vst v0  }
0x21: {  	[tilespmem:s0+$0x1A0] =	vst v0  }
0x22: {  	[tilespmem:s0+$0x1B0] =	vst v0  }
0x23: {  	[tilespmem:s0+$0x1C0] =	vst v0  }
0x24: {  	[tilespmem:s0+$0x1D0] =	vst v0  }
0x25: {  	[tilespmem:s0+$0x1E0] =	vst v0  }
0x26: {  	[spmem:s8] =	stream.linear.scatter [tilespmem:s23], [sflag:$0x5], $0x4000, $0x38;
	[tilespmem:$0x17A00] =	vst v63  }
0x27: {  	_ =	swait.ge [sflag:s24], $0x4000  }
0x28: {  	[sflag:s24] =	ssyncset.done $0x0  }
0x29: {  	[sflag:s24] =	ssyncadd.s32 $0xFFFFC000  }
0x2a: {  	[spmem:s9] =	stream.linear.scatter [tilespmem:s23], [sflag:$0x5], $0x4000, $0x38;
	[tilespmem:$0x17A00] =	vst v63  }
0x2b: {  	_ =	swait.ge [sflag:s24], $0x4000  }
0x2c: {  	[sflag:s24] =	ssyncset.done $0x0  }
0x2d: {  	[sflag:s24] =	ssyncadd.s32 $0xFFFFC000  }
0x2e: {  	[spmem:s10] =	stream.linear.scatter [tilespmem:s23], [sflag:$0x5], $0x4000, $0x38;
	[tilespmem:$0x17A00] =	vst v63  }
0x2f: {  	_ =	swait.ge [sflag:s24], $0x4000  }
0x30: {  	[sflag:s24] =	ssyncset.done $0x0  }
0x31: {  	[sflag:s24] =	ssyncadd.s32 $0xFFFFC000  }
0x32: {  	[spmem:s11] =	stream.linear.scatter [tilespmem:s23], [sflag:$0x5], $0x4000, $0x38;
	[tilespmem:$0x17A00] =	vst v63  }
0x33: {  	_ =	swait.ge [sflag:s24], $0x4000  }
0x34: {  	[sflag:s24] =	ssyncset.done $0x0  }
0x35: {  	[sflag:s24] =	ssyncadd.s32 $0xFFFFC000  }
0x36: {  	[spmem:s12] =	stream.linear.scatter [tilespmem:s23], [sflag:$0x5], $0x3800, $0x38;
	[tilespmem:$0x17A00] =	vst v63  }
0x37: {  	_ =	swait.ge [sflag:s24], $0x3800  }
0x38: {  	[sflag:s24] =	ssyncset.done $0x0  }
0x39: {  	s0 =	simm.s32 @!p0 $0x180;
	[sflag:s24] =	ssyncadd.s32 $0xFFFFC800  }
0x3a: {  	[spmem:s13] =	stream.linear.scatter @!p0 [tilespmem:s0], [sflag:$0x5], $0x800, $0x38;
	[tilespmem:$0x17A00] =	vst v63  }
0x3b: {  	s0 =	simm.s32 @!p0 $0x5  }
0x3c: {  	_ =	swait.ge @!p0 [sflag:s0], $0x800  }
0x3d: {  	[sflag:s0] =	ssyncset.done @!p0 $0x0  }
0x3e: {  	[sflag:s0] =	ssyncadd.s32 @!p0 $0xFFFFF800  }
0x3f: {  	s2 =	simm.s32 $0x0;
	s0 =	simm.s32 $0x0;
	[bflag:$0x0] =	sbarrier.arrive $0xFFFF  }
.LBB2_4:
0x40: {  	s16 =	sadd.s32 s0, s15  }
0x41: {  	s16 =	sshll.u32 s16, $0x4  }
0x42: {  	s16 =	sand.u32 $0x1FFFFFF0, s16  }
0x43: {  	s17 =	sadd.s32 s7, s16  }
0x44: {  	[tilespmem:s2], [sflag:$0x2] =	stream.linear.gather [hbm4b:s17+s2], $0x80, $0x38;
	[tilespmem:$0x17A00] =	vst v63  }
0x45: {  	s17 =	sadd.s32 s6, s16  }
0x46: {  	[tilespmem:s25], [sflag:$0x3] =	stream.linear.gather [hbm4b:s17+s2], $0x80, $0x38;
	[tilespmem:$0x17A00] =	vst v63  }
0x47: {  	s16 =	sadd.s32 s3, s16  }
0x48: {  	[tilespmem:s26], [sflag:$0x4] =	stream.linear.gather [hbm4b:s16+s2], $0x80, $0x38;
	[tilespmem:$0x17A00] =	vst v63  }
0x49: {  	_ =	swait.ge [sflag:s28], $0x80  }
0x4a: {  	[sflag:s28] =	ssyncset.done $0x0  }
0x4b: {  	[sflag:s28] =	ssyncadd.s32 $0xFFFFFF80  }
0x4c: {  	_ =	swait.ge [sflag:s29], $0x80  }
0x4d: {  	[sflag:s29] =	ssyncset.done $0x0  }
0x4e: {  	[sflag:s29] =	ssyncadd.s32 $0xFFFFFF80  }
0x4f: {  	_ =	swait.ge [sflag:s30], $0x80  }
0x50: {  	[sflag:s30] =	ssyncset.done $0x0  }
0x51: {  	[sflag:s30] =	ssyncadd.s32 $0xFFFFFF80  }
0x52: {  	[tilespmem:s23], [sflag:$0x1] =	stream.indirect.gather [hbm4b:s1+s25], $0x80, s2, s25, $0xb8;
	[tilespmem:$0x17A00] =	vst v63  }
0x53: {  	_ =	swait.ge [sflag:s31], $0x4000  }
0x54: {  	[sflag:s31] =	ssyncset.done $0x0  }
0x55: {  	s16 =	simm.s32 $0x0;
	[sflag:s31] =	ssyncadd.s32 $0xFFFFC000  }
.LBB2_5:
0x56: {  	s17 =	sshll.u32 s16, $0x4  }
0x57: {  	s17 =	sand.u32 $0x3FFFFFF0, s17  }
0x58: {  	v1 =	vld [tilespmem:s17+$0x100];
	s17 =	sshll.u32 s16, $0xB  }
0x59: {  	s17 =	sand.u32 $0x3FFFF800, s17  }
0x5a: {  	v2 =	vld [tilespmem:s17+$0x180]  }
0x5b: {  	v3 =	vld [tilespmem:s17+$0x190]  }
0x5c: {  	v4 =	vld [tilespmem:s17+$0x1A0]  }
0x5d: {  	v6 =	vld [tilespmem:s17+$0x1B0];
	v5 =	vbroadcast v1, $0x0  }
0x5e: {  	v7 =	vld [tilespmem:s17+$0x1C0]  }
0x5f: {  	v8 =	vld [tilespmem:s17+$0x1D0];
	v2 =	vmul.f32 v5, v2  }
0x60: {  	v9 =	vld [tilespmem:s17+$0x1E0];
	v3 =	vmul.f32 v3, v5  }
0x61: {  	v34 =	vld [tilespmem:s17+$0x1F0];
	[tilespmem:s17+$0x180] =	vst v2;
	v2 =	vmul.f32 v4, v5  }
0x62: {  	v35 =	vld [tilespmem:s17+$0x200];
	[tilespmem:s17+$0x190] =	vst v3;
	v3 =	vmul.f32 v6, v5  }
0x63: {  	v36 =	vld [tilespmem:s17+$0x210];
	[tilespmem:s17+$0x1A0] =	vst v2;
	v2 =	vmul.f32 v7, v5  }
0x64: {  	v37 =	vld [tilespmem:s17+$0x220];
	[tilespmem:s17+$0x1B0] =	vst v3;
	v3 =	vmul.f32 v8, v5  }
0x65: {  	v10 =	vld [tilespmem:s17+$0x230];
	v38 =	vbroadcast v1, $0x1;
	[tilespmem:s17+$0x1C0] =	vst v2;
	v2 =	vmul.f32 v9, v5  }
0x66: {  	v39 =	vld [tilespmem:s17+$0x240];
	[tilespmem:s17+$0x1D0] =	vst v3;
	v3 =	vmul.f32 v34, v5  }
0x67: {  	v40 =	vld [tilespmem:s17+$0x250];
	[tilespmem:s17+$0x1E0] =	vst v2;
	v2 =	vmul.f32 v35, v38  }
0x68: {  	v41 =	vld [tilespmem:s17+$0x260];
	[tilespmem:s17+$0x1F0] =	vst v3;
	v3 =	vmul.f32 v36, v38  }
0x69: {  	v42 =	vld [tilespmem:s17+$0x270];
	[tilespmem:s17+$0x200] =	vst v2;
	v2 =	vmul.f32 v37, v38  }
0x6a: {  	v43 =	vld [tilespmem:s17+$0x280];
	[tilespmem:s17+$0x210] =	vst v3;
	v3 =	vmul.f32 v10, v38  }
0x6b: {  	v44 =	vld [tilespmem:s17+$0x290];
	[tilespmem:s17+$0x220] =	vst v2;
	v2 =	vmul.f32 v39, v38  }
0x6c: {  	v45 =	vld [tilespmem:s17+$0x2A0];
	[tilespmem:s17+$0x230] =	vst v3;
	v3 =	vmul.f32 v40, v38  }
0x6d: {  	v47 =	vld [tilespmem:s17+$0x2B0];
	v46 =	vbroadcast v1, $0x2;
	[tilespmem:s17+$0x240] =	vst v2;
	v2 =	vmul.f32 v41, v38  }
0x6e: {  	v48 =	vld [tilespmem:s17+$0x2C0];
	[tilespmem:s17+$0x250] =	vst v3;
	v3 =	vmul.f32 v42, v38  }
0x6f: {  	v49 =	vld [tilespmem:s17+$0x2D0];
	[tilespmem:s17+$0x260] =	vst v2;
	v2 =	vmul.f32 v43, v46  }
0x70: {  	v50 =	vld [tilespmem:s17+$0x2E0];
	[tilespmem:s17+$0x270] =	vst v3;
	v3 =	vmul.f32 v44, v46  }
0x71: {  	v51 =	vld [tilespmem:s17+$0x2F0];
	[tilespmem:s17+$0x280] =	vst v2;
	v2 =	vmul.f32 v45, v46  }
0x72: {  	v52 =	vld [tilespmem:s17+$0x300];
	[tilespmem:s17+$0x290] =	vst v3;
	v3 =	vmul.f32 v47, v46  }
0x73: {  	v53 =	vld [tilespmem:s17+$0x310];
	[tilespmem:s17+$0x2A0] =	vst v2;
	v2 =	vmul.f32 v48, v46  }
0x74: {  	v54 =	vld [tilespmem:s17+$0x320];
	[tilespmem:s17+$0x2B0] =	vst v3;
	v3 =	vmul.f32 v49, v46  }
0x75: {  	v56 =	vld [tilespmem:s17+$0x330];
	v55 =	vbroadcast v1, $0x3;
	[tilespmem:s17+$0x2C0] =	vst v2;
	v2 =	vmul.f32 v50, v46  }
0x76: {  	v57 =	vld [tilespmem:s17+$0x340];
	[tilespmem:s17+$0x2D0] =	vst v3;
	v3 =	vmul.f32 v51, v46  }
0x77: {  	v58 =	vld [tilespmem:s17+$0x350];
	[tilespmem:s17+$0x2E0] =	vst v2;
	v2 =	vmul.f32 v52, v55  }
0x78: {  	v59 =	vld [tilespmem:s17+$0x360];
	[tilespmem:s17+$0x2F0] =	vst v3;
	v3 =	vmul.f32 v53, v55  }
0x79: {  	v60 =	vld [tilespmem:s17+$0x370];
	[tilespmem:s17+$0x300] =	vst v2;
	v2 =	vmul.f32 v54, v55  }
0x7a: {  	v61 =	vld [tilespmem:s17+$0x380];
	[tilespmem:s17+$0x310] =	vst v3;
	v3 =	vmul.f32 v56, v55  }
0x7b: {  	v62 =	vld [tilespmem:s17+$0x390];
	[tilespmem:s17+$0x320] =	vst v2;
	v2 =	vmul.f32 v57, v55  }
0x7c: {  	v63 =	vld [tilespmem:s17+$0x3A0];
	[tilespmem:s17+$0x330] =	vst v3;
	v3 =	vmul.f32 v58, v55  }
0x7d: {  	v13 =	vld [tilespmem:s17+$0x3B0];
	v12 =	vbroadcast v1, $0x4;
	[tilespmem:s17+$0x340] =	vst v2;
	v2 =	vmul.f32 v59, v55  }
0x7e: {  	v14 =	vld [tilespmem:s17+$0x3C0];
	[tilespmem:s17+$0x350] =	vst v3;
	v3 =	vmul.f32 v60, v55  }
0x7f: {  	v15 =	vld [tilespmem:s17+$0x3D0];
	[tilespmem:s17+$0x360] =	vst v2;
	v2 =	vmul.f32 v61, v12  }
0x80: {  	v16 =	vld [tilespmem:s17+$0x3E0];
	[tilespmem:s17+$0x370] =	vst v3;
	v3 =	vmul.f32 v62, v12  }
0x81: {  	v17 =	vld [tilespmem:s17+$0x3F0];
	[tilespmem:s17+$0x380] =	vst v2;
	v2 =	vmul.f32 v63, v12  }
0x82: {  	v18 =	vld [tilespmem:s17+$0x400];
	[tilespmem:s17+$0x390] =	vst v3;
	v3 =	vmul.f32 v13, v12  }
0x83: {  	v19 =	vld [tilespmem:s17+$0x410];
	[tilespmem:s17+$0x3A0] =	vst v2;
	v2 =	vmul.f32 v14, v12  }
0x84: {  	v20 =	vld [tilespmem:s17+$0x420];
	[tilespmem:s17+$0x3B0] =	vst v3;
	v3 =	vmul.f32 v15, v12  }
0x85: {  	v22 =	vld [tilespmem:s17+$0x430];
	v21 =	vbroadcast v1, $0x5;
	[tilespmem:s17+$0x3C0] =	vst v2;
	v2 =	vmul.f32 v16, v12  }
0x86: {  	v23 =	vld [tilespmem:s17+$0x440];
	[tilespmem:s17+$0x3D0] =	vst v3;
	v3 =	vmul.f32 v17, v12  }
0x87: {  	v24 =	vld [tilespmem:s17+$0x450];
	[tilespmem:s17+$0x3E0] =	vst v2;
	v2 =	vmul.f32 v18, v21  }
0x88: {  	v25 =	vld [tilespmem:s17+$0x460];
	[tilespmem:s17+$0x3F0] =	vst v3;
	v3 =	vmul.f32 v19, v21  }
0x89: {  	v26 =	vld [tilespmem:s17+$0x470];
	[tilespmem:s17+$0x400] =	vst v2;
	v2 =	vmul.f32 v20, v21  }
0x8a: {  	v27 =	vld [tilespmem:s17+$0x480];
	[tilespmem:s17+$0x410] =	vst v3;
	v3 =	vmul.f32 v22, v21  }
0x8b: {  	v28 =	vld [tilespmem:s17+$0x490];
	[tilespmem:s17+$0x420] =	vst v2;
	v2 =	vmul.f32 v23, v21  }
0x8c: {  	v29 =	vld [tilespmem:s17+$0x4A0];
	[tilespmem:s17+$0x430] =	vst v3;
	v3 =	vmul.f32 v24, v21  }
0x8d: {  	v31 =	vld [tilespmem:s17+$0x4B0];
	v30 =	vbroadcast v1, $0x6;
	[tilespmem:s17+$0x440] =	vst v2;
	v2 =	vmul.f32 v25, v21  }
0x8e: {  	v32 =	vld [tilespmem:s17+$0x4C0];
	[tilespmem:s17+$0x450] =	vst v3;
	v3 =	vmul.f32 v26, v21  }
0x8f: {  	v33 =	vld [tilespmem:s17+$0x4D0];
	[tilespmem:s17+$0x460] =	vst v2;
	v2 =	vmul.f32 v27, v30  }
0x90: {  	v34 =	vld [tilespmem:s17+$0x4E0];
	[tilespmem:s17+$0x470] =	vst v3;
	v3 =	vmul.f32 v28, v30  }
0x91: {  	v35 =	vld [tilespmem:s17+$0x4F0];
	[tilespmem:s17+$0x480] =	vst v2;
	v2 =	vmul.f32 v29, v30  }
0x92: {  	v36 =	vld [tilespmem:s17+$0x500];
	[tilespmem:s17+$0x490] =	vst v3;
	v3 =	vmul.f32 v31, v30  }
0x93: {  	v37 =	vld [tilespmem:s17+$0x510];
	[tilespmem:s17+$0x4A0] =	vst v2;
	v2 =	vmul.f32 v32, v30  }
0x94: {  	v38 =	vld [tilespmem:s17+$0x520];
	[tilespmem:s17+$0x4B0] =	vst v3;
	v3 =	vmul.f32 v33, v30  }
0x95: {  	v39 =	vbroadcast v1, $0x7;
	v40 =	vld [tilespmem:s17+$0x530];
	[tilespmem:s17+$0x4C0] =	vst v2;
	v2 =	vmul.f32 v34, v30  }
0x96: {  	v41 =	vld [tilespmem:s17+$0x540];
	[tilespmem:s17+$0x4D0] =	vst v3;
	v3 =	vmul.f32 v35, v30  }
0x97: {  	v42 =	vld [tilespmem:s17+$0x550];
	[tilespmem:s17+$0x4E0] =	vst v2;
	v2 =	vmul.f32 v36, v39  }
0x98: {  	v43 =	vld [tilespmem:s17+$0x560];
	[tilespmem:s17+$0x4F0] =	vst v3;
	v3 =	vmul.f32 v37, v39  }
0x99: {  	v44 =	vld [tilespmem:s17+$0x570];
	[tilespmem:s17+$0x500] =	vst v2;
	v2 =	vmul.f32 v38, v39  }
0x9a: {  	v45 =	vld [tilespmem:s17+$0x580];
	[tilespmem:s17+$0x510] =	vst v3;
	v3 =	vmul.f32 v40, v39  }
0x9b: {  	v46 =	vld [tilespmem:s17+$0x590];
	[tilespmem:s17+$0x520] =	vst v2;
	v2 =	vmul.f32 v41, v39  }
0x9c: {  	v47 =	vld [tilespmem:s17+$0x5A0];
	[tilespmem:s17+$0x530] =	vst v3;
	v3 =	vmul.f32 v42, v39  }
0x9d: {  	v48 =	vbroadcast v1, $0x8;
	v49 =	vld [tilespmem:s17+$0x5B0];
	[tilespmem:s17+$0x540] =	vst v2;
	v2 =	vmul.f32 v43, v39  }
0x9e: {  	v50 =	vld [tilespmem:s17+$0x5C0];
	[tilespmem:s17+$0x550] =	vst v3;
	v3 =	vmul.f32 v44, v39  }
0x9f: {  	v51 =	vld [tilespmem:s17+$0x5D0];
	[tilespmem:s17+$0x560] =	vst v2;
	v2 =	vmul.f32 v45, v48  }
0xa0: {  	v52 =	vld [tilespmem:s17+$0x5E0];
	[tilespmem:s17+$0x570] =	vst v3;
	v3 =	vmul.f32 v46, v48  }
0xa1: {  	v53 =	vld [tilespmem:s17+$0x5F0];
	[tilespmem:s17+$0x580] =	vst v2;
	v2 =	vmul.f32 v47, v48  }
0xa2: {  	v54 =	vld [tilespmem:s17+$0x600];
	[tilespmem:s17+$0x590] =	vst v3;
	v3 =	vmul.f32 v49, v48  }
0xa3: {  	v55 =	vld [tilespmem:s17+$0x610];
	[tilespmem:s17+$0x5A0] =	vst v2;
	v2 =	vmul.f32 v50, v48  }
0xa4: {  	v56 =	vld [tilespmem:s17+$0x620];
	[tilespmem:s17+$0x5B0] =	vst v3;
	v3 =	vmul.f32 v51, v48  }
0xa5: {  	v57 =	vbroadcast v1, $0x9;
	v58 =	vld [tilespmem:s17+$0x630];
	[tilespmem:s17+$0x5C0] =	vst v2;
	v2 =	vmul.f32 v52, v48  }
0xa6: {  	v59 =	vld [tilespmem:s17+$0x640];
	[tilespmem:s17+$0x5D0] =	vst v3;
	v3 =	vmul.f32 v53, v48  }
0xa7: {  	v60 =	vld [tilespmem:s17+$0x650];
	[tilespmem:s17+$0x5E0] =	vst v2;
	v2 =	vmul.f32 v54, v57  }
0xa8: {  	v61 =	vld [tilespmem:s17+$0x660];
	[tilespmem:s17+$0x5F0] =	vst v3;
	v3 =	vmul.f32 v55, v57  }
0xa9: {  	v62 =	vld [tilespmem:s17+$0x670];
	[tilespmem:s17+$0x600] =	vst v2;
	v2 =	vmul.f32 v56, v57  }
0xaa: {  	v63 =	vld [tilespmem:s17+$0x680];
	[tilespmem:s17+$0x610] =	vst v3;
	v3 =	vmul.f32 v58, v57  }
0xab: {  	v12 =	vld [tilespmem:s17+$0x690];
	[tilespmem:s17+$0x620] =	vst v2;
	v2 =	vmul.f32 v59, v57  }
0xac: {  	v13 =	vld [tilespmem:s17+$0x6A0];
	[tilespmem:s17+$0x630] =	vst v3;
	v3 =	vmul.f32 v60, v57  }
0xad: {  	v14 =	vbroadcast v1, $0xA;
	v15 =	vld [tilespmem:s17+$0x6B0];
	[tilespmem:s17+$0x640] =	vst v2;
	v2 =	vmul.f32 v61, v57  }
0xae: {  	v16 =	vld [tilespmem:s17+$0x6C0];
	[tilespmem:s17+$0x650] =	vst v3;
	v3 =	vmul.f32 v62, v57  }
0xaf: {  	v17 =	vld [tilespmem:s17+$0x6D0];
	[tilespmem:s17+$0x660] =	vst v2;
	v2 =	vmul.f32 v63, v14  }
0xb0: {  	v18 =	vld [tilespmem:s17+$0x6E0];
	[tilespmem:s17+$0x670] =	vst v3;
	v3 =	vmul.f32 v12, v14  }
0xb1: {  	v19 =	vld [tilespmem:s17+$0x6F0];
	[tilespmem:s17+$0x680] =	vst v2;
	v2 =	vmul.f32 v13, v14  }
0xb2: {  	v20 =	vld [tilespmem:s17+$0x700];
	[tilespmem:s17+$0x690] =	vst v3;
	v3 =	vmul.f32 v15, v14  }
0xb3: {  	v21 =	vld [tilespmem:s17+$0x710];
	[tilespmem:s17+$0x6A0] =	vst v2;
	v2 =	vmul.f32 v16, v14  }
0xb4: {  	v22 =	vld [tilespmem:s17+$0x720];
	[tilespmem:s17+$0x6B0] =	vst v3;
	v3 =	vmul.f32 v17, v14  }
0xb5: {  	v23 =	vbroadcast v1, $0xB;
	v24 =	vld [tilespmem:s17+$0x730];
	[tilespmem:s17+$0x6C0] =	vst v2;
	v2 =	vmul.f32 v18, v14  }
0xb6: {  	v25 =	vld [tilespmem:s17+$0x740];
	[tilespmem:s17+$0x6D0] =	vst v3;
	v3 =	vmul.f32 v19, v14  }
0xb7: {  	v26 =	vld [tilespmem:s17+$0x750];
	[tilespmem:s17+$0x6E0] =	vst v2;
	v2 =	vmul.f32 v20, v23  }
0xb8: {  	v27 =	vld [tilespmem:s17+$0x760];
	[tilespmem:s17+$0x6F0] =	vst v3;
	v3 =	vmul.f32 v21, v23  }
0xb9: {  	v28 =	vld [tilespmem:s17+$0x770];
	[tilespmem:s17+$0x700] =	vst v2;
	v2 =	vmul.f32 v22, v23  }
0xba: {  	v29 =	vld [tilespmem:s17+$0x780];
	[tilespmem:s17+$0x710] =	vst v3;
	v3 =	vmul.f32 v24, v23  }
0xbb: {  	v30 =	vld [tilespmem:s17+$0x790];
	[tilespmem:s17+$0x720] =	vst v2;
	v2 =	vmul.f32 v25, v23  }
0xbc: {  	v31 =	vld [tilespmem:s17+$0x7A0];
	[tilespmem:s17+$0x730] =	vst v3;
	v3 =	vmul.f32 v26, v23  }
0xbd: {  	v32 =	vbroadcast v1, $0xC;
	v33 =	vld [tilespmem:s17+$0x7B0];
	[tilespmem:s17+$0x740] =	vst v2;
	v2 =	vmul.f32 v27, v23  }
0xbe: {  	v34 =	vld [tilespmem:s17+$0x7C0];
	[tilespmem:s17+$0x750] =	vst v3;
	v3 =	vmul.f32 v28, v23  }
0xbf: {  	v35 =	vld [tilespmem:s17+$0x7D0];
	[tilespmem:s17+$0x760] =	vst v2;
	v2 =	vmul.f32 v29, v32  }
0xc0: {  	v36 =	vld [tilespmem:s17+$0x7E0];
	[tilespmem:s17+$0x770] =	vst v3;
	v3 =	vmul.f32 v30, v32  }
0xc1: {  	v37 =	vld [tilespmem:s17+$0x7F0];
	[tilespmem:s17+$0x780] =	vst v2;
	v2 =	vmul.f32 v31, v32  }
0xc2: {  	v38 =	vld [tilespmem:s17+$0x800];
	[tilespmem:s17+$0x790] =	vst v3;
	v3 =	vmul.f32 v33, v32  }
0xc3: {  	v39 =	vld [tilespmem:s17+$0x810];
	[tilespmem:s17+$0x7A0] =	vst v2;
	v2 =	vmul.f32 v34, v32  }
0xc4: {  	v40 =	vld [tilespmem:s17+$0x820];
	[tilespmem:s17+$0x7B0] =	vst v3;
	v3 =	vmul.f32 v35, v32  }
0xc5: {  	v41 =	vbroadcast v1, $0xD;
	v42 =	vld [tilespmem:s17+$0x830];
	[tilespmem:s17+$0x7C0] =	vst v2;
	v2 =	vmul.f32 v36, v32  }
0xc6: {  	v43 =	vld [tilespmem:s17+$0x840];
	[tilespmem:s17+$0x7D0] =	vst v3;
	v3 =	vmul.f32 v37, v32  }
0xc7: {  	v44 =	vld [tilespmem:s17+$0x850];
	[tilespmem:s17+$0x7E0] =	vst v2;
	v2 =	vmul.f32 v38, v41  }
0xc8: {  	v45 =	vld [tilespmem:s17+$0x860];
	[tilespmem:s17+$0x7F0] =	vst v3;
	v3 =	vmul.f32 v39, v41  }
0xc9: {  	v46 =	vld [tilespmem:s17+$0x870];
	[tilespmem:s17+$0x800] =	vst v2;
	v2 =	vmul.f32 v40, v41  }
0xca: {  	v47 =	vld [tilespmem:s17+$0x880];
	[tilespmem:s17+$0x810] =	vst v3;
	v3 =	vmul.f32 v42, v41  }
0xcb: {  	v48 =	vld [tilespmem:s17+$0x890];
	[tilespmem:s17+$0x820] =	vst v2;
	v2 =	vmul.f32 v43, v41  }
0xcc: {  	v49 =	vld [tilespmem:s17+$0x8A0];
	[tilespmem:s17+$0x830] =	vst v3;
	v3 =	vmul.f32 v44, v41  }
0xcd: {  	v50 =	vbroadcast v1, $0xE;
	v51 =	vld [tilespmem:s17+$0x8B0];
	[tilespmem:s17+$0x840] =	vst v2;
	v2 =	vmul.f32 v45, v41  }
0xce: {  	v52 =	vld [tilespmem:s17+$0x8C0];
	[tilespmem:s17+$0x850] =	vst v3;
	v3 =	vmul.f32 v46, v41  }
0xcf: {  	v53 =	vld [tilespmem:s17+$0x8D0];
	[tilespmem:s17+$0x860] =	vst v2;
	v2 =	vmul.f32 v47, v50  }
0xd0: {  	v54 =	vld [tilespmem:s17+$0x8E0];
	[tilespmem:s17+$0x870] =	vst v3;
	v3 =	vmul.f32 v48, v50  }
0xd1: {  	v55 =	vld [tilespmem:s17+$0x8F0];
	[tilespmem:s17+$0x880] =	vst v2;
	v2 =	vmul.f32 v49, v50  }
0xd2: {  	v56 =	vld [tilespmem:s17+$0x900];
	[tilespmem:s17+$0x890] =	vst v3;
	v3 =	vmul.f32 v51, v50  }
0xd3: {  	v57 =	vld [tilespmem:s17+$0x910];
	[tilespmem:s17+$0x8A0] =	vst v2;
	v2 =	vmul.f32 v52, v50  }
0xd4: {  	v58 =	vld [tilespmem:s17+$0x920];
	[tilespmem:s17+$0x8B0] =	vst v3;
	v3 =	vmul.f32 v53, v50  }
0xd5: {  	v1 =	vbroadcast v1, $0xF;
	v59 =	vld [tilespmem:s17+$0x930];
	[tilespmem:s17+$0x8C0] =	vst v2;
	v2 =	vmul.f32 v54, v50  }
0xd6: {  	v60 =	vld [tilespmem:s17+$0x940];
	[tilespmem:s17+$0x8D0] =	vst v3;
	v3 =	vmul.f32 v55, v50  }
0xd7: {  	v61 =	vld [tilespmem:s17+$0x950];
	[tilespmem:s17+$0x8E0] =	vst v2;
	v2 =	vmul.f32 v56, v1  }
0xd8: {  	v62 =	vld [tilespmem:s17+$0x960];
	[tilespmem:s17+$0x8F0] =	vst v3;
	v3 =	vmul.f32 v57, v1  }
0xd9: {  	v63 =	vld [tilespmem:s17+$0x970];
	[tilespmem:s17+$0x900] =	vst v2;
	v2 =	vmul.f32 v58, v1  }
0xda: {  	[tilespmem:s17+$0x910] =	vst v3;
	v3 =	vmul.f32 v59, v1  }
0xdb: {  	p1 =	sne.s32 s16, $0x7;
	[tilespmem:s17+$0x920] =	vst v2;
	v2 =	vmul.f32 v60, v1  }
.Ltmp1:
0xdc: {  	[tilespmem:s17+$0x930] =	vst v3;
	v3 =	vmul.f32 v61, v1;
	(pc) =	sbr.rel @p1 .LBB2_5-.Ltmp1, $4  }
0xdd: {  	[tilespmem:s17+$0x940] =	vst v2;
	v2 =	vmul.f32 v62, v1  }
0xde: {  	[tilespmem:s17+$0x950] =	vst v3;
	v1 =	vmul.f32 v63, v1  }
0xdf: {  	[tilespmem:s17+$0x960] =	vst v2  }
0xe0: {  	s16 =	sadd.s32 $0x1, s16;
	[tilespmem:s17+$0x970] =	vst v1  }
0xe1: {  	s0 =	sadd.s32 $0x1, s0  }
0xe2: {  	p1 =	sne.s32 s0, s14  }
.Ltmp2:
0xe3: {  	_ = 	snop;
	(pc) =	sbr.rel @p1 .LBB2_4-.Ltmp2, $4  }
0xe4: {  	[spmem:s4] =	stream.indirect.scatter.add.f32 [tilespmem:s23], [sflag:$0x5], $0x80, s25, s25, $0xb8;
	[tilespmem:$0x17A00] =	vst v63  }
0xe5: {  	_ =	swait.ge [sflag:s24], $0x4000  }
0xe6: {  	[sflag:s24] =	ssyncset.done $0x0  }
0xe7: {  	[sflag:s24] =	ssyncadd.s32 $0xFFFFC000  }
0xe8: {  	s0 =	stileid.u32  }
0xe9: {  	[bflag:$0x0] =	sbarrier.arrive $0xFFFF;
	s0 =	sshll.u32 s0, $0x6  }
0xea: {  	s2 =	sshrl.u32 s8, $0x3;
	s16 =	rddreg [dreg:$0x5];
	s0 =	sor.u32 $0x1C05, s0  }
0xeb: {  	[hbm:s16], [sflag:s0] =	dma.local [spmem:s2], $0x800  }
0xec: {  	_ =	swait.ge [sflag:s24], $0x800  }
0xed: {  	[sflag:s24] =	ssyncset.done $0x0  }
0xee: {  	s16 =	sshrl.u32 s9, $0x3;
	s17 =	rddreg [dreg:$0x6];
	[sflag:s24] =	ssyncadd.s32 $0xFFFFF800  }
0xef: {  	[hbm:s17], [sflag:s0] =	dma.local [spmem:s16], $0x800  }
0xf0: {  	_ =	swait.ge [sflag:s24], $0x800  }
0xf1: {  	[sflag:s24] =	ssyncset.done $0x0  }
0xf2: {  	s17 =	sshrl.u32 s10, $0x3;
	[sflag:s24] =	ssyncadd.s32 $0xFFFFF800  }
0xf3: {  	[hbm:s18], [sflag:s0] =	dma.local [spmem:s17], $0x800  }
0xf4: {  	_ =	swait.ge [sflag:s24], $0x800  }
0xf5: {  	[sflag:s24] =	ssyncset.done $0x0  }
0xf6: {  	s16 =	sshrl.u32 s11, $0x3;
	[sflag:s24] =	ssyncadd.s32 $0xFFFFF800  }
0xf7: {  	[hbm:s19], [sflag:s0] =	dma.local [spmem:s16], $0x800  }
0xf8: {  	_ =	swait.ge [sflag:s24], $0x800  }
0xf9: {  	[sflag:s24] =	ssyncset.done $0x0  }
0xfa: {  	s17 =	sshrl.u32 s12, $0x3;
	[sflag:s24] =	ssyncadd.s32 $0xFFFFF800  }
0xfb: {  	[hbm:s20], [sflag:s0] =	dma.local [spmem:s17], $0x700  }
0xfc: {  	_ =	swait.ge [sflag:s24], $0x700  }
0xfd: {  	s5 =	sadd.s32 $0x1, s5;
	[sflag:s24] =	ssyncset.done $0x0  }
0xfe: {  	p1 =	sne.s32 s5, s22;
	s2 =	sshrl.u32 @!p0 s13, $0x3;
	[sflag:s24] =	ssyncadd.s32 $0xFFFFF900  }
0xff: {  	[hbm:s21], [sflag:s0] =	dma.local @!p0 [spmem:s2], $0x100  }
.Ltmp3:
0x100: {  	_ = 	snop;
	(pc) =	sbr.rel @p1 .LBB2_1-.Ltmp3, $4  }
0x101: {  	s0 =	simm.s32 @!p0 $0x5  }
0x102: {  	_ =	swait.ge @!p0 [sflag:s0], $0x100  }
0x103: {  	[sflag:s0] =	ssyncset.done @!p0 $0x0  }
0x104: {  	[sflag:s0] =	ssyncadd.s32 @!p0 $0xFFFFFF00  }
0x105: {  	_ =	sfence.sel $0x180000  }
0x106: {  	[bflag:$0x0] =	sbarrier.arrive $0xFFFF  }
0x107: {  	_ =	strace $0x90000047  }
0x108: {  	s0 =	stileid.u32;
	[bflag:$0x2] =	sbarrier.arrive $0xFFFF  }
0x109: {  	p0 =	sne.s32 s0, $0x0;
	s0 =	rddreg [dreg:$0x4]  }
0x10a: {  	s0 =	sadd.s32 @!p0 $0x100000, s0  }
0x10b: {  	[sflag:s0] =	ssyncadd.tile.s32 @!p0 $0x1;
	_ =	shalt  }
.Lfunc_end2:
_tile_overlayer_lowered:
.L_overlay_start_2:
0x10c: {  	(tag) =	ssettag $0x2  }
0x10d: {  	s0 =	rddreg [dreg:$0x0];
	s2 =	stileid.u32  }
0x10e: {  	s1 =	rddreg [dreg:$0x1];
	p0 =	sne.s32 s2, $0x0  }
0x10f: {  	s3 =	rddreg [dreg:$0x2];
	[bflag:$0x3] =	sbarrier.arrive $0xFFFF;
	s2 =	simm.s32 @!p0 $0x1C05  }
0x110: {  	[timem:s3], [sflag:s2] =	dma.local @!p0 [hbm:s0], s1  }
0x111: {  	s0 =	simm.s32 @!p0 $0x5  }
0x112: {  	_ =	swait.ge @!p0 [sflag:s0], s1  }
0x113: {  	s1 =	ssub.s32 @!p0 $0x0, s1;
	[sflag:s0] =	ssyncset.done @!p0 $0x0  }
0x114: {  	[sflag:s0] =	ssyncadd.s32 @!p0 s1  }
0x115: {  	[bflag:$0x3] =	sbarrier.arrive $0xFFFF  }
0x116: {  	_ =	shalt  }

</sc_bundles>
